<compile_context>
chip_gen: v7x
topology: tpu7x:2x2x1
jax: 0.10.2.dev20260603
libtpu: 0.0.44.dev20260713+nightly
codegen_flags: <defaults>
</compile_context>

<pallas_src>
import jax
import jax.numpy as jnp
from jax import lax
from jax.experimental import pallas as pl
from jax.experimental.pallas import tpu as pltpu
from jax.experimental.pallas import tpu_sc as plsc

_E, _K, _D, _F, _T = 8, 2, 1024, 768, 2048
_TM = 512
_NT = (_T * _K) // _TM
_U = _NT + _E - 1


def _gmm_body(unit_e_ref, unit_end_ref, x_ref, w1_ref, w3_ref, w2_ref, wr_ref,
              y_ref):
    u = pl.program_id(0)
    rows = lax.broadcasted_iota(jnp.int32, (_TM, 1), 0) + u * _TM
    valid = rows < unit_end_ref[u, 0]
    x = jnp.where(valid, x_ref[...], 0.0).astype(jnp.bfloat16)
    a = jnp.dot(x, w1_ref[0].astype(jnp.bfloat16),
                preferred_element_type=jnp.float32)
    b = jnp.dot(x, w3_ref[0].astype(jnp.bfloat16),
                preferred_element_type=jnp.float32)
    h = (a * jax.nn.sigmoid(a) * b).astype(jnp.bfloat16)
    y = jnp.dot(h, w2_ref[0].astype(jnp.bfloat16),
                preferred_element_type=jnp.float32)
    y_ref[...] = y * wr_ref[...]


def _gmm(unit_e, unit_end, x_pad, w1, w3, w2, w_pad):
    grid_spec = pltpu.PrefetchScalarGridSpec(
        num_scalar_prefetch=2,
        grid=(_U,),
        in_specs=[
            pl.BlockSpec((_TM, _D), lambda u, ue, un: (u, 0)),
            pl.BlockSpec((1, _D, _F), lambda u, ue, un: (ue[u, 0], 0, 0)),
            pl.BlockSpec((1, _D, _F), lambda u, ue, un: (ue[u, 0], 0, 0)),
            pl.BlockSpec((1, _F, _D), lambda u, ue, un: (ue[u, 0], 0, 0)),
            pl.BlockSpec((_TM, 1), lambda u, ue, un: (u, 0)),
        ],
        out_specs=pl.BlockSpec((_TM, _D), lambda u, ue, un: (u, 0)),
    )
    return pl.pallas_call(
        _gmm_body,
        grid_spec=grid_spec,
        out_shape=jax.ShapeDtypeStruct((_U * _TM, _D), jnp.float32),
    )(unit_e, unit_end, x_pad, w1, w3, w2, w_pad)


def _router_body(p_ref, pos_ref, w_ref, ue_ref, un_ref, cb_ref):
    p = p_ref[...]
    col = lax.broadcasted_iota(jnp.int32, (_T, _E), 1)
    m1 = jnp.max(p, axis=1, keepdims=True)
    e0 = jnp.min(jnp.where(p == m1, col, _E), axis=1, keepdims=True)
    p2 = jnp.where(col == e0, -1.0, p)
    m2 = jnp.max(p2, axis=1, keepdims=True)
    e1 = jnp.min(jnp.where(p2 == m2, col, _E), axis=1, keepdims=True)
    s = m1 + m2 + 1e-20
    w_ref[...] = jnp.concatenate([m1 / s, m2 / s], axis=1)

    oh = ((col == e0) | (col == e1)).astype(jnp.bfloat16)
    tri = (lax.broadcasted_iota(jnp.int32, (_RB, _RB), 0)
           > lax.broadcasted_iota(jnp.int32, (_RB, _RB), 1)).astype(jnp.bfloat16)
    carry = jnp.zeros((1, _E), jnp.float32)
    for i in range(_T // _RB):
        blk = oh[i * _RB:(i + 1) * _RB, :]
        cb_ref[i * _RB:(i + 1) * _RB, :] = (
            jnp.dot(tri, blk, preferred_element_type=jnp.float32) + carry)
        carry = carry + jnp.sum(blk.astype(jnp.float32), axis=0, keepdims=True)

    counts = carry
    upe256 = jnp.ceil(counts * (1.0 / _TM)) * _TM
    cb = cb_ref[...]
    rank0 = jnp.sum(jnp.where(col == e0, cb, 0.0), axis=1, keepdims=True)
    rank1 = jnp.sum(jnp.where(col == e1, cb, 0.0), axis=1, keepdims=True)
    off0 = jnp.sum(jnp.where(col < e0, upe256, 0.0), axis=1, keepdims=True)
    off1 = jnp.sum(jnp.where(col < e1, upe256, 0.0), axis=1, keepdims=True)
    pos_ref[...] = jnp.concatenate(
        [(off0 + rank0), (off1 + rank1)], axis=1).astype(jnp.int32)

    ucol = lax.broadcasted_iota(jnp.int32, (_UP, _E), 1)
    uidx = (lax.broadcasted_iota(jnp.int32, (_UP, _E), 0) * _TM
            ).astype(jnp.float32)
    cum256 = jnp.dot(jnp.broadcast_to(upe256.astype(jnp.bfloat16), (_E, _E)),
                     (lax.broadcasted_iota(jnp.int32, (_E, _E), 0)
                      <= lax.broadcasted_iota(jnp.int32, (_E, _E), 1)
                      ).astype(jnp.bfloat16),
                     preferred_element_type=jnp.float32)[0:1, :]
    ue = jnp.sum((cum256 <= uidx).astype(jnp.int32), axis=1, keepdims=True)
    ue = jnp.clip(ue, 0, _E - 1)
    uend = (jnp.sum(jnp.where(ucol < ue, upe256, 0.0), axis=1, keepdims=True)
            + jnp.sum(jnp.where(ucol == ue, counts, 0.0), axis=1,
                      keepdims=True))
    ue_ref[...] = jnp.broadcast_to(ue, (_UP, _E))
    un_ref[...] = jnp.broadcast_to(uend.astype(jnp.int32), (_UP, _E))


_RB = 128
_UP = ((_U + 7) // 8) * 8


def _router(probs):
    return pl.pallas_call(
        _router_body,
        out_shape=[
            jax.ShapeDtypeStruct((_T, _K), jnp.int32),
            jax.ShapeDtypeStruct((_T, _K), jnp.float32),
            jax.ShapeDtypeStruct((_UP, _E), jnp.int32),
            jax.ShapeDtypeStruct((_UP, _E), jnp.int32),
        ],
        scratch_shapes=[pltpu.VMEM((_T, _E), jnp.float32)],
    )(probs)


_NW = 32
_TPW = _T // _NW


def _dispatch_body(x_hbm, pos_hbm, xpad_hbm, rows_v, idx0_v, idx1_v, sem):
    wid = lax.axis_index("s") * 2 + lax.axis_index("c")
    t0 = wid * _TPW
    pltpu.sync_copy(x_hbm.at[pl.ds(t0, _TPW)], rows_v)
    pltpu.sync_copy(pos_hbm.at[pl.ds(t0, _TPW)], idx0_v)
    pltpu.sync_copy(pos_hbm.at[pl.ds(_T + t0, _TPW)], idx1_v)
    c0 = pltpu.async_copy(rows_v, xpad_hbm.at[idx0_v], sem)
    c1 = pltpu.async_copy(rows_v, xpad_hbm.at[idx1_v], sem)
    c0.wait()
    c1.wait()


_CC = 32


def _combine_body(y_hbm, pos_hbm, out_hbm, rows0_v, rows1_v, idx0_v, idx1_v,
                  sem):
    wid = lax.axis_index("s") * 2 + lax.axis_index("c")
    t0 = wid * _TPW
    pltpu.sync_copy(pos_hbm.at[pl.ds(t0, _TPW)], idx0_v)
    pltpu.sync_copy(pos_hbm.at[pl.ds(_T + t0, _TPW)], idx1_v)
    for c in range(_TPW // _CC):
        g0 = pltpu.async_copy(y_hbm.at[idx0_v.at[pl.ds(c * _CC, _CC)]],
                              rows0_v, sem)
        g1 = pltpu.async_copy(y_hbm.at[idx1_v.at[pl.ds(c * _CC, _CC)]],
                              rows1_v, sem)
        g0.wait()
        g1.wait()

        def _add_row(i, carry):
            for j in range(_D // 16):
                sl = pl.ds(j * 16, 16)
                rows0_v[i, sl] = rows0_v[i, sl] + rows1_v[i, sl]
            return carry

        lax.fori_loop(0, _CC, _add_row, 0)
        pltpu.sync_copy(rows0_v, out_hbm.at[pl.ds(t0 + c * _CC, _CC)])


def _combine(y_pad, pos_flat):
    mesh = plsc.VectorSubcoreMesh(core_axis_name="c", subcore_axis_name="s")
    return pl.kernel(
        _combine_body,
        out_type=jax.ShapeDtypeStruct((_T, _D), jnp.float32),
        mesh=mesh,
        scratch_types=[
            pltpu.VMEM((_CC, _D), jnp.float32),
            pltpu.VMEM((_CC, _D), jnp.float32),
            pltpu.VMEM((_TPW,), jnp.int32),
            pltpu.VMEM((_TPW,), jnp.int32),
            pltpu.SemaphoreType.DMA,
        ],
    )(y_pad, pos_flat)


def _dispatch(x, pos_flat):
    mesh = plsc.VectorSubcoreMesh(core_axis_name="c", subcore_axis_name="s")
    return pl.kernel(
        _dispatch_body,
        out_type=jax.ShapeDtypeStruct((_U * _TM, _D), jnp.float32),
        mesh=mesh,
        scratch_types=[
            pltpu.VMEM((_TPW, _D), jnp.float32),
            pltpu.VMEM((_TPW,), jnp.int32),
            pltpu.VMEM((_TPW,), jnp.int32),
            pltpu.SemaphoreType.DMA,
        ],
    )(x, pos_flat)


def kernel(hidden_states, gate_weight, w1, w3, w2):
    x = hidden_states

    logits = x @ gate_weight.T
    probs = jax.nn.softmax(logits, axis=-1)
    pos_pair, w_pair, unit_e, unit_end = _router(probs)

    pos_flat = pos_pair.T.reshape(-1)
    x_pad = _dispatch(x, pos_flat)

    w_pad = jnp.zeros((_U * _TM, 1), jnp.float32).at[
        pos_pair.reshape(-1), 0].set(w_pair.reshape(-1))

    y_pad = _gmm(unit_e, unit_end, x_pad, w1, w3, w2, w_pad)

    return _combine(y_pad, pos_flat)

# --- scband reference (transcript-rebuilt; emitter-appended) ---
"""Pipeline reference for scband-qwen3-moe-sparse-moe-block-npu-36283883716951 (READ-ONLY COPY).

The authoritative reference and input builder live on the scoring server;
editing this copy changes nothing except your own understanding.
"""

import jax, jax.numpy as jnp
import numpy as np

E = 8
K = 2
D = 1024
F = 768
T = 2048


def setup_inputs(seed: int = 0) -> dict:
    key = jax.random.key(seed)
    ks = jax.random.split(key, 5)
    hidden_states = jax.random.normal(ks[0], (T, D), dtype=jnp.float32)
    gate_weight = jax.random.normal(ks[1], (E, D), dtype=jnp.float32) * 0.02
    w1 = jax.random.normal(ks[2], (E, D, F), dtype=jnp.float32) * 0.02
    w3 = jax.random.normal(ks[3], (E, D, F), dtype=jnp.float32) * 0.02
    w2 = jax.random.normal(ks[4], (E, F, D), dtype=jnp.float32) * 0.02
    return {"hidden_states": hidden_states, "gate_weight": gate_weight, "w1": w1, "w3": w3, "w2": w2}


def reference(hidden_states, gate_weight, w1, w3, w2):
    # MoEGate: logits = F.linear(x, W); softmax-then-top-k (npu_moe_gating_top_k_softmax)
    logits = hidden_states @ gate_weight.T
    probs = jax.nn.softmax(logits, axis=-1)
    topk_w, topk_idx = jax.lax.top_k(probs, K)
    # norm_topk_prob=True and top_k > 1 -> renormalize
    topk_w = topk_w / (jnp.sum(topk_w, axis=-1, keepdims=True) + 1e-20)

    # npu_moe_init_routing_v2: stable sort expanded tokens by expert id
    flat_expert = topk_idx.reshape(-1)
    token_idx = jnp.repeat(jnp.arange(T), K)
    order = jnp.argsort(flat_expert, stable=True)
    sorted_tokens = token_idx[order]
    sorted_expert = flat_expert[order]

    # FusedMoEGMM: grouped GEMM, SwiGLU experts (dense per-expert, fixed shapes)
    h_all = jax.nn.silu(jnp.einsum("td,edf->etf", hidden_states, w1)) * jnp.einsum(
        "td,edf->etf", hidden_states, w3
    )
    y_all = jnp.einsum("etf,efd->etd", h_all, w2)
    y_sorted = y_all[sorted_expert, sorted_tokens]

    # npu_moe_finalize_routing: scatter-add weighted expert outputs back to tokens
    flat_w = topk_w.reshape(-1)[order]
    out = jnp.zeros_like(hidden_states).at[sorted_tokens].add(y_sorted * flat_w[:, None])
    return out

if __name__ == "__main__":
    import jax
    _d = setup_inputs()
    print(jax.jit(kernel)(*tuple(_d.values())))

</pallas_src>

<mosaic_0001>
#map = affine_map<(d0, d1) -> (0, 0)>
#map1 = affine_map<(d0, d1) -> (0)>
module attributes {stable_mosaic.version = 14 : i64} {
  func.func @_dispatch_body(%arg0: i32, %arg1: i32, %arg2: memref<2048x1024xf32, #tpu.memory_space<hbm>>, %arg3: memref<4096xi32, #tpu.memory_space<hbm>>, %arg4: memref<7680x1024xf32, #tpu.memory_space<hbm>>, %arg5: memref<64x1024xf32, #tpu.memory_space<vmem>>, %arg6: memref<64xi32, #tpu.memory_space<vmem>>, %arg7: memref<64xi32, #tpu.memory_space<vmem>>, %arg8: memref<!tpu.dma_semaphore, #tpu.memory_space<semaphore_mem>>) attributes {dimension_semantics = [#tpu.dimension_semantics<core_parallel>, #tpu.dimension_semantics<subcore_parallel>], iteration_bounds = array<i64: 2, 16>, scalar_prefetch = 0 : i64, scratch_operands = 4 : i64, tpu.core_type = #tpu.core_type<sc_vector_subcore>, window_params = [{transform_indices = #map}, {transform_indices = #map1}, {transform_indices = #map}]} {
    %mul3A = arith.constant 2 : i32
    %mul3A_0 = arith.muli %arg1, %mul3A : i32
    %add3A = arith.addi %mul3A_0, %arg0 : i32
    %mul3A_1 = arith.constant 64 : i32
    %mul3A_2 = arith.muli %add3A, %mul3A_1 : i32
    "tpu.region"() ({
      %run_scoped3A = tpu.sem_alloc : memref<!tpu.dma_semaphore, #tpu.memory_space<semaphore_mem>>
      %dma_start3A_15 = arith.constant 0 : i32
      %dma_start3A_16 = tpu.memref_slice %arg2[%mul3A_2, %dma_start3A_15] : memref<2048x1024xf32, #tpu.memory_space<hbm>> -> memref<64x1024xf32, #tpu.memory_space<hbm>>
      %dma_start3A_17 = arith.constant 0 : i32
      %dma_start3A_18 = tpu.memref_slice %arg2[%mul3A_2, %dma_start3A_17] : memref<2048x1024xf32, #tpu.memory_space<hbm>> -> memref<64x1024xf32, #tpu.memory_space<hbm>>
      tpu.enqueue_dma source(%dma_start3A_18 : memref<64x1024xf32, #tpu.memory_space<hbm>>) target(%arg5 : memref<64x1024xf32, #tpu.memory_space<vmem>>) target_semaphore(%run_scoped3A : memref<!tpu.dma_semaphore, #tpu.memory_space<semaphore_mem>>)
      %dma_wait3A_19 = arith.constant 0 : i32
      %dma_wait3A_20 = tpu.memref_slice %arg2[%mul3A_2, %dma_wait3A_19] : memref<2048x1024xf32, #tpu.memory_space<hbm>> -> memref<64x1024xf32, #tpu.memory_space<hbm>>
      %dma_wait3A_21 = arith.constant 0 : i32
      %dma_wait3A_22 = tpu.memref_slice %arg2[%mul3A_2, %dma_wait3A_21] : memref<2048x1024xf32, #tpu.memory_space<hbm>> -> memref<64x1024xf32, #tpu.memory_space<hbm>>
      tpu.wait_dma2 semaphore(%run_scoped3A : memref<!tpu.dma_semaphore, #tpu.memory_space<semaphore_mem>>) src(%dma_wait3A_22 : memref<64x1024xf32, #tpu.memory_space<hbm>>) dst(%arg5 : memref<64x1024xf32, #tpu.memory_space<vmem>>)
      tpu.yield
    }) : () -> ()
    "tpu.region"() ({
      %run_scoped3A = tpu.sem_alloc : memref<!tpu.dma_semaphore, #tpu.memory_space<semaphore_mem>>
      %dma_start3A_15 = tpu.memref_slice %arg3[%mul3A_2] : memref<4096xi32, #tpu.memory_space<hbm>> -> memref<64xi32, #tpu.memory_space<hbm>>
      %dma_start3A_16 = tpu.memref_slice %arg3[%mul3A_2] : memref<4096xi32, #tpu.memory_space<hbm>> -> memref<64xi32, #tpu.memory_space<hbm>>
      tpu.enqueue_dma source(%dma_start3A_16 : memref<64xi32, #tpu.memory_space<hbm>>) target(%arg6 : memref<64xi32, #tpu.memory_space<vmem>>) target_semaphore(%run_scoped3A : memref<!tpu.dma_semaphore, #tpu.memory_space<semaphore_mem>>)
      %dma_wait3A_17 = tpu.memref_slice %arg3[%mul3A_2] : memref<4096xi32, #tpu.memory_space<hbm>> -> memref<64xi32, #tpu.memory_space<hbm>>
      %dma_wait3A_18 = tpu.memref_slice %arg3[%mul3A_2] : memref<4096xi32, #tpu.memory_space<hbm>> -> memref<64xi32, #tpu.memory_space<hbm>>
      tpu.wait_dma2 semaphore(%run_scoped3A : memref<!tpu.dma_semaphore, #tpu.memory_space<semaphore_mem>>) src(%dma_wait3A_18 : memref<64xi32, #tpu.memory_space<hbm>>) dst(%arg6 : memref<64xi32, #tpu.memory_space<vmem>>)
      tpu.yield
    }) : () -> ()
    %add3A_3 = arith.constant 2048 : i32
    %add3A_4 = arith.addi %add3A_3, %mul3A_2 : i32
    "tpu.region"() ({
      %run_scoped3A = tpu.sem_alloc : memref<!tpu.dma_semaphore, #tpu.memory_space<semaphore_mem>>
      %dma_start3A_15 = tpu.memref_slice %arg3[%add3A_4] : memref<4096xi32, #tpu.memory_space<hbm>> -> memref<64xi32, #tpu.memory_space<hbm>>
      %dma_start3A_16 = tpu.memref_slice %arg3[%add3A_4] : memref<4096xi32, #tpu.memory_space<hbm>> -> memref<64xi32, #tpu.memory_space<hbm>>
      tpu.enqueue_dma source(%dma_start3A_16 : memref<64xi32, #tpu.memory_space<hbm>>) target(%arg7 : memref<64xi32, #tpu.memory_space<vmem>>) target_semaphore(%run_scoped3A : memref<!tpu.dma_semaphore, #tpu.memory_space<semaphore_mem>>)
      %dma_wait3A_17 = tpu.memref_slice %arg3[%add3A_4] : memref<4096xi32, #tpu.memory_space<hbm>> -> memref<64xi32, #tpu.memory_space<hbm>>
      %dma_wait3A_18 = tpu.memref_slice %arg3[%add3A_4] : memref<4096xi32, #tpu.memory_space<hbm>> -> memref<64xi32, #tpu.memory_space<hbm>>
      tpu.wait_dma2 semaphore(%run_scoped3A : memref<!tpu.dma_semaphore, #tpu.memory_space<semaphore_mem>>) src(%dma_wait3A_18 : memref<64xi32, #tpu.memory_space<hbm>>) dst(%arg7 : memref<64xi32, #tpu.memory_space<vmem>>)
      tpu.yield
    }) : () -> ()
    %dma_start3A = arith.constant 0 : i32
    %dma_start3A_5 = arith.constant 0 : i32
    %dma_start3A_6 = tpu.memref_slice %arg4[%dma_start3A, %dma_start3A_5] : memref<7680x1024xf32, #tpu.memory_space<hbm>> -> memref<7680x1024xf32, #tpu.memory_space<hbm>>
    tpu.enqueue_indirect_dma source(%arg5 : memref<64x1024xf32, #tpu.memory_space<vmem>>) target(%dma_start3A_6 : memref<7680x1024xf32, #tpu.memory_space<hbm>>) offsets(%arg6 : memref<64xi32, #tpu.memory_space<vmem>>) semaphore(%arg8 : memref<!tpu.dma_semaphore, #tpu.memory_space<semaphore_mem>>)
    %dma_start3A_7 = arith.constant 0 : i32
    %dma_start3A_8 = arith.constant 0 : i32
    %dma_start3A_9 = tpu.memref_slice %arg4[%dma_start3A_7, %dma_start3A_8] : memref<7680x1024xf32, #tpu.memory_space<hbm>> -> memref<7680x1024xf32, #tpu.memory_space<hbm>>
    tpu.enqueue_indirect_dma source(%arg5 : memref<64x1024xf32, #tpu.memory_space<vmem>>) target(%dma_start3A_9 : memref<7680x1024xf32, #tpu.memory_space<hbm>>) offsets(%arg7 : memref<64xi32, #tpu.memory_space<vmem>>) semaphore(%arg8 : memref<!tpu.dma_semaphore, #tpu.memory_space<semaphore_mem>>)
    %dma_wait3A = arith.constant 0 : i32
    %dma_wait3A_10 = arith.constant 0 : i32
    %dma_wait3A_11 = tpu.memref_slice %arg4[%dma_wait3A, %dma_wait3A_10] : memref<7680x1024xf32, #tpu.memory_space<hbm>> -> memref<7680x1024xf32, #tpu.memory_space<hbm>>
    tpu.wait_indirect_dma semaphore(%arg8 : memref<!tpu.dma_semaphore, #tpu.memory_space<semaphore_mem>>) src(%arg5 : memref<64x1024xf32, #tpu.memory_space<vmem>>) dst(%dma_wait3A_11 : memref<7680x1024xf32, #tpu.memory_space<hbm>>)
    %dma_wait3A_12 = arith.constant 0 : i32
    %dma_wait3A_13 = arith.constant 0 : i32
    %dma_wait3A_14 = tpu.memref_slice %arg4[%dma_wait3A_12, %dma_wait3A_13] : memref<7680x1024xf32, #tpu.memory_space<hbm>> -> memref<7680x1024xf32, #tpu.memory_space<hbm>>
    tpu.wait_indirect_dma semaphore(%arg8 : memref<!tpu.dma_semaphore, #tpu.memory_space<semaphore_mem>>) src(%arg5 : memref<64x1024xf32, #tpu.memory_space<vmem>>) dst(%dma_wait3A_14 : memref<7680x1024xf32, #tpu.memory_space<hbm>>)
    return
  }
}

#map = affine_map<(d0, d1) -> (0, 0)>
#map1 = affine_map<(d0, d1) -> (0)>
module attributes {stable_mosaic.version = 14 : i64} {
  func.func @_combine_body(%arg0: i32, %arg1: i32, %arg2: memref<7680x1024xf32, #tpu.memory_space<hbm>>, %arg3: memref<4096xi32, #tpu.memory_space<hbm>>, %arg4: memref<2048x1024xf32, #tpu.memory_space<hbm>>, %arg5: memref<32x1024xf32, #tpu.memory_space<vmem>>, %arg6: memref<32x1024xf32, #tpu.memory_space<vmem>>, %arg7: memref<64xi32, #tpu.memory_space<vmem>>, %arg8: memref<64xi32, #tpu.memory_space<vmem>>, %arg9: memref<!tpu.dma_semaphore, #tpu.memory_space<semaphore_mem>>) attributes {dimension_semantics = [#tpu.dimension_semantics<core_parallel>, #tpu.dimension_semantics<subcore_parallel>], iteration_bounds = array<i64: 2, 16>, scalar_prefetch = 0 : i64, scratch_operands = 5 : i64, tpu.core_type = #tpu.core_type<sc_vector_subcore>, window_params = [{transform_indices = #map}, {transform_indices = #map1}, {transform_indices = #map}]} {
    %mul3A = arith.constant 2 : i32
    %mul3A_0 = arith.muli %arg1, %mul3A : i32
    %add3A = arith.addi %mul3A_0, %arg0 : i32
    %mul3A_1 = arith.constant 64 : i32
    %mul3A_2 = arith.muli %add3A, %mul3A_1 : i32
    "tpu.region"() ({
      %run_scoped3A = tpu.sem_alloc : memref<!tpu.dma_semaphore, #tpu.memory_space<semaphore_mem>>
      %dma_start3A_58 = tpu.memref_slice %arg3[%mul3A_2] : memref<4096xi32, #tpu.memory_space<hbm>> -> memref<64xi32, #tpu.memory_space<hbm>>
      %dma_start3A_59 = tpu.memref_slice %arg3[%mul3A_2] : memref<4096xi32, #tpu.memory_space<hbm>> -> memref<64xi32, #tpu.memory_space<hbm>>
      tpu.enqueue_dma source(%dma_start3A_59 : memref<64xi32, #tpu.memory_space<hbm>>) target(%arg7 : memref<64xi32, #tpu.memory_space<vmem>>) target_semaphore(%run_scoped3A : memref<!tpu.dma_semaphore, #tpu.memory_space<semaphore_mem>>)
      %dma_wait3A_60 = tpu.memref_slice %arg3[%mul3A_2] : memref<4096xi32, #tpu.memory_space<hbm>> -> memref<64xi32, #tpu.memory_space<hbm>>
      %dma_wait3A_61 = tpu.memref_slice %arg3[%mul3A_2] : memref<4096xi32, #tpu.memory_space<hbm>> -> memref<64xi32, #tpu.memory_space<hbm>>
      tpu.wait_dma2 semaphore(%run_scoped3A : memref<!tpu.dma_semaphore, #tpu.memory_space<semaphore_mem>>) src(%dma_wait3A_61 : memref<64xi32, #tpu.memory_space<hbm>>) dst(%arg7 : memref<64xi32, #tpu.memory_space<vmem>>)
      tpu.yield
    }) : () -> ()
    %add3A_3 = arith.constant 2048 : i32
    %add3A_4 = arith.addi %add3A_3, %mul3A_2 : i32
    "tpu.region"() ({
      %run_scoped3A = tpu.sem_alloc : memref<!tpu.dma_semaphore, #tpu.memory_space<semaphore_mem>>
      %dma_start3A_58 = tpu.memref_slice %arg3[%add3A_4] : memref<4096xi32, #tpu.memory_space<hbm>> -> memref<64xi32, #tpu.memory_space<hbm>>
      %dma_start3A_59 = tpu.memref_slice %arg3[%add3A_4] : memref<4096xi32, #tpu.memory_space<hbm>> -> memref<64xi32, #tpu.memory_space<hbm>>
      tpu.enqueue_dma source(%dma_start3A_59 : memref<64xi32, #tpu.memory_space<hbm>>) target(%arg8 : memref<64xi32, #tpu.memory_space<vmem>>) target_semaphore(%run_scoped3A : memref<!tpu.dma_semaphore, #tpu.memory_space<semaphore_mem>>)
      %dma_wait3A_60 = tpu.memref_slice %arg3[%add3A_4] : memref<4096xi32, #tpu.memory_space<hbm>> -> memref<64xi32, #tpu.memory_space<hbm>>
      %dma_wait3A_61 = tpu.memref_slice %arg3[%add3A_4] : memref<4096xi32, #tpu.memory_space<hbm>> -> memref<64xi32, #tpu.memory_space<hbm>>
      tpu.wait_dma2 semaphore(%run_scoped3A : memref<!tpu.dma_semaphore, #tpu.memory_space<semaphore_mem>>) src(%dma_wait3A_61 : memref<64xi32, #tpu.memory_space<hbm>>) dst(%arg8 : memref<64xi32, #tpu.memory_space<vmem>>)
      tpu.yield
    }) : () -> ()
    %dma_start3A = arith.constant 0 : i32
    %dma_start3A_5 = tpu.memref_slice %arg7[%dma_start3A] : memref<64xi32, #tpu.memory_space<vmem>> -> memref<32xi32, #tpu.memory_space<vmem>>
    %dma_start3A_6 = arith.constant 0 : i32
    %dma_start3A_7 = arith.constant 0 : i32
    %dma_start3A_8 = tpu.memref_slice %arg2[%dma_start3A_6, %dma_start3A_7] : memref<7680x1024xf32, #tpu.memory_space<hbm>> -> memref<7680x1024xf32, #tpu.memory_space<hbm>>
    tpu.enqueue_indirect_dma source(%dma_start3A_8 : memref<7680x1024xf32, #tpu.memory_space<hbm>>) target(%arg5 : memref<32x1024xf32, #tpu.memory_space<vmem>>) offsets(%dma_start3A_5 : memref<32xi32, #tpu.memory_space<vmem>>) semaphore(%arg9 : memref<!tpu.dma_semaphore, #tpu.memory_space<semaphore_mem>>)
    %dma_start3A_9 = arith.constant 0 : i32
    %dma_start3A_10 = tpu.memref_slice %arg8[%dma_start3A_9] : memref<64xi32, #tpu.memory_space<vmem>> -> memref<32xi32, #tpu.memory_space<vmem>>
    %dma_start3A_11 = arith.constant 0 : i32
    %dma_start3A_12 = arith.constant 0 : i32
    %dma_start3A_13 = tpu.memref_slice %arg2[%dma_start3A_11, %dma_start3A_12] : memref<7680x1024xf32, #tpu.memory_space<hbm>> -> memref<7680x1024xf32, #tpu.memory_space<hbm>>
    tpu.enqueue_indirect_dma source(%dma_start3A_13 : memref<7680x1024xf32, #tpu.memory_space<hbm>>) target(%arg6 : memref<32x1024xf32, #tpu.memory_space<vmem>>) offsets(%dma_start3A_10 : memref<32xi32, #tpu.memory_space<vmem>>) semaphore(%arg9 : memref<!tpu.dma_semaphore, #tpu.memory_space<semaphore_mem>>)
    %dma_wait3A = arith.constant 0 : i32
    %dma_wait3A_14 = tpu.memref_slice %arg7[%dma_wait3A] : memref<64xi32, #tpu.memory_space<vmem>> -> memref<32xi32, #tpu.memory_space<vmem>>
    %dma_wait3A_15 = arith.constant 0 : i32
    %dma_wait3A_16 = arith.constant 0 : i32
    %dma_wait3A_17 = tpu.memref_slice %arg2[%dma_wait3A_15, %dma_wait3A_16] : memref<7680x1024xf32, #tpu.memory_space<hbm>> -> memref<7680x1024xf32, #tpu.memory_space<hbm>>
    tpu.wait_indirect_dma semaphore(%arg9 : memref<!tpu.dma_semaphore, #tpu.memory_space<semaphore_mem>>) src(%dma_wait3A_17 : memref<7680x1024xf32, #tpu.memory_space<hbm>>) dst(%arg5 : memref<32x1024xf32, #tpu.memory_space<vmem>>)
    %dma_wait3A_18 = arith.constant 0 : i32
    %dma_wait3A_19 = tpu.memref_slice %arg8[%dma_wait3A_18] : memref<64xi32, #tpu.memory_space<vmem>> -> memref<32xi32, #tpu.memory_space<vmem>>
    %dma_wait3A_20 = arith.constant 0 : i32
    %dma_wait3A_21 = arith.constant 0 : i32
    %dma_wait3A_22 = tpu.memref_slice %arg2[%dma_wait3A_20, %dma_wait3A_21] : memref<7680x1024xf32, #tpu.memory_space<hbm>> -> memref<7680x1024xf32, #tpu.memory_space<hbm>>
    tpu.wait_indirect_dma semaphore(%arg9 : memref<!tpu.dma_semaphore, #tpu.memory_space<semaphore_mem>>) src(%dma_wait3A_22 : memref<7680x1024xf32, #tpu.memory_space<hbm>>) dst(%arg6 : memref<32x1024xf32, #tpu.memory_space<vmem>>)
    %scan3A = arith.constant 0 : i32
    %scan3A_23 = arith.constant 0 : i32
    %scan3A_24 = arith.constant 32 : i32
    %scan3A_25 = arith.addi %scan3A_23, %scan3A_24 : i32
    %scan3A_26 = arith.constant 1 : i32
    scf.for %scan3A_58 = %scan3A_23 to %scan3A_25 step %scan3A_26  : i32 {
      %get3A = arith.index_cast %scan3A_58 : i32 to index
      %get3A_59 = arith.constant 0 : index
      %get3A_60 = tpu.vector_load %arg5[%get3A, %get3A_59] {strides = array<i32>} : memref<32x1024xf32, #tpu.memory_space<vmem>>, vector<1x16xf32>,
      %get3A_61 = vector.shape_cast %get3A_60 : vector<1x16xf32> to vector<16xf32>
      %get3A_62 = arith.index_cast %scan3A_58 : i32 to index
      %get3A_63 = arith.constant 0 : index
      %get3A_64 = tpu.vector_load %arg6[%get3A_62, %get3A_63] {strides = array<i32>} : memref<32x1024xf32, #tpu.memory_space<vmem>>, vector<1x16xf32>,
      %get3A_65 = vector.shape_cast %get3A_64 : vector<1x16xf32> to vector<16xf32>
      %add3A_66 = arith.addf %get3A_61, %get3A_65 : vector<16xf32>
      %swap3A = arith.index_cast %scan3A_58 : i32 to index
      %swap3A_67 = arith.constant 0 : index
      %swap3A_68 = tpu.vector_load %arg5[%swap3A, %swap3A_67] {strides = array<i32>} : memref<32x1024xf32, #tpu.memory_space<vmem>>, vector<1x16xf32>,
      %swap3A_69 = vector.shape_cast %swap3A_68 : vector<1x16xf32> to vector<16xf32>
      %swap3A_70 = vector.shape_cast %add3A_66 : vector<16xf32> to vector<1x16xf32>
      tpu.vector_store %arg5[%swap3A, %swap3A_67], %swap3A_70 {strides = array<i32>} : memref<32x1024xf32, #tpu.memory_space<vmem>>, vector<1x16xf32>,
      %get3A_71 = arith.index_cast %scan3A_58 : i32 to index
      %get3A_72 = arith.constant 16 : index
      %get3A_73 = tpu.vector_load %arg5[%get3A_71, %get3A_72] {strides = array<i32>} : memref<32x1024xf32, #tpu.memory_space<vmem>>, vector<1x16xf32>,
      %get3A_74 = vector.shape_cast %get3A_73 : vector<1x16xf32> to vector<16xf32>
      %get3A_75 = arith.index_cast %scan3A_58 : i32 to index
      %get3A_76 = arith.constant 16 : index
      %get3A_77 = tpu.vector_load %arg6[%get3A_75, %get3A_76] {strides = array<i32>} : memref<32x1024xf32, #tpu.memory_space<vmem>>, vector<1x16xf32>,
      %get3A_78 = vector.shape_cast %get3A_77 : vector<1x16xf32> to vector<16xf32>
      %add3A_79 = arith.addf %get3A_74, %get3A_78 : vector<16xf32>
      %swap3A_80 = arith.index_cast %scan3A_58 : i32 to index
      %swap3A_81 = arith.constant 16 : index
      %swap3A_82 = tpu.vector_load %arg5[%swap3A_80, %swap3A_81] {strides = array<i32>} : memref<32x1024xf32, #tpu.memory_space<vmem>>, vector<1x16xf32>,
      %swap3A_83 = vector.shape_cast %swap3A_82 : vector<1x16xf32> to vector<16xf32>
      %swap3A_84 = vector.shape_cast %add3A_79 : vector<16xf32> to vector<1x16xf32>
      tpu.vector_store %arg5[%swap3A_80, %swap3A_81], %swap3A_84 {strides = array<i32>} : memref<32x1024xf32, #tpu.memory_space<vmem>>, vector<1x16xf32>,
      %get3A_85 = arith.index_cast %scan3A_58 : i32 to index
      %get3A_86 = arith.constant 32 : index
      %get3A_87 = tpu.vector_load %arg5[%get3A_85, %get3A_86] {strides = array<i32>} : memref<32x1024xf32, #tpu.memory_space<vmem>>, vector<1x16xf32>,
      %get3A_88 = vector.shape_cast %get3A_87 : vector<1x16xf32> to vector<16xf32>
      %get3A_89 = arith.index_cast %scan3A_58 : i32 to index
      %get3A_90 = arith.constant 32 : index
      %get3A_91 = tpu.vector_load %arg6[%get3A_89, %get3A_90] {strides = array<i32>} : memref<32x1024xf32, #tpu.memory_space<vmem>>, vector<1x16xf32>,
      %get3A_92 = vector.shape_cast %get3A_91 : vector<1x16xf32> to vector<16xf32>
      %add3A_93 = arith.addf %get3A_88, %get3A_92 : vector<16xf32>
      %swap3A_94 = arith.index_cast %scan3A_58 : i32 to index
      %swap3A_95 = arith.constant 32 : index
      %swap3A_96 = tpu.vector_load %arg5[%swap3A_94, %swap3A_95] {strides = array<i32>} : memref<32x1024xf32, #tpu.memory_space<vmem>>, vector<1x16xf32>,
      %swap3A_97 = vector.shape_cast %swap3A_96 : vector<1x16xf32> to vector<16xf32>
      %swap3A_98 = vector.shape_cast %add3A_93 : vector<16xf32> to vector<1x16xf32>
      tpu.vector_store %arg5[%swap3A_94, %swap3A_95], %swap3A_98 {strides = array<i32>} : memref<32x1024xf32, #tpu.memory_space<vmem>>, vector<1x16xf32>,
      %get3A_99 = arith.index_cast %scan3A_58 : i32 to index
      %get3A_100 = arith.constant 48 : index
      %get3A_101 = tpu.vector_load %arg5[%get3A_99, %get3A_100] {strides = array<i32>} : memref<32x1024xf32, #tpu.memory_space<vmem>>, vector<1x16xf32>,
      %get3A_102 = vector.shape_cast %get3A_101 : vector<1x16xf32> to vector<16xf32>
      %get3A_103 = arith.index_cast %scan3A_58 : i32 to index
      %get3A_104 = arith.constant 48 : index
      %get3A_105 = tpu.vector_load %arg6[%get3A_103, %get3A_104] {strides = array<i32>} : memref<32x1024xf32, #tpu.memory_space<vmem>>, vector<1x16xf32>,
      %get3A_106 = vector.shape_cast %get3A_105 : vector<1x16xf32> to vector<16xf32>
      %add3A_107 = arith.addf %get3A_102, %get3A_106 : vector<16xf32>
      %swap3A_108 = arith.index_cast %scan3A_58 : i32 to index
      %swap3A_109 = arith.constant 48 : index
      %swap3A_110 = tpu.vector_load %arg5[%swap3A_108, %swap3A_109] {strides = array<i32>} : memref<32x1024xf32, #tpu.memory_space<vmem>>, vector<1x16xf32>,
      %swap3A_111 = vector.shape_cast %swap3A_110 : vector<1x16xf32> to vector<16xf32>
      %swap3A_112 = vector.shape_cast %add3A_107 : vector<16xf32> to vector<1x16xf32>
      tpu.vector_store %arg5[%swap3A_108, %swap3A_109], %swap3A_112 {strides = array<i32>} : memref<32x1024xf32, #tpu.memory_space<vmem>>, vector<1x16xf32>,
      %get3A_113 = arith.index_cast %scan3A_58 : i32 to index
      %get3A_114 = arith.constant 64 : index
      %get3A_115 = tpu.vector_load %arg5[%get3A_113, %get3A_114] {strides = array<i32>} : memref<32x1024xf32, #tpu.memory_space<vmem>>, vector<1x16xf32>,
      %get3A_116 = vector.shape_cast %get3A_115 : vector<1x16xf32> to vector<16xf32>
      %get3A_117 = arith.index_cast %scan3A_58 : i32 to index
      %get3A_118 = arith.constant 64 : index
      %get3A_119 = tpu.vector_load %arg6[%get3A_117, %get3A_118] {strides = array<i32>} : memref<32x1024xf32, #tpu.memory_space<vmem>>, vector<1x16xf32>,
      %get3A_120 = vector.shape_cast %get3A_119 : vector<1x16xf32> to vector<16xf32>
      %add3A_121 = arith.addf %get3A_116, %get3A_120 : vector<16xf32>
      %swap3A_122 = arith.index_cast %scan3A_58 : i32 to index
      %swap3A_123 = arith.constant 64 : index
      %swap3A_124 = tpu.vector_load %arg5[%swap3A_122, %swap3A_123] {strides = array<i32>} : memref<32x1024xf32, #tpu.memory_space<vmem>>, vector<1x16xf32>,
      %swap3A_125 = vector.shape_cast %swap3A_124 : vector<1x16xf32> to vector<16xf32>
      %swap3A_126 = vector.shape_cast %add3A_121 : vector<16xf32> to vector<1x16xf32>
      tpu.vector_store %arg5[%swap3A_122, %swap3A_123], %swap3A_126 {strides = array<i32>} : memref<32x1024xf32, #tpu.memory_space<vmem>>, vector<1x16xf32>,
      %get3A_127 = arith.index_cast %scan3A_58 : i32 to index
      %get3A_128 = arith.constant 80 : index
      %get3A_129 = tpu.vector_load %arg5[%get3A_127, %get3A_128] {strides = array<i32>} : memref<32x1024xf32, #tpu.memory_space<vmem>>, vector<1x16xf32>,
      %get3A_130 = vector.shape_cast %get3A_129 : vector<1x16xf32> to vector<16xf32>
      %get3A_131 = arith.index_cast %scan3A_58 : i32 to index
      %get3A_132 = arith.constant 80 : index
      %get3A_133 = tpu.vector_load %arg6[%get3A_131, %get3A_132] {strides = array<i32>} : memref<32x1024xf32, #tpu.memory_space<vmem>>, vector<1x16xf32>,
      %get3A_134 = vector.shape_cast %get3A_133 : vector<1x16xf32> to vector<16xf32>
      %add3A_135 = arith.addf %get3A_130, %get3A_134 : vector<16xf32>
      %swap3A_136 = arith.index_cast %scan3A_58 : i32 to index
      %swap3A_137 = arith.constant 80 : index
      %swap3A_138 = tpu.vector_load %arg5[%swap3A_136, %swap3A_137] {strides = array<i32>} : memref<32x1024xf32, #tpu.memory_space<vmem>>, vector<1x16xf32>,
      %swap3A_139 = vector.shape_cast %swap3A_138 : vector<1x16xf32> to vector<16xf32>
      %swap3A_140 = vector.shape_cast %add3A_135 : vector<16xf32> to vector<1x16xf32>
      tpu.vector_store %arg5[%swap3A_136, %swap3A_137], %swap3A_140 {strides = array<i32>} : memref<32x1024xf32, #tpu.memory_space<vmem>>, vector<1x16xf32>,
      %get3A_141 = arith.index_cast %scan3A_58 : i32 to index
      %get3A_142 = arith.constant 96 : index
      %get3A_143 = tpu.vector_load %arg5[%get3A_141, %get3A_142] {strides = array<i32>} : memref<32x1024xf32, #tpu.memory_space<vmem>>, vector<1x16xf32>,
      %get3A_144 = vector.shape_cast %get3A_143 : vector<1x16xf32> to vector<16xf32>
      %get3A_145 = arith.index_cast %scan3A_58 : i32 to index
      %get3A_146 = arith.constant 96 : index
      %get3A_147 = tpu.vector_load %arg6[%get3A_145, %get3A_146] {strides = array<i32>} : memref<32x1024xf32, #tpu.memory_space<vmem>>, vector<1x16xf32>,
      %get3A_148 = vector.shape_cast %get3A_147 : vector<1x16xf32> to vector<16xf32>
      %add3A_149 = arith.addf %get3A_144, %get3A_148 : vector<16xf32>
      %swap3A_150 = arith.index_cast %scan3A_58 : i32 to index
      %swap3A_151 = arith.constant 96 : index
      %swap3A_152 = tpu.vector_load %arg5[%swap3A_150, %swap3A_151] {strides = array<i32>} : memref<32x1024xf32, #tpu.memory_space<vmem>>, vector<1x16xf32>,
      %swap3A_153 = vector.shape_cast %swap3A_152 : vector<1x16xf32> to vector<16xf32>
      %swap3A_154 = vector.shape_cast %add3A_149 : vector<16xf32> to vector<1x16xf32>
      tpu.vector_store %arg5[%swap3A_150, %swap3A_151], %swap3A_154 {strides = array<i32>} : memref<32x1024xf32, #tpu.memory_space<vmem>>, vector<1x16xf32>,
      %get3A_155 = arith.index_cast %scan3A_58 : i32 to index
      %get3A_156 = arith.constant 112 : index
      %get3A_157 = tpu.vector_load %arg5[%get3A_155, %get3A_156] {strides = array<i32>} : memref<32x1024xf32, #tpu.memory_space<vmem>>, vector<1x16xf32>,
      %get3A_158 = vector.shape_cast %get3A_157 : vector<1x16xf32> to vector<16xf32>
      %get3A_159 = arith.index_cast %scan3A_58 : i32 to index
      %get3A_160 = arith.constant 112 : index
      %get3A_161 = tpu.vector_load %arg6[%get3A_159, %get3A_160] {strides = array<i32>} : memref<32x1024xf32, #tpu.memory_space<vmem>>, vector<1x16xf32>,
      %get3A_162 = vector.shape_cast %get3A_161 : vector<1x16xf32> to vector<16xf32>
      %add3A_163 = arith.addf %get3A_158, %get3A_162 : vector<16xf32>
      %swap3A_164 = arith.index_cast %scan3A_58 : i32 to index
      %swap3A_165 = arith.constant 112 : index
      %swap3A_166 = tpu.vector_load %arg5[%swap3A_164, %swap3A_165] {strides = array<i32>} : memref<32x1024xf32, #tpu.memory_space<vmem>>, vector<1x16xf32>,
      %swap3A_167 = vector.shape_cast %swap3A_166 : vector<1x16xf32> to vector<16xf32>
      %swap3A_168 = vector.shape_cast %add3A_163 : vector<16xf32> to vector<1x16xf32>
      tpu.vector_store %arg5[%swap3A_164, %swap3A_165], %swap3A_168 {strides = array<i32>} : memref<32x1024xf32, #tpu.memory_space<vmem>>, vector<1x16xf32>,
      %get3A_169 = arith.index_cast %scan3A_58 : i32 to index
      %get3A_170 = arith.constant 128 : index
      %get3A_171 = tpu.vector_load %arg5[%get3A_169, %get3A_170] {strides = array<i32>} : memref<32x1024xf32, #tpu.memory_space<vmem>>, vector<1x16xf32>,
      %get3A_172 = vector.shape_cast %get3A_171 : vector<1x16xf32> to vector<16xf32>
      %get3A_173 = arith.index_cast %scan3A_58 : i32 to index
      %get3A_174 = arith.constant 128 : index
      %get3A_175 = tpu.vector_load %arg6[%get3A_173, %get3A_174] {strides = array<i32>} : memref<32x1024xf32, #tpu.memory_space<vmem>>, vector<1x16xf32>,
      %get3A_176 = vector.shape_cast %get3A_175 : vector<1x16xf32> to vector<16xf32>
      %add3A_177 = arith.addf %get3A_172, %get3A_176 : vector<16xf32>
      %swap3A_178 = arith.index_cast %scan3A_58 : i32 to index
      %swap3A_179 = arith.constant 128 : index
      %swap3A_180 = tpu.vector_load %arg5[%swap3A_178, %swap3A_179] {strides = array<i32>} : memref<32x1024xf32, #tpu.memory_space<vmem>>, vector<1x16xf32>,
      %swap3A_181 = vector.shape_cast %swap3A_180 : vector<1x16xf32> to vector<16xf32>
      %swap3A_182 = vector.shape_cast %add3A_177 : vector<16xf32> to vector<1x16xf32>
      tpu.vector_store %arg5[%swap3A_178, %swap3A_179], %swap3A_182 {strides = array<i32>} : memref<32x1024xf32, #tpu.memory_space<vmem>>, vector<1x16xf32>,
      %get3A_183 = arith.index_cast %scan3A_58 : i32 to index
      %get3A_184 = arith.constant 144 : index
      %get3A_185 = tpu.vector_load %arg5[%get3A_183, %get3A_184] {strides = array<i32>} : memref<32x1024xf32, #tpu.memory_space<vmem>>, vector<1x16xf32>,
      %get3A_186 = vector.shape_cast %get3A_185 : vector<1x16xf32> to vector<16xf32>
      %get3A_187 = arith.index_cast %scan3A_58 : i32 to index
      %get3A_188 = arith.constant 144 : index
      %get3A_189 = tpu.vector_load %arg6[%get3A_187, %get3A_188] {strides = array<i32>} : memref<32x1024xf32, #tpu.memory_space<vmem>>, vector<1x16xf32>,
      %get3A_190 = vector.shape_cast %get3A_189 : vector<1x16xf32> to vector<16xf32>
      %add3A_191 = arith.addf %get3A_186, %get3A_190 : vector<16xf32>
      %swap3A_192 = arith.index_cast %scan3A_58 : i32 to index
      %swap3A_193 = arith.constant 144 : index
      %swap3A_194 = tpu.vector_load %arg5[%swap3A_192, %swap3A_193] {strides = array<i32>} : memref<32x1024xf32, #tpu.memory_space<vmem>>, vector<1x16xf32>,
      %swap3A_195 = vector.shape_cast %swap3A_194 : vector<1x16xf32> to vector<16xf32>
      %swap3A_196 = vector.shape_cast %add3A_191 : vector<16xf32> to vector<1x16xf32>
      tpu.vector_store %arg5[%swap3A_192, %swap3A_193], %swap3A_196 {strides = array<i32>} : memref<32x1024xf32, #tpu.memory_space<vmem>>, vector<1x16xf32>,
      %get3A_197 = arith.index_cast %scan3A_58 : i32 to index
      %get3A_198 = arith.constant 160 : index
      %get3A_199 = tpu.vector_load %arg5[%get3A_197, %get3A_198] {strides = array<i32>} : memref<32x1024xf32, #tpu.memory_space<vmem>>, vector<1x16xf32>,
      %get3A_200 = vector.shape_cast %get3A_199 : vector<1x16xf32> to vector<16xf32>
      %get3A_201 = arith.index_cast %scan3A_58 : i32 to index
      %get3A_202 = arith.constant 160 : index
      %get3A_203 = tpu.vector_load %arg6[%get3A_201, %get3A_202] {strides = array<i32>} : memref<32x1024xf32, #tpu.memory_space<vmem>>, vector<1x16xf32>,
      %get3A_204 = vector.shape_cast %get3A_203 : vector<1x16xf32> to vector<16xf32>
      %add3A_205 = arith.addf %get3A_200, %get3A_204 : vector<16xf32>
      %swap3A_206 = arith.index_cast %scan3A_58 : i32 to index
      %swap3A_207 = arith.constant 160 : index
      %swap3A_208 = tpu.vector_load %arg5[%swap3A_206, %swap3A_207] {strides = array<i32>} : memref<32x1024xf32, #tpu.memory_space<vmem>>, vector<1x16xf32>,
      %swap3A_209 = vector.shape_cast %swap3A_208 : vector<1x16xf32> to vector<16xf32>
      %swap3A_210 = vector.shape_cast %add3A_205 : vector<16xf32> to vector<1x16xf32>
      tpu.vector_store %arg5[%swap3A_206, %swap3A_207], %swap3A_210 {strides = array<i32>} : memref<32x1024xf32, #tpu.memory_space<vmem>>, vector<1x16xf32>,
      %get3A_211 = arith.index_cast %scan3A_58 : i32 to index
      %get3A_212 = arith.constant 176 : index
      %get3A_213 = tpu.vector_load %arg5[%get3A_211, %get3A_212] {strides = array<i32>} : memref<32x1024xf32, #tpu.memory_space<vmem>>, vector<1x16xf32>,
      %get3A_214 = vector.shape_cast %get3A_213 : vector<1x16xf32> to vector<16xf32>
      %get3A_215 = arith.index_cast %scan3A_58 : i32 to index
      %get3A_216 = arith.constant 176 : index
      %get3A_217 = tpu.vector_load %arg6[%get3A_215, %get3A_216] {strides = array<i32>} : memref<32x1024xf32, #tpu.memory_space<vmem>>, vector<1x16xf32>,
      %get3A_218 = vector.shape_cast %get3A_217 : vector<1x16xf32> to vector<16xf32>
      %add3A_219 = arith.addf %get3A_214, %get3A_218 : vector<16xf32>
      %swap3A_220 = arith.index_cast %scan3A_58 : i32 to index
      %swap3A_221 = arith.constant 176 : index
      %swap3A_222 = tpu.vector_load %arg5[%swap3A_220, %swap3A_221] {strides = array<i32>} : memref<32x1024xf32, #tpu.memory_space<vmem>>, vector<1x16xf32>,
      %swap3A_223 = vector.shape_cast %swap3A_222 : vector<1x16xf32> to vector<16xf32>
      %swap3A_224 = vector.shape_cast %add3A_219 : vector<16xf32> to vector<1x16xf32>
      tpu.vector_store %arg5[%swap3A_220, %swap3A_221], %swap3A_224 {strides = array<i32>} : memref<32x1024xf32, #tpu.memory_space<vmem>>, vector<1x16xf32>,
      %get3A_225 = arith.index_cast %scan3A_58 : i32 to index
      %get3A_226 = arith.constant 192 : index
      %get3A_227 = tpu.vector_load %arg5[%get3A_225, %get3A_226] {strides = array<i32>} : memref<32x1024xf32, #tpu.memory_space<vmem>>, vector<1x16xf32>,
      %get3A_228 = vector.shape_cast %get3A_227 : vector<1x16xf32> to vector<16xf32>
      %get3A_229 = arith.index_cast %scan3A_58 : i32 to index
      %get3A_230 = arith.constant 192 : index
      %get3A_231 = tpu.vector_load %arg6[%get3A_229, %get3A_230] {strides = array<i32>} : memref<32x1024xf32, #tpu.memory_space<vmem>>, vector<1x16xf32>,
      %get3A_232 = vector.shape_cast %get3A_231 : vector<1x16xf32> to vector<16xf32>
      %add3A_233 = arith.addf %get3A_228, %get3A_232 : vector<16xf32>
      %swap3A_234 = arith.index_cast %scan3A_58 : i32 to index
      %swap3A_235 = arith.constant 192 : index
      %swap3A_236 = tpu.vector_load %arg5[%swap3A_234, %swap3A_235] {strides = array<i32>} : memref<32x1024xf32, #tpu.memory_space<vmem>>, vector<1x16xf32>,
      %swap3A_237 = vector.shape_cast %swap3A_236 : vector<1x16xf32> to vector<16xf32>
      %swap3A_238 = vector.shape_cast %add3A_233 : vector<16xf32> to vector<1x16xf32>
      tpu.vector_store %arg5[%swap3A_234, %swap3A_235], %swap3A_238 {strides = array<i32>} : memref<32x1024xf32, #tpu.memory_space<vmem>>, vector<1x16xf32>,
      %get3A_239 = arith.index_cast %scan3A_58 : i32 to index
      %get3A_240 = arith.constant 208 : index
      %get3A_241 = tpu.vector_load %arg5[%get3A_239, %get3A_240] {strides = array<i32>} : memref<32x1024xf32, #tpu.memory_space<vmem>>, vector<1x16xf32>,
      %get3A_242 = vector.shape_cast %get3A_241 : vector<1x16xf32> to vector<16xf32>
      %get3A_243 = arith.index_cast %scan3A_58 : i32 to index
      %get3A_244 = arith.constant 208 : index
      %get3A_245 = tpu.vector_load %arg6[%get3A_243, %get3A_244] {strides = array<i32>} : memref<32x1024xf32, #tpu.memory_space<vmem>>, vector<1x16xf32>,
      %get3A_246 = vector.shape_cast %get3A_245 : vector<1x16xf32> to vector<16xf32>
      %add3A_247 = arith.addf %get3A_242, %get3A_246 : vector<16xf32>
      %swap3A_248 = arith.index_cast %scan3A_58 : i32 to index
      %swap3A_249 = arith.constant 208 : index
      %swap3A_250 = tpu.vector_load %arg5[%swap3A_248, %swap3A_249] {strides = array<i32>} : memref<32x1024xf32, #tpu.memory_space<vmem>>, vector<1x16xf32>,
      %swap3A_251 = vector.shape_cast %swap3A_250 : vector<1x16xf32> to vector<16xf32>
      %swap3A_252 = vector.shape_cast %add3A_247 : vector<16xf32> to vector<1x16xf32>
      tpu.vector_store %arg5[%swap3A_248, %swap3A_249], %swap3A_252 {strides = array<i32>} : memref<32x1024xf32, #tpu.memory_space<vmem>>, vector<1x16xf32>,
      %get3A_253 = arith.index_cast %scan3A_58 : i32 to index
      %get3A_254 = arith.constant 224 : index
      %get3A_255 = tpu.vector_load %arg5[%get3A_253, %get3A_254] {strides = array<i32>} : memref<32x1024xf32, #tpu.memory_space<vmem>>, vector<1x16xf32>,
      %get3A_256 = vector.shape_cast %get3A_255 : vector<1x16xf32> to vector<16xf32>
      %get3A_257 = arith.index_cast %scan3A_58 : i32 to index
      %get3A_258 = arith.constant 224 : index
      %get3A_259 = tpu.vector_load %arg6[%get3A_257, %get3A_258] {strides = array<i32>} : memref<32x1024xf32, #tpu.memory_space<vmem>>, vector<1x16xf32>,
      %get3A_260 = vector.shape_cast %get3A_259 : vector<1x16xf32> to vector<16xf32>
      %add3A_261 = arith.addf %get3A_256, %get3A_260 : vector<16xf32>
      %swap3A_262 = arith.index_cast %scan3A_58 : i32 to index
      %swap3A_263 = arith.constant 224 : index
      %swap3A_264 = tpu.vector_load %arg5[%swap3A_262, %swap3A_263] {strides = array<i32>} : memref<32x1024xf32, #tpu.memory_space<vmem>>, vector<1x16xf32>,
      %swap3A_265 = vector.shape_cast %swap3A_264 : vector<1x16xf32> to vector<16xf32>
      %swap3A_266 = vector.shape_cast %add3A_261 : vector<16xf32> to vector<1x16xf32>
      tpu.vector_store %arg5[%swap3A_262, %swap3A_263], %swap3A_266 {strides = array<i32>} : memref<32x1024xf32, #tpu.memory_space<vmem>>, vector<1x16xf32>,
      %get3A_267 = arith.index_cast %scan3A_58 : i32 to index
      %get3A_268 = arith.constant 240 : index
      %get3A_269 = tpu.vector_load %arg5[%get3A_267, %get3A_268] {strides = array<i32>} : memref<32x1024xf32, #tpu.memory_space<vmem>>, vector<1x16xf32>,
      %get3A_270 = vector.shape_cast %get3A_269 : vector<1x16xf32> to vector<16xf32>
      %get3A_271 = arith.index_cast %scan3A_58 : i32 to index
      %get3A_272 = arith.constant 240 : index
      %get3A_273 = tpu.vector_load %arg6[%get3A_271, %get3A_272] {strides = array<i32>} : memref<32x1024xf32, #tpu.memory_space<vmem>>, vector<1x16xf32>,
      %get3A_274 = vector.shape_cast %get3A_273 : vector<1x16xf32> to vector<16xf32>
      %add3A_275 = arith.addf %get3A_270, %get3A_274 : vector<16xf32>
      %swap3A_276 = arith.index_cast %scan3A_58 : i32 to index
      %swap3A_277 = arith.constant 240 : index
      %swap3A_278 = tpu.vector_load %arg5[%swap3A_276, %swap3A_277] {strides = array<i32>} : memref<32x1024xf32, #tpu.memory_space<vmem>>, vector<1x16xf32>,
      %swap3A_279 = vector.shape_cast %swap3A_278 : vector<1x16xf32> to vector<16xf32>
      %swap3A_280 = vector.shape_cast %add3A_275 : vector<16xf32> to vector<1x16xf32>
      tpu.vector_store %arg5[%swap3A_276, %swap3A_277], %swap3A_280 {strides = array<i32>} : memref<32x1024xf32, #tpu.memory_space<vmem>>, vector<1x16xf32>,
      %get3A_281 = arith.index_cast %scan3A_58 : i32 to index
      %get3A_282 = arith.constant 256 : index
      %get3A_283 = tpu.vector_load %arg5[%get3A_281, %get3A_282] {strides = array<i32>} : memref<32x1024xf32, #tpu.memory_space<vmem>>, vector<1x16xf32>,
      %get3A_284 = vector.shape_cast %get3A_283 : vector<1x16xf32> to vector<16xf32>
      %get3A_285 = arith.index_cast %scan3A_58 : i32 to index
      %get3A_286 = arith.constant 256 : index
      %get3A_287 = tpu.vector_load %arg6[%get3A_285, %get3A_286] {strides = array<i32>} : memref<32x1024xf32, #tpu.memory_space<vmem>>, vector<1x16xf32>,
      %get3A_288 = vector.shape_cast %get3A_287 : vector<1x16xf32> to vector<16xf32>
      %add3A_289 = arith.addf %get3A_284, %get3A_288 : vector<16xf32>
      %swap3A_290 = arith.index_cast %scan3A_58 : i32 to index
      %swap3A_291 = arith.constant 256 : index
      %swap3A_292 = tpu.vector_load %arg5[%swap3A_290, %swap3A_291] {strides = array<i32>} : memref<32x1024xf32, #tpu.memory_space<vmem>>, vector<1x16xf32>,
      %swap3A_293 = vector.shape_cast %swap3A_292 : vector<1x16xf32> to vector<16xf32>
      %swap3A_294 = vector.shape_cast %add3A_289 : vector<16xf32> to vector<1x16xf32>
      tpu.vector_store %arg5[%swap3A_290, %swap3A_291], %swap3A_294 {strides = array<i32>} : memref<32x1024xf32, #tpu.memory_space<vmem>>, vector<1x16xf32>,
      %get3A_295 = arith.index_cast %scan3A_58 : i32 to index
      %get3A_296 = arith.constant 272 : index
      %get3A_297 = tpu.vector_load %arg5[%get3A_295, %get3A_296] {strides = array<i32>} : memref<32x1024xf32, #tpu.memory_space<vmem>>, vector<1x16xf32>,
      %get3A_298 = vector.shape_cast %get3A_297 : vector<1x16xf32> to vector<16xf32>
      %get3A_299 = arith.index_cast %scan3A_58 : i32 to index
      %get3A_300 = arith.constant 272 : index
      %get3A_301 = tpu.vector_load %arg6[%get3A_299, %get3A_300] {strides = array<i32>} : memref<32x1024xf32, #tpu.memory_space<vmem>>, vector<1x16xf32>,
      %get3A_302 = vector.shape_cast %get3A_301 : vector<1x16xf32> to vector<16xf32>
      %add3A_303 = arith.addf %get3A_298, %get3A_302 : vector<16xf32>
      %swap3A_304 = arith.index_cast %scan3A_58 : i32 to index
      %swap3A_305 = arith.constant 272 : index
      %swap3A_306 = tpu.vector_load %arg5[%swap3A_304, %swap3A_305] {strides = array<i32>} : memref<32x1024xf32, #tpu.memory_space<vmem>>, vector<1x16xf32>,
      %swap3A_307 = vector.shape_cast %swap3A_306 : vector<1x16xf32> to vector<16xf32>
      %swap3A_308 = vector.shape_cast %add3A_303 : vector<16xf32> to vector<1x16xf32>
      tpu.vector_store %arg5[%swap3A_304, %swap3A_305], %swap3A_308 {strides = array<i32>} : memref<32x1024xf32, #tpu.memory_space<vmem>>, vector<1x16xf32>,
      %get3A_309 = arith.index_cast %scan3A_58 : i32 to index
      %get3A_310 = arith.constant 288 : index
      %get3A_311 = tpu.vector_load %arg5[%get3A_309, %get3A_310] {strides = array<i32>} : memref<32x1024xf32, #tpu.memory_space<vmem>>, vector<1x16xf32>,
      %get3A_312 = vector.shape_cast %get3A_311 : vector<1x16xf32> to vector<16xf32>
      %get3A_313 = arith.index_cast %scan3A_58 : i32 to index
      %get3A_314 = arith.constant 288 : index
      %get3A_315 = tpu.vector_load %arg6[%get3A_313, %get3A_314] {strides = array<i32>} : memref<32x1024xf32, #tpu.memory_space<vmem>>, vector<1x16xf32>,
      %get3A_316 = vector.shape_cast %get3A_315 : vector<1x16xf32> to vector<16xf32>
      %add3A_317 = arith.addf %get3A_312, %get3A_316 : vector<16xf32>
      %swap3A_318 = arith.index_cast %scan3A_58 : i32 to index
      %swap3A_319 = arith.constant 288 : index
      %swap3A_320 = tpu.vector_load %arg5[%swap3A_318, %swap3A_319] {strides = array<i32>} : memref<32x1024xf32, #tpu.memory_space<vmem>>, vector<1x16xf32>,
      %swap3A_321 = vector.shape_cast %swap3A_320 : vector<1x16xf32> to vector<16xf32>
      %swap3A_322 = vector.shape_cast %add3A_317 : vector<16xf32> to vector<1x16xf32>
      tpu.vector_store %arg5[%swap3A_318, %swap3A_319], %swap3A_322 {strides = array<i32>} : memref<32x1024xf32, #tpu.memory_space<vmem>>, vector<1x16xf32>,
      %get3A_323 = arith.index_cast %scan3A_58 : i32 to index
      %get3A_324 = arith.constant 304 : index
      %get3A_325 = tpu.vector_load %arg5[%get3A_323, %get3A_324] {strides = array<i32>} : memref<32x1024xf32, #tpu.memory_space<vmem>>, vector<1x16xf32>,
      %get3A_326 = vector.shape_cast %get3A_325 : vector<1x16xf32> to vector<16xf32>
      %get3A_327 = arith.index_cast %scan3A_58 : i32 to index
      %get3A_328 = arith.constant 304 : index
      %get3A_329 = tpu.vector_load %arg6[%get3A_327, %get3A_328] {strides = array<i32>} : memref<32x1024xf32, #tpu.memory_space<vmem>>, vector<1x16xf32>,
      %get3A_330 = vector.shape_cast %get3A_329 : vector<1x16xf32> to vector<16xf32>
      %add3A_331 = arith.addf %get3A_326, %get3A_330 : vector<16xf32>
      %swap3A_332 = arith.index_cast %scan3A_58 : i32 to index
      %swap3A_333 = arith.constant 304 : index
      %swap3A_334 = tpu.vector_load %arg5[%swap3A_332, %swap3A_333] {strides = array<i32>} : memref<32x1024xf32, #tpu.memory_space<vmem>>, vector<1x16xf32>,
      %swap3A_335 = vector.shape_cast %swap3A_334 : vector<1x16xf32> to vector<16xf32>
      %swap3A_336 = vector.shape_cast %add3A_331 : vector<16xf32> to vector<1x16xf32>
      tpu.vector_store %arg5[%swap3A_332, %swap3A_333], %swap3A_336 {strides = array<i32>} : memref<32x1024xf32, #tpu.memory_space<vmem>>, vector<1x16xf32>,
      %get3A_337 = arith.index_cast %scan3A_58 : i32 to index
      %get3A_338 = arith.constant 320 : index
      %get3A_339 = tpu.vector_load %arg5[%get3A_337, %get3A_338] {strides = array<i32>} : memref<32x1024xf32, #tpu.memory_space<vmem>>, vector<1x16xf32>,
      %get3A_340 = vector.shape_cast %get3A_339 : vector<1x16xf32> to vector<16xf32>
      %get3A_341 = arith.index_cast %scan3A_58 : i32 to index
      %get3A_342 = arith.constant 320 : index
      %get3A_343 = tpu.vector_load %arg6[%get3A_341, %get3A_342] {strides = array<i32>} : memref<32x1024xf32, #tpu.memory_space<vmem>>, vector<1x16xf32>,
      %get3A_344 = vector.shape_cast %get3A_343 : vector<1x16xf32> to vector<16xf32>
      %add3A_345 = arith.addf %get3A_340, %get3A_344 : vector<16xf32>
      %swap3A_346 = arith.index_cast %scan3A_58 : i32 to index
      %swap3A_347 = arith.constant 320 : index
      %swap3A_348 = tpu.vector_load %arg5[%swap3A_346, %swap3A_347] {strides = array<i32>} : memref<32x1024xf32, #tpu.memory_space<vmem>>, vector<1x16xf32>,
      %swap3A_349 = vector.shape_cast %swap3A_348 : vector<1x16xf32> to vector<16xf32>
      %swap3A_350 = vector.shape_cast %add3A_345 : vector<16xf32> to vector<1x16xf32>
      tpu.vector_store %arg5[%swap3A_346, %swap3A_347], %swap3A_350 {strides = array<i32>} : memref<32x1024xf32, #tpu.memory_space<vmem>>, vector<1x16xf32>,
      %get3A_351 = arith.index_cast %scan3A_58 : i32 to index
      %get3A_352 = arith.constant 336 : index
      %get3A_353 = tpu.vector_load %arg5[%get3A_351, %get3A_352] {strides = array<i32>} : memref<32x1024xf32, #tpu.memory_space<vmem>>, vector<1x16xf32>,
      %get3A_354 = vector.shape_cast %get3A_353 : vector<1x16xf32> to vector<16xf32>
      %get3A_355 = arith.index_cast %scan3A_58 : i32 to index
      %get3A_356 = arith.constant 336 : index
      %get3A_357 = tpu.vector_load %arg6[%get3A_355, %get3A_356] {strides = array<i32>} : memref<32x1024xf32, #tpu.memory_space<vmem>>, vector<1x16xf32>,
      %get3A_358 = vector.shape_cast %get3A_357 : vector<1x16xf32> to vector<16xf32>
      %add3A_359 = arith.addf %get3A_354, %get3A_358 : vector<16xf32>
      %swap3A_360 = arith.index_cast %scan3A_58 : i32 to index
      %swap3A_361 = arith.constant 336 : index
      %swap3A_362 = tpu.vector_load %arg5[%swap3A_360, %swap3A_361] {strides = array<i32>} : memref<32x1024xf32, #tpu.memory_space<vmem>>, vector<1x16xf32>,
      %swap3A_363 = vector.shape_cast %swap3A_362 : vector<1x16xf32> to vector<16xf32>
      %swap3A_364 = vector.shape_cast %add3A_359 : vector<16xf32> to vector<1x16xf32>
      tpu.vector_store %arg5[%swap3A_360, %swap3A_361], %swap3A_364 {strides = array<i32>} : memref<32x1024xf32, #tpu.memory_space<vmem>>, vector<1x16xf32>,
      %get3A_365 = arith.index_cast %scan3A_58 : i32 to index
      %get3A_366 = arith.constant 352 : index
      %get3A_367 = tpu.vector_load %arg5[%get3A_365, %get3A_366] {strides = array<i32>} : memref<32x1024xf32, #tpu.memory_space<vmem>>, vector<1x16xf32>,
      %get3A_368 = vector.shape_cast %get3A_367 : vector<1x16xf32> to vector<16xf32>
      %get3A_369 = arith.index_cast %scan3A_58 : i32 to index
      %get3A_370 = arith.constant 352 : index
      %get3A_371 = tpu.vector_load %arg6[%get3A_369, %get3A_370] {strides = array<i32>} : memref<32x1024xf32, #tpu.memory_space<vmem>>, vector<1x16xf32>,
      %get3A_372 = vector.shape_cast %get3A_371 : vector<1x16xf32> to vector<16xf32>
      %add3A_373 = arith.addf %get3A_368, %get3A_372 : vector<16xf32>
      %swap3A_374 = arith.index_cast %scan3A_58 : i32 to index
      %swap3A_375 = arith.constant 352 : index
      %swap3A_376 = tpu.vector_load %arg5[%swap3A_374, %swap3A_375] {strides = array<i32>} : memref<32x1024xf32, #tpu.memory_space<vmem>>, vector<1x16xf32>,
      %swap3A_377 = vector.shape_cast %swap3A_376 : vector<1x16xf32> to vector<16xf32>
      %swap3A_378 = vector.shape_cast %add3A_373 : vector<16xf32> to vector<1x16xf32>
      tpu.vector_store %arg5[%swap3A_374, %swap3A_375], %swap3A_378 {strides = array<i32>} : memref<32x1024xf32, #tpu.memory_space<vmem>>, vector<1x16xf32>,
      %get3A_379 = arith.index_cast %scan3A_58 : i32 to index
      %get3A_380 = arith.constant 368 : index
      %get3A_381 = tpu.vector_load %arg5[%get3A_379, %get3A_380] {strides = array<i32>} : memref<32x1024xf32, #tpu.memory_space<vmem>>, vector<1x16xf32>,
      %get3A_382 = vector.shape_cast %get3A_381 : vector<1x16xf32> to vector<16xf32>
      %get3A_383 = arith.index_cast %scan3A_58 : i32 to index
      %get3A_384 = arith.constant 368 : index
      %get3A_385 = tpu.vector_load %arg6[%get3A_383, %get3A_384] {strides = array<i32>} : memref<32x1024xf32, #tpu.memory_space<vmem>>, vector<1x16xf32>,
      %get3A_386 = vector.shape_cast %get3A_385 : vector<1x16xf32> to vector<16xf32>
      %add3A_387 = arith.addf %get3A_382, %get3A_386 : vector<16xf32>
      %swap3A_388 = arith.index_cast %scan3A_58 : i32 to index
      %swap3A_389 = arith.constant 368 : index
      %swap3A_390 = tpu.vector_load %arg5[%swap3A_388, %swap3A_389] {strides = array<i32>} : memref<32x1024xf32, #tpu.memory_space<vmem>>, vector<1x16xf32>,
      %swap3A_391 = vector.shape_cast %swap3A_390 : vector<1x16xf32> to vector<16xf32>
      %swap3A_392 = vector.shape_cast %add3A_387 : vector<16xf32> to vector<1x16xf32>
      tpu.vector_store %arg5[%swap3A_388, %swap3A_389], %swap3A_392 {strides = array<i32>} : memref<32x1024xf32, #tpu.memory_space<vmem>>, vector<1x16xf32>,
      %get3A_393 = arith.index_cast %scan3A_58 : i32 to index
      %get3A_394 = arith.constant 384 : index
      %get3A_395 = tpu.vector_load %arg5[%get3A_393, %get3A_394] {strides = array<i32>} : memref<32x1024xf32, #tpu.memory_space<vmem>>, vector<1x16xf32>,
      %get3A_396 = vector.shape_cast %get3A_395 : vector<1x16xf32> to vector<16xf32>
      %get3A_397 = arith.index_cast %scan3A_58 : i32 to index
      %get3A_398 = arith.constant 384 : index
      %get3A_399 = tpu.vector_load %arg6[%get3A_397, %get3A_398] {strides = array<i32>} : memref<32x1024xf32, #tpu.memory_space<vmem>>, vector<1x16xf32>,
      %get3A_400 = vector.shape_cast %get3A_399 : vector<1x16xf32> to vector<16xf32>
      %add3A_401 = arith.addf %get3A_396, %get3A_400 : vector<16xf32>
      %swap3A_402 = arith.index_cast %scan3A_58 : i32 to index
      %swap3A_403 = arith.constant 384 : index
      %swap3A_404 = tpu.vector_load %arg5[%swap3A_402, %swap3A_403] {strides = array<i32>} : memref<32x1024xf32, #tpu.memory_space<vmem>>, vector<1x16xf32>,
      %swap3A_405 = vector.shape_cast %swap3A_404 : vector<1x16xf32> to vector<16xf32>
      %swap3A_406 = vector.shape_cast %add3A_401 : vector<16xf32> to vector<1x16xf32>
      tpu.vector_store %arg5[%swap3A_402, %swap3A_403], %swap3A_406 {strides = array<i32>} : memref<32x1024xf32, #tpu.memory_space<vmem>>, vector<1x16xf32>,
      %get3A_407 = arith.index_cast %scan3A_58 : i32 to index
      %get3A_408 = arith.constant 400 : index
      %get3A_409 = tpu.vector_load %arg5[%get3A_407, %get3A_408] {strides = array<i32>} : memref<32x1024xf32, #tpu.memory_space<vmem>>, vector<1x16xf32>,
      %get3A_410 = vector.shape_cast %get3A_409 : vector<1x16xf32> to vector<16xf32>
      %get3A_411 = arith.index_cast %scan3A_58 : i32 to index
      %get3A_412 = arith.constant 400 : index
      %get3A_413 = tpu.vector_load %arg6[%get3A_411, %get3A_412] {strides = array<i32>} : memref<32x1024xf32, #tpu.memory_space<vmem>>, vector<1x16xf32>,
      %get3A_414 = vector.shape_cast %get3A_413 : vector<1x16xf32> to vector<16xf32>
      %add3A_415 = arith.addf %get3A_410, %get3A_414 : vector<16xf32>
      %swap3A_416 = arith.index_cast %scan3A_58 : i32 to index
      %swap3A_417 = arith.constant 400 : index
      %swap3A_418 = tpu.vector_load %arg5[%swap3A_416, %swap3A_417] {strides = array<i32>} : memref<32x1024xf32, #tpu.memory_space<vmem>>, vector<1x16xf32>,
      %swap3A_419 = vector.shape_cast %swap3A_418 : vector<1x16xf32> to vector<16xf32>
      %swap3A_420 = vector.shape_cast %add3A_415 : vector<16xf32> to vector<1x16xf32>
      tpu.vector_store %arg5[%swap3A_416, %swap3A_417], %swap3A_420 {strides = array<i32>} : memref<32x1024xf32, #tpu.memory_space<vmem>>, vector<1x16xf32>,
      %get3A_421 = arith.index_cast %scan3A_58 : i32 to index
      %get3A_422 = arith.constant 416 : index
      %get3A_423 = tpu.vector_load %arg5[%get3A_421, %get3A_422] {strides = array<i32>} : memref<32x1024xf32, #tpu.memory_space<vmem>>, vector<1x16xf32>,
      %get3A_424 = vector.shape_cast %get3A_423 : vector<1x16xf32> to vector<16xf32>
      %get3A_425 = arith.index_cast %scan3A_58 : i32 to index
      %get3A_426 = arith.constant 416 : index
      %get3A_427 = tpu.vector_load %arg6[%get3A_425, %get3A_426] {strides = array<i32>} : memref<32x1024xf32, #tpu.memory_space<vmem>>, vector<1x16xf32>,
      %get3A_428 = vector.shape_cast %get3A_427 : vector<1x16xf32> to vector<16xf32>
      %add3A_429 = arith.addf %get3A_424, %get3A_428 : vector<16xf32>
      %swap3A_430 = arith.index_cast %scan3A_58 : i32 to index
      %swap3A_431 = arith.constant 416 : index
      %swap3A_432 = tpu.vector_load %arg5[%swap3A_430, %swap3A_431] {strides = array<i32>} : memref<32x1024xf32, #tpu.memory_space<vmem>>, vector<1x16xf32>,
      %swap3A_433 = vector.shape_cast %swap3A_432 : vector<1x16xf32> to vector<16xf32>
      %swap3A_434 = vector.shape_cast %add3A_429 : vector<16xf32> to vector<1x16xf32>
      tpu.vector_store %arg5[%swap3A_430, %swap3A_431], %swap3A_434 {strides = array<i32>} : memref<32x1024xf32, #tpu.memory_space<vmem>>, vector<1x16xf32>,
      %get3A_435 = arith.index_cast %scan3A_58 : i32 to index
      %get3A_436 = arith.constant 432 : index
      %get3A_437 = tpu.vector_load %arg5[%get3A_435, %get3A_436] {strides = array<i32>} : memref<32x1024xf32, #tpu.memory_space<vmem>>, vector<1x16xf32>,
      %get3A_438 = vector.shape_cast %get3A_437 : vector<1x16xf32> to vector<16xf32>
      %get3A_439 = arith.index_cast %scan3A_58 : i32 to index
      %get3A_440 = arith.constant 432 : index
      %get3A_441 = tpu.vector_load %arg6[%get3A_439, %get3A_440] {strides = array<i32>} : memref<32x1024xf32, #tpu.memory_space<vmem>>, vector<1x16xf32>,
      %get3A_442 = vector.shape_cast %get3A_441 : vector<1x16xf32> to vector<16xf32>
      %add3A_443 = arith.addf %get3A_438, %get3A_442 : vector<16xf32>
      %swap3A_444 = arith.index_cast %scan3A_58 : i32 to index
      %swap3A_445 = arith.constant 432 : index
      %swap3A_446 = tpu.vector_load %arg5[%swap3A_444, %swap3A_445] {strides = array<i32>} : memref<32x1024xf32, #tpu.memory_space<vmem>>, vector<1x16xf32>,
      %swap3A_447 = vector.shape_cast %swap3A_446 : vector<1x16xf32> to vector<16xf32>
      %swap3A_448 = vector.shape_cast %add3A_443 : vector<16xf32> to vector<1x16xf32>
      tpu.vector_store %arg5[%swap3A_444, %swap3A_445], %swap3A_448 {strides = array<i32>} : memref<32x1024xf32, #tpu.memory_space<vmem>>, vector<1x16xf32>,
      %get3A_449 = arith.index_cast %scan3A_58 : i32 to index
      %get3A_450 = arith.constant 448 : index
      %get3A_451 = tpu.vector_load %arg5[%get3A_449, %get3A_450] {strides = array<i32>} : memref<32x1024xf32, #tpu.memory_space<vmem>>, vector<1x16xf32>,
      %get3A_452 = vector.shape_cast %get3A_451 : vector<1x16xf32> to vector<16xf32>
      %get3A_453 = arith.index_cast %scan3A_58 : i32 to index
      %get3A_454 = arith.constant 448 : index
      %get3A_455 = tpu.vector_load %arg6[%get3A_453, %get3A_454] {strides = array<i32>} : memref<32x1024xf32, #tpu.memory_space<vmem>>, vector<1x16xf32>,
      %get3A_456 = vector.shape_cast %get3A_455 : vector<1x16xf32> to vector<16xf32>
      %add3A_457 = arith.addf %get3A_452, %get3A_456 : vector<16xf32>
      %swap3A_458 = arith.index_cast %scan3A_58 : i32 to index
      %swap3A_459 = arith.constant 448 : index
      %swap3A_460 = tpu.vector_load %arg5[%swap3A_458, %swap3A_459] {strides = array<i32>} : memref<32x1024xf32, #tpu.memory_space<vmem>>, vector<1x16xf32>,
      %swap3A_461 = vector.shape_cast %swap3A_460 : vector<1x16xf32> to vector<16xf32>
      %swap3A_462 = vector.shape_cast %add3A_457 : vector<16xf32> to vector<1x16xf32>
      tpu.vector_store %arg5[%swap3A_458, %swap3A_459], %swap3A_462 {strides = array<i32>} : memref<32x1024xf32, #tpu.memory_space<vmem>>, vector<1x16xf32>,
      %get3A_463 = arith.index_cast %scan3A_58 : i32 to index
      %get3A_464 = arith.constant 464 : index
      %get3A_465 = tpu.vector_load %arg5[%get3A_463, %get3A_464] {strides = array<i32>} : memref<32x1024xf32, #tpu.memory_space<vmem>>, vector<1x16xf32>,
      %get3A_466 = vector.shape_cast %get3A_465 : vector<1x16xf32> to vector<16xf32>
      %get3A_467 = arith.index_cast %scan3A_58 : i32 to index
      %get3A_468 = arith.constant 464 : index
      %get3A_469 = tpu.vector_load %arg6[%get3A_467, %get3A_468] {strides = array<i32>} : memref<32x1024xf32, #tpu.memory_space<vmem>>, vector<1x16xf32>,
      %get3A_470 = vector.shape_cast %get3A_469 : vector<1x16xf32> to vector<16xf32>
      %add3A_471 = arith.addf %get3A_466, %get3A_470 : vector<16xf32>
      %swap3A_472 = arith.index_cast %scan3A_58 : i32 to index
      %swap3A_473 = arith.constant 464 : index
      %swap3A_474 = tpu.vector_load %arg5[%swap3A_472, %swap3A_473] {strides = array<i32>} : memref<32x1024xf32, #tpu.memory_space<vmem>>, vector<1x16xf32>,
      %swap3A_475 = vector.shape_cast %swap3A_474 : vector<1x16xf32> to vector<16xf32>
      %swap3A_476 = vector.shape_cast %add3A_471 : vector<16xf32> to vector<1x16xf32>
      tpu.vector_store %arg5[%swap3A_472, %swap3A_473], %swap3A_476 {strides = array<i32>} : memref<32x1024xf32, #tpu.memory_space<vmem>>, vector<1x16xf32>,
      %get3A_477 = arith.index_cast %scan3A_58 : i32 to index
      %get3A_478 = arith.constant 480 : index
      %get3A_479 = tpu.vector_load %arg5[%get3A_477, %get3A_478] {strides = array<i32>} : memref<32x1024xf32, #tpu.memory_space<vmem>>, vector<1x16xf32>,
      %get3A_480 = vector.shape_cast %get3A_479 : vector<1x16xf32> to vector<16xf32>
      %get3A_481 = arith.index_cast %scan3A_58 : i32 to index
      %get3A_482 = arith.constant 480 : index
      %get3A_483 = tpu.vector_load %arg6[%get3A_481, %get3A_482] {strides = array<i32>} : memref<32x1024xf32, #tpu.memory_space<vmem>>, vector<1x16xf32>,
      %get3A_484 = vector.shape_cast %get3A_483 : vector<1x16xf32> to vector<16xf32>
      %add3A_485 = arith.addf %get3A_480, %get3A_484 : vector<16xf32>
      %swap3A_486 = arith.index_cast %scan3A_58 : i32 to index
      %swap3A_487 = arith.constant 480 : index
      %swap3A_488 = tpu.vector_load %arg5[%swap3A_486, %swap3A_487] {strides = array<i32>} : memref<32x1024xf32, #tpu.memory_space<vmem>>, vector<1x16xf32>,
      %swap3A_489 = vector.shape_cast %swap3A_488 : vector<1x16xf32> to vector<16xf32>
      %swap3A_490 = vector.shape_cast %add3A_485 : vector<16xf32> to vector<1x16xf32>
      tpu.vector_store %arg5[%swap3A_486, %swap3A_487], %swap3A_490 {strides = array<i32>} : memref<32x1024xf32, #tpu.memory_space<vmem>>, vector<1x16xf32>,
      %get3A_491 = arith.index_cast %scan3A_58 : i32 to index
      %get3A_492 = arith.constant 496 : index
      %get3A_493 = tpu.vector_load %arg5[%get3A_491, %get3A_492] {strides = array<i32>} : memref<32x1024xf32, #tpu.memory_space<vmem>>, vector<1x16xf32>,
      %get3A_494 = vector.shape_cast %get3A_493 : vector<1x16xf32> to vector<16xf32>
      %get3A_495 = arith.index_cast %scan3A_58 : i32 to index
      %get3A_496 = arith.constant 496 : index
      %get3A_497 = tpu.vector_load %arg6[%get3A_495, %get3A_496] {strides = array<i32>} : memref<32x1024xf32, #tpu.memory_space<vmem>>, vector<1x16xf32>,
      %get3A_498 = vector.shape_cast %get3A_497 : vector<1x16xf32> to vector<16xf32>
      %add3A_499 = arith.addf %get3A_494, %get3A_498 : vector<16xf32>
      %swap3A_500 = arith.index_cast %scan3A_58 : i32 to index
      %swap3A_501 = arith.constant 496 : index
      %swap3A_502 = tpu.vector_load %arg5[%swap3A_500, %swap3A_501] {strides = array<i32>} : memref<32x1024xf32, #tpu.memory_space<vmem>>, vector<1x16xf32>,
      %swap3A_503 = vector.shape_cast %swap3A_502 : vector<1x16xf32> to vector<16xf32>
      %swap3A_504 = vector.shape_cast %add3A_499 : vector<16xf32> to vector<1x16xf32>
      tpu.vector_store %arg5[%swap3A_500, %swap3A_501], %swap3A_504 {strides = array<i32>} : memref<32x1024xf32, #tpu.memory_space<vmem>>, vector<1x16xf32>,
      %get3A_505 = arith.index_cast %scan3A_58 : i32 to index
      %get3A_506 = arith.constant 512 : index
      %get3A_507 = tpu.vector_load %arg5[%get3A_505, %get3A_506] {strides = array<i32>} : memref<32x1024xf32, #tpu.memory_space<vmem>>, vector<1x16xf32>,
      %get3A_508 = vector.shape_cast %get3A_507 : vector<1x16xf32> to vector<16xf32>
      %get3A_509 = arith.index_cast %scan3A_58 : i32 to index
      %get3A_510 = arith.constant 512 : index
      %get3A_511 = tpu.vector_load %arg6[%get3A_509, %get3A_510] {strides = array<i32>} : memref<32x1024xf32, #tpu.memory_space<vmem>>, vector<1x16xf32>,
      %get3A_512 = vector.shape_cast %get3A_511 : vector<1x16xf32> to vector<16xf32>
      %add3A_513 = arith.addf %get3A_508, %get3A_512 : vector<16xf32>
      %swap3A_514 = arith.index_cast %scan3A_58 : i32 to index
      %swap3A_515 = arith.constant 512 : index
      %swap3A_516 = tpu.vector_load %arg5[%swap3A_514, %swap3A_515] {strides = array<i32>} : memref<32x1024xf32, #tpu.memory_space<vmem>>, vector<1x16xf32>,
      %swap3A_517 = vector.shape_cast %swap3A_516 : vector<1x16xf32> to vector<16xf32>
      %swap3A_518 = vector.shape_cast %add3A_513 : vector<16xf32> to vector<1x16xf32>
      tpu.vector_store %arg5[%swap3A_514, %swap3A_515], %swap3A_518 {strides = array<i32>} : memref<32x1024xf32, #tpu.memory_space<vmem>>, vector<1x16xf32>,
      %get3A_519 = arith.index_cast %scan3A_58 : i32 to index
      %get3A_520 = arith.constant 528 : index
      %get3A_521 = tpu.vector_load %arg5[%get3A_519, %get3A_520] {strides = array<i32>} : memref<32x1024xf32, #tpu.memory_space<vmem>>, vector<1x16xf32>,
      %get3A_522 = vector.shape_cast %get3A_521 : vector<1x16xf32> to vector<16xf32>
      %get3A_523 = arith.index_cast %scan3A_58 : i32 to index
      %get3A_524 = arith.constant 528 : index
      %get3A_525 = tpu.vector_load %arg6[%get3A_523, %get3A_524] {strides = array<i32>} : memref<32x1024xf32, #tpu.memory_space<vmem>>, vector<1x16xf32>,
      %get3A_526 = vector.shape_cast %get3A_525 : vector<1x16xf32> to vector<16xf32>
      %add3A_527 = arith.addf %get3A_522, %get3A_526 : vector<16xf32>
      %swap3A_528 = arith.index_cast %scan3A_58 : i32 to index
      %swap3A_529 = arith.constant 528 : index
      %swap3A_530 = tpu.vector_load %arg5[%swap3A_528, %swap3A_529] {strides = array<i32>} : memref<32x1024xf32, #tpu.memory_space<vmem>>, vector<1x16xf32>,
      %swap3A_531 = vector.shape_cast %swap3A_530 : vector<1x16xf32> to vector<16xf32>
      %swap3A_532 = vector.shape_cast %add3A_527 : vector<16xf32> to vector<1x16xf32>
      tpu.vector_store %arg5[%swap3A_528, %swap3A_529], %swap3A_532 {strides = array<i32>} : memref<32x1024xf32, #tpu.memory_space<vmem>>, vector<1x16xf32>,
      %get3A_533 = arith.index_cast %scan3A_58 : i32 to index
      %get3A_534 = arith.constant 544 : index
      %get3A_535 = tpu.vector_load %arg5[%get3A_533, %get3A_534] {strides = array<i32>} : memref<32x1024xf32, #tpu.memory_space<vmem>>, vector<1x16xf32>,
      %get3A_536 = vector.shape_cast %get3A_535 : vector<1x16xf32> to vector<16xf32>
      %get3A_537 = arith.index_cast %scan3A_58 : i32 to index
      %get3A_538 = arith.constant 544 : index
      %get3A_539 = tpu.vector_load %arg6[%get3A_537, %get3A_538] {strides = array<i32>} : memref<32x1024xf32, #tpu.memory_space<vmem>>, vector<1x16xf32>,
      %get3A_540 = vector.shape_cast %get3A_539 : vector<1x16xf32> to vector<16xf32>
      %add3A_541 = arith.addf %get3A_536, %get3A_540 : vector<16xf32>
      %swap3A_542 = arith.index_cast %scan3A_58 : i32 to index
      %swap3A_543 = arith.constant 544 : index
      %swap3A_544 = tpu.vector_load %arg5[%swap3A_542, %swap3A_543] {strides = array<i32>} : memref<32x1024xf32, #tpu.memory_space<vmem>>, vector<1x16xf32>,
      %swap3A_545 = vector.shape_cast %swap3A_544 : vector<1x16xf32> to vector<16xf32>
      %swap3A_546 = vector.shape_cast %add3A_541 : vector<16xf32> to vector<1x16xf32>
      tpu.vector_store %arg5[%swap3A_542, %swap3A_543], %swap3A_546 {strides = array<i32>} : memref<32x1024xf32, #tpu.memory_space<vmem>>, vector<1x16xf32>,
      %get3A_547 = arith.index_cast %scan3A_58 : i32 to index
      %get3A_548 = arith.constant 560 : index
      %get3A_549 = tpu.vector_load %arg5[%get3A_547, %get3A_548] {strides = array<i32>} : memref<32x1024xf32, #tpu.memory_space<vmem>>, vector<1x16xf32>,
      %get3A_550 = vector.shape_cast %get3A_549 : vector<1x16xf32> to vector<16xf32>
      %get3A_551 = arith.index_cast %scan3A_58 : i32 to index
      %get3A_552 = arith.constant 560 : index
      %get3A_553 = tpu.vector_load %arg6[%get3A_551, %get3A_552] {strides = array<i32>} : memref<32x1024xf32, #tpu.memory_space<vmem>>, vector<1x16xf32>,
      %get3A_554 = vector.shape_cast %get3A_553 : vector<1x16xf32> to vector<16xf32>
      %add3A_555 = arith.addf %get3A_550, %get3A_554 : vector<16xf32>
      %swap3A_556 = arith.index_cast %scan3A_58 : i32 to index
      %swap3A_557 = arith.constant 560 : index
      %swap3A_558 = tpu.vector_load %arg5[%swap3A_556, %swap3A_557] {strides = array<i32>} : memref<32x1024xf32, #tpu.memory_space<vmem>>, vector<1x16xf32>,
      %swap3A_559 = vector.shape_cast %swap3A_558 : vector<1x16xf32> to vector<16xf32>
      %swap3A_560 = vector.shape_cast %add3A_555 : vector<16xf32> to vector<1x16xf32>
      tpu.vector_store %arg5[%swap3A_556, %swap3A_557], %swap3A_560 {strides = array<i32>} : memref<32x1024xf32, #tpu.memory_space<vmem>>, vector<1x16xf32>,
      %get3A_561 = arith.index_cast %scan3A_58 : i32 to index
      %get3A_562 = arith.constant 576 : index
      %get3A_563 = tpu.vector_load %arg5[%get3A_561, %get3A_562] {strides = array<i32>} : memref<32x1024xf32, #tpu.memory_space<vmem>>, vector<1x16xf32>,
      %get3A_564 = vector.shape_cast %get3A_563 : vector<1x16xf32> to vector<16xf32>
      %get3A_565 = arith.index_cast %scan3A_58 : i32 to index
      %get3A_566 = arith.constant 576 : index
      %get3A_567 = tpu.vector_load %arg6[%get3A_565, %get3A_566] {strides = array<i32>} : memref<32x1024xf32, #tpu.memory_space<vmem>>, vector<1x16xf32>,
      %get3A_568 = vector.shape_cast %get3A_567 : vector<1x16xf32> to vector<16xf32>
      %add3A_569 = arith.addf %get3A_564, %get3A_568 : vector<16xf32>
      %swap3A_570 = arith.index_cast %scan3A_58 : i32 to index
      %swap3A_571 = arith.constant 576 : index
      %swap3A_572 = tpu.vector_load %arg5[%swap3A_570, %swap3A_571] {strides = array<i32>} : memref<32x1024xf32, #tpu.memory_space<vmem>>, vector<1x16xf32>,
      %swap3A_573 = vector.shape_cast %swap3A_572 : vector<1x16xf32> to vector<16xf32>
      %swap3A_574 = vector.shape_cast %add3A_569 : vector<16xf32> to vector<1x16xf32>
      tpu.vector_store %arg5[%swap3A_570, %swap3A_571], %swap3A_574 {strides = array<i32>} : memref<32x1024xf32, #tpu.memory_space<vmem>>, vector<1x16xf32>,
      %get3A_575 = arith.index_cast %scan3A_58 : i32 to index
      %get3A_576 = arith.constant 592 : index
      %get3A_577 = tpu.vector_load %arg5[%get3A_575, %get3A_576] {strides = array<i32>} : memref<32x1024xf32, #tpu.memory_space<vmem>>, vector<1x16xf32>,
      %get3A_578 = vector.shape_cast %get3A_577 : vector<1x16xf32> to vector<16xf32>
      %get3A_579 = arith.index_cast %scan3A_58 : i32 to index
      %get3A_580 = arith.constant 592 : index
      %get3A_581 = tpu.vector_load %arg6[%get3A_579, %get3A_580] {strides = array<i32>} : memref<32x1024xf32, #tpu.memory_space<vmem>>, vector<1x16xf32>,
      %get3A_582 = vector.shape_cast %get3A_581 : vector<1x16xf32> to vector<16xf32>
      %add3A_583 = arith.addf %get3A_578, %get3A_582 : vector<16xf32>
      %swap3A_584 = arith.index_cast %scan3A_58 : i32 to index
      %swap3A_585 = arith.constant 592 : index
      %swap3A_586 = tpu.vector_load %arg5[%swap3A_584, %swap3A_585] {strides = array<i32>} : memref<32x1024xf32, #tpu.memory_space<vmem>>, vector<1x16xf32>,
      %swap3A_587 = vector.shape_cast %swap3A_586 : vector<1x16xf32> to vector<16xf32>
      %swap3A_588 = vector.shape_cast %add3A_583 : vector<16xf32> to vector<1x16xf32>
      tpu.vector_store %arg5[%swap3A_584, %swap3A_585], %swap3A_588 {strides = array<i32>} : memref<32x1024xf32, #tpu.memory_space<vmem>>, vector<1x16xf32>,
      %get3A_589 = arith.index_cast %scan3A_58 : i32 to index
      %get3A_590 = arith.constant 608 : index
      %get3A_591 = tpu.vector_load %arg5[%get3A_589, %get3A_590] {strides = array<i32>} : memref<32x1024xf32, #tpu.memory_space<vmem>>, vector<1x16xf32>,
      %get3A_592 = vector.shape_cast %get3A_591 : vector<1x16xf32> to vector<16xf32>
      %get3A_593 = arith.index_cast %scan3A_58 : i32 to index
      %get3A_594 = arith.constant 608 : index
      %get3A_595 = tpu.vector_load %arg6[%get3A_593, %get3A_594] {strides = array<i32>} : memref<32x1024xf32, #tpu.memory_space<vmem>>, vector<1x16xf32>,
      %get3A_596 = vector.shape_cast %get3A_595 : vector<1x16xf32> to vector<16xf32>
      %add3A_597 = arith.addf %get3A_592, %get3A_596 : vector<16xf32>
      %swap3A_598 = arith.index_cast %scan3A_58 : i32 to index
      %swap3A_599 = arith.constant 608 : index
      %swap3A_600 = tpu.vector_load %arg5[%swap3A_598, %swap3A_599] {strides = array<i32>} : memref<32x1024xf32, #tpu.memory_space<vmem>>, vector<1x16xf32>,
      %swap3A_601 = vector.shape_cast %swap3A_600 : vector<1x16xf32> to vector<16xf32>
      %swap3A_602 = vector.shape_cast %add3A_597 : vector<16xf32> to vector<1x16xf32>
      tpu.vector_store %arg5[%swap3A_598, %swap3A_599], %swap3A_602 {strides = array<i32>} : memref<32x1024xf32, #tpu.memory_space<vmem>>, vector<1x16xf32>,
      %get3A_603 = arith.index_cast %scan3A_58 : i32 to index
      %get3A_604 = arith.constant 624 : index
      %get3A_605 = tpu.vector_load %arg5[%get3A_603, %get3A_604] {strides = array<i32>} : memref<32x1024xf32, #tpu.memory_space<vmem>>, vector<1x16xf32>,
      %get3A_606 = vector.shape_cast %get3A_605 : vector<1x16xf32> to vector<16xf32>
      %get3A_607 = arith.index_cast %scan3A_58 : i32 to index
      %get3A_608 = arith.constant 624 : index
      %get3A_609 = tpu.vector_load %arg6[%get3A_607, %get3A_608] {strides = array<i32>} : memref<32x1024xf32, #tpu.memory_space<vmem>>, vector<1x16xf32>,
      %get3A_610 = vector.shape_cast %get3A_609 : vector<1x16xf32> to vector<16xf32>
      %add3A_611 = arith.addf %get3A_606, %get3A_610 : vector<16xf32>
      %swap3A_612 = arith.index_cast %scan3A_58 : i32 to index
      %swap3A_613 = arith.constant 624 : index
      %swap3A_614 = tpu.vector_load %arg5[%swap3A_612, %swap3A_613] {strides = array<i32>} : memref<32x1024xf32, #tpu.memory_space<vmem>>, vector<1x16xf32>,
      %swap3A_615 = vector.shape_cast %swap3A_614 : vector<1x16xf32> to vector<16xf32>
      %swap3A_616 = vector.shape_cast %add3A_611 : vector<16xf32> to vector<1x16xf32>
      tpu.vector_store %arg5[%swap3A_612, %swap3A_613], %swap3A_616 {strides = array<i32>} : memref<32x1024xf32, #tpu.memory_space<vmem>>, vector<1x16xf32>,
      %get3A_617 = arith.index_cast %scan3A_58 : i32 to index
      %get3A_618 = arith.constant 640 : index
      %get3A_619 = tpu.vector_load %arg5[%get3A_617, %get3A_618] {strides = array<i32>} : memref<32x1024xf32, #tpu.memory_space<vmem>>, vector<1x16xf32>,
      %get3A_620 = vector.shape_cast %get3A_619 : vector<1x16xf32> to vector<16xf32>
      %get3A_621 = arith.index_cast %scan3A_58 : i32 to index
      %get3A_622 = arith.constant 640 : index
      %get3A_623 = tpu.vector_load %arg6[%get3A_621, %get3A_622] {strides = array<i32>} : memref<32x1024xf32, #tpu.memory_space<vmem>>, vector<1x16xf32>,
      %get3A_624 = vector.shape_cast %get3A_623 : vector<1x16xf32> to vector<16xf32>
      %add3A_625 = arith.addf %get3A_620, %get3A_624 : vector<16xf32>
      %swap3A_626 = arith.index_cast %scan3A_58 : i32 to index
      %swap3A_627 = arith.constant 640 : index
      %swap3A_628 = tpu.vector_load %arg5[%swap3A_626, %swap3A_627] {strides = array<i32>} : memref<32x1024xf32, #tpu.memory_space<vmem>>, vector<1x16xf32>,
      %swap3A_629 = vector.shape_cast %swap3A_628 : vector<1x16xf32> to vector<16xf32>
      %swap3A_630 = vector.shape_cast %add3A_625 : vector<16xf32> to vector<1x16xf32>
      tpu.vector_store %arg5[%swap3A_626, %swap3A_627], %swap3A_630 {strides = array<i32>} : memref<32x1024xf32, #tpu.memory_space<vmem>>, vector<1x16xf32>,
      %get3A_631 = arith.index_cast %scan3A_58 : i32 to index
      %get3A_632 = arith.constant 656 : index
      %get3A_633 = tpu.vector_load %arg5[%get3A_631, %get3A_632] {strides = array<i32>} : memref<32x1024xf32, #tpu.memory_space<vmem>>, vector<1x16xf32>,
      %get3A_634 = vector.shape_cast %get3A_633 : vector<1x16xf32> to vector<16xf32>
      %get3A_635 = arith.index_cast %scan3A_58 : i32 to index
      %get3A_636 = arith.constant 656 : index
      %get3A_637 = tpu.vector_load %arg6[%get3A_635, %get3A_636] {strides = array<i32>} : memref<32x1024xf32, #tpu.memory_space<vmem>>, vector<1x16xf32>,
      %get3A_638 = vector.shape_cast %get3A_637 : vector<1x16xf32> to vector<16xf32>
      %add3A_639 = arith.addf %get3A_634, %get3A_638 : vector<16xf32>
      %swap3A_640 = arith.index_cast %scan3A_58 : i32 to index
      %swap3A_641 = arith.constant 656 : index
      %swap3A_642 = tpu.vector_load %arg5[%swap3A_640, %swap3A_641] {strides = array<i32>} : memref<32x1024xf32, #tpu.memory_space<vmem>>, vector<1x16xf32>,
      %swap3A_643 = vector.shape_cast %swap3A_642 : vector<1x16xf32> to vector<16xf32>
      %swap3A_644 = vector.shape_cast %add3A_639 : vector<16xf32> to vector<1x16xf32>
      tpu.vector_store %arg5[%swap3A_640, %swap3A_641], %swap3A_644 {strides = array<i32>} : memref<32x1024xf32, #tpu.memory_space<vmem>>, vector<1x16xf32>,
      %get3A_645 = arith.index_cast %scan3A_58 : i32 to index
      %get3A_646 = arith.constant 672 : index
      %get3A_647 = tpu.vector_load %arg5[%get3A_645, %get3A_646] {strides = array<i32>} : memref<32x1024xf32, #tpu.memory_space<vmem>>, vector<1x16xf32>,
      %get3A_648 = vector.shape_cast %get3A_647 : vector<1x16xf32> to vector<16xf32>
      %get3A_649 = arith.index_cast %scan3A_58 : i32 to index
      %get3A_650 = arith.constant 672 : index
      %get3A_651 = tpu.vector_load %arg6[%get3A_649, %get3A_650] {strides = array<i32>} : memref<32x1024xf32, #tpu.memory_space<vmem>>, vector<1x16xf32>,
      %get3A_652 = vector.shape_cast %get3A_651 : vector<1x16xf32> to vector<16xf32>
      %add3A_653 = arith.addf %get3A_648, %get3A_652 : vector<16xf32>
      %swap3A_654 = arith.index_cast %scan3A_58 : i32 to index
      %swap3A_655 = arith.constant 672 : index
      %swap3A_656 = tpu.vector_load %arg5[%swap3A_654, %swap3A_655] {strides = array<i32>} : memref<32x1024xf32, #tpu.memory_space<vmem>>, vector<1x16xf32>,
      %swap3A_657 = vector.shape_cast %swap3A_656 : vector<1x16xf32> to vector<16xf32>
      %swap3A_658 = vector.shape_cast %add3A_653 : vector<16xf32> to vector<1x16xf32>
      tpu.vector_store %arg5[%swap3A_654, %swap3A_655], %swap3A_658 {strides = array<i32>} : memref<32x1024xf32, #tpu.memory_space<vmem>>, vector<1x16xf32>,
      %get3A_659 = arith.index_cast %scan3A_58 : i32 to index
      %get3A_660 = arith.constant 688 : index
      %get3A_661 = tpu.vector_load %arg5[%get3A_659, %get3A_660] {strides = array<i32>} : memref<32x1024xf32, #tpu.memory_space<vmem>>, vector<1x16xf32>,
      %get3A_662 = vector.shape_cast %get3A_661 : vector<1x16xf32> to vector<16xf32>
      %get3A_663 = arith.index_cast %scan3A_58 : i32 to index
      %get3A_664 = arith.constant 688 : index
      %get3A_665 = tpu.vector_load %arg6[%get3A_663, %get3A_664] {strides = array<i32>} : memref<32x1024xf32, #tpu.memory_space<vmem>>, vector<1x16xf32>,
      %get3A_666 = vector.shape_cast %get3A_665 : vector<1x16xf32> to vector<16xf32>
      %add3A_667 = arith.addf %get3A_662, %get3A_666 : vector<16xf32>
      %swap3A_668 = arith.index_cast %scan3A_58 : i32 to index
      %swap3A_669 = arith.constant 688 : index
      %swap3A_670 = tpu.vector_load %arg5[%swap3A_668, %swap3A_669] {strides = array<i32>} : memref<32x1024xf32, #tpu.memory_space<vmem>>, vector<1x16xf32>,
      %swap3A_671 = vector.shape_cast %swap3A_670 : vector<1x16xf32> to vector<16xf32>
      %swap3A_672 = vector.shape_cast %add3A_667 : vector<16xf32> to vector<1x16xf32>
      tpu.vector_store %arg5[%swap3A_668, %swap3A_669], %swap3A_672 {strides = array<i32>} : memref<32x1024xf32, #tpu.memory_space<vmem>>, vector<1x16xf32>,
      %get3A_673 = arith.index_cast %scan3A_58 : i32 to index
      %get3A_674 = arith.constant 704 : index
      %get3A_675 = tpu.vector_load %arg5[%get3A_673, %get3A_674] {strides = array<i32>} : memref<32x1024xf32, #tpu.memory_space<vmem>>, vector<1x16xf32>,
      %get3A_676 = vector.shape_cast %get3A_675 : vector<1x16xf32> to vector<16xf32>
      %get3A_677 = arith.index_cast %scan3A_58 : i32 to index
      %get3A_678 = arith.constant 704 : index
      %get3A_679 = tpu.vector_load %arg6[%get3A_677, %get3A_678] {strides = array<i32>} : memref<32x1024xf32, #tpu.memory_space<vmem>>, vector<1x16xf32>,
      %get3A_680 = vector.shape_cast %get3A_679 : vector<1x16xf32> to vector<16xf32>
      %add3A_681 = arith.addf %get3A_676, %get3A_680 : vector<16xf32>
      %swap3A_682 = arith.index_cast %scan3A_58 : i32 to index
      %swap3A_683 = arith.constant 704 : index
      %swap3A_684 = tpu.vector_load %arg5[%swap3A_682, %swap3A_683] {strides = array<i32>} : memref<32x1024xf32, #tpu.memory_space<vmem>>, vector<1x16xf32>,
      %swap3A_685 = vector.shape_cast %swap3A_684 : vector<1x16xf32> to vector<16xf32>
      %swap3A_686 = vector.shape_cast %add3A_681 : vector<16xf32> to vector<1x16xf32>
      tpu.vector_store %arg5[%swap3A_682, %swap3A_683], %swap3A_686 {strides = array<i32>} : memref<32x1024xf32, #tpu.memory_space<vmem>>, vector<1x16xf32>,
      %get3A_687 = arith.index_cast %scan3A_58 : i32 to index
      %get3A_688 = arith.constant 720 : index
      %get3A_689 = tpu.vector_load %arg5[%get3A_687, %get3A_688] {strides = array<i32>} : memref<32x1024xf32, #tpu.memory_space<vmem>>, vector<1x16xf32>,
      %get3A_690 = vector.shape_cast %get3A_689 : vector<1x16xf32> to vector<16xf32>
      %get3A_691 = arith.index_cast %scan3A_58 : i32 to index
      %get3A_692 = arith.constant 720 : index
      %get3A_693 = tpu.vector_load %arg6[%get3A_691, %get3A_692] {strides = array<i32>} : memref<32x1024xf32, #tpu.memory_space<vmem>>, vector<1x16xf32>,
      %get3A_694 = vector.shape_cast %get3A_693 : vector<1x16xf32> to vector<16xf32>
      %add3A_695 = arith.addf %get3A_690, %get3A_694 : vector<16xf32>
      %swap3A_696 = arith.index_cast %scan3A_58 : i32 to index
      %swap3A_697 = arith.constant 720 : index
      %swap3A_698 = tpu.vector_load %arg5[%swap3A_696, %swap3A_697] {strides = array<i32>} : memref<32x1024xf32, #tpu.memory_space<vmem>>, vector<1x16xf32>,
      %swap3A_699 = vector.shape_cast %swap3A_698 : vector<1x16xf32> to vector<16xf32>
      %swap3A_700 = vector.shape_cast %add3A_695 : vector<16xf32> to vector<1x16xf32>
      tpu.vector_store %arg5[%swap3A_696, %swap3A_697], %swap3A_700 {strides = array<i32>} : memref<32x1024xf32, #tpu.memory_space<vmem>>, vector<1x16xf32>,
      %get3A_701 = arith.index_cast %scan3A_58 : i32 to index
      %get3A_702 = arith.constant 736 : index
      %get3A_703 = tpu.vector_load %arg5[%get3A_701, %get3A_702] {strides = array<i32>} : memref<32x1024xf32, #tpu.memory_space<vmem>>, vector<1x16xf32>,
      %get3A_704 = vector.shape_cast %get3A_703 : vector<1x16xf32> to vector<16xf32>
      %get3A_705 = arith.index_cast %scan3A_58 : i32 to index
      %get3A_706 = arith.constant 736 : index
      %get3A_707 = tpu.vector_load %arg6[%get3A_705, %get3A_706] {strides = array<i32>} : memref<32x1024xf32, #tpu.memory_space<vmem>>, vector<1x16xf32>,
      %get3A_708 = vector.shape_cast %get3A_707 : vector<1x16xf32> to vector<16xf32>
      %add3A_709 = arith.addf %get3A_704, %get3A_708 : vector<16xf32>
      %swap3A_710 = arith.index_cast %scan3A_58 : i32 to index
      %swap3A_711 = arith.constant 736 : index
      %swap3A_712 = tpu.vector_load %arg5[%swap3A_710, %swap3A_711] {strides = array<i32>} : memref<32x1024xf32, #tpu.memory_space<vmem>>, vector<1x16xf32>,
      %swap3A_713 = vector.shape_cast %swap3A_712 : vector<1x16xf32> to vector<16xf32>
      %swap3A_714 = vector.shape_cast %add3A_709 : vector<16xf32> to vector<1x16xf32>
      tpu.vector_store %arg5[%swap3A_710, %swap3A_711], %swap3A_714 {strides = array<i32>} : memref<32x1024xf32, #tpu.memory_space<vmem>>, vector<1x16xf32>,
      %get3A_715 = arith.index_cast %scan3A_58 : i32 to index
      %get3A_716 = arith.constant 752 : index
      %get3A_717 = tpu.vector_load %arg5[%get3A_715, %get3A_716] {strides = array<i32>} : memref<32x1024xf32, #tpu.memory_space<vmem>>, vector<1x16xf32>,
      %get3A_718 = vector.shape_cast %get3A_717 : vector<1x16xf32> to vector<16xf32>
      %get3A_719 = arith.index_cast %scan3A_58 : i32 to index
      %get3A_720 = arith.constant 752 : index
      %get3A_721 = tpu.vector_load %arg6[%get3A_719, %get3A_720] {strides = array<i32>} : memref<32x1024xf32, #tpu.memory_space<vmem>>, vector<1x16xf32>,
      %get3A_722 = vector.shape_cast %get3A_721 : vector<1x16xf32> to vector<16xf32>
      %add3A_723 = arith.addf %get3A_718, %get3A_722 : vector<16xf32>
      %swap3A_724 = arith.index_cast %scan3A_58 : i32 to index
      %swap3A_725 = arith.constant 752 : index
      %swap3A_726 = tpu.vector_load %arg5[%swap3A_724, %swap3A_725] {strides = array<i32>} : memref<32x1024xf32, #tpu.memory_space<vmem>>, vector<1x16xf32>,
      %swap3A_727 = vector.shape_cast %swap3A_726 : vector<1x16xf32> to vector<16xf32>
      %swap3A_728 = vector.shape_cast %add3A_723 : vector<16xf32> to vector<1x16xf32>
      tpu.vector_store %arg5[%swap3A_724, %swap3A_725], %swap3A_728 {strides = array<i32>} : memref<32x1024xf32, #tpu.memory_space<vmem>>, vector<1x16xf32>,
      %get3A_729 = arith.index_cast %scan3A_58 : i32 to index
      %get3A_730 = arith.constant 768 : index
      %get3A_731 = tpu.vector_load %arg5[%get3A_729, %get3A_730] {strides = array<i32>} : memref<32x1024xf32, #tpu.memory_space<vmem>>, vector<1x16xf32>,
      %get3A_732 = vector.shape_cast %get3A_731 : vector<1x16xf32> to vector<16xf32>
      %get3A_733 = arith.index_cast %scan3A_58 : i32 to index
      %get3A_734 = arith.constant 768 : index
      %get3A_735 = tpu.vector_load %arg6[%get3A_733, %get3A_734] {strides = array<i32>} : memref<32x1024xf32, #tpu.memory_space<vmem>>, vector<1x16xf32>,
      %get3A_736 = vector.shape_cast %get3A_735 : vector<1x16xf32> to vector<16xf32>
      %add3A_737 = arith.addf %get3A_732, %get3A_736 : vector<16xf32>
      %swap3A_738 = arith.index_cast %scan3A_58 : i32 to index
      %swap3A_739 = arith.constant 768 : index
      %swap3A_740 = tpu.vector_load %arg5[%swap3A_738, %swap3A_739] {strides = array<i32>} : memref<32x1024xf32, #tpu.memory_space<vmem>>, vector<1x16xf32>,
      %swap3A_741 = vector.shape_cast %swap3A_740 : vector<1x16xf32> to vector<16xf32>
      %swap3A_742 = vector.shape_cast %add3A_737 : vector<16xf32> to vector<1x16xf32>
      tpu.vector_store %arg5[%swap3A_738, %swap3A_739], %swap3A_742 {strides = array<i32>} : memref<32x1024xf32, #tpu.memory_space<vmem>>, vector<1x16xf32>,
      %get3A_743 = arith.index_cast %scan3A_58 : i32 to index
      %get3A_744 = arith.constant 784 : index
      %get3A_745 = tpu.vector_load %arg5[%get3A_743, %get3A_744] {strides = array<i32>} : memref<32x1024xf32, #tpu.memory_space<vmem>>, vector<1x16xf32>,
      %get3A_746 = vector.shape_cast %get3A_745 : vector<1x16xf32> to vector<16xf32>
      %get3A_747 = arith.index_cast %scan3A_58 : i32 to index
      %get3A_748 = arith.constant 784 : index
      %get3A_749 = tpu.vector_load %arg6[%get3A_747, %get3A_748] {strides = array<i32>} : memref<32x1024xf32, #tpu.memory_space<vmem>>, vector<1x16xf32>,
      %get3A_750 = vector.shape_cast %get3A_749 : vector<1x16xf32> to vector<16xf32>
      %add3A_751 = arith.addf %get3A_746, %get3A_750 : vector<16xf32>
      %swap3A_752 = arith.index_cast %scan3A_58 : i32 to index
      %swap3A_753 = arith.constant 784 : index
      %swap3A_754 = tpu.vector_load %arg5[%swap3A_752, %swap3A_753] {strides = array<i32>} : memref<32x1024xf32, #tpu.memory_space<vmem>>, vector<1x16xf32>,
      %swap3A_755 = vector.shape_cast %swap3A_754 : vector<1x16xf32> to vector<16xf32>
      %swap3A_756 = vector.shape_cast %add3A_751 : vector<16xf32> to vector<1x16xf32>
      tpu.vector_store %arg5[%swap3A_752, %swap3A_753], %swap3A_756 {strides = array<i32>} : memref<32x1024xf32, #tpu.memory_space<vmem>>, vector<1x16xf32>,
      %get3A_757 = arith.index_cast %scan3A_58 : i32 to index
      %get3A_758 = arith.constant 800 : index
      %get3A_759 = tpu.vector_load %arg5[%get3A_757, %get3A_758] {strides = array<i32>} : memref<32x1024xf32, #tpu.memory_space<vmem>>, vector<1x16xf32>,
      %get3A_760 = vector.shape_cast %get3A_759 : vector<1x16xf32> to vector<16xf32>
      %get3A_761 = arith.index_cast %scan3A_58 : i32 to index
      %get3A_762 = arith.constant 800 : index
      %get3A_763 = tpu.vector_load %arg6[%get3A_761, %get3A_762] {strides = array<i32>} : memref<32x1024xf32, #tpu.memory_space<vmem>>, vector<1x16xf32>,
      %get3A_764 = vector.shape_cast %get3A_763 : vector<1x16xf32> to vector<16xf32>
      %add3A_765 = arith.addf %get3A_760, %get3A_764 : vector<16xf32>
      %swap3A_766 = arith.index_cast %scan3A_58 : i32 to index
      %swap3A_767 = arith.constant 800 : index
      %swap3A_768 = tpu.vector_load %arg5[%swap3A_766, %swap3A_767] {strides = array<i32>} : memref<32x1024xf32, #tpu.memory_space<vmem>>, vector<1x16xf32>,
      %swap3A_769 = vector.shape_cast %swap3A_768 : vector<1x16xf32> to vector<16xf32>
      %swap3A_770 = vector.shape_cast %add3A_765 : vector<16xf32> to vector<1x16xf32>
      tpu.vector_store %arg5[%swap3A_766, %swap3A_767], %swap3A_770 {strides = array<i32>} : memref<32x1024xf32, #tpu.memory_space<vmem>>, vector<1x16xf32>,
      %get3A_771 = arith.index_cast %scan3A_58 : i32 to index
      %get3A_772 = arith.constant 816 : index
      %get3A_773 = tpu.vector_load %arg5[%get3A_771, %get3A_772] {strides = array<i32>} : memref<32x1024xf32, #tpu.memory_space<vmem>>, vector<1x16xf32>,
      %get3A_774 = vector.shape_cast %get3A_773 : vector<1x16xf32> to vector<16xf32>
      %get3A_775 = arith.index_cast %scan3A_58 : i32 to index
      %get3A_776 = arith.constant 816 : index
      %get3A_777 = tpu.vector_load %arg6[%get3A_775, %get3A_776] {strides = array<i32>} : memref<32x1024xf32, #tpu.memory_space<vmem>>, vector<1x16xf32>,
      %get3A_778 = vector.shape_cast %get3A_777 : vector<1x16xf32> to vector<16xf32>
      %add3A_779 = arith.addf %get3A_774, %get3A_778 : vector<16xf32>
      %swap3A_780 = arith.index_cast %scan3A_58 : i32 to index
      %swap3A_781 = arith.constant 816 : index
      %swap3A_782 = tpu.vector_load %arg5[%swap3A_780, %swap3A_781] {strides = array<i32>} : memref<32x1024xf32, #tpu.memory_space<vmem>>, vector<1x16xf32>,
      %swap3A_783 = vector.shape_cast %swap3A_782 : vector<1x16xf32> to vector<16xf32>
      %swap3A_784 = vector.shape_cast %add3A_779 : vector<16xf32> to vector<1x16xf32>
      tpu.vector_store %arg5[%swap3A_780, %swap3A_781], %swap3A_784 {strides = array<i32>} : memref<32x1024xf32, #tpu.memory_space<vmem>>, vector<1x16xf32>,
      %get3A_785 = arith.index_cast %scan3A_58 : i32 to index
      %get3A_786 = arith.constant 832 : index
      %get3A_787 = tpu.vector_load %arg5[%get3A_785, %get3A_786] {strides = array<i32>} : memref<32x1024xf32, #tpu.memory_space<vmem>>, vector<1x16xf32>,
      %get3A_788 = vector.shape_cast %get3A_787 : vector<1x16xf32> to vector<16xf32>
      %get3A_789 = arith.index_cast %scan3A_58 : i32 to index
      %get3A_790 = arith.constant 832 : index
      %get3A_791 = tpu.vector_load %arg6[%get3A_789, %get3A_790] {strides = array<i32>} : memref<32x1024xf32, #tpu.memory_space<vmem>>, vector<1x16xf32>,
      %get3A_792 = vector.shape_cast %get3A_791 : vector<1x16xf32> to vector<16xf32>
      %add3A_793 = arith.addf %get3A_788, %get3A_792 : vector<16xf32>
      %swap3A_794 = arith.index_cast %scan3A_58 : i32 to index
      %swap3A_795 = arith.constant 832 : index
      %swap3A_796 = tpu.vector_load %arg5[%swap3A_794, %swap3A_795] {strides = array<i32>} : memref<32x1024xf32, #tpu.memory_space<vmem>>, vector<1x16xf32>,
      %swap3A_797 = vector.shape_cast %swap3A_796 : vector<1x16xf32> to vector<16xf32>
      %swap3A_798 = vector.shape_cast %add3A_793 : vector<16xf32> to vector<1x16xf32>
      tpu.vector_store %arg5[%swap3A_794, %swap3A_795], %swap3A_798 {strides = array<i32>} : memref<32x1024xf32, #tpu.memory_space<vmem>>, vector<1x16xf32>,
      %get3A_799 = arith.index_cast %scan3A_58 : i32 to index
      %get3A_800 = arith.constant 848 : index
      %get3A_801 = tpu.vector_load %arg5[%get3A_799, %get3A_800] {strides = array<i32>} : memref<32x1024xf32, #tpu.memory_space<vmem>>, vector<1x16xf32>,
      %get3A_802 = vector.shape_cast %get3A_801 : vector<1x16xf32> to vector<16xf32>
      %get3A_803 = arith.index_cast %scan3A_58 : i32 to index
      %get3A_804 = arith.constant 848 : index
      %get3A_805 = tpu.vector_load %arg6[%get3A_803, %get3A_804] {strides = array<i32>} : memref<32x1024xf32, #tpu.memory_space<vmem>>, vector<1x16xf32>,
      %get3A_806 = vector.shape_cast %get3A_805 : vector<1x16xf32> to vector<16xf32>
      %add3A_807 = arith.addf %get3A_802, %get3A_806 : vector<16xf32>
      %swap3A_808 = arith.index_cast %scan3A_58 : i32 to index
      %swap3A_809 = arith.constant 848 : index
      %swap3A_810 = tpu.vector_load %arg5[%swap3A_808, %swap3A_809] {strides = array<i32>} : memref<32x1024xf32, #tpu.memory_space<vmem>>, vector<1x16xf32>,
      %swap3A_811 = vector.shape_cast %swap3A_810 : vector<1x16xf32> to vector<16xf32>
      %swap3A_812 = vector.shape_cast %add3A_807 : vector<16xf32> to vector<1x16xf32>
      tpu.vector_store %arg5[%swap3A_808, %swap3A_809], %swap3A_812 {strides = array<i32>} : memref<32x1024xf32, #tpu.memory_space<vmem>>, vector<1x16xf32>,
      %get3A_813 = arith.index_cast %scan3A_58 : i32 to index
      %get3A_814 = arith.constant 864 : index
      %get3A_815 = tpu.vector_load %arg5[%get3A_813, %get3A_814] {strides = array<i32>} : memref<32x1024xf32, #tpu.memory_space<vmem>>, vector<1x16xf32>,
      %get3A_816 = vector.shape_cast %get3A_815 : vector<1x16xf32> to vector<16xf32>
      %get3A_817 = arith.index_cast %scan3A_58 : i32 to index
      %get3A_818 = arith.constant 864 : index
      %get3A_819 = tpu.vector_load %arg6[%get3A_817, %get3A_818] {strides = array<i32>} : memref<32x1024xf32, #tpu.memory_space<vmem>>, vector<1x16xf32>,
      %get3A_820 = vector.shape_cast %get3A_819 : vector<1x16xf32> to vector<16xf32>
      %add3A_821 = arith.addf %get3A_816, %get3A_820 : vector<16xf32>
      %swap3A_822 = arith.index_cast %scan3A_58 : i32 to index
      %swap3A_823 = arith.constant 864 : index
      %swap3A_824 = tpu.vector_load %arg5[%swap3A_822, %swap3A_823] {strides = array<i32>} : memref<32x1024xf32, #tpu.memory_space<vmem>>, vector<1x16xf32>,
      %swap3A_825 = vector.shape_cast %swap3A_824 : vector<1x16xf32> to vector<16xf32>
      %swap3A_826 = vector.shape_cast %add3A_821 : vector<16xf32> to vector<1x16xf32>
      tpu.vector_store %arg5[%swap3A_822, %swap3A_823], %swap3A_826 {strides = array<i32>} : memref<32x1024xf32, #tpu.memory_space<vmem>>, vector<1x16xf32>,
      %get3A_827 = arith.index_cast %scan3A_58 : i32 to index
      %get3A_828 = arith.constant 880 : index
      %get3A_829 = tpu.vector_load %arg5[%get3A_827, %get3A_828] {strides = array<i32>} : memref<32x1024xf32, #tpu.memory_space<vmem>>, vector<1x16xf32>,
      %get3A_830 = vector.shape_cast %get3A_829 : vector<1x16xf32> to vector<16xf32>
      %get3A_831 = arith.index_cast %scan3A_58 : i32 to index
      %get3A_832 = arith.constant 880 : index
      %get3A_833 = tpu.vector_load %arg6[%get3A_831, %get3A_832] {strides = array<i32>} : memref<32x1024xf32, #tpu.memory_space<vmem>>, vector<1x16xf32>,
      %get3A_834 = vector.shape_cast %get3A_833 : vector<1x16xf32> to vector<16xf32>
      %add3A_835 = arith.addf %get3A_830, %get3A_834 : vector<16xf32>
      %swap3A_836 = arith.index_cast %scan3A_58 : i32 to index
      %swap3A_837 = arith.constant 880 : index
      %swap3A_838 = tpu.vector_load %arg5[%swap3A_836, %swap3A_837] {strides = array<i32>} : memref<32x1024xf32, #tpu.memory_space<vmem>>, vector<1x16xf32>,
      %swap3A_839 = vector.shape_cast %swap3A_838 : vector<1x16xf32> to vector<16xf32>
      %swap3A_840 = vector.shape_cast %add3A_835 : vector<16xf32> to vector<1x16xf32>
      tpu.vector_store %arg5[%swap3A_836, %swap3A_837], %swap3A_840 {strides = array<i32>} : memref<32x1024xf32, #tpu.memory_space<vmem>>, vector<1x16xf32>,
      %get3A_841 = arith.index_cast %scan3A_58 : i32 to index
      %get3A_842 = arith.constant 896 : index
      %get3A_843 = tpu.vector_load %arg5[%get3A_841, %get3A_842] {strides = array<i32>} : memref<32x1024xf32, #tpu.memory_space<vmem>>, vector<1x16xf32>,
      %get3A_844 = vector.shape_cast %get3A_843 : vector<1x16xf32> to vector<16xf32>
      %get3A_845 = arith.index_cast %scan3A_58 : i32 to index
      %get3A_846 = arith.constant 896 : index
      %get3A_847 = tpu.vector_load %arg6[%get3A_845, %get3A_846] {strides = array<i32>} : memref<32x1024xf32, #tpu.memory_space<vmem>>, vector<1x16xf32>,
      %get3A_848 = vector.shape_cast %get3A_847 : vector<1x16xf32> to vector<16xf32>
      %add3A_849 = arith.addf %get3A_844, %get3A_848 : vector<16xf32>
      %swap3A_850 = arith.index_cast %scan3A_58 : i32 to index
      %swap3A_851 = arith.constant 896 : index
      %swap3A_852 = tpu.vector_load %arg5[%swap3A_850, %swap3A_851] {strides = array<i32>} : memref<32x1024xf32, #tpu.memory_space<vmem>>, vector<1x16xf32>,
      %swap3A_853 = vector.shape_cast %swap3A_852 : vector<1x16xf32> to vector<16xf32>
      %swap3A_854 = vector.shape_cast %add3A_849 : vector<16xf32> to vector<1x16xf32>
      tpu.vector_store %arg5[%swap3A_850, %swap3A_851], %swap3A_854 {strides = array<i32>} : memref<32x1024xf32, #tpu.memory_space<vmem>>, vector<1x16xf32>,
      %get3A_855 = arith.index_cast %scan3A_58 : i32 to index
      %get3A_856 = arith.constant 912 : index
      %get3A_857 = tpu.vector_load %arg5[%get3A_855, %get3A_856] {strides = array<i32>} : memref<32x1024xf32, #tpu.memory_space<vmem>>, vector<1x16xf32>,
      %get3A_858 = vector.shape_cast %get3A_857 : vector<1x16xf32> to vector<16xf32>
      %get3A_859 = arith.index_cast %scan3A_58 : i32 to index
      %get3A_860 = arith.constant 912 : index
      %get3A_861 = tpu.vector_load %arg6[%get3A_859, %get3A_860] {strides = array<i32>} : memref<32x1024xf32, #tpu.memory_space<vmem>>, vector<1x16xf32>,
      %get3A_862 = vector.shape_cast %get3A_861 : vector<1x16xf32> to vector<16xf32>
      %add3A_863 = arith.addf %get3A_858, %get3A_862 : vector<16xf32>
      %swap3A_864 = arith.index_cast %scan3A_58 : i32 to index
      %swap3A_865 = arith.constant 912 : index
      %swap3A_866 = tpu.vector_load %arg5[%swap3A_864, %swap3A_865] {strides = array<i32>} : memref<32x1024xf32, #tpu.memory_space<vmem>>, vector<1x16xf32>,
      %swap3A_867 = vector.shape_cast %swap3A_866 : vector<1x16xf32> to vector<16xf32>
      %swap3A_868 = vector.shape_cast %add3A_863 : vector<16xf32> to vector<1x16xf32>
      tpu.vector_store %arg5[%swap3A_864, %swap3A_865], %swap3A_868 {strides = array<i32>} : memref<32x1024xf32, #tpu.memory_space<vmem>>, vector<1x16xf32>,
      %get3A_869 = arith.index_cast %scan3A_58 : i32 to index
      %get3A_870 = arith.constant 928 : index
      %get3A_871 = tpu.vector_load %arg5[%get3A_869, %get3A_870] {strides = array<i32>} : memref<32x1024xf32, #tpu.memory_space<vmem>>, vector<1x16xf32>,
      %get3A_872 = vector.shape_cast %get3A_871 : vector<1x16xf32> to vector<16xf32>
      %get3A_873 = arith.index_cast %scan3A_58 : i32 to index
      %get3A_874 = arith.constant 928 : index
      %get3A_875 = tpu.vector_load %arg6[%get3A_873, %get3A_874] {strides = array<i32>} : memref<32x1024xf32, #tpu.memory_space<vmem>>, vector<1x16xf32>,
      %get3A_876 = vector.shape_cast %get3A_875 : vector<1x16xf32> to vector<16xf32>
      %add3A_877 = arith.addf %get3A_872, %get3A_876 : vector<16xf32>
      %swap3A_878 = arith.index_cast %scan3A_58 : i32 to index
      %swap3A_879 = arith.constant 928 : index
      %swap3A_880 = tpu.vector_load %arg5[%swap3A_878, %swap3A_879] {strides = array<i32>} : memref<32x1024xf32, #tpu.memory_space<vmem>>, vector<1x16xf32>,
      %swap3A_881 = vector.shape_cast %swap3A_880 : vector<1x16xf32> to vector<16xf32>
      %swap3A_882 = vector.shape_cast %add3A_877 : vector<16xf32> to vector<1x16xf32>
      tpu.vector_store %arg5[%swap3A_878, %swap3A_879], %swap3A_882 {strides = array<i32>} : memref<32x1024xf32, #tpu.memory_space<vmem>>, vector<1x16xf32>,
      %get3A_883 = arith.index_cast %scan3A_58 : i32 to index
      %get3A_884 = arith.constant 944 : index
      %get3A_885 = tpu.vector_load %arg5[%get3A_883, %get3A_884] {strides = array<i32>} : memref<32x1024xf32, #tpu.memory_space<vmem>>, vector<1x16xf32>,
      %get3A_886 = vector.shape_cast %get3A_885 : vector<1x16xf32> to vector<16xf32>
      %get3A_887 = arith.index_cast %scan3A_58 : i32 to index
      %get3A_888 = arith.constant 944 : index
      %get3A_889 = tpu.vector_load %arg6[%get3A_887, %get3A_888] {strides = array<i32>} : memref<32x1024xf32, #tpu.memory_space<vmem>>, vector<1x16xf32>,
      %get3A_890 = vector.shape_cast %get3A_889 : vector<1x16xf32> to vector<16xf32>
      %add3A_891 = arith.addf %get3A_886, %get3A_890 : vector<16xf32>
      %swap3A_892 = arith.index_cast %scan3A_58 : i32 to index
      %swap3A_893 = arith.constant 944 : index
      %swap3A_894 = tpu.vector_load %arg5[%swap3A_892, %swap3A_893] {strides = array<i32>} : memref<32x1024xf32, #tpu.memory_space<vmem>>, vector<1x16xf32>,
      %swap3A_895 = vector.shape_cast %swap3A_894 : vector<1x16xf32> to vector<16xf32>
      %swap3A_896 = vector.shape_cast %add3A_891 : vector<16xf32> to vector<1x16xf32>
      tpu.vector_store %arg5[%swap3A_892, %swap3A_893], %swap3A_896 {strides = array<i32>} : memref<32x1024xf32, #tpu.memory_space<vmem>>, vector<1x16xf32>,
      %get3A_897 = arith.index_cast %scan3A_58 : i32 to index
      %get3A_898 = arith.constant 960 : index
      %get3A_899 = tpu.vector_load %arg5[%get3A_897, %get3A_898] {strides = array<i32>} : memref<32x1024xf32, #tpu.memory_space<vmem>>, vector<1x16xf32>,
      %get3A_900 = vector.shape_cast %get3A_899 : vector<1x16xf32> to vector<16xf32>
      %get3A_901 = arith.index_cast %scan3A_58 : i32 to index
      %get3A_902 = arith.constant 960 : index
      %get3A_903 = tpu.vector_load %arg6[%get3A_901, %get3A_902] {strides = array<i32>} : memref<32x1024xf32, #tpu.memory_space<vmem>>, vector<1x16xf32>,
      %get3A_904 = vector.shape_cast %get3A_903 : vector<1x16xf32> to vector<16xf32>
      %add3A_905 = arith.addf %get3A_900, %get3A_904 : vector<16xf32>
      %swap3A_906 = arith.index_cast %scan3A_58 : i32 to index
      %swap3A_907 = arith.constant 960 : index
      %swap3A_908 = tpu.vector_load %arg5[%swap3A_906, %swap3A_907] {strides = array<i32>} : memref<32x1024xf32, #tpu.memory_space<vmem>>, vector<1x16xf32>,
      %swap3A_909 = vector.shape_cast %swap3A_908 : vector<1x16xf32> to vector<16xf32>
      %swap3A_910 = vector.shape_cast %add3A_905 : vector<16xf32> to vector<1x16xf32>
      tpu.vector_store %arg5[%swap3A_906, %swap3A_907], %swap3A_910 {strides = array<i32>} : memref<32x1024xf32, #tpu.memory_space<vmem>>, vector<1x16xf32>,
      %get3A_911 = arith.index_cast %scan3A_58 : i32 to index
      %get3A_912 = arith.constant 976 : index
      %get3A_913 = tpu.vector_load %arg5[%get3A_911, %get3A_912] {strides = array<i32>} : memref<32x1024xf32, #tpu.memory_space<vmem>>, vector<1x16xf32>,
      %get3A_914 = vector.shape_cast %get3A_913 : vector<1x16xf32> to vector<16xf32>
      %get3A_915 = arith.index_cast %scan3A_58 : i32 to index
      %get3A_916 = arith.constant 976 : index
      %get3A_917 = tpu.vector_load %arg6[%get3A_915, %get3A_916] {strides = array<i32>} : memref<32x1024xf32, #tpu.memory_space<vmem>>, vector<1x16xf32>,
      %get3A_918 = vector.shape_cast %get3A_917 : vector<1x16xf32> to vector<16xf32>
      %add3A_919 = arith.addf %get3A_914, %get3A_918 : vector<16xf32>
      %swap3A_920 = arith.index_cast %scan3A_58 : i32 to index
      %swap3A_921 = arith.constant 976 : index
      %swap3A_922 = tpu.vector_load %arg5[%swap3A_920, %swap3A_921] {strides = array<i32>} : memref<32x1024xf32, #tpu.memory_space<vmem>>, vector<1x16xf32>,
      %swap3A_923 = vector.shape_cast %swap3A_922 : vector<1x16xf32> to vector<16xf32>
      %swap3A_924 = vector.shape_cast %add3A_919 : vector<16xf32> to vector<1x16xf32>
      tpu.vector_store %arg5[%swap3A_920, %swap3A_921], %swap3A_924 {strides = array<i32>} : memref<32x1024xf32, #tpu.memory_space<vmem>>, vector<1x16xf32>,
      %get3A_925 = arith.index_cast %scan3A_58 : i32 to index
      %get3A_926 = arith.constant 992 : index
      %get3A_927 = tpu.vector_load %arg5[%get3A_925, %get3A_926] {strides = array<i32>} : memref<32x1024xf32, #tpu.memory_space<vmem>>, vector<1x16xf32>,
      %get3A_928 = vector.shape_cast %get3A_927 : vector<1x16xf32> to vector<16xf32>
      %get3A_929 = arith.index_cast %scan3A_58 : i32 to index
      %get3A_930 = arith.constant 992 : index
      %get3A_931 = tpu.vector_load %arg6[%get3A_929, %get3A_930] {strides = array<i32>} : memref<32x1024xf32, #tpu.memory_space<vmem>>, vector<1x16xf32>,
      %get3A_932 = vector.shape_cast %get3A_931 : vector<1x16xf32> to vector<16xf32>
      %add3A_933 = arith.addf %get3A_928, %get3A_932 : vector<16xf32>
      %swap3A_934 = arith.index_cast %scan3A_58 : i32 to index
      %swap3A_935 = arith.constant 992 : index
      %swap3A_936 = tpu.vector_load %arg5[%swap3A_934, %swap3A_935] {strides = array<i32>} : memref<32x1024xf32, #tpu.memory_space<vmem>>, vector<1x16xf32>,
      %swap3A_937 = vector.shape_cast %swap3A_936 : vector<1x16xf32> to vector<16xf32>
      %swap3A_938 = vector.shape_cast %add3A_933 : vector<16xf32> to vector<1x16xf32>
      tpu.vector_store %arg5[%swap3A_934, %swap3A_935], %swap3A_938 {strides = array<i32>} : memref<32x1024xf32, #tpu.memory_space<vmem>>, vector<1x16xf32>,
      %get3A_939 = arith.index_cast %scan3A_58 : i32 to index
      %get3A_940 = arith.constant 1008 : index
      %get3A_941 = tpu.vector_load %arg5[%get3A_939, %get3A_940] {strides = array<i32>} : memref<32x1024xf32, #tpu.memory_space<vmem>>, vector<1x16xf32>,
      %get3A_942 = vector.shape_cast %get3A_941 : vector<1x16xf32> to vector<16xf32>
      %get3A_943 = arith.index_cast %scan3A_58 : i32 to index
      %get3A_944 = arith.constant 1008 : index
      %get3A_945 = tpu.vector_load %arg6[%get3A_943, %get3A_944] {strides = array<i32>} : memref<32x1024xf32, #tpu.memory_space<vmem>>, vector<1x16xf32>,
      %get3A_946 = vector.shape_cast %get3A_945 : vector<1x16xf32> to vector<16xf32>
      %add3A_947 = arith.addf %get3A_942, %get3A_946 : vector<16xf32>
      %swap3A_948 = arith.index_cast %scan3A_58 : i32 to index
      %swap3A_949 = arith.constant 1008 : index
      %swap3A_950 = tpu.vector_load %arg5[%swap3A_948, %swap3A_949] {strides = array<i32>} : memref<32x1024xf32, #tpu.memory_space<vmem>>, vector<1x16xf32>,
      %swap3A_951 = vector.shape_cast %swap3A_950 : vector<1x16xf32> to vector<16xf32>
      %swap3A_952 = vector.shape_cast %add3A_947 : vector<16xf32> to vector<1x16xf32>
      tpu.vector_store %arg5[%swap3A_948, %swap3A_949], %swap3A_952 {strides = array<i32>} : memref<32x1024xf32, #tpu.memory_space<vmem>>, vector<1x16xf32>,
    }
    %scan3A_27 = arith.constant 32 : i32
    %add3A_28 = arith.constant 0 : i32
    %add3A_29 = arith.addi %mul3A_2, %add3A_28 : i32
    "tpu.region"() ({
      %run_scoped3A = tpu.sem_alloc : memref<!tpu.dma_semaphore, #tpu.memory_space<semaphore_mem>>
      %dma_start3A_58 = arith.constant 0 : i32
      %dma_start3A_59 = tpu.memref_slice %arg4[%add3A_29, %dma_start3A_58] : memref<2048x1024xf32, #tpu.memory_space<hbm>> -> memref<32x1024xf32, #tpu.memory_space<hbm>>
      %dma_start3A_60 = arith.constant 0 : i32
      %dma_start3A_61 = tpu.memref_slice %arg4[%add3A_29, %dma_start3A_60] : memref<2048x1024xf32, #tpu.memory_space<hbm>> -> memref<32x1024xf32, #tpu.memory_space<hbm>>
      tpu.enqueue_dma source(%arg5 : memref<32x1024xf32, #tpu.memory_space<vmem>>) target(%dma_start3A_61 : memref<32x1024xf32, #tpu.memory_space<hbm>>) target_semaphore(%run_scoped3A : memref<!tpu.dma_semaphore, #tpu.memory_space<semaphore_mem>>)
      %dma_wait3A_62 = arith.constant 0 : i32
      %dma_wait3A_63 = tpu.memref_slice %arg4[%add3A_29, %dma_wait3A_62] : memref<2048x1024xf32, #tpu.memory_space<hbm>> -> memref<32x1024xf32, #tpu.memory_space<hbm>>
      %dma_wait3A_64 = arith.constant 0 : i32
      %dma_wait3A_65 = tpu.memref_slice %arg4[%add3A_29, %dma_wait3A_64] : memref<2048x1024xf32, #tpu.memory_space<hbm>> -> memref<32x1024xf32, #tpu.memory_space<hbm>>
      tpu.wait_dma2 semaphore(%run_scoped3A : memref<!tpu.dma_semaphore, #tpu.memory_space<semaphore_mem>>) src(%arg5 : memref<32x1024xf32, #tpu.memory_space<vmem>>) dst(%dma_wait3A_65 : memref<32x1024xf32, #tpu.memory_space<hbm>>)
      tpu.yield
    }) : () -> ()
    %dma_start3A_30 = arith.constant 32 : i32
    %dma_start3A_31 = tpu.memref_slice %arg7[%dma_start3A_30] : memref<64xi32, #tpu.memory_space<vmem>> -> memref<32xi32, #tpu.memory_space<vmem>>
    %dma_start3A_32 = arith.constant 0 : i32
    %dma_start3A_33 = arith.constant 0 : i32
    %dma_start3A_34 = tpu.memref_slice %arg2[%dma_start3A_32, %dma_start3A_33] : memref<7680x1024xf32, #tpu.memory_space<hbm>> -> memref<7680x1024xf32, #tpu.memory_space<hbm>>
    tpu.enqueue_indirect_dma source(%dma_start3A_34 : memref<7680x1024xf32, #tpu.memory_space<hbm>>) target(%arg5 : memref<32x1024xf32, #tpu.memory_space<vmem>>) offsets(%dma_start3A_31 : memref<32xi32, #tpu.memory_space<vmem>>) semaphore(%arg9 : memref<!tpu.dma_semaphore, #tpu.memory_space<semaphore_mem>>)
    %dma_start3A_35 = arith.constant 32 : i32
    %dma_start3A_36 = tpu.memref_slice %arg8[%dma_start3A_35] : memref<64xi32, #tpu.memory_space<vmem>> -> memref<32xi32, #tpu.memory_space<vmem>>
    %dma_start3A_37 = arith.constant 0 : i32
    %dma_start3A_38 = arith.constant 0 : i32
    %dma_start3A_39 = tpu.memref_slice %arg2[%dma_start3A_37, %dma_start3A_38] : memref<7680x1024xf32, #tpu.memory_space<hbm>> -> memref<7680x1024xf32, #tpu.memory_space<hbm>>
    tpu.enqueue_indirect_dma source(%dma_start3A_39 : memref<7680x1024xf32, #tpu.memory_space<hbm>>) target(%arg6 : memref<32x1024xf32, #tpu.memory_space<vmem>>) offsets(%dma_start3A_36 : memref<32xi32, #tpu.memory_space<vmem>>) semaphore(%arg9 : memref<!tpu.dma_semaphore, #tpu.memory_space<semaphore_mem>>)
    %dma_wait3A_40 = arith.constant 32 : i32
    %dma_wait3A_41 = tpu.memref_slice %arg7[%dma_wait3A_40] : memref<64xi32, #tpu.memory_space<vmem>> -> memref<32xi32, #tpu.memory_space<vmem>>
    %dma_wait3A_42 = arith.constant 0 : i32
    %dma_wait3A_43 = arith.constant 0 : i32
    %dma_wait3A_44 = tpu.memref_slice %arg2[%dma_wait3A_42, %dma_wait3A_43] : memref<7680x1024xf32, #tpu.memory_space<hbm>> -> memref<7680x1024xf32, #tpu.memory_space<hbm>>
    tpu.wait_indirect_dma semaphore(%arg9 : memref<!tpu.dma_semaphore, #tpu.memory_space<semaphore_mem>>) src(%dma_wait3A_44 : memref<7680x1024xf32, #tpu.memory_space<hbm>>) dst(%arg5 : memref<32x1024xf32, #tpu.memory_space<vmem>>)
    %dma_wait3A_45 = arith.constant 32 : i32
    %dma_wait3A_46 = tpu.memref_slice %arg8[%dma_wait3A_45] : memref<64xi32, #tpu.memory_space<vmem>> -> memref<32xi32, #tpu.memory_space<vmem>>
    %dma_wait3A_47 = arith.constant 0 : i32
    %dma_wait3A_48 = arith.constant 0 : i32
    %dma_wait3A_49 = tpu.memref_slice %arg2[%dma_wait3A_47, %dma_wait3A_48] : memref<7680x1024xf32, #tpu.memory_space<hbm>> -> memref<7680x1024xf32, #tpu.memory_space<hbm>>
    tpu.wait_indirect_dma semaphore(%arg9 : memref<!tpu.dma_semaphore, #tpu.memory_space<semaphore_mem>>) src(%dma_wait3A_49 : memref<7680x1024xf32, #tpu.memory_space<hbm>>) dst(%arg6 : memref<32x1024xf32, #tpu.memory_space<vmem>>)
    %scan3A_50 = arith.constant 0 : i32
    %scan3A_51 = arith.constant 0 : i32
    %scan3A_52 = arith.constant 32 : i32
    %scan3A_53 = arith.addi %scan3A_51, %scan3A_52 : i32
    %scan3A_54 = arith.constant 1 : i32
    scf.for %scan3A_58 = %scan3A_51 to %scan3A_53 step %scan3A_54  : i32 {
      %get3A = arith.index_cast %scan3A_58 : i32 to index
      %get3A_59 = arith.constant 0 : index
      %get3A_60 = tpu.vector_load %arg5[%get3A, %get3A_59] {strides = array<i32>} : memref<32x1024xf32, #tpu.memory_space<vmem>>, vector<1x16xf32>,
      %get3A_61 = vector.shape_cast %get3A_60 : vector<1x16xf32> to vector<16xf32>
      %get3A_62 = arith.index_cast %scan3A_58 : i32 to index
      %get3A_63 = arith.constant 0 : index
      %get3A_64 = tpu.vector_load %arg6[%get3A_62, %get3A_63] {strides = array<i32>} : memref<32x1024xf32, #tpu.memory_space<vmem>>, vector<1x16xf32>,
      %get3A_65 = vector.shape_cast %get3A_64 : vector<1x16xf32> to vector<16xf32>
      %add3A_66 = arith.addf %get3A_61, %get3A_65 : vector<16xf32>
      %swap3A = arith.index_cast %scan3A_58 : i32 to index
      %swap3A_67 = arith.constant 0 : index
      %swap3A_68 = tpu.vector_load %arg5[%swap3A, %swap3A_67] {strides = array<i32>} : memref<32x1024xf32, #tpu.memory_space<vmem>>, vector<1x16xf32>,
      %swap3A_69 = vector.shape_cast %swap3A_68 : vector<1x16xf32> to vector<16xf32>
      %swap3A_70 = vector.shape_cast %add3A_66 : vector<16xf32> to vector<1x16xf32>
      tpu.vector_store %arg5[%swap3A, %swap3A_67], %swap3A_70 {strides = array<i32>} : memref<32x1024xf32, #tpu.memory_space<vmem>>, vector<1x16xf32>,
      %get3A_71 = arith.index_cast %scan3A_58 : i32 to index
      %get3A_72 = arith.constant 16 : index
      %get3A_73 = tpu.vector_load %arg5[%get3A_71, %get3A_72] {strides = array<i32>} : memref<32x1024xf32, #tpu.memory_space<vmem>>, vector<1x16xf32>,
      %get3A_74 = vector.shape_cast %get3A_73 : vector<1x16xf32> to vector<16xf32>
      %get3A_75 = arith.index_cast %scan3A_58 : i32 to index
      %get3A_76 = arith.constant 16 : index
      %get3A_77 = tpu.vector_load %arg6[%get3A_75, %get3A_76] {strides = array<i32>} : memref<32x1024xf32, #tpu.memory_space<vmem>>, vector<1x16xf32>,
      %get3A_78 = vector.shape_cast %get3A_77 : vector<1x16xf32> to vector<16xf32>
      %add3A_79 = arith.addf %get3A_74, %get3A_78 : vector<16xf32>
      %swap3A_80 = arith.index_cast %scan3A_58 : i32 to index
      %swap3A_81 = arith.constant 16 : index
      %swap3A_82 = tpu.vector_load %arg5[%swap3A_80, %swap3A_81] {strides = array<i32>} : memref<32x1024xf32, #tpu.memory_space<vmem>>, vector<1x16xf32>,
      %swap3A_83 = vector.shape_cast %swap3A_82 : vector<1x16xf32> to vector<16xf32>
      %swap3A_84 = vector.shape_cast %add3A_79 : vector<16xf32> to vector<1x16xf32>
      tpu.vector_store %arg5[%swap3A_80, %swap3A_81], %swap3A_84 {strides = array<i32>} : memref<32x1024xf32, #tpu.memory_space<vmem>>, vector<1x16xf32>,
      %get3A_85 = arith.index_cast %scan3A_58 : i32 to index
      %get3A_86 = arith.constant 32 : index
      %get3A_87 = tpu.vector_load %arg5[%get3A_85, %get3A_86] {strides = array<i32>} : memref<32x1024xf32, #tpu.memory_space<vmem>>, vector<1x16xf32>,
      %get3A_88 = vector.shape_cast %get3A_87 : vector<1x16xf32> to vector<16xf32>
      %get3A_89 = arith.index_cast %scan3A_58 : i32 to index
      %get3A_90 = arith.constant 32 : index
      %get3A_91 = tpu.vector_load %arg6[%get3A_89, %get3A_90] {strides = array<i32>} : memref<32x1024xf32, #tpu.memory_space<vmem>>, vector<1x16xf32>,
      %get3A_92 = vector.shape_cast %get3A_91 : vector<1x16xf32> to vector<16xf32>
      %add3A_93 = arith.addf %get3A_88, %get3A_92 : vector<16xf32>
      %swap3A_94 = arith.index_cast %scan3A_58 : i32 to index
      %swap3A_95 = arith.constant 32 : index
      %swap3A_96 = tpu.vector_load %arg5[%swap3A_94, %swap3A_95] {strides = array<i32>} : memref<32x1024xf32, #tpu.memory_space<vmem>>, vector<1x16xf32>,
      %swap3A_97 = vector.shape_cast %swap3A_96 : vector<1x16xf32> to vector<16xf32>
      %swap3A_98 = vector.shape_cast %add3A_93 : vector<16xf32> to vector<1x16xf32>
      tpu.vector_store %arg5[%swap3A_94, %swap3A_95], %swap3A_98 {strides = array<i32>} : memref<32x1024xf32, #tpu.memory_space<vmem>>, vector<1x16xf32>,
      %get3A_99 = arith.index_cast %scan3A_58 : i32 to index
      %get3A_100 = arith.constant 48 : index
      %get3A_101 = tpu.vector_load %arg5[%get3A_99, %get3A_100] {strides = array<i32>} : memref<32x1024xf32, #tpu.memory_space<vmem>>, vector<1x16xf32>,
      %get3A_102 = vector.shape_cast %get3A_101 : vector<1x16xf32> to vector<16xf32>
      %get3A_103 = arith.index_cast %scan3A_58 : i32 to index
      %get3A_104 = arith.constant 48 : index
      %get3A_105 = tpu.vector_load %arg6[%get3A_103, %get3A_104] {strides = array<i32>} : memref<32x1024xf32, #tpu.memory_space<vmem>>, vector<1x16xf32>,
      %get3A_106 = vector.shape_cast %get3A_105 : vector<1x16xf32> to vector<16xf32>
      %add3A_107 = arith.addf %get3A_102, %get3A_106 : vector<16xf32>
      %swap3A_108 = arith.index_cast %scan3A_58 : i32 to index
      %swap3A_109 = arith.constant 48 : index
      %swap3A_110 = tpu.vector_load %arg5[%swap3A_108, %swap3A_109] {strides = array<i32>} : memref<32x1024xf32, #tpu.memory_space<vmem>>, vector<1x16xf32>,
      %swap3A_111 = vector.shape_cast %swap3A_110 : vector<1x16xf32> to vector<16xf32>
      %swap3A_112 = vector.shape_cast %add3A_107 : vector<16xf32> to vector<1x16xf32>
      tpu.vector_store %arg5[%swap3A_108, %swap3A_109], %swap3A_112 {strides = array<i32>} : memref<32x1024xf32, #tpu.memory_space<vmem>>, vector<1x16xf32>,
      %get3A_113 = arith.index_cast %scan3A_58 : i32 to index
      %get3A_114 = arith.constant 64 : index
      %get3A_115 = tpu.vector_load %arg5[%get3A_113, %get3A_114] {strides = array<i32>} : memref<32x1024xf32, #tpu.memory_space<vmem>>, vector<1x16xf32>,
      %get3A_116 = vector.shape_cast %get3A_115 : vector<1x16xf32> to vector<16xf32>
      %get3A_117 = arith.index_cast %scan3A_58 : i32 to index
      %get3A_118 = arith.constant 64 : index
      %get3A_119 = tpu.vector_load %arg6[%get3A_117, %get3A_118] {strides = array<i32>} : memref<32x1024xf32, #tpu.memory_space<vmem>>, vector<1x16xf32>,
      %get3A_120 = vector.shape_cast %get3A_119 : vector<1x16xf32> to vector<16xf32>
      %add3A_121 = arith.addf %get3A_116, %get3A_120 : vector<16xf32>
      %swap3A_122 = arith.index_cast %scan3A_58 : i32 to index
      %swap3A_123 = arith.constant 64 : index
      %swap3A_124 = tpu.vector_load %arg5[%swap3A_122, %swap3A_123] {strides = array<i32>} : memref<32x1024xf32, #tpu.memory_space<vmem>>, vector<1x16xf32>,
      %swap3A_125 = vector.shape_cast %swap3A_124 : vector<1x16xf32> to vector<16xf32>
      %swap3A_126 = vector.shape_cast %add3A_121 : vector<16xf32> to vector<1x16xf32>
      tpu.vector_store %arg5[%swap3A_122, %swap3A_123], %swap3A_126 {strides = array<i32>} : memref<32x1024xf32, #tpu.memory_space<vmem>>, vector<1x16xf32>,
      %get3A_127 = arith.index_cast %scan3A_58 : i32 to index
      %get3A_128 = arith.constant 80 : index
      %get3A_129 = tpu.vector_load %arg5[%get3A_127, %get3A_128] {strides = array<i32>} : memref<32x1024xf32, #tpu.memory_space<vmem>>, vector<1x16xf32>,
      %get3A_130 = vector.shape_cast %get3A_129 : vector<1x16xf32> to vector<16xf32>
      %get3A_131 = arith.index_cast %scan3A_58 : i32 to index
      %get3A_132 = arith.constant 80 : index
      %get3A_133 = tpu.vector_load %arg6[%get3A_131, %get3A_132] {strides = array<i32>} : memref<32x1024xf32, #tpu.memory_space<vmem>>, vector<1x16xf32>,
      %get3A_134 = vector.shape_cast %get3A_133 : vector<1x16xf32> to vector<16xf32>
      %add3A_135 = arith.addf %get3A_130, %get3A_134 : vector<16xf32>
      %swap3A_136 = arith.index_cast %scan3A_58 : i32 to index
      %swap3A_137 = arith.constant 80 : index
      %swap3A_138 = tpu.vector_load %arg5[%swap3A_136, %swap3A_137] {strides = array<i32>} : memref<32x1024xf32, #tpu.memory_space<vmem>>, vector<1x16xf32>,
      %swap3A_139 = vector.shape_cast %swap3A_138 : vector<1x16xf32> to vector<16xf32>
      %swap3A_140 = vector.shape_cast %add3A_135 : vector<16xf32> to vector<1x16xf32>
      tpu.vector_store %arg5[%swap3A_136, %swap3A_137], %swap3A_140 {strides = array<i32>} : memref<32x1024xf32, #tpu.memory_space<vmem>>, vector<1x16xf32>,
      %get3A_141 = arith.index_cast %scan3A_58 : i32 to index
      %get3A_142 = arith.constant 96 : index
      %get3A_143 = tpu.vector_load %arg5[%get3A_141, %get3A_142] {strides = array<i32>} : memref<32x1024xf32, #tpu.memory_space<vmem>>, vector<1x16xf32>,
      %get3A_144 = vector.shape_cast %get3A_143 : vector<1x16xf32> to vector<16xf32>
      %get3A_145 = arith.index_cast %scan3A_58 : i32 to index
      %get3A_146 = arith.constant 96 : index
      %get3A_147 = tpu.vector_load %arg6[%get3A_145, %get3A_146] {strides = array<i32>} : memref<32x1024xf32, #tpu.memory_space<vmem>>, vector<1x16xf32>,
      %get3A_148 = vector.shape_cast %get3A_147 : vector<1x16xf32> to vector<16xf32>
      %add3A_149 = arith.addf %get3A_144, %get3A_148 : vector<16xf32>
      %swap3A_150 = arith.index_cast %scan3A_58 : i32 to index
      %swap3A_151 = arith.constant 96 : index
      %swap3A_152 = tpu.vector_load %arg5[%swap3A_150, %swap3A_151] {strides = array<i32>} : memref<32x1024xf32, #tpu.memory_space<vmem>>, vector<1x16xf32>,
      %swap3A_153 = vector.shape_cast %swap3A_152 : vector<1x16xf32> to vector<16xf32>
      %swap3A_154 = vector.shape_cast %add3A_149 : vector<16xf32> to vector<1x16xf32>
      tpu.vector_store %arg5[%swap3A_150, %swap3A_151], %swap3A_154 {strides = array<i32>} : memref<32x1024xf32, #tpu.memory_space<vmem>>, vector<1x16xf32>,
      %get3A_155 = arith.index_cast %scan3A_58 : i32 to index
      %get3A_156 = arith.constant 112 : index
      %get3A_157 = tpu.vector_load %arg5[%get3A_155, %get3A_156] {strides = array<i32>} : memref<32x1024xf32, #tpu.memory_space<vmem>>, vector<1x16xf32>,
      %get3A_158 = vector.shape_cast %get3A_157 : vector<1x16xf32> to vector<16xf32>
      %get3A_159 = arith.index_cast %scan3A_58 : i32 to index
      %get3A_160 = arith.constant 112 : index
      %get3A_161 = tpu.vector_load %arg6[%get3A_159, %get3A_160] {strides = array<i32>} : memref<32x1024xf32, #tpu.memory_space<vmem>>, vector<1x16xf32>,
      %get3A_162 = vector.shape_cast %get3A_161 : vector<1x16xf32> to vector<16xf32>
      %add3A_163 = arith.addf %get3A_158, %get3A_162 : vector<16xf32>
      %swap3A_164 = arith.index_cast %scan3A_58 : i32 to index
      %swap3A_165 = arith.constant 112 : index
      %swap3A_166 = tpu.vector_load %arg5[%swap3A_164, %swap3A_165] {strides = array<i32>} : memref<32x1024xf32, #tpu.memory_space<vmem>>, vector<1x16xf32>,
      %swap3A_167 = vector.shape_cast %swap3A_166 : vector<1x16xf32> to vector<16xf32>
      %swap3A_168 = vector.shape_cast %add3A_163 : vector<16xf32> to vector<1x16xf32>
      tpu.vector_store %arg5[%swap3A_164, %swap3A_165], %swap3A_168 {strides = array<i32>} : memref<32x1024xf32, #tpu.memory_space<vmem>>, vector<1x16xf32>,
      %get3A_169 = arith.index_cast %scan3A_58 : i32 to index
      %get3A_170 = arith.constant 128 : index
      %get3A_171 = tpu.vector_load %arg5[%get3A_169, %get3A_170] {strides = array<i32>} : memref<32x1024xf32, #tpu.memory_space<vmem>>, vector<1x16xf32>,
      %get3A_172 = vector.shape_cast %get3A_171 : vector<1x16xf32> to vector<16xf32>
      %get3A_173 = arith.index_cast %scan3A_58 : i32 to index
      %get3A_174 = arith.constant 128 : index
      %get3A_175 = tpu.vector_load %arg6[%get3A_173, %get3A_174] {strides = array<i32>} : memref<32x1024xf32, #tpu.memory_space<vmem>>, vector<1x16xf32>,
      %get3A_176 = vector.shape_cast %get3A_175 : vector<1x16xf32> to vector<16xf32>
      %add3A_177 = arith.addf %get3A_172, %get3A_176 : vector<16xf32>
      %swap3A_178 = arith.index_cast %scan3A_58 : i32 to index
      %swap3A_179 = arith.constant 128 : index
      %swap3A_180 = tpu.vector_load %arg5[%swap3A_178, %swap3A_179] {strides = array<i32>} : memref<32x1024xf32, #tpu.memory_space<vmem>>, vector<1x16xf32>,
      %swap3A_181 = vector.shape_cast %swap3A_180 : vector<1x16xf32> to vector<16xf32>
      %swap3A_182 = vector.shape_cast %add3A_177 : vector<16xf32> to vector<1x16xf32>
      tpu.vector_store %arg5[%swap3A_178, %swap3A_179], %swap3A_182 {strides = array<i32>} : memref<32x1024xf32, #tpu.memory_space<vmem>>, vector<1x16xf32>,
      %get3A_183 = arith.index_cast %scan3A_58 : i32 to index
      %get3A_184 = arith.constant 144 : index
      %get3A_185 = tpu.vector_load %arg5[%get3A_183, %get3A_184] {strides = array<i32>} : memref<32x1024xf32, #tpu.memory_space<vmem>>, vector<1x16xf32>,
      %get3A_186 = vector.shape_cast %get3A_185 : vector<1x16xf32> to vector<16xf32>
      %get3A_187 = arith.index_cast %scan3A_58 : i32 to index
      %get3A_188 = arith.constant 144 : index
      %get3A_189 = tpu.vector_load %arg6[%get3A_187, %get3A_188] {strides = array<i32>} : memref<32x1024xf32, #tpu.memory_space<vmem>>, vector<1x16xf32>,
      %get3A_190 = vector.shape_cast %get3A_189 : vector<1x16xf32> to vector<16xf32>
      %add3A_191 = arith.addf %get3A_186, %get3A_190 : vector<16xf32>
      %swap3A_192 = arith.index_cast %scan3A_58 : i32 to index
      %swap3A_193 = arith.constant 144 : index
      %swap3A_194 = tpu.vector_load %arg5[%swap3A_192, %swap3A_193] {strides = array<i32>} : memref<32x1024xf32, #tpu.memory_space<vmem>>, vector<1x16xf32>,
      %swap3A_195 = vector.shape_cast %swap3A_194 : vector<1x16xf32> to vector<16xf32>
      %swap3A_196 = vector.shape_cast %add3A_191 : vector<16xf32> to vector<1x16xf32>
      tpu.vector_store %arg5[%swap3A_192, %swap3A_193], %swap3A_196 {strides = array<i32>} : memref<32x1024xf32, #tpu.memory_space<vmem>>, vector<1x16xf32>,
      %get3A_197 = arith.index_cast %scan3A_58 : i32 to index
      %get3A_198 = arith.constant 160 : index
      %get3A_199 = tpu.vector_load %arg5[%get3A_197, %get3A_198] {strides = array<i32>} : memref<32x1024xf32, #tpu.memory_space<vmem>>, vector<1x16xf32>,
      %get3A_200 = vector.shape_cast %get3A_199 : vector<1x16xf32> to vector<16xf32>
      %get3A_201 = arith.index_cast %scan3A_58 : i32 to index
      %get3A_202 = arith.constant 160 : index
      %get3A_203 = tpu.vector_load %arg6[%get3A_201, %get3A_202] {strides = array<i32>} : memref<32x1024xf32, #tpu.memory_space<vmem>>, vector<1x16xf32>,
      %get3A_204 = vector.shape_cast %get3A_203 : vector<1x16xf32> to vector<16xf32>
      %add3A_205 = arith.addf %get3A_200, %get3A_204 : vector<16xf32>
      %swap3A_206 = arith.index_cast %scan3A_58 : i32 to index
      %swap3A_207 = arith.constant 160 : index
      %swap3A_208 = tpu.vector_load %arg5[%swap3A_206, %swap3A_207] {strides = array<i32>} : memref<32x1024xf32, #tpu.memory_space<vmem>>, vector<1x16xf32>,
      %swap3A_209 = vector.shape_cast %swap3A_208 : vector<1x16xf32> to vector<16xf32>
      %swap3A_210 = vector.shape_cast %add3A_205 : vector<16xf32> to vector<1x16xf32>
      tpu.vector_store %arg5[%swap3A_206, %swap3A_207], %swap3A_210 {strides = array<i32>} : memref<32x1024xf32, #tpu.memory_space<vmem>>, vector<1x16xf32>,
      %get3A_211 = arith.index_cast %scan3A_58 : i32 to index
      %get3A_212 = arith.constant 176 : index
      %get3A_213 = tpu.vector_load %arg5[%get3A_211, %get3A_212] {strides = array<i32>} : memref<32x1024xf32, #tpu.memory_space<vmem>>, vector<1x16xf32>,
      %get3A_214 = vector.shape_cast %get3A_213 : vector<1x16xf32> to vector<16xf32>
      %get3A_215 = arith.index_cast %scan3A_58 : i32 to index
      %get3A_216 = arith.constant 176 : index
      %get3A_217 = tpu.vector_load %arg6[%get3A_215, %get3A_216] {strides = array<i32>} : memref<32x1024xf32, #tpu.memory_space<vmem>>, vector<1x16xf32>,
      %get3A_218 = vector.shape_cast %get3A_217 : vector<1x16xf32> to vector<16xf32>
      %add3A_219 = arith.addf %get3A_214, %get3A_218 : vector<16xf32>
      %swap3A_220 = arith.index_cast %scan3A_58 : i32 to index
      %swap3A_221 = arith.constant 176 : index
      %swap3A_222 = tpu.vector_load %arg5[%swap3A_220, %swap3A_221] {strides = array<i32>} : memref<32x1024xf32, #tpu.memory_space<vmem>>, vector<1x16xf32>,
      %swap3A_223 = vector.shape_cast %swap3A_222 : vector<1x16xf32> to vector<16xf32>
      %swap3A_224 = vector.shape_cast %add3A_219 : vector<16xf32> to vector<1x16xf32>
      tpu.vector_store %arg5[%swap3A_220, %swap3A_221], %swap3A_224 {strides = array<i32>} : memref<32x1024xf32, #tpu.memory_space<vmem>>, vector<1x16xf32>,
      %get3A_225 = arith.index_cast %scan3A_58 : i32 to index
      %get3A_226 = arith.constant 192 : index
      %get3A_227 = tpu.vector_load %arg5[%get3A_225, %get3A_226] {strides = array<i32>} : memref<32x1024xf32, #tpu.memory_space<vmem>>, vector<1x16xf32>,
      %get3A_228 = vector.shape_cast %get3A_227 : vector<1x16xf32> to vector<16xf32>
      %get3A_229 = arith.index_cast %scan3A_58 : i32 to index
      %get3A_230 = arith.constant 192 : index
      %get3A_231 = tpu.vector_load %arg6[%get3A_229, %get3A_230] {strides = array<i32>} : memref<32x1024xf32, #tpu.memory_space<vmem>>, vector<1x16xf32>,
      %get3A_232 = vector.shape_cast %get3A_231 : vector<1x16xf32> to vector<16xf32>
      %add3A_233 = arith.addf %get3A_228, %get3A_232 : vector<16xf32>
      %swap3A_234 = arith.index_cast %scan3A_58 : i32 to index
      %swap3A_235 = arith.constant 192 : index
      %swap3A_236 = tpu.vector_load %arg5[%swap3A_234, %swap3A_235] {strides = array<i32>} : memref<32x1024xf32, #tpu.memory_space<vmem>>, vector<1x16xf32>,
      %swap3A_237 = vector.shape_cast %swap3A_236 : vector<1x16xf32> to vector<16xf32>
      %swap3A_238 = vector.shape_cast %add3A_233 : vector<16xf32> to vector<1x16xf32>
      tpu.vector_store %arg5[%swap3A_234, %swap3A_235], %swap3A_238 {strides = array<i32>} : memref<32x1024xf32, #tpu.memory_space<vmem>>, vector<1x16xf32>,
      %get3A_239 = arith.index_cast %scan3A_58 : i32 to index
      %get3A_240 = arith.constant 208 : index
      %get3A_241 = tpu.vector_load %arg5[%get3A_239, %get3A_240] {strides = array<i32>} : memref<32x1024xf32, #tpu.memory_space<vmem>>, vector<1x16xf32>,
      %get3A_242 = vector.shape_cast %get3A_241 : vector<1x16xf32> to vector<16xf32>
      %get3A_243 = arith.index_cast %scan3A_58 : i32 to index
      %get3A_244 = arith.constant 208 : index
      %get3A_245 = tpu.vector_load %arg6[%get3A_243, %get3A_244] {strides = array<i32>} : memref<32x1024xf32, #tpu.memory_space<vmem>>, vector<1x16xf32>,
      %get3A_246 = vector.shape_cast %get3A_245 : vector<1x16xf32> to vector<16xf32>
      %add3A_247 = arith.addf %get3A_242, %get3A_246 : vector<16xf32>
      %swap3A_248 = arith.index_cast %scan3A_58 : i32 to index
      %swap3A_249 = arith.constant 208 : index
      %swap3A_250 = tpu.vector_load %arg5[%swap3A_248, %swap3A_249] {strides = array<i32>} : memref<32x1024xf32, #tpu.memory_space<vmem>>, vector<1x16xf32>,
      %swap3A_251 = vector.shape_cast %swap3A_250 : vector<1x16xf32> to vector<16xf32>
      %swap3A_252 = vector.shape_cast %add3A_247 : vector<16xf32> to vector<1x16xf32>
      tpu.vector_store %arg5[%swap3A_248, %swap3A_249], %swap3A_252 {strides = array<i32>} : memref<32x1024xf32, #tpu.memory_space<vmem>>, vector<1x16xf32>,
      %get3A_253 = arith.index_cast %scan3A_58 : i32 to index
      %get3A_254 = arith.constant 224 : index
      %get3A_255 = tpu.vector_load %arg5[%get3A_253, %get3A_254] {strides = array<i32>} : memref<32x1024xf32, #tpu.memory_space<vmem>>, vector<1x16xf32>,
      %get3A_256 = vector.shape_cast %get3A_255 : vector<1x16xf32> to vector<16xf32>
      %get3A_257 = arith.index_cast %scan3A_58 : i32 to index
      %get3A_258 = arith.constant 224 : index
      %get3A_259 = tpu.vector_load %arg6[%get3A_257, %get3A_258] {strides = array<i32>} : memref<32x1024xf32, #tpu.memory_space<vmem>>, vector<1x16xf32>,
      %get3A_260 = vector.shape_cast %get3A_259 : vector<1x16xf32> to vector<16xf32>
      %add3A_261 = arith.addf %get3A_256, %get3A_260 : vector<16xf32>
      %swap3A_262 = arith.index_cast %scan3A_58 : i32 to index
      %swap3A_263 = arith.constant 224 : index
      %swap3A_264 = tpu.vector_load %arg5[%swap3A_262, %swap3A_263] {strides = array<i32>} : memref<32x1024xf32, #tpu.memory_space<vmem>>, vector<1x16xf32>,
      %swap3A_265 = vector.shape_cast %swap3A_264 : vector<1x16xf32> to vector<16xf32>
      %swap3A_266 = vector.shape_cast %add3A_261 : vector<16xf32> to vector<1x16xf32>
      tpu.vector_store %arg5[%swap3A_262, %swap3A_263], %swap3A_266 {strides = array<i32>} : memref<32x1024xf32, #tpu.memory_space<vmem>>, vector<1x16xf32>,
      %get3A_267 = arith.index_cast %scan3A_58 : i32 to index
      %get3A_268 = arith.constant 240 : index
      %get3A_269 = tpu.vector_load %arg5[%get3A_267, %get3A_268] {strides = array<i32>} : memref<32x1024xf32, #tpu.memory_space<vmem>>, vector<1x16xf32>,
      %get3A_270 = vector.shape_cast %get3A_269 : vector<1x16xf32> to vector<16xf32>
      %get3A_271 = arith.index_cast %scan3A_58 : i32 to index
      %get3A_272 = arith.constant 240 : index
      %get3A_273 = tpu.vector_load %arg6[%get3A_271, %get3A_272] {strides = array<i32>} : memref<32x1024xf32, #tpu.memory_space<vmem>>, vector<1x16xf32>,
      %get3A_274 = vector.shape_cast %get3A_273 : vector<1x16xf32> to vector<16xf32>
      %add3A_275 = arith.addf %get3A_270, %get3A_274 : vector<16xf32>
      %swap3A_276 = arith.index_cast %scan3A_58 : i32 to index
      %swap3A_277 = arith.constant 240 : index
      %swap3A_278 = tpu.vector_load %arg5[%swap3A_276, %swap3A_277] {strides = array<i32>} : memref<32x1024xf32, #tpu.memory_space<vmem>>, vector<1x16xf32>,
      %swap3A_279 = vector.shape_cast %swap3A_278 : vector<1x16xf32> to vector<16xf32>
      %swap3A_280 = vector.shape_cast %add3A_275 : vector<16xf32> to vector<1x16xf32>
      tpu.vector_store %arg5[%swap3A_276, %swap3A_277], %swap3A_280 {strides = array<i32>} : memref<32x1024xf32, #tpu.memory_space<vmem>>, vector<1x16xf32>,
      %get3A_281 = arith.index_cast %scan3A_58 : i32 to index
      %get3A_282 = arith.constant 256 : index
      %get3A_283 = tpu.vector_load %arg5[%get3A_281, %get3A_282] {strides = array<i32>} : memref<32x1024xf32, #tpu.memory_space<vmem>>, vector<1x16xf32>,
      %get3A_284 = vector.shape_cast %get3A_283 : vector<1x16xf32> to vector<16xf32>
      %get3A_285 = arith.index_cast %scan3A_58 : i32 to index
      %get3A_286 = arith.constant 256 : index
      %get3A_287 = tpu.vector_load %arg6[%get3A_285, %get3A_286] {strides = array<i32>} : memref<32x1024xf32, #tpu.memory_space<vmem>>, vector<1x16xf32>,
      %get3A_288 = vector.shape_cast %get3A_287 : vector<1x16xf32> to vector<16xf32>
      %add3A_289 = arith.addf %get3A_284, %get3A_288 : vector<16xf32>
      %swap3A_290 = arith.index_cast %scan3A_58 : i32 to index
      %swap3A_291 = arith.constant 256 : index
      %swap3A_292 = tpu.vector_load %arg5[%swap3A_290, %swap3A_291] {strides = array<i32>} : memref<32x1024xf32, #tpu.memory_space<vmem>>, vector<1x16xf32>,
      %swap3A_293 = vector.shape_cast %swap3A_292 : vector<1x16xf32> to vector<16xf32>
      %swap3A_294 = vector.shape_cast %add3A_289 : vector<16xf32> to vector<1x16xf32>
      tpu.vector_store %arg5[%swap3A_290, %swap3A_291], %swap3A_294 {strides = array<i32>} : memref<32x1024xf32, #tpu.memory_space<vmem>>, vector<1x16xf32>,
      %get3A_295 = arith.index_cast %scan3A_58 : i32 to index
      %get3A_296 = arith.constant 272 : index
      %get3A_297 = tpu.vector_load %arg5[%get3A_295, %get3A_296] {strides = array<i32>} : memref<32x1024xf32, #tpu.memory_space<vmem>>, vector<1x16xf32>,
      %get3A_298 = vector.shape_cast %get3A_297 : vector<1x16xf32> to vector<16xf32>
      %get3A_299 = arith.index_cast %scan3A_58 : i32 to index
      %get3A_300 = arith.constant 272 : index
      %get3A_301 = tpu.vector_load %arg6[%get3A_299, %get3A_300] {strides = array<i32>} : memref<32x1024xf32, #tpu.memory_space<vmem>>, vector<1x16xf32>,
      %get3A_302 = vector.shape_cast %get3A_301 : vector<1x16xf32> to vector<16xf32>
      %add3A_303 = arith.addf %get3A_298, %get3A_302 : vector<16xf32>
      %swap3A_304 = arith.index_cast %scan3A_58 : i32 to index
      %swap3A_305 = arith.constant 272 : index
      %swap3A_306 = tpu.vector_load %arg5[%swap3A_304, %swap3A_305] {strides = array<i32>} : memref<32x1024xf32, #tpu.memory_space<vmem>>, vector<1x16xf32>,
      %swap3A_307 = vector.shape_cast %swap3A_306 : vector<1x16xf32> to vector<16xf32>
      %swap3A_308 = vector.shape_cast %add3A_303 : vector<16xf32> to vector<1x16xf32>
      tpu.vector_store %arg5[%swap3A_304, %swap3A_305], %swap3A_308 {strides = array<i32>} : memref<32x1024xf32, #tpu.memory_space<vmem>>, vector<1x16xf32>,
      %get3A_309 = arith.index_cast %scan3A_58 : i32 to index
      %get3A_310 = arith.constant 288 : index
      %get3A_311 = tpu.vector_load %arg5[%get3A_309, %get3A_310] {strides = array<i32>} : memref<32x1024xf32, #tpu.memory_space<vmem>>, vector<1x16xf32>,
      %get3A_312 = vector.shape_cast %get3A_311 : vector<1x16xf32> to vector<16xf32>
      %get3A_313 = arith.index_cast %scan3A_58 : i32 to index
      %get3A_314 = arith.constant 288 : index
      %get3A_315 = tpu.vector_load %arg6[%get3A_313, %get3A_314] {strides = array<i32>} : memref<32x1024xf32, #tpu.memory_space<vmem>>, vector<1x16xf32>,
      %get3A_316 = vector.shape_cast %get3A_315 : vector<1x16xf32> to vector<16xf32>
      %add3A_317 = arith.addf %get3A_312, %get3A_316 : vector<16xf32>
      %swap3A_318 = arith.index_cast %scan3A_58 : i32 to index
      %swap3A_319 = arith.constant 288 : index
      %swap3A_320 = tpu.vector_load %arg5[%swap3A_318, %swap3A_319] {strides = array<i32>} : memref<32x1024xf32, #tpu.memory_space<vmem>>, vector<1x16xf32>,
      %swap3A_321 = vector.shape_cast %swap3A_320 : vector<1x16xf32> to vector<16xf32>
      %swap3A_322 = vector.shape_cast %add3A_317 : vector<16xf32> to vector<1x16xf32>
      tpu.vector_store %arg5[%swap3A_318, %swap3A_319], %swap3A_322 {strides = array<i32>} : memref<32x1024xf32, #tpu.memory_space<vmem>>, vector<1x16xf32>,
      %get3A_323 = arith.index_cast %scan3A_58 : i32 to index
      %get3A_324 = arith.constant 304 : index
      %get3A_325 = tpu.vector_load %arg5[%get3A_323, %get3A_324] {strides = array<i32>} : memref<32x1024xf32, #tpu.memory_space<vmem>>, vector<1x16xf32>,
      %get3A_326 = vector.shape_cast %get3A_325 : vector<1x16xf32> to vector<16xf32>
      %get3A_327 = arith.index_cast %scan3A_58 : i32 to index
      %get3A_328 = arith.constant 304 : index
      %get3A_329 = tpu.vector_load %arg6[%get3A_327, %get3A_328] {strides = array<i32>} : memref<32x1024xf32, #tpu.memory_space<vmem>>, vector<1x16xf32>,
      %get3A_330 = vector.shape_cast %get3A_329 : vector<1x16xf32> to vector<16xf32>
      %add3A_331 = arith.addf %get3A_326, %get3A_330 : vector<16xf32>
      %swap3A_332 = arith.index_cast %scan3A_58 : i32 to index
      %swap3A_333 = arith.constant 304 : index
      %swap3A_334 = tpu.vector_load %arg5[%swap3A_332, %swap3A_333] {strides = array<i32>} : memref<32x1024xf32, #tpu.memory_space<vmem>>, vector<1x16xf32>,
      %swap3A_335 = vector.shape_cast %swap3A_334 : vector<1x16xf32> to vector<16xf32>
      %swap3A_336 = vector.shape_cast %add3A_331 : vector<16xf32> to vector<1x16xf32>
      tpu.vector_store %arg5[%swap3A_332, %swap3A_333], %swap3A_336 {strides = array<i32>} : memref<32x1024xf32, #tpu.memory_space<vmem>>, vector<1x16xf32>,
      %get3A_337 = arith.index_cast %scan3A_58 : i32 to index
      %get3A_338 = arith.constant 320 : index
      %get3A_339 = tpu.vector_load %arg5[%get3A_337, %get3A_338] {strides = array<i32>} : memref<32x1024xf32, #tpu.memory_space<vmem>>, vector<1x16xf32>,
      %get3A_340 = vector.shape_cast %get3A_339 : vector<1x16xf32> to vector<16xf32>
      %get3A_341 = arith.index_cast %scan3A_58 : i32 to index
      %get3A_342 = arith.constant 320 : index
      %get3A_343 = tpu.vector_load %arg6[%get3A_341, %get3A_342] {strides = array<i32>} : memref<32x1024xf32, #tpu.memory_space<vmem>>, vector<1x16xf32>,
      %get3A_344 = vector.shape_cast %get3A_343 : vector<1x16xf32> to vector<16xf32>
      %add3A_345 = arith.addf %get3A_340, %get3A_344 : vector<16xf32>
      %swap3A_346 = arith.index_cast %scan3A_58 : i32 to index
      %swap3A_347 = arith.constant 320 : index
      %swap3A_348 = tpu.vector_load %arg5[%swap3A_346, %swap3A_347] {strides = array<i32>} : memref<32x1024xf32, #tpu.memory_space<vmem>>, vector<1x16xf32>,
      %swap3A_349 = vector.shape_cast %swap3A_348 : vector<1x16xf32> to vector<16xf32>
      %swap3A_350 = vector.shape_cast %add3A_345 : vector<16xf32> to vector<1x16xf32>
      tpu.vector_store %arg5[%swap3A_346, %swap3A_347], %swap3A_350 {strides = array<i32>} : memref<32x1024xf32, #tpu.memory_space<vmem>>, vector<1x16xf32>,
      %get3A_351 = arith.index_cast %scan3A_58 : i32 to index
      %get3A_352 = arith.constant 336 : index
      %get3A_353 = tpu.vector_load %arg5[%get3A_351, %get3A_352] {strides = array<i32>} : memref<32x1024xf32, #tpu.memory_space<vmem>>, vector<1x16xf32>,
      %get3A_354 = vector.shape_cast %get3A_353 : vector<1x16xf32> to vector<16xf32>
      %get3A_355 = arith.index_cast %scan3A_58 : i32 to index
      %get3A_356 = arith.constant 336 : index
      %get3A_357 = tpu.vector_load %arg6[%get3A_355, %get3A_356] {strides = array<i32>} : memref<32x1024xf32, #tpu.memory_space<vmem>>, vector<1x16xf32>,
      %get3A_358 = vector.shape_cast %get3A_357 : vector<1x16xf32> to vector<16xf32>
      %add3A_359 = arith.addf %get3A_354, %get3A_358 : vector<16xf32>
      %swap3A_360 = arith.index_cast %scan3A_58 : i32 to index
      %swap3A_361 = arith.constant 336 : index
      %swap3A_362 = tpu.vector_load %arg5[%swap3A_360, %swap3A_361] {strides = array<i32>} : memref<32x1024xf32, #tpu.memory_space<vmem>>, vector<1x16xf32>,
      %swap3A_363 = vector.shape_cast %swap3A_362 : vector<1x16xf32> to vector<16xf32>
      %swap3A_364 = vector.shape_cast %add3A_359 : vector<16xf32> to vector<1x16xf32>
      tpu.vector_store %arg5[%swap3A_360, %swap3A_361], %swap3A_364 {strides = array<i32>} : memref<32x1024xf32, #tpu.memory_space<vmem>>, vector<1x16xf32>,
      %get3A_365 = arith.index_cast %scan3A_58 : i32 to index
      %get3A_366 = arith.constant 352 : index
      %get3A_367 = tpu.vector_load %arg5[%get3A_365, %get3A_366] {strides = array<i32>} : memref<32x1024xf32, #tpu.memory_space<vmem>>, vector<1x16xf32>,
      %get3A_368 = vector.shape_cast %get3A_367 : vector<1x16xf32> to vector<16xf32>
      %get3A_369 = arith.index_cast %scan3A_58 : i32 to index
      %get3A_370 = arith.constant 352 : index
      %get3A_371 = tpu.vector_load %arg6[%get3A_369, %get3A_370] {strides = array<i32>} : memref<32x1024xf32, #tpu.memory_space<vmem>>, vector<1x16xf32>,
      %get3A_372 = vector.shape_cast %get3A_371 : vector<1x16xf32> to vector<16xf32>
      %add3A_373 = arith.addf %get3A_368, %get3A_372 : vector<16xf32>
      %swap3A_374 = arith.index_cast %scan3A_58 : i32 to index
      %swap3A_375 = arith.constant 352 : index
      %swap3A_376 = tpu.vector_load %arg5[%swap3A_374, %swap3A_375] {strides = array<i32>} : memref<32x1024xf32, #tpu.memory_space<vmem>>, vector<1x16xf32>,
      %swap3A_377 = vector.shape_cast %swap3A_376 : vector<1x16xf32> to vector<16xf32>
      %swap3A_378 = vector.shape_cast %add3A_373 : vector<16xf32> to vector<1x16xf32>
      tpu.vector_store %arg5[%swap3A_374, %swap3A_375], %swap3A_378 {strides = array<i32>} : memref<32x1024xf32, #tpu.memory_space<vmem>>, vector<1x16xf32>,
      %get3A_379 = arith.index_cast %scan3A_58 : i32 to index
      %get3A_380 = arith.constant 368 : index
      %get3A_381 = tpu.vector_load %arg5[%get3A_379, %get3A_380] {strides = array<i32>} : memref<32x1024xf32, #tpu.memory_space<vmem>>, vector<1x16xf32>,
      %get3A_382 = vector.shape_cast %get3A_381 : vector<1x16xf32> to vector<16xf32>
      %get3A_383 = arith.index_cast %scan3A_58 : i32 to index
      %get3A_384 = arith.constant 368 : index
      %get3A_385 = tpu.vector_load %arg6[%get3A_383, %get3A_384] {strides = array<i32>} : memref<32x1024xf32, #tpu.memory_space<vmem>>, vector<1x16xf32>,
      %get3A_386 = vector.shape_cast %get3A_385 : vector<1x16xf32> to vector<16xf32>
      %add3A_387 = arith.addf %get3A_382, %get3A_386 : vector<16xf32>
      %swap3A_388 = arith.index_cast %scan3A_58 : i32 to index
      %swap3A_389 = arith.constant 368 : index
      %swap3A_390 = tpu.vector_load %arg5[%swap3A_388, %swap3A_389] {strides = array<i32>} : memref<32x1024xf32, #tpu.memory_space<vmem>>, vector<1x16xf32>,
      %swap3A_391 = vector.shape_cast %swap3A_390 : vector<1x16xf32> to vector<16xf32>
      %swap3A_392 = vector.shape_cast %add3A_387 : vector<16xf32> to vector<1x16xf32>
      tpu.vector_store %arg5[%swap3A_388, %swap3A_389], %swap3A_392 {strides = array<i32>} : memref<32x1024xf32, #tpu.memory_space<vmem>>, vector<1x16xf32>,
      %get3A_393 = arith.index_cast %scan3A_58 : i32 to index
      %get3A_394 = arith.constant 384 : index
      %get3A_395 = tpu.vector_load %arg5[%get3A_393, %get3A_394] {strides = array<i32>} : memref<32x1024xf32, #tpu.memory_space<vmem>>, vector<1x16xf32>,
      %get3A_396 = vector.shape_cast %get3A_395 : vector<1x16xf32> to vector<16xf32>
      %get3A_397 = arith.index_cast %scan3A_58 : i32 to index
      %get3A_398 = arith.constant 384 : index
      %get3A_399 = tpu.vector_load %arg6[%get3A_397, %get3A_398] {strides = array<i32>} : memref<32x1024xf32, #tpu.memory_space<vmem>>, vector<1x16xf32>,
      %get3A_400 = vector.shape_cast %get3A_399 : vector<1x16xf32> to vector<16xf32>
      %add3A_401 = arith.addf %get3A_396, %get3A_400 : vector<16xf32>
      %swap3A_402 = arith.index_cast %scan3A_58 : i32 to index
      %swap3A_403 = arith.constant 384 : index
      %swap3A_404 = tpu.vector_load %arg5[%swap3A_402, %swap3A_403] {strides = array<i32>} : memref<32x1024xf32, #tpu.memory_space<vmem>>, vector<1x16xf32>,
      %swap3A_405 = vector.shape_cast %swap3A_404 : vector<1x16xf32> to vector<16xf32>
      %swap3A_406 = vector.shape_cast %add3A_401 : vector<16xf32> to vector<1x16xf32>
      tpu.vector_store %arg5[%swap3A_402, %swap3A_403], %swap3A_406 {strides = array<i32>} : memref<32x1024xf32, #tpu.memory_space<vmem>>, vector<1x16xf32>,
      %get3A_407 = arith.index_cast %scan3A_58 : i32 to index
      %get3A_408 = arith.constant 400 : index
      %get3A_409 = tpu.vector_load %arg5[%get3A_407, %get3A_408] {strides = array<i32>} : memref<32x1024xf32, #tpu.memory_space<vmem>>, vector<1x16xf32>,
      %get3A_410 = vector.shape_cast %get3A_409 : vector<1x16xf32> to vector<16xf32>
      %get3A_411 = arith.index_cast %scan3A_58 : i32 to index
      %get3A_412 = arith.constant 400 : index
      %get3A_413 = tpu.vector_load %arg6[%get3A_411, %get3A_412] {strides = array<i32>} : memref<32x1024xf32, #tpu.memory_space<vmem>>, vector<1x16xf32>,
      %get3A_414 = vector.shape_cast %get3A_413 : vector<1x16xf32> to vector<16xf32>
      %add3A_415 = arith.addf %get3A_410, %get3A_414 : vector<16xf32>
      %swap3A_416 = arith.index_cast %scan3A_58 : i32 to index
      %swap3A_417 = arith.constant 400 : index
      %swap3A_418 = tpu.vector_load %arg5[%swap3A_416, %swap3A_417] {strides = array<i32>} : memref<32x1024xf32, #tpu.memory_space<vmem>>, vector<1x16xf32>,
      %swap3A_419 = vector.shape_cast %swap3A_418 : vector<1x16xf32> to vector<16xf32>
      %swap3A_420 = vector.shape_cast %add3A_415 : vector<16xf32> to vector<1x16xf32>
      tpu.vector_store %arg5[%swap3A_416, %swap3A_417], %swap3A_420 {strides = array<i32>} : memref<32x1024xf32, #tpu.memory_space<vmem>>, vector<1x16xf32>,
      %get3A_421 = arith.index_cast %scan3A_58 : i32 to index
      %get3A_422 = arith.constant 416 : index
      %get3A_423 = tpu.vector_load %arg5[%get3A_421, %get3A_422] {strides = array<i32>} : memref<32x1024xf32, #tpu.memory_space<vmem>>, vector<1x16xf32>,
      %get3A_424 = vector.shape_cast %get3A_423 : vector<1x16xf32> to vector<16xf32>
      %get3A_425 = arith.index_cast %scan3A_58 : i32 to index
      %get3A_426 = arith.constant 416 : index
      %get3A_427 = tpu.vector_load %arg6[%get3A_425, %get3A_426] {strides = array<i32>} : memref<32x1024xf32, #tpu.memory_space<vmem>>, vector<1x16xf32>,
      %get3A_428 = vector.shape_cast %get3A_427 : vector<1x16xf32> to vector<16xf32>
      %add3A_429 = arith.addf %get3A_424, %get3A_428 : vector<16xf32>
      %swap3A_430 = arith.index_cast %scan3A_58 : i32 to index
      %swap3A_431 = arith.constant 416 : index
      %swap3A_432 = tpu.vector_load %arg5[%swap3A_430, %swap3A_431] {strides = array<i32>} : memref<32x1024xf32, #tpu.memory_space<vmem>>, vector<1x16xf32>,
      %swap3A_433 = vector.shape_cast %swap3A_432 : vector<1x16xf32> to vector<16xf32>
      %swap3A_434 = vector.shape_cast %add3A_429 : vector<16xf32> to vector<1x16xf32>
      tpu.vector_store %arg5[%swap3A_430, %swap3A_431], %swap3A_434 {strides = array<i32>} : memref<32x1024xf32, #tpu.memory_space<vmem>>, vector<1x16xf32>,
      %get3A_435 = arith.index_cast %scan3A_58 : i32 to index
      %get3A_436 = arith.constant 432 : index
      %get3A_437 = tpu.vector_load %arg5[%get3A_435, %get3A_436] {strides = array<i32>} : memref<32x1024xf32, #tpu.memory_space<vmem>>, vector<1x16xf32>,
      %get3A_438 = vector.shape_cast %get3A_437 : vector<1x16xf32> to vector<16xf32>
      %get3A_439 = arith.index_cast %scan3A_58 : i32 to index
      %get3A_440 = arith.constant 432 : index
      %get3A_441 = tpu.vector_load %arg6[%get3A_439, %get3A_440] {strides = array<i32>} : memref<32x1024xf32, #tpu.memory_space<vmem>>, vector<1x16xf32>,
      %get3A_442 = vector.shape_cast %get3A_441 : vector<1x16xf32> to vector<16xf32>
      %add3A_443 = arith.addf %get3A_438, %get3A_442 : vector<16xf32>
      %swap3A_444 = arith.index_cast %scan3A_58 : i32 to index
      %swap3A_445 = arith.constant 432 : index
      %swap3A_446 = tpu.vector_load %arg5[%swap3A_444, %swap3A_445] {strides = array<i32>} : memref<32x1024xf32, #tpu.memory_space<vmem>>, vector<1x16xf32>,
      %swap3A_447 = vector.shape_cast %swap3A_446 : vector<1x16xf32> to vector<16xf32>
      %swap3A_448 = vector.shape_cast %add3A_443 : vector<16xf32> to vector<1x16xf32>
      tpu.vector_store %arg5[%swap3A_444, %swap3A_445], %swap3A_448 {strides = array<i32>} : memref<32x1024xf32, #tpu.memory_space<vmem>>, vector<1x16xf32>,
      %get3A_449 = arith.index_cast %scan3A_58 : i32 to index
      %get3A_450 = arith.constant 448 : index
      %get3A_451 = tpu.vector_load %arg5[%get3A_449, %get3A_450] {strides = array<i32>} : memref<32x1024xf32, #tpu.memory_space<vmem>>, vector<1x16xf32>,
      %get3A_452 = vector.shape_cast %get3A_451 : vector<1x16xf32> to vector<16xf32>
      %get3A_453 = arith.index_cast %scan3A_58 : i32 to index
      %get3A_454 = arith.constant 448 : index
      %get3A_455 = tpu.vector_load %arg6[%get3A_453, %get3A_454] {strides = array<i32>} : memref<32x1024xf32, #tpu.memory_space<vmem>>, vector<1x16xf32>,
      %get3A_456 = vector.shape_cast %get3A_455 : vector<1x16xf32> to vector<16xf32>
      %add3A_457 = arith.addf %get3A_452, %get3A_456 : vector<16xf32>
      %swap3A_458 = arith.index_cast %scan3A_58 : i32 to index
      %swap3A_459 = arith.constant 448 : index
      %swap3A_460 = tpu.vector_load %arg5[%swap3A_458, %swap3A_459] {strides = array<i32>} : memref<32x1024xf32, #tpu.memory_space<vmem>>, vector<1x16xf32>,
      %swap3A_461 = vector.shape_cast %swap3A_460 : vector<1x16xf32> to vector<16xf32>
      %swap3A_462 = vector.shape_cast %add3A_457 : vector<16xf32> to vector<1x16xf32>
      tpu.vector_store %arg5[%swap3A_458, %swap3A_459], %swap3A_462 {strides = array<i32>} : memref<32x1024xf32, #tpu.memory_space<vmem>>, vector<1x16xf32>,
      %get3A_463 = arith.index_cast %scan3A_58 : i32 to index
      %get3A_464 = arith.constant 464 : index
      %get3A_465 = tpu.vector_load %arg5[%get3A_463, %get3A_464] {strides = array<i32>} : memref<32x1024xf32, #tpu.memory_space<vmem>>, vector<1x16xf32>,
      %get3A_466 = vector.shape_cast %get3A_465 : vector<1x16xf32> to vector<16xf32>
      %get3A_467 = arith.index_cast %scan3A_58 : i32 to index
      %get3A_468 = arith.constant 464 : index
      %get3A_469 = tpu.vector_load %arg6[%get3A_467, %get3A_468] {strides = array<i32>} : memref<32x1024xf32, #tpu.memory_space<vmem>>, vector<1x16xf32>,
      %get3A_470 = vector.shape_cast %get3A_469 : vector<1x16xf32> to vector<16xf32>
      %add3A_471 = arith.addf %get3A_466, %get3A_470 : vector<16xf32>
      %swap3A_472 = arith.index_cast %scan3A_58 : i32 to index
      %swap3A_473 = arith.constant 464 : index
      %swap3A_474 = tpu.vector_load %arg5[%swap3A_472, %swap3A_473] {strides = array<i32>} : memref<32x1024xf32, #tpu.memory_space<vmem>>, vector<1x16xf32>,
      %swap3A_475 = vector.shape_cast %swap3A_474 : vector<1x16xf32> to vector<16xf32>
      %swap3A_476 = vector.shape_cast %add3A_471 : vector<16xf32> to vector<1x16xf32>
      tpu.vector_store %arg5[%swap3A_472, %swap3A_473], %swap3A_476 {strides = array<i32>} : memref<32x1024xf32, #tpu.memory_space<vmem>>, vector<1x16xf32>,
      %get3A_477 = arith.index_cast %scan3A_58 : i32 to index
      %get3A_478 = arith.constant 480 : index
      %get3A_479 = tpu.vector_load %arg5[%get3A_477, %get3A_478] {strides = array<i32>} : memref<32x1024xf32, #tpu.memory_space<vmem>>, vector<1x16xf32>,
      %get3A_480 = vector.shape_cast %get3A_479 : vector<1x16xf32> to vector<16xf32>
      %get3A_481 = arith.index_cast %scan3A_58 : i32 to index
      %get3A_482 = arith.constant 480 : index
      %get3A_483 = tpu.vector_load %arg6[%get3A_481, %get3A_482] {strides = array<i32>} : memref<32x1024xf32, #tpu.memory_space<vmem>>, vector<1x16xf32>,
      %get3A_484 = vector.shape_cast %get3A_483 : vector<1x16xf32> to vector<16xf32>
      %add3A_485 = arith.addf %get3A_480, %get3A_484 : vector<16xf32>
      %swap3A_486 = arith.index_cast %scan3A_58 : i32 to index
      %swap3A_487 = arith.constant 480 : index
      %swap3A_488 = tpu.vector_load %arg5[%swap3A_486, %swap3A_487] {strides = array<i32>} : memref<32x1024xf32, #tpu.memory_space<vmem>>, vector<1x16xf32>,
      %swap3A_489 = vector.shape_cast %swap3A_488 : vector<1x16xf32> to vector<16xf32>
      %swap3A_490 = vector.shape_cast %add3A_485 : vector<16xf32> to vector<1x16xf32>
      tpu.vector_store %arg5[%swap3A_486, %swap3A_487], %swap3A_490 {strides = array<i32>} : memref<32x1024xf32, #tpu.memory_space<vmem>>, vector<1x16xf32>,
      %get3A_491 = arith.index_cast %scan3A_58 : i32 to index
      %get3A_492 = arith.constant 496 : index
      %get3A_493 = tpu.vector_load %arg5[%get3A_491, %get3A_492] {strides = array<i32>} : memref<32x1024xf32, #tpu.memory_space<vmem>>, vector<1x16xf32>,
      %get3A_494 = vector.shape_cast %get3A_493 : vector<1x16xf32> to vector<16xf32>
      %get3A_495 = arith.index_cast %scan3A_58 : i32 to index
      %get3A_496 = arith.constant 496 : index
      %get3A_497 = tpu.vector_load %arg6[%get3A_495, %get3A_496] {strides = array<i32>} : memref<32x1024xf32, #tpu.memory_space<vmem>>, vector<1x16xf32>,
      %get3A_498 = vector.shape_cast %get3A_497 : vector<1x16xf32> to vector<16xf32>
      %add3A_499 = arith.addf %get3A_494, %get3A_498 : vector<16xf32>
      %swap3A_500 = arith.index_cast %scan3A_58 : i32 to index
      %swap3A_501 = arith.constant 496 : index
      %swap3A_502 = tpu.vector_load %arg5[%swap3A_500, %swap3A_501] {strides = array<i32>} : memref<32x1024xf32, #tpu.memory_space<vmem>>, vector<1x16xf32>,
      %swap3A_503 = vector.shape_cast %swap3A_502 : vector<1x16xf32> to vector<16xf32>
      %swap3A_504 = vector.shape_cast %add3A_499 : vector<16xf32> to vector<1x16xf32>
      tpu.vector_store %arg5[%swap3A_500, %swap3A_501], %swap3A_504 {strides = array<i32>} : memref<32x1024xf32, #tpu.memory_space<vmem>>, vector<1x16xf32>,
      %get3A_505 = arith.index_cast %scan3A_58 : i32 to index
      %get3A_506 = arith.constant 512 : index
      %get3A_507 = tpu.vector_load %arg5[%get3A_505, %get3A_506] {strides = array<i32>} : memref<32x1024xf32, #tpu.memory_space<vmem>>, vector<1x16xf32>,
      %get3A_508 = vector.shape_cast %get3A_507 : vector<1x16xf32> to vector<16xf32>
      %get3A_509 = arith.index_cast %scan3A_58 : i32 to index
      %get3A_510 = arith.constant 512 : index
      %get3A_511 = tpu.vector_load %arg6[%get3A_509, %get3A_510] {strides = array<i32>} : memref<32x1024xf32, #tpu.memory_space<vmem>>, vector<1x16xf32>,
      %get3A_512 = vector.shape_cast %get3A_511 : vector<1x16xf32> to vector<16xf32>
      %add3A_513 = arith.addf %get3A_508, %get3A_512 : vector<16xf32>
      %swap3A_514 = arith.index_cast %scan3A_58 : i32 to index
      %swap3A_515 = arith.constant 512 : index
      %swap3A_516 = tpu.vector_load %arg5[%swap3A_514, %swap3A_515] {strides = array<i32>} : memref<32x1024xf32, #tpu.memory_space<vmem>>, vector<1x16xf32>,
      %swap3A_517 = vector.shape_cast %swap3A_516 : vector<1x16xf32> to vector<16xf32>
      %swap3A_518 = vector.shape_cast %add3A_513 : vector<16xf32> to vector<1x16xf32>
      tpu.vector_store %arg5[%swap3A_514, %swap3A_515], %swap3A_518 {strides = array<i32>} : memref<32x1024xf32, #tpu.memory_space<vmem>>, vector<1x16xf32>,
      %get3A_519 = arith.index_cast %scan3A_58 : i32 to index
      %get3A_520 = arith.constant 528 : index
      %get3A_521 = tpu.vector_load %arg5[%get3A_519, %get3A_520] {strides = array<i32>} : memref<32x1024xf32, #tpu.memory_space<vmem>>, vector<1x16xf32>,
      %get3A_522 = vector.shape_cast %get3A_521 : vector<1x16xf32> to vector<16xf32>
      %get3A_523 = arith.index_cast %scan3A_58 : i32 to index
      %get3A_524 = arith.constant 528 : index
      %get3A_525 = tpu.vector_load %arg6[%get3A_523, %get3A_524] {strides = array<i32>} : memref<32x1024xf32, #tpu.memory_space<vmem>>, vector<1x16xf32>,
      %get3A_526 = vector.shape_cast %get3A_525 : vector<1x16xf32> to vector<16xf32>
      %add3A_527 = arith.addf %get3A_522, %get3A_526 : vector<16xf32>
      %swap3A_528 = arith.index_cast %scan3A_58 : i32 to index
      %swap3A_529 = arith.constant 528 : index
      %swap3A_530 = tpu.vector_load %arg5[%swap3A_528, %swap3A_529] {strides = array<i32>} : memref<32x1024xf32, #tpu.memory_space<vmem>>, vector<1x16xf32>,
      %swap3A_531 = vector.shape_cast %swap3A_530 : vector<1x16xf32> to vector<16xf32>
      %swap3A_532 = vector.shape_cast %add3A_527 : vector<16xf32> to vector<1x16xf32>
      tpu.vector_store %arg5[%swap3A_528, %swap3A_529], %swap3A_532 {strides = array<i32>} : memref<32x1024xf32, #tpu.memory_space<vmem>>, vector<1x16xf32>,
      %get3A_533 = arith.index_cast %scan3A_58 : i32 to index
      %get3A_534 = arith.constant 544 : index
      %get3A_535 = tpu.vector_load %arg5[%get3A_533, %get3A_534] {strides = array<i32>} : memref<32x1024xf32, #tpu.memory_space<vmem>>, vector<1x16xf32>,
      %get3A_536 = vector.shape_cast %get3A_535 : vector<1x16xf32> to vector<16xf32>
      %get3A_537 = arith.index_cast %scan3A_58 : i32 to index
      %get3A_538 = arith.constant 544 : index
      %get3A_539 = tpu.vector_load %arg6[%get3A_537, %get3A_538] {strides = array<i32>} : memref<32x1024xf32, #tpu.memory_space<vmem>>, vector<1x16xf32>,
      %get3A_540 = vector.shape_cast %get3A_539 : vector<1x16xf32> to vector<16xf32>
      %add3A_541 = arith.addf %get3A_536, %get3A_540 : vector<16xf32>
      %swap3A_542 = arith.index_cast %scan3A_58 : i32 to index
      %swap3A_543 = arith.constant 544 : index
      %swap3A_544 = tpu.vector_load %arg5[%swap3A_542, %swap3A_543] {strides = array<i32>} : memref<32x1024xf32, #tpu.memory_space<vmem>>, vector<1x16xf32>,
      %swap3A_545 = vector.shape_cast %swap3A_544 : vector<1x16xf32> to vector<16xf32>
      %swap3A_546 = vector.shape_cast %add3A_541 : vector<16xf32> to vector<1x16xf32>
      tpu.vector_store %arg5[%swap3A_542, %swap3A_543], %swap3A_546 {strides = array<i32>} : memref<32x1024xf32, #tpu.memory_space<vmem>>, vector<1x16xf32>,
      %get3A_547 = arith.index_cast %scan3A_58 : i32 to index
      %get3A_548 = arith.constant 560 : index
      %get3A_549 = tpu.vector_load %arg5[%get3A_547, %get3A_548] {strides = array<i32>} : memref<32x1024xf32, #tpu.memory_space<vmem>>, vector<1x16xf32>,
      %get3A_550 = vector.shape_cast %get3A_549 : vector<1x16xf32> to vector<16xf32>
      %get3A_551 = arith.index_cast %scan3A_58 : i32 to index
      %get3A_552 = arith.constant 560 : index
      %get3A_553 = tpu.vector_load %arg6[%get3A_551, %get3A_552] {strides = array<i32>} : memref<32x1024xf32, #tpu.memory_space<vmem>>, vector<1x16xf32>,
      %get3A_554 = vector.shape_cast %get3A_553 : vector<1x16xf32> to vector<16xf32>
      %add3A_555 = arith.addf %get3A_550, %get3A_554 : vector<16xf32>
      %swap3A_556 = arith.index_cast %scan3A_58 : i32 to index
      %swap3A_557 = arith.constant 560 : index
      %swap3A_558 = tpu.vector_load %arg5[%swap3A_556, %swap3A_557] {strides = array<i32>} : memref<32x1024xf32, #tpu.memory_space<vmem>>, vector<1x16xf32>,
      %swap3A_559 = vector.shape_cast %swap3A_558 : vector<1x16xf32> to vector<16xf32>
      %swap3A_560 = vector.shape_cast %add3A_555 : vector<16xf32> to vector<1x16xf32>
      tpu.vector_store %arg5[%swap3A_556, %swap3A_557], %swap3A_560 {strides = array<i32>} : memref<32x1024xf32, #tpu.memory_space<vmem>>, vector<1x16xf32>,
      %get3A_561 = arith.index_cast %scan3A_58 : i32 to index
      %get3A_562 = arith.constant 576 : index
      %get3A_563 = tpu.vector_load %arg5[%get3A_561, %get3A_562] {strides = array<i32>} : memref<32x1024xf32, #tpu.memory_space<vmem>>, vector<1x16xf32>,
      %get3A_564 = vector.shape_cast %get3A_563 : vector<1x16xf32> to vector<16xf32>
      %get3A_565 = arith.index_cast %scan3A_58 : i32 to index
      %get3A_566 = arith.constant 576 : index
      %get3A_567 = tpu.vector_load %arg6[%get3A_565, %get3A_566] {strides = array<i32>} : memref<32x1024xf32, #tpu.memory_space<vmem>>, vector<1x16xf32>,
      %get3A_568 = vector.shape_cast %get3A_567 : vector<1x16xf32> to vector<16xf32>
      %add3A_569 = arith.addf %get3A_564, %get3A_568 : vector<16xf32>
      %swap3A_570 = arith.index_cast %scan3A_58 : i32 to index
      %swap3A_571 = arith.constant 576 : index
      %swap3A_572 = tpu.vector_load %arg5[%swap3A_570, %swap3A_571] {strides = array<i32>} : memref<32x1024xf32, #tpu.memory_space<vmem>>, vector<1x16xf32>,
      %swap3A_573 = vector.shape_cast %swap3A_572 : vector<1x16xf32> to vector<16xf32>
      %swap3A_574 = vector.shape_cast %add3A_569 : vector<16xf32> to vector<1x16xf32>
      tpu.vector_store %arg5[%swap3A_570, %swap3A_571], %swap3A_574 {strides = array<i32>} : memref<32x1024xf32, #tpu.memory_space<vmem>>, vector<1x16xf32>,
      %get3A_575 = arith.index_cast %scan3A_58 : i32 to index
      %get3A_576 = arith.constant 592 : index
      %get3A_577 = tpu.vector_load %arg5[%get3A_575, %get3A_576] {strides = array<i32>} : memref<32x1024xf32, #tpu.memory_space<vmem>>, vector<1x16xf32>,
      %get3A_578 = vector.shape_cast %get3A_577 : vector<1x16xf32> to vector<16xf32>
      %get3A_579 = arith.index_cast %scan3A_58 : i32 to index
      %get3A_580 = arith.constant 592 : index
      %get3A_581 = tpu.vector_load %arg6[%get3A_579, %get3A_580] {strides = array<i32>} : memref<32x1024xf32, #tpu.memory_space<vmem>>, vector<1x16xf32>,
      %get3A_582 = vector.shape_cast %get3A_581 : vector<1x16xf32> to vector<16xf32>
      %add3A_583 = arith.addf %get3A_578, %get3A_582 : vector<16xf32>
      %swap3A_584 = arith.index_cast %scan3A_58 : i32 to index
      %swap3A_585 = arith.constant 592 : index
      %swap3A_586 = tpu.vector_load %arg5[%swap3A_584, %swap3A_585] {strides = array<i32>} : memref<32x1024xf32, #tpu.memory_space<vmem>>, vector<1x16xf32>,
      %swap3A_587 = vector.shape_cast %swap3A_586 : vector<1x16xf32> to vector<16xf32>
      %swap3A_588 = vector.shape_cast %add3A_583 : vector<16xf32> to vector<1x16xf32>
      tpu.vector_store %arg5[%swap3A_584, %swap3A_585], %swap3A_588 {strides = array<i32>} : memref<32x1024xf32, #tpu.memory_space<vmem>>, vector<1x16xf32>,
      %get3A_589 = arith.index_cast %scan3A_58 : i32 to index
      %get3A_590 = arith.constant 608 : index
      %get3A_591 = tpu.vector_load %arg5[%get3A_589, %get3A_590] {strides = array<i32>} : memref<32x1024xf32, #tpu.memory_space<vmem>>, vector<1x16xf32>,
      %get3A_592 = vector.shape_cast %get3A_591 : vector<1x16xf32> to vector<16xf32>
      %get3A_593 = arith.index_cast %scan3A_58 : i32 to index
      %get3A_594 = arith.constant 608 : index
      %get3A_595 = tpu.vector_load %arg6[%get3A_593, %get3A_594] {strides = array<i32>} : memref<32x1024xf32, #tpu.memory_space<vmem>>, vector<1x16xf32>,
      %get3A_596 = vector.shape_cast %get3A_595 : vector<1x16xf32> to vector<16xf32>
      %add3A_597 = arith.addf %get3A_592, %get3A_596 : vector<16xf32>
      %swap3A_598 = arith.index_cast %scan3A_58 : i32 to index
      %swap3A_599 = arith.constant 608 : index
      %swap3A_600 = tpu.vector_load %arg5[%swap3A_598, %swap3A_599] {strides = array<i32>} : memref<32x1024xf32, #tpu.memory_space<vmem>>, vector<1x16xf32>,
      %swap3A_601 = vector.shape_cast %swap3A_600 : vector<1x16xf32> to vector<16xf32>
      %swap3A_602 = vector.shape_cast %add3A_597 : vector<16xf32> to vector<1x16xf32>
      tpu.vector_store %arg5[%swap3A_598, %swap3A_599], %swap3A_602 {strides = array<i32>} : memref<32x1024xf32, #tpu.memory_space<vmem>>, vector<1x16xf32>,
      %get3A_603 = arith.index_cast %scan3A_58 : i32 to index
      %get3A_604 = arith.constant 624 : index
      %get3A_605 = tpu.vector_load %arg5[%get3A_603, %get3A_604] {strides = array<i32>} : memref<32x1024xf32, #tpu.memory_space<vmem>>, vector<1x16xf32>,
      %get3A_606 = vector.shape_cast %get3A_605 : vector<1x16xf32> to vector<16xf32>
      %get3A_607 = arith.index_cast %scan3A_58 : i32 to index
      %get3A_608 = arith.constant 624 : index
      %get3A_609 = tpu.vector_load %arg6[%get3A_607, %get3A_608] {strides = array<i32>} : memref<32x1024xf32, #tpu.memory_space<vmem>>, vector<1x16xf32>,
      %get3A_610 = vector.shape_cast %get3A_609 : vector<1x16xf32> to vector<16xf32>
      %add3A_611 = arith.addf %get3A_606, %get3A_610 : vector<16xf32>
      %swap3A_612 = arith.index_cast %scan3A_58 : i32 to index
      %swap3A_613 = arith.constant 624 : index
      %swap3A_614 = tpu.vector_load %arg5[%swap3A_612, %swap3A_613] {strides = array<i32>} : memref<32x1024xf32, #tpu.memory_space<vmem>>, vector<1x16xf32>,
      %swap3A_615 = vector.shape_cast %swap3A_614 : vector<1x16xf32> to vector<16xf32>
      %swap3A_616 = vector.shape_cast %add3A_611 : vector<16xf32> to vector<1x16xf32>
      tpu.vector_store %arg5[%swap3A_612, %swap3A_613], %swap3A_616 {strides = array<i32>} : memref<32x1024xf32, #tpu.memory_space<vmem>>, vector<1x16xf32>,
      %get3A_617 = arith.index_cast %scan3A_58 : i32 to index
      %get3A_618 = arith.constant 640 : index
      %get3A_619 = tpu.vector_load %arg5[%get3A_617, %get3A_618] {strides = array<i32>} : memref<32x1024xf32, #tpu.memory_space<vmem>>, vector<1x16xf32>,
      %get3A_620 = vector.shape_cast %get3A_619 : vector<1x16xf32> to vector<16xf32>
      %get3A_621 = arith.index_cast %scan3A_58 : i32 to index
      %get3A_622 = arith.constant 640 : index
      %get3A_623 = tpu.vector_load %arg6[%get3A_621, %get3A_622] {strides = array<i32>} : memref<32x1024xf32, #tpu.memory_space<vmem>>, vector<1x16xf32>,
      %get3A_624 = vector.shape_cast %get3A_623 : vector<1x16xf32> to vector<16xf32>
      %add3A_625 = arith.addf %get3A_620, %get3A_624 : vector<16xf32>
      %swap3A_626 = arith.index_cast %scan3A_58 : i32 to index
      %swap3A_627 = arith.constant 640 : index
      %swap3A_628 = tpu.vector_load %arg5[%swap3A_626, %swap3A_627] {strides = array<i32>} : memref<32x1024xf32, #tpu.memory_space<vmem>>, vector<1x16xf32>,
      %swap3A_629 = vector.shape_cast %swap3A_628 : vector<1x16xf32> to vector<16xf32>
      %swap3A_630 = vector.shape_cast %add3A_625 : vector<16xf32> to vector<1x16xf32>
      tpu.vector_store %arg5[%swap3A_626, %swap3A_627], %swap3A_630 {strides = array<i32>} : memref<32x1024xf32, #tpu.memory_space<vmem>>, vector<1x16xf32>,
      %get3A_631 = arith.index_cast %scan3A_58 : i32 to index
      %get3A_632 = arith.constant 656 : index
      %get3A_633 = tpu.vector_load %arg5[%get3A_631, %get3A_632] {strides = array<i32>} : memref<32x1024xf32, #tpu.memory_space<vmem>>, vector<1x16xf32>,
      %get3A_634 = vector.shape_cast %get3A_633 : vector<1x16xf32> to vector<16xf32>
      %get3A_635 = arith.index_cast %scan3A_58 : i32 to index
      %get3A_636 = arith.constant 656 : index
      %get3A_637 = tpu.vector_load %arg6[%get3A_635, %get3A_636] {strides = array<i32>} : memref<32x1024xf32, #tpu.memory_space<vmem>>, vector<1x16xf32>,
      %get3A_638 = vector.shape_cast %get3A_637 : vector<1x16xf32> to vector<16xf32>
      %add3A_639 = arith.addf %get3A_634, %get3A_638 : vector<16xf32>
      %swap3A_640 = arith.index_cast %scan3A_58 : i32 to index
      %swap3A_641 = arith.constant 656 : index
      %swap3A_642 = tpu.vector_load %arg5[%swap3A_640, %swap3A_641] {strides = array<i32>} : memref<32x1024xf32, #tpu.memory_space<vmem>>, vector<1x16xf32>,
      %swap3A_643 = vector.shape_cast %swap3A_642 : vector<1x16xf32> to vector<16xf32>
      %swap3A_644 = vector.shape_cast %add3A_639 : vector<16xf32> to vector<1x16xf32>
      tpu.vector_store %arg5[%swap3A_640, %swap3A_641], %swap3A_644 {strides = array<i32>} : memref<32x1024xf32, #tpu.memory_space<vmem>>, vector<1x16xf32>,
      %get3A_645 = arith.index_cast %scan3A_58 : i32 to index
      %get3A_646 = arith.constant 672 : index
      %get3A_647 = tpu.vector_load %arg5[%get3A_645, %get3A_646] {strides = array<i32>} : memref<32x1024xf32, #tpu.memory_space<vmem>>, vector<1x16xf32>,
      %get3A_648 = vector.shape_cast %get3A_647 : vector<1x16xf32> to vector<16xf32>
      %get3A_649 = arith.index_cast %scan3A_58 : i32 to index
      %get3A_650 = arith.constant 672 : index
      %get3A_651 = tpu.vector_load %arg6[%get3A_649, %get3A_650] {strides = array<i32>} : memref<32x1024xf32, #tpu.memory_space<vmem>>, vector<1x16xf32>,
      %get3A_652 = vector.shape_cast %get3A_651 : vector<1x16xf32> to vector<16xf32>
      %add3A_653 = arith.addf %get3A_648, %get3A_652 : vector<16xf32>
      %swap3A_654 = arith.index_cast %scan3A_58 : i32 to index
      %swap3A_655 = arith.constant 672 : index
      %swap3A_656 = tpu.vector_load %arg5[%swap3A_654, %swap3A_655] {strides = array<i32>} : memref<32x1024xf32, #tpu.memory_space<vmem>>, vector<1x16xf32>,
      %swap3A_657 = vector.shape_cast %swap3A_656 : vector<1x16xf32> to vector<16xf32>
      %swap3A_658 = vector.shape_cast %add3A_653 : vector<16xf32> to vector<1x16xf32>
      tpu.vector_store %arg5[%swap3A_654, %swap3A_655], %swap3A_658 {strides = array<i32>} : memref<32x1024xf32, #tpu.memory_space<vmem>>, vector<1x16xf32>,
      %get3A_659 = arith.index_cast %scan3A_58 : i32 to index
      %get3A_660 = arith.constant 688 : index
      %get3A_661 = tpu.vector_load %arg5[%get3A_659, %get3A_660] {strides = array<i32>} : memref<32x1024xf32, #tpu.memory_space<vmem>>, vector<1x16xf32>,
      %get3A_662 = vector.shape_cast %get3A_661 : vector<1x16xf32> to vector<16xf32>
      %get3A_663 = arith.index_cast %scan3A_58 : i32 to index
      %get3A_664 = arith.constant 688 : index
      %get3A_665 = tpu.vector_load %arg6[%get3A_663, %get3A_664] {strides = array<i32>} : memref<32x1024xf32, #tpu.memory_space<vmem>>, vector<1x16xf32>,
      %get3A_666 = vector.shape_cast %get3A_665 : vector<1x16xf32> to vector<16xf32>
      %add3A_667 = arith.addf %get3A_662, %get3A_666 : vector<16xf32>
      %swap3A_668 = arith.index_cast %scan3A_58 : i32 to index
      %swap3A_669 = arith.constant 688 : index
      %swap3A_670 = tpu.vector_load %arg5[%swap3A_668, %swap3A_669] {strides = array<i32>} : memref<32x1024xf32, #tpu.memory_space<vmem>>, vector<1x16xf32>,
      %swap3A_671 = vector.shape_cast %swap3A_670 : vector<1x16xf32> to vector<16xf32>
      %swap3A_672 = vector.shape_cast %add3A_667 : vector<16xf32> to vector<1x16xf32>
      tpu.vector_store %arg5[%swap3A_668, %swap3A_669], %swap3A_672 {strides = array<i32>} : memref<32x1024xf32, #tpu.memory_space<vmem>>, vector<1x16xf32>,
      %get3A_673 = arith.index_cast %scan3A_58 : i32 to index
      %get3A_674 = arith.constant 704 : index
      %get3A_675 = tpu.vector_load %arg5[%get3A_673, %get3A_674] {strides = array<i32>} : memref<32x1024xf32, #tpu.memory_space<vmem>>, vector<1x16xf32>,
      %get3A_676 = vector.shape_cast %get3A_675 : vector<1x16xf32> to vector<16xf32>
      %get3A_677 = arith.index_cast %scan3A_58 : i32 to index
      %get3A_678 = arith.constant 704 : index
      %get3A_679 = tpu.vector_load %arg6[%get3A_677, %get3A_678] {strides = array<i32>} : memref<32x1024xf32, #tpu.memory_space<vmem>>, vector<1x16xf32>,
      %get3A_680 = vector.shape_cast %get3A_679 : vector<1x16xf32> to vector<16xf32>
      %add3A_681 = arith.addf %get3A_676, %get3A_680 : vector<16xf32>
      %swap3A_682 = arith.index_cast %scan3A_58 : i32 to index
      %swap3A_683 = arith.constant 704 : index
      %swap3A_684 = tpu.vector_load %arg5[%swap3A_682, %swap3A_683] {strides = array<i32>} : memref<32x1024xf32, #tpu.memory_space<vmem>>, vector<1x16xf32>,
      %swap3A_685 = vector.shape_cast %swap3A_684 : vector<1x16xf32> to vector<16xf32>
      %swap3A_686 = vector.shape_cast %add3A_681 : vector<16xf32> to vector<1x16xf32>
      tpu.vector_store %arg5[%swap3A_682, %swap3A_683], %swap3A_686 {strides = array<i32>} : memref<32x1024xf32, #tpu.memory_space<vmem>>, vector<1x16xf32>,
      %get3A_687 = arith.index_cast %scan3A_58 : i32 to index
      %get3A_688 = arith.constant 720 : index
      %get3A_689 = tpu.vector_load %arg5[%get3A_687, %get3A_688] {strides = array<i32>} : memref<32x1024xf32, #tpu.memory_space<vmem>>, vector<1x16xf32>,
      %get3A_690 = vector.shape_cast %get3A_689 : vector<1x16xf32> to vector<16xf32>
      %get3A_691 = arith.index_cast %scan3A_58 : i32 to index
      %get3A_692 = arith.constant 720 : index
      %get3A_693 = tpu.vector_load %arg6[%get3A_691, %get3A_692] {strides = array<i32>} : memref<32x1024xf32, #tpu.memory_space<vmem>>, vector<1x16xf32>,
      %get3A_694 = vector.shape_cast %get3A_693 : vector<1x16xf32> to vector<16xf32>
      %add3A_695 = arith.addf %get3A_690, %get3A_694 : vector<16xf32>
      %swap3A_696 = arith.index_cast %scan3A_58 : i32 to index
      %swap3A_697 = arith.constant 720 : index
      %swap3A_698 = tpu.vector_load %arg5[%swap3A_696, %swap3A_697] {strides = array<i32>} : memref<32x1024xf32, #tpu.memory_space<vmem>>, vector<1x16xf32>,
      %swap3A_699 = vector.shape_cast %swap3A_698 : vector<1x16xf32> to vector<16xf32>
      %swap3A_700 = vector.shape_cast %add3A_695 : vector<16xf32> to vector<1x16xf32>
      tpu.vector_store %arg5[%swap3A_696, %swap3A_697], %swap3A_700 {strides = array<i32>} : memref<32x1024xf32, #tpu.memory_space<vmem>>, vector<1x16xf32>,
      %get3A_701 = arith.index_cast %scan3A_58 : i32 to index
      %get3A_702 = arith.constant 736 : index
      %get3A_703 = tpu.vector_load %arg5[%get3A_701, %get3A_702] {strides = array<i32>} : memref<32x1024xf32, #tpu.memory_space<vmem>>, vector<1x16xf32>,
      %get3A_704 = vector.shape_cast %get3A_703 : vector<1x16xf32> to vector<16xf32>
      %get3A_705 = arith.index_cast %scan3A_58 : i32 to index
      %get3A_706 = arith.constant 736 : index
      %get3A_707 = tpu.vector_load %arg6[%get3A_705, %get3A_706] {strides = array<i32>} : memref<32x1024xf32, #tpu.memory_space<vmem>>, vector<1x16xf32>,
      %get3A_708 = vector.shape_cast %get3A_707 : vector<1x16xf32> to vector<16xf32>
      %add3A_709 = arith.addf %get3A_704, %get3A_708 : vector<16xf32>
      %swap3A_710 = arith.index_cast %scan3A_58 : i32 to index
      %swap3A_711 = arith.constant 736 : index
      %swap3A_712 = tpu.vector_load %arg5[%swap3A_710, %swap3A_711] {strides = array<i32>} : memref<32x1024xf32, #tpu.memory_space<vmem>>, vector<1x16xf32>,
      %swap3A_713 = vector.shape_cast %swap3A_712 : vector<1x16xf32> to vector<16xf32>
      %swap3A_714 = vector.shape_cast %add3A_709 : vector<16xf32> to vector<1x16xf32>
      tpu.vector_store %arg5[%swap3A_710, %swap3A_711], %swap3A_714 {strides = array<i32>} : memref<32x1024xf32, #tpu.memory_space<vmem>>, vector<1x16xf32>,
      %get3A_715 = arith.index_cast %scan3A_58 : i32 to index
      %get3A_716 = arith.constant 752 : index
      %get3A_717 = tpu.vector_load %arg5[%get3A_715, %get3A_716] {strides = array<i32>} : memref<32x1024xf32, #tpu.memory_space<vmem>>, vector<1x16xf32>,
      %get3A_718 = vector.shape_cast %get3A_717 : vector<1x16xf32> to vector<16xf32>
      %get3A_719 = arith.index_cast %scan3A_58 : i32 to index
      %get3A_720 = arith.constant 752 : index
      %get3A_721 = tpu.vector_load %arg6[%get3A_719, %get3A_720] {strides = array<i32>} : memref<32x1024xf32, #tpu.memory_space<vmem>>, vector<1x16xf32>,
      %get3A_722 = vector.shape_cast %get3A_721 : vector<1x16xf32> to vector<16xf32>
      %add3A_723 = arith.addf %get3A_718, %get3A_722 : vector<16xf32>
      %swap3A_724 = arith.index_cast %scan3A_58 : i32 to index
      %swap3A_725 = arith.constant 752 : index
      %swap3A_726 = tpu.vector_load %arg5[%swap3A_724, %swap3A_725] {strides = array<i32>} : memref<32x1024xf32, #tpu.memory_space<vmem>>, vector<1x16xf32>,
      %swap3A_727 = vector.shape_cast %swap3A_726 : vector<1x16xf32> to vector<16xf32>
      %swap3A_728 = vector.shape_cast %add3A_723 : vector<16xf32> to vector<1x16xf32>
      tpu.vector_store %arg5[%swap3A_724, %swap3A_725], %swap3A_728 {strides = array<i32>} : memref<32x1024xf32, #tpu.memory_space<vmem>>, vector<1x16xf32>,
      %get3A_729 = arith.index_cast %scan3A_58 : i32 to index
      %get3A_730 = arith.constant 768 : index
      %get3A_731 = tpu.vector_load %arg5[%get3A_729, %get3A_730] {strides = array<i32>} : memref<32x1024xf32, #tpu.memory_space<vmem>>, vector<1x16xf32>,
      %get3A_732 = vector.shape_cast %get3A_731 : vector<1x16xf32> to vector<16xf32>
      %get3A_733 = arith.index_cast %scan3A_58 : i32 to index
      %get3A_734 = arith.constant 768 : index
      %get3A_735 = tpu.vector_load %arg6[%get3A_733, %get3A_734] {strides = array<i32>} : memref<32x1024xf32, #tpu.memory_space<vmem>>, vector<1x16xf32>,
      %get3A_736 = vector.shape_cast %get3A_735 : vector<1x16xf32> to vector<16xf32>
      %add3A_737 = arith.addf %get3A_732, %get3A_736 : vector<16xf32>
      %swap3A_738 = arith.index_cast %scan3A_58 : i32 to index
      %swap3A_739 = arith.constant 768 : index
      %swap3A_740 = tpu.vector_load %arg5[%swap3A_738, %swap3A_739] {strides = array<i32>} : memref<32x1024xf32, #tpu.memory_space<vmem>>, vector<1x16xf32>,
      %swap3A_741 = vector.shape_cast %swap3A_740 : vector<1x16xf32> to vector<16xf32>
      %swap3A_742 = vector.shape_cast %add3A_737 : vector<16xf32> to vector<1x16xf32>
      tpu.vector_store %arg5[%swap3A_738, %swap3A_739], %swap3A_742 {strides = array<i32>} : memref<32x1024xf32, #tpu.memory_space<vmem>>, vector<1x16xf32>,
      %get3A_743 = arith.index_cast %scan3A_58 : i32 to index
      %get3A_744 = arith.constant 784 : index
      %get3A_745 = tpu.vector_load %arg5[%get3A_743, %get3A_744] {strides = array<i32>} : memref<32x1024xf32, #tpu.memory_space<vmem>>, vector<1x16xf32>,
      %get3A_746 = vector.shape_cast %get3A_745 : vector<1x16xf32> to vector<16xf32>
      %get3A_747 = arith.index_cast %scan3A_58 : i32 to index
      %get3A_748 = arith.constant 784 : index
      %get3A_749 = tpu.vector_load %arg6[%get3A_747, %get3A_748] {strides = array<i32>} : memref<32x1024xf32, #tpu.memory_space<vmem>>, vector<1x16xf32>,
      %get3A_750 = vector.shape_cast %get3A_749 : vector<1x16xf32> to vector<16xf32>
      %add3A_751 = arith.addf %get3A_746, %get3A_750 : vector<16xf32>
      %swap3A_752 = arith.index_cast %scan3A_58 : i32 to index
      %swap3A_753 = arith.constant 784 : index
      %swap3A_754 = tpu.vector_load %arg5[%swap3A_752, %swap3A_753] {strides = array<i32>} : memref<32x1024xf32, #tpu.memory_space<vmem>>, vector<1x16xf32>,
      %swap3A_755 = vector.shape_cast %swap3A_754 : vector<1x16xf32> to vector<16xf32>
      %swap3A_756 = vector.shape_cast %add3A_751 : vector<16xf32> to vector<1x16xf32>
      tpu.vector_store %arg5[%swap3A_752, %swap3A_753], %swap3A_756 {strides = array<i32>} : memref<32x1024xf32, #tpu.memory_space<vmem>>, vector<1x16xf32>,
      %get3A_757 = arith.index_cast %scan3A_58 : i32 to index
      %get3A_758 = arith.constant 800 : index
      %get3A_759 = tpu.vector_load %arg5[%get3A_757, %get3A_758] {strides = array<i32>} : memref<32x1024xf32, #tpu.memory_space<vmem>>, vector<1x16xf32>,
      %get3A_760 = vector.shape_cast %get3A_759 : vector<1x16xf32> to vector<16xf32>
      %get3A_761 = arith.index_cast %scan3A_58 : i32 to index
      %get3A_762 = arith.constant 800 : index
      %get3A_763 = tpu.vector_load %arg6[%get3A_761, %get3A_762] {strides = array<i32>} : memref<32x1024xf32, #tpu.memory_space<vmem>>, vector<1x16xf32>,
      %get3A_764 = vector.shape_cast %get3A_763 : vector<1x16xf32> to vector<16xf32>
      %add3A_765 = arith.addf %get3A_760, %get3A_764 : vector<16xf32>
      %swap3A_766 = arith.index_cast %scan3A_58 : i32 to index
      %swap3A_767 = arith.constant 800 : index
      %swap3A_768 = tpu.vector_load %arg5[%swap3A_766, %swap3A_767] {strides = array<i32>} : memref<32x1024xf32, #tpu.memory_space<vmem>>, vector<1x16xf32>,
      %swap3A_769 = vector.shape_cast %swap3A_768 : vector<1x16xf32> to vector<16xf32>
      %swap3A_770 = vector.shape_cast %add3A_765 : vector<16xf32> to vector<1x16xf32>
      tpu.vector_store %arg5[%swap3A_766, %swap3A_767], %swap3A_770 {strides = array<i32>} : memref<32x1024xf32, #tpu.memory_space<vmem>>, vector<1x16xf32>,
      %get3A_771 = arith.index_cast %scan3A_58 : i32 to index
      %get3A_772 = arith.constant 816 : index
      %get3A_773 = tpu.vector_load %arg5[%get3A_771, %get3A_772] {strides = array<i32>} : memref<32x1024xf32, #tpu.memory_space<vmem>>, vector<1x16xf32>,
      %get3A_774 = vector.shape_cast %get3A_773 : vector<1x16xf32> to vector<16xf32>
      %get3A_775 = arith.index_cast %scan3A_58 : i32 to index
      %get3A_776 = arith.constant 816 : index
      %get3A_777 = tpu.vector_load %arg6[%get3A_775, %get3A_776] {strides = array<i32>} : memref<32x1024xf32, #tpu.memory_space<vmem>>, vector<1x16xf32>,
      %get3A_778 = vector.shape_cast %get3A_777 : vector<1x16xf32> to vector<16xf32>
      %add3A_779 = arith.addf %get3A_774, %get3A_778 : vector<16xf32>
      %swap3A_780 = arith.index_cast %scan3A_58 : i32 to index
      %swap3A_781 = arith.constant 816 : index
      %swap3A_782 = tpu.vector_load %arg5[%swap3A_780, %swap3A_781] {strides = array<i32>} : memref<32x1024xf32, #tpu.memory_space<vmem>>, vector<1x16xf32>,
      %swap3A_783 = vector.shape_cast %swap3A_782 : vector<1x16xf32> to vector<16xf32>
      %swap3A_784 = vector.shape_cast %add3A_779 : vector<16xf32> to vector<1x16xf32>
      tpu.vector_store %arg5[%swap3A_780, %swap3A_781], %swap3A_784 {strides = array<i32>} : memref<32x1024xf32, #tpu.memory_space<vmem>>, vector<1x16xf32>,
      %get3A_785 = arith.index_cast %scan3A_58 : i32 to index
      %get3A_786 = arith.constant 832 : index
      %get3A_787 = tpu.vector_load %arg5[%get3A_785, %get3A_786] {strides = array<i32>} : memref<32x1024xf32, #tpu.memory_space<vmem>>, vector<1x16xf32>,
      %get3A_788 = vector.shape_cast %get3A_787 : vector<1x16xf32> to vector<16xf32>
      %get3A_789 = arith.index_cast %scan3A_58 : i32 to index
      %get3A_790 = arith.constant 832 : index
      %get3A_791 = tpu.vector_load %arg6[%get3A_789, %get3A_790] {strides = array<i32>} : memref<32x1024xf32, #tpu.memory_space<vmem>>, vector<1x16xf32>,
      %get3A_792 = vector.shape_cast %get3A_791 : vector<1x16xf32> to vector<16xf32>
      %add3A_793 = arith.addf %get3A_788, %get3A_792 : vector<16xf32>
      %swap3A_794 = arith.index_cast %scan3A_58 : i32 to index
      %swap3A_795 = arith.constant 832 : index
      %swap3A_796 = tpu.vector_load %arg5[%swap3A_794, %swap3A_795] {strides = array<i32>} : memref<32x1024xf32, #tpu.memory_space<vmem>>, vector<1x16xf32>,
      %swap3A_797 = vector.shape_cast %swap3A_796 : vector<1x16xf32> to vector<16xf32>
      %swap3A_798 = vector.shape_cast %add3A_793 : vector<16xf32> to vector<1x16xf32>
      tpu.vector_store %arg5[%swap3A_794, %swap3A_795], %swap3A_798 {strides = array<i32>} : memref<32x1024xf32, #tpu.memory_space<vmem>>, vector<1x16xf32>,
      %get3A_799 = arith.index_cast %scan3A_58 : i32 to index
      %get3A_800 = arith.constant 848 : index
      %get3A_801 = tpu.vector_load %arg5[%get3A_799, %get3A_800] {strides = array<i32>} : memref<32x1024xf32, #tpu.memory_space<vmem>>, vector<1x16xf32>,
      %get3A_802 = vector.shape_cast %get3A_801 : vector<1x16xf32> to vector<16xf32>
      %get3A_803 = arith.index_cast %scan3A_58 : i32 to index
      %get3A_804 = arith.constant 848 : index
      %get3A_805 = tpu.vector_load %arg6[%get3A_803, %get3A_804] {strides = array<i32>} : memref<32x1024xf32, #tpu.memory_space<vmem>>, vector<1x16xf32>,
      %get3A_806 = vector.shape_cast %get3A_805 : vector<1x16xf32> to vector<16xf32>
      %add3A_807 = arith.addf %get3A_802, %get3A_806 : vector<16xf32>
      %swap3A_808 = arith.index_cast %scan3A_58 : i32 to index
      %swap3A_809 = arith.constant 848 : index
      %swap3A_810 = tpu.vector_load %arg5[%swap3A_808, %swap3A_809] {strides = array<i32>} : memref<32x1024xf32, #tpu.memory_space<vmem>>, vector<1x16xf32>,
      %swap3A_811 = vector.shape_cast %swap3A_810 : vector<1x16xf32> to vector<16xf32>
      %swap3A_812 = vector.shape_cast %add3A_807 : vector<16xf32> to vector<1x16xf32>
      tpu.vector_store %arg5[%swap3A_808, %swap3A_809], %swap3A_812 {strides = array<i32>} : memref<32x1024xf32, #tpu.memory_space<vmem>>, vector<1x16xf32>,
      %get3A_813 = arith.index_cast %scan3A_58 : i32 to index
      %get3A_814 = arith.constant 864 : index
      %get3A_815 = tpu.vector_load %arg5[%get3A_813, %get3A_814] {strides = array<i32>} : memref<32x1024xf32, #tpu.memory_space<vmem>>, vector<1x16xf32>,
      %get3A_816 = vector.shape_cast %get3A_815 : vector<1x16xf32> to vector<16xf32>
      %get3A_817 = arith.index_cast %scan3A_58 : i32 to index
      %get3A_818 = arith.constant 864 : index
      %get3A_819 = tpu.vector_load %arg6[%get3A_817, %get3A_818] {strides = array<i32>} : memref<32x1024xf32, #tpu.memory_space<vmem>>, vector<1x16xf32>,
      %get3A_820 = vector.shape_cast %get3A_819 : vector<1x16xf32> to vector<16xf32>
      %add3A_821 = arith.addf %get3A_816, %get3A_820 : vector<16xf32>
      %swap3A_822 = arith.index_cast %scan3A_58 : i32 to index
      %swap3A_823 = arith.constant 864 : index
      %swap3A_824 = tpu.vector_load %arg5[%swap3A_822, %swap3A_823] {strides = array<i32>} : memref<32x1024xf32, #tpu.memory_space<vmem>>, vector<1x16xf32>,
      %swap3A_825 = vector.shape_cast %swap3A_824 : vector<1x16xf32> to vector<16xf32>
      %swap3A_826 = vector.shape_cast %add3A_821 : vector<16xf32> to vector<1x16xf32>
      tpu.vector_store %arg5[%swap3A_822, %swap3A_823], %swap3A_826 {strides = array<i32>} : memref<32x1024xf32, #tpu.memory_space<vmem>>, vector<1x16xf32>,
      %get3A_827 = arith.index_cast %scan3A_58 : i32 to index
      %get3A_828 = arith.constant 880 : index
      %get3A_829 = tpu.vector_load %arg5[%get3A_827, %get3A_828] {strides = array<i32>} : memref<32x1024xf32, #tpu.memory_space<vmem>>, vector<1x16xf32>,
      %get3A_830 = vector.shape_cast %get3A_829 : vector<1x16xf32> to vector<16xf32>
      %get3A_831 = arith.index_cast %scan3A_58 : i32 to index
      %get3A_832 = arith.constant 880 : index
      %get3A_833 = tpu.vector_load %arg6[%get3A_831, %get3A_832] {strides = array<i32>} : memref<32x1024xf32, #tpu.memory_space<vmem>>, vector<1x16xf32>,
      %get3A_834 = vector.shape_cast %get3A_833 : vector<1x16xf32> to vector<16xf32>
      %add3A_835 = arith.addf %get3A_830, %get3A_834 : vector<16xf32>
      %swap3A_836 = arith.index_cast %scan3A_58 : i32 to index
      %swap3A_837 = arith.constant 880 : index
      %swap3A_838 = tpu.vector_load %arg5[%swap3A_836, %swap3A_837] {strides = array<i32>} : memref<32x1024xf32, #tpu.memory_space<vmem>>, vector<1x16xf32>,
      %swap3A_839 = vector.shape_cast %swap3A_838 : vector<1x16xf32> to vector<16xf32>
      %swap3A_840 = vector.shape_cast %add3A_835 : vector<16xf32> to vector<1x16xf32>
      tpu.vector_store %arg5[%swap3A_836, %swap3A_837], %swap3A_840 {strides = array<i32>} : memref<32x1024xf32, #tpu.memory_space<vmem>>, vector<1x16xf32>,
      %get3A_841 = arith.index_cast %scan3A_58 : i32 to index
      %get3A_842 = arith.constant 896 : index
      %get3A_843 = tpu.vector_load %arg5[%get3A_841, %get3A_842] {strides = array<i32>} : memref<32x1024xf32, #tpu.memory_space<vmem>>, vector<1x16xf32>,
      %get3A_844 = vector.shape_cast %get3A_843 : vector<1x16xf32> to vector<16xf32>
      %get3A_845 = arith.index_cast %scan3A_58 : i32 to index
      %get3A_846 = arith.constant 896 : index
      %get3A_847 = tpu.vector_load %arg6[%get3A_845, %get3A_846] {strides = array<i32>} : memref<32x1024xf32, #tpu.memory_space<vmem>>, vector<1x16xf32>,
      %get3A_848 = vector.shape_cast %get3A_847 : vector<1x16xf32> to vector<16xf32>
      %add3A_849 = arith.addf %get3A_844, %get3A_848 : vector<16xf32>
      %swap3A_850 = arith.index_cast %scan3A_58 : i32 to index
      %swap3A_851 = arith.constant 896 : index
      %swap3A_852 = tpu.vector_load %arg5[%swap3A_850, %swap3A_851] {strides = array<i32>} : memref<32x1024xf32, #tpu.memory_space<vmem>>, vector<1x16xf32>,
      %swap3A_853 = vector.shape_cast %swap3A_852 : vector<1x16xf32> to vector<16xf32>
      %swap3A_854 = vector.shape_cast %add3A_849 : vector<16xf32> to vector<1x16xf32>
      tpu.vector_store %arg5[%swap3A_850, %swap3A_851], %swap3A_854 {strides = array<i32>} : memref<32x1024xf32, #tpu.memory_space<vmem>>, vector<1x16xf32>,
      %get3A_855 = arith.index_cast %scan3A_58 : i32 to index
      %get3A_856 = arith.constant 912 : index
      %get3A_857 = tpu.vector_load %arg5[%get3A_855, %get3A_856] {strides = array<i32>} : memref<32x1024xf32, #tpu.memory_space<vmem>>, vector<1x16xf32>,
      %get3A_858 = vector.shape_cast %get3A_857 : vector<1x16xf32> to vector<16xf32>
      %get3A_859 = arith.index_cast %scan3A_58 : i32 to index
      %get3A_860 = arith.constant 912 : index
      %get3A_861 = tpu.vector_load %arg6[%get3A_859, %get3A_860] {strides = array<i32>} : memref<32x1024xf32, #tpu.memory_space<vmem>>, vector<1x16xf32>,
      %get3A_862 = vector.shape_cast %get3A_861 : vector<1x16xf32> to vector<16xf32>
      %add3A_863 = arith.addf %get3A_858, %get3A_862 : vector<16xf32>
      %swap3A_864 = arith.index_cast %scan3A_58 : i32 to index
      %swap3A_865 = arith.constant 912 : index
      %swap3A_866 = tpu.vector_load %arg5[%swap3A_864, %swap3A_865] {strides = array<i32>} : memref<32x1024xf32, #tpu.memory_space<vmem>>, vector<1x16xf32>,
      %swap3A_867 = vector.shape_cast %swap3A_866 : vector<1x16xf32> to vector<16xf32>
      %swap3A_868 = vector.shape_cast %add3A_863 : vector<16xf32> to vector<1x16xf32>
      tpu.vector_store %arg5[%swap3A_864, %swap3A_865], %swap3A_868 {strides = array<i32>} : memref<32x1024xf32, #tpu.memory_space<vmem>>, vector<1x16xf32>,
      %get3A_869 = arith.index_cast %scan3A_58 : i32 to index
      %get3A_870 = arith.constant 928 : index
      %get3A_871 = tpu.vector_load %arg5[%get3A_869, %get3A_870] {strides = array<i32>} : memref<32x1024xf32, #tpu.memory_space<vmem>>, vector<1x16xf32>,
      %get3A_872 = vector.shape_cast %get3A_871 : vector<1x16xf32> to vector<16xf32>
      %get3A_873 = arith.index_cast %scan3A_58 : i32 to index
      %get3A_874 = arith.constant 928 : index
      %get3A_875 = tpu.vector_load %arg6[%get3A_873, %get3A_874] {strides = array<i32>} : memref<32x1024xf32, #tpu.memory_space<vmem>>, vector<1x16xf32>,
      %get3A_876 = vector.shape_cast %get3A_875 : vector<1x16xf32> to vector<16xf32>
      %add3A_877 = arith.addf %get3A_872, %get3A_876 : vector<16xf32>
      %swap3A_878 = arith.index_cast %scan3A_58 : i32 to index
      %swap3A_879 = arith.constant 928 : index
      %swap3A_880 = tpu.vector_load %arg5[%swap3A_878, %swap3A_879] {strides = array<i32>} : memref<32x1024xf32, #tpu.memory_space<vmem>>, vector<1x16xf32>,
      %swap3A_881 = vector.shape_cast %swap3A_880 : vector<1x16xf32> to vector<16xf32>
      %swap3A_882 = vector.shape_cast %add3A_877 : vector<16xf32> to vector<1x16xf32>
      tpu.vector_store %arg5[%swap3A_878, %swap3A_879], %swap3A_882 {strides = array<i32>} : memref<32x1024xf32, #tpu.memory_space<vmem>>, vector<1x16xf32>,
      %get3A_883 = arith.index_cast %scan3A_58 : i32 to index
      %get3A_884 = arith.constant 944 : index
      %get3A_885 = tpu.vector_load %arg5[%get3A_883, %get3A_884] {strides = array<i32>} : memref<32x1024xf32, #tpu.memory_space<vmem>>, vector<1x16xf32>,
      %get3A_886 = vector.shape_cast %get3A_885 : vector<1x16xf32> to vector<16xf32>
      %get3A_887 = arith.index_cast %scan3A_58 : i32 to index
      %get3A_888 = arith.constant 944 : index
      %get3A_889 = tpu.vector_load %arg6[%get3A_887, %get3A_888] {strides = array<i32>} : memref<32x1024xf32, #tpu.memory_space<vmem>>, vector<1x16xf32>,
      %get3A_890 = vector.shape_cast %get3A_889 : vector<1x16xf32> to vector<16xf32>
      %add3A_891 = arith.addf %get3A_886, %get3A_890 : vector<16xf32>
      %swap3A_892 = arith.index_cast %scan3A_58 : i32 to index
      %swap3A_893 = arith.constant 944 : index
      %swap3A_894 = tpu.vector_load %arg5[%swap3A_892, %swap3A_893] {strides = array<i32>} : memref<32x1024xf32, #tpu.memory_space<vmem>>, vector<1x16xf32>,
      %swap3A_895 = vector.shape_cast %swap3A_894 : vector<1x16xf32> to vector<16xf32>
      %swap3A_896 = vector.shape_cast %add3A_891 : vector<16xf32> to vector<1x16xf32>
      tpu.vector_store %arg5[%swap3A_892, %swap3A_893], %swap3A_896 {strides = array<i32>} : memref<32x1024xf32, #tpu.memory_space<vmem>>, vector<1x16xf32>,
      %get3A_897 = arith.index_cast %scan3A_58 : i32 to index
      %get3A_898 = arith.constant 960 : index
      %get3A_899 = tpu.vector_load %arg5[%get3A_897, %get3A_898] {strides = array<i32>} : memref<32x1024xf32, #tpu.memory_space<vmem>>, vector<1x16xf32>,
      %get3A_900 = vector.shape_cast %get3A_899 : vector<1x16xf32> to vector<16xf32>
      %get3A_901 = arith.index_cast %scan3A_58 : i32 to index
      %get3A_902 = arith.constant 960 : index
      %get3A_903 = tpu.vector_load %arg6[%get3A_901, %get3A_902] {strides = array<i32>} : memref<32x1024xf32, #tpu.memory_space<vmem>>, vector<1x16xf32>,
      %get3A_904 = vector.shape_cast %get3A_903 : vector<1x16xf32> to vector<16xf32>
      %add3A_905 = arith.addf %get3A_900, %get3A_904 : vector<16xf32>
      %swap3A_906 = arith.index_cast %scan3A_58 : i32 to index
      %swap3A_907 = arith.constant 960 : index
      %swap3A_908 = tpu.vector_load %arg5[%swap3A_906, %swap3A_907] {strides = array<i32>} : memref<32x1024xf32, #tpu.memory_space<vmem>>, vector<1x16xf32>,
      %swap3A_909 = vector.shape_cast %swap3A_908 : vector<1x16xf32> to vector<16xf32>
      %swap3A_910 = vector.shape_cast %add3A_905 : vector<16xf32> to vector<1x16xf32>
      tpu.vector_store %arg5[%swap3A_906, %swap3A_907], %swap3A_910 {strides = array<i32>} : memref<32x1024xf32, #tpu.memory_space<vmem>>, vector<1x16xf32>,
      %get3A_911 = arith.index_cast %scan3A_58 : i32 to index
      %get3A_912 = arith.constant 976 : index
      %get3A_913 = tpu.vector_load %arg5[%get3A_911, %get3A_912] {strides = array<i32>} : memref<32x1024xf32, #tpu.memory_space<vmem>>, vector<1x16xf32>,
      %get3A_914 = vector.shape_cast %get3A_913 : vector<1x16xf32> to vector<16xf32>
      %get3A_915 = arith.index_cast %scan3A_58 : i32 to index
      %get3A_916 = arith.constant 976 : index
      %get3A_917 = tpu.vector_load %arg6[%get3A_915, %get3A_916] {strides = array<i32>} : memref<32x1024xf32, #tpu.memory_space<vmem>>, vector<1x16xf32>,
      %get3A_918 = vector.shape_cast %get3A_917 : vector<1x16xf32> to vector<16xf32>
      %add3A_919 = arith.addf %get3A_914, %get3A_918 : vector<16xf32>
      %swap3A_920 = arith.index_cast %scan3A_58 : i32 to index
      %swap3A_921 = arith.constant 976 : index
      %swap3A_922 = tpu.vector_load %arg5[%swap3A_920, %swap3A_921] {strides = array<i32>} : memref<32x1024xf32, #tpu.memory_space<vmem>>, vector<1x16xf32>,
      %swap3A_923 = vector.shape_cast %swap3A_922 : vector<1x16xf32> to vector<16xf32>
      %swap3A_924 = vector.shape_cast %add3A_919 : vector<16xf32> to vector<1x16xf32>
      tpu.vector_store %arg5[%swap3A_920, %swap3A_921], %swap3A_924 {strides = array<i32>} : memref<32x1024xf32, #tpu.memory_space<vmem>>, vector<1x16xf32>,
      %get3A_925 = arith.index_cast %scan3A_58 : i32 to index
      %get3A_926 = arith.constant 992 : index
      %get3A_927 = tpu.vector_load %arg5[%get3A_925, %get3A_926] {strides = array<i32>} : memref<32x1024xf32, #tpu.memory_space<vmem>>, vector<1x16xf32>,
      %get3A_928 = vector.shape_cast %get3A_927 : vector<1x16xf32> to vector<16xf32>
      %get3A_929 = arith.index_cast %scan3A_58 : i32 to index
      %get3A_930 = arith.constant 992 : index
      %get3A_931 = tpu.vector_load %arg6[%get3A_929, %get3A_930] {strides = array<i32>} : memref<32x1024xf32, #tpu.memory_space<vmem>>, vector<1x16xf32>,
      %get3A_932 = vector.shape_cast %get3A_931 : vector<1x16xf32> to vector<16xf32>
      %add3A_933 = arith.addf %get3A_928, %get3A_932 : vector<16xf32>
      %swap3A_934 = arith.index_cast %scan3A_58 : i32 to index
      %swap3A_935 = arith.constant 992 : index
      %swap3A_936 = tpu.vector_load %arg5[%swap3A_934, %swap3A_935] {strides = array<i32>} : memref<32x1024xf32, #tpu.memory_space<vmem>>, vector<1x16xf32>,
      %swap3A_937 = vector.shape_cast %swap3A_936 : vector<1x16xf32> to vector<16xf32>
      %swap3A_938 = vector.shape_cast %add3A_933 : vector<16xf32> to vector<1x16xf32>
      tpu.vector_store %arg5[%swap3A_934, %swap3A_935], %swap3A_938 {strides = array<i32>} : memref<32x1024xf32, #tpu.memory_space<vmem>>, vector<1x16xf32>,
      %get3A_939 = arith.index_cast %scan3A_58 : i32 to index
      %get3A_940 = arith.constant 1008 : index
      %get3A_941 = tpu.vector_load %arg5[%get3A_939, %get3A_940] {strides = array<i32>} : memref<32x1024xf32, #tpu.memory_space<vmem>>, vector<1x16xf32>,
      %get3A_942 = vector.shape_cast %get3A_941 : vector<1x16xf32> to vector<16xf32>
      %get3A_943 = arith.index_cast %scan3A_58 : i32 to index
      %get3A_944 = arith.constant 1008 : index
      %get3A_945 = tpu.vector_load %arg6[%get3A_943, %get3A_944] {strides = array<i32>} : memref<32x1024xf32, #tpu.memory_space<vmem>>, vector<1x16xf32>,
      %get3A_946 = vector.shape_cast %get3A_945 : vector<1x16xf32> to vector<16xf32>
      %add3A_947 = arith.addf %get3A_942, %get3A_946 : vector<16xf32>
      %swap3A_948 = arith.index_cast %scan3A_58 : i32 to index
      %swap3A_949 = arith.constant 1008 : index
      %swap3A_950 = tpu.vector_load %arg5[%swap3A_948, %swap3A_949] {strides = array<i32>} : memref<32x1024xf32, #tpu.memory_space<vmem>>, vector<1x16xf32>,
      %swap3A_951 = vector.shape_cast %swap3A_950 : vector<1x16xf32> to vector<16xf32>
      %swap3A_952 = vector.shape_cast %add3A_947 : vector<16xf32> to vector<1x16xf32>
      tpu.vector_store %arg5[%swap3A_948, %swap3A_949], %swap3A_952 {strides = array<i32>} : memref<32x1024xf32, #tpu.memory_space<vmem>>, vector<1x16xf32>,
    }
    %scan3A_55 = arith.constant 32 : i32
    %add3A_56 = arith.constant 32 : i32
    %add3A_57 = arith.addi %mul3A_2, %add3A_56 : i32
    "tpu.region"() ({
      %run_scoped3A = tpu.sem_alloc : memref<!tpu.dma_semaphore, #tpu.memory_space<semaphore_mem>>
      %dma_start3A_58 = arith.constant 0 : i32
      %dma_start3A_59 = tpu.memref_slice %arg4[%add3A_57, %dma_start3A_58] : memref<2048x1024xf32, #tpu.memory_space<hbm>> -> memref<32x1024xf32, #tpu.memory_space<hbm>>
      %dma_start3A_60 = arith.constant 0 : i32
      %dma_start3A_61 = tpu.memref_slice %arg4[%add3A_57, %dma_start3A_60] : memref<2048x1024xf32, #tpu.memory_space<hbm>> -> memref<32x1024xf32, #tpu.memory_space<hbm>>
      tpu.enqueue_dma source(%arg5 : memref<32x1024xf32, #tpu.memory_space<vmem>>) target(%dma_start3A_61 : memref<32x1024xf32, #tpu.memory_space<hbm>>) target_semaphore(%run_scoped3A : memref<!tpu.dma_semaphore, #tpu.memory_space<semaphore_mem>>)
      %dma_wait3A_62 = arith.constant 0 : i32
      %dma_wait3A_63 = tpu.memref_slice %arg4[%add3A_57, %dma_wait3A_62] : memref<2048x1024xf32, #tpu.memory_space<hbm>> -> memref<32x1024xf32, #tpu.memory_space<hbm>>
      %dma_wait3A_64 = arith.constant 0 : i32
      %dma_wait3A_65 = tpu.memref_slice %arg4[%add3A_57, %dma_wait3A_64] : memref<2048x1024xf32, #tpu.memory_space<hbm>> -> memref<32x1024xf32, #tpu.memory_space<hbm>>
      tpu.wait_dma2 semaphore(%run_scoped3A : memref<!tpu.dma_semaphore, #tpu.memory_space<semaphore_mem>>) src(%arg5 : memref<32x1024xf32, #tpu.memory_space<vmem>>) dst(%dma_wait3A_65 : memref<32x1024xf32, #tpu.memory_space<hbm>>)
      tpu.yield
    }) : () -> ()
    return
  }
}

module attributes {stable_mosaic.version = 14 : i64} {
  func.func @_router_body(%arg0: memref<2048x8xf32, #tpu.memory_space<vmem>>, %arg1: memref<2048x2xi32, #tpu.memory_space<vmem>>, %arg2: memref<2048x2xf32, #tpu.memory_space<vmem>>, %arg3: memref<16x8xi32, #tpu.memory_space<vmem>>, %arg4: memref<16x8xi32, #tpu.memory_space<vmem>>, %arg5: memref<2048x8xf32, #tpu.memory_space<vmem>>) attributes {dimension_semantics = [], scalar_prefetch = 0 : i64, scratch_operands = 1 : i64, tpu.core_type = #tpu.core_type<tc>} {
    %get3A = arith.constant 0 : index
    %get3A_0 = arith.constant 0 : index
    %get3A_1 = vector.load %arg0[%get3A, %get3A_0] : memref<2048x8xf32, #tpu.memory_space<vmem>>, vector<2048x8xf32>
    %iota3A = tpu.iota {dimensions = array<i32: 1>} : vector<2048x8xi32>
    %reduce_max3A = arith.constant dense<0xFF800000> : vector<2048xf32>
    %reduce_max3A_2 = vector.multi_reduction <maximumf>, %get3A_1, %reduce_max3A [1] : vector<2048x8xf32> to vector<2048xf32>
    %broadcast_in_dim3A = vector.shape_cast %reduce_max3A_2 : vector<2048xf32> to vector<2048x1xf32>
    %eq3A = vector.broadcast %broadcast_in_dim3A : vector<2048x1xf32> to vector<2048x8xf32>
    %eq3A_3 = arith.cmpf oeq, %get3A_1, %eq3A : vector<2048x8xf32>
    %jit3A = arith.constant 8 : i32
    %broadcast_in_dim3A_4 = vector.broadcast %jit3A : i32 to vector<2048x8xi32>
    %select_n3A = arith.select %eq3A_3, %iota3A, %broadcast_in_dim3A_4 : vector<2048x8xi1>, vector<2048x8xi32>
    %reduce_min3A = arith.constant dense<2147483647> : vector<2048xi32>
    %reduce_min3A_5 = vector.multi_reduction <minsi>, %select_n3A, %reduce_min3A [1] : vector<2048x8xi32> to vector<2048xi32>
    %broadcast_in_dim3A_6 = vector.shape_cast %reduce_min3A_5 : vector<2048xi32> to vector<2048x1xi32>
    %eq3A_7 = vector.broadcast %broadcast_in_dim3A_6 : vector<2048x1xi32> to vector<2048x8xi32>
    %eq3A_8 = arith.cmpi eq, %iota3A, %eq3A_7 : vector<2048x8xi32>
    %jit3A_9 = arith.constant -1.000000e+00 : f32
    %broadcast_in_dim3A_10 = vector.broadcast %jit3A_9 : f32 to vector<2048x8xf32>
    %select_n3A_11 = arith.select %eq3A_8, %broadcast_in_dim3A_10, %get3A_1 : vector<2048x8xi1>, vector<2048x8xf32>
    %reduce_max3A_12 = arith.constant dense<0xFF800000> : vector<2048xf32>
    %reduce_max3A_13 = vector.multi_reduction <maximumf>, %select_n3A_11, %reduce_max3A_12 [1] : vector<2048x8xf32> to vector<2048xf32>
    %broadcast_in_dim3A_14 = vector.shape_cast %reduce_max3A_13 : vector<2048xf32> to vector<2048x1xf32>
    %eq3A_15 = vector.broadcast %broadcast_in_dim3A_14 : vector<2048x1xf32> to vector<2048x8xf32>
    %eq3A_16 = arith.cmpf oeq, %select_n3A_11, %eq3A_15 : vector<2048x8xf32>
    %jit3A_17 = arith.constant 8 : i32
    %broadcast_in_dim3A_18 = vector.broadcast %jit3A_17 : i32 to vector<2048x8xi32>
    %select_n3A_19 = arith.select %eq3A_16, %iota3A, %broadcast_in_dim3A_18 : vector<2048x8xi1>, vector<2048x8xi32>
    %reduce_min3A_20 = arith.constant dense<2147483647> : vector<2048xi32>
    %reduce_min3A_21 = vector.multi_reduction <minsi>, %select_n3A_19, %reduce_min3A_20 [1] : vector<2048x8xi32> to vector<2048xi32>
    %broadcast_in_dim3A_22 = vector.shape_cast %reduce_min3A_21 : vector<2048xi32> to vector<2048x1xi32>
    %add3A = arith.addf %broadcast_in_dim3A, %broadcast_in_dim3A_14 : vector<2048x1xf32>
    %add3A_23 = arith.constant 9.99999968E-21 : f32
    %add3A_24 = vector.broadcast %add3A_23 : f32 to vector<2048x1xf32>
    %add3A_25 = arith.addf %add3A, %add3A_24 : vector<2048x1xf32>
    %div3A = arith.divf %broadcast_in_dim3A, %add3A_25 : vector<2048x1xf32>
    %div3A_26 = arith.divf %broadcast_in_dim3A_14, %add3A_25 : vector<2048x1xf32>
    %concatenate3A = tpu.concatenate %div3A, %div3A_26 in 1 : vector<2048x1xf32>, vector<2048x1xf32> -> vector<2048x2xf32>
    %swap3A = arith.constant 0 : index
    %swap3A_27 = arith.constant 0 : index
    %swap3A_28 = vector.load %arg2[%swap3A, %swap3A_27] : memref<2048x2xf32, #tpu.memory_space<vmem>>, vector<2048x2xf32>
    tpu.vector_store %arg2[%swap3A, %swap3A_27], %concatenate3A {strides = array<i32>} : memref<2048x2xf32, #tpu.memory_space<vmem>>, vector<2048x2xf32>,
    %eq3A_29 = vector.broadcast %broadcast_in_dim3A_6 : vector<2048x1xi32> to vector<2048x8xi32>
    %eq3A_30 = arith.cmpi eq, %iota3A, %eq3A_29 : vector<2048x8xi32>
    %eq3A_31 = vector.broadcast %broadcast_in_dim3A_22 : vector<2048x1xi32> to vector<2048x8xi32>
    %eq3A_32 = arith.cmpi eq, %iota3A, %eq3A_31 : vector<2048x8xi32>
    %or3A = arith.ori %eq3A_30, %eq3A_32 : vector<2048x8xi1>
    %convert_element_type3A = arith.extui %or3A : vector<2048x8xi1> to vector<2048x8xi32>
    %convert_element_type3A_33 = arith.sitofp %convert_element_type3A : vector<2048x8xi32> to vector<2048x8xf32>
    %convert_element_type3A_34 = arith.truncf %convert_element_type3A_33 : vector<2048x8xf32> to vector<2048x8xbf16>
    %iota3A_35 = tpu.iota {dimensions = array<i32: 0>} : vector<128x128xi32>
    %iota3A_36 = tpu.iota {dimensions = array<i32: 1>} : vector<128x128xi32>
    %gt3A = arith.cmpi sgt, %iota3A_35, %iota3A_36 : vector<128x128xi32>
    %convert_element_type3A_37 = arith.extui %gt3A : vector<128x128xi1> to vector<128x128xi32>
    %convert_element_type3A_38 = arith.sitofp %convert_element_type3A_37 : vector<128x128xi32> to vector<128x128xf32>
    %convert_element_type3A_39 = arith.truncf %convert_element_type3A_38 : vector<128x128xf32> to vector<128x128xbf16>
    %broadcast_in_dim3A_40 = arith.constant 0.000000e+00 : f32
    %broadcast_in_dim3A_41 = vector.broadcast %broadcast_in_dim3A_40 : f32 to vector<1x8xf32>
    %slice3A = vector.extract_strided_slice %convert_element_type3A_34 {offsets = [0, 0], sizes = [128, 8], strides = [1, 1]} : vector<2048x8xbf16> to vector<128x8xbf16>
    %dot_general3A = arith.constant dense<0.000000e+00> : vector<128x8xf32>
    %dot_general3A_42 = tpu.matmul %convert_element_type3A_39, %slice3A, %dot_general3A {dimension_numbers = #tpu.dot_dimension_numbers<[1], [0], [0], [1], [0, 0, 1, 1], [], []>, transpose_lhs_hint = false} : vector<128x128xbf16>, vector<128x8xbf16>, vector<128x8xf32> -> vector<128x8xf32>
    %add3A_43 = vector.broadcast %broadcast_in_dim3A_41 : vector<1x8xf32> to vector<128x8xf32>
    %add3A_44 = arith.addf %dot_general3A_42, %add3A_43 : vector<128x8xf32>
    %swap3A_45 = arith.constant 0 : index
    %swap3A_46 = arith.constant 0 : index
    %swap3A_47 = vector.load %arg5[%swap3A_45, %swap3A_46] : memref<2048x8xf32, #tpu.memory_space<vmem>>, vector<128x8xf32>
    tpu.vector_store %arg5[%swap3A_45, %swap3A_46], %add3A_44 {strides = array<i32>} : memref<2048x8xf32, #tpu.memory_space<vmem>>, vector<128x8xf32>,
    %convert_element_type3A_48 = arith.extf %slice3A : vector<128x8xbf16> to vector<128x8xf32>
    %reduce_sum3A = arith.constant dense<0.000000e+00> : vector<8xf32>
    %reduce_sum3A_49 = vector.multi_reduction <add>, %convert_element_type3A_48, %reduce_sum3A [0] : vector<128x8xf32> to vector<8xf32>
    %broadcast_in_dim3A_50 = vector.shape_cast %reduce_sum3A_49 : vector<8xf32> to vector<1x8xf32>
    %add3A_51 = arith.addf %broadcast_in_dim3A_41, %broadcast_in_dim3A_50 : vector<1x8xf32>
    %slice3A_52 = vector.extract_strided_slice %convert_element_type3A_34 {offsets = [128, 0], sizes = [128, 8], strides = [1, 1]} : vector<2048x8xbf16> to vector<128x8xbf16>
    %dot_general3A_53 = arith.constant dense<0.000000e+00> : vector<128x8xf32>
    %dot_general3A_54 = tpu.matmul %convert_element_type3A_39, %slice3A_52, %dot_general3A_53 {dimension_numbers = #tpu.dot_dimension_numbers<[1], [0], [0], [1], [0, 0, 1, 1], [], []>, transpose_lhs_hint = false} : vector<128x128xbf16>, vector<128x8xbf16>, vector<128x8xf32> -> vector<128x8xf32>
    %add3A_55 = vector.broadcast %add3A_51 : vector<1x8xf32> to vector<128x8xf32>
    %add3A_56 = arith.addf %dot_general3A_54, %add3A_55 : vector<128x8xf32>
    %swap3A_57 = arith.constant 128 : index
    %swap3A_58 = arith.constant 0 : index
    %swap3A_59 = vector.load %arg5[%swap3A_57, %swap3A_58] : memref<2048x8xf32, #tpu.memory_space<vmem>>, vector<128x8xf32>
    tpu.vector_store %arg5[%swap3A_57, %swap3A_58], %add3A_56 {strides = array<i32>} : memref<2048x8xf32, #tpu.memory_space<vmem>>, vector<128x8xf32>,
    %convert_element_type3A_60 = arith.extf %slice3A_52 : vector<128x8xbf16> to vector<128x8xf32>
    %reduce_sum3A_61 = arith.constant dense<0.000000e+00> : vector<8xf32>
    %reduce_sum3A_62 = vector.multi_reduction <add>, %convert_element_type3A_60, %reduce_sum3A_61 [0] : vector<128x8xf32> to vector<8xf32>
    %broadcast_in_dim3A_63 = vector.shape_cast %reduce_sum3A_62 : vector<8xf32> to vector<1x8xf32>
    %add3A_64 = arith.addf %add3A_51, %broadcast_in_dim3A_63 : vector<1x8xf32>
    %slice3A_65 = vector.extract_strided_slice %convert_element_type3A_34 {offsets = [256, 0], sizes = [128, 8], strides = [1, 1]} : vector<2048x8xbf16> to vector<128x8xbf16>
    %dot_general3A_66 = arith.constant dense<0.000000e+00> : vector<128x8xf32>
    %dot_general3A_67 = tpu.matmul %convert_element_type3A_39, %slice3A_65, %dot_general3A_66 {dimension_numbers = #tpu.dot_dimension_numbers<[1], [0], [0], [1], [0, 0, 1, 1], [], []>, transpose_lhs_hint = false} : vector<128x128xbf16>, vector<128x8xbf16>, vector<128x8xf32> -> vector<128x8xf32>
    %add3A_68 = vector.broadcast %add3A_64 : vector<1x8xf32> to vector<128x8xf32>
    %add3A_69 = arith.addf %dot_general3A_67, %add3A_68 : vector<128x8xf32>
    %swap3A_70 = arith.constant 256 : index
    %swap3A_71 = arith.constant 0 : index
    %swap3A_72 = vector.load %arg5[%swap3A_70, %swap3A_71] : memref<2048x8xf32, #tpu.memory_space<vmem>>, vector<128x8xf32>
    tpu.vector_store %arg5[%swap3A_70, %swap3A_71], %add3A_69 {strides = array<i32>} : memref<2048x8xf32, #tpu.memory_space<vmem>>, vector<128x8xf32>,
    %convert_element_type3A_73 = arith.extf %slice3A_65 : vector<128x8xbf16> to vector<128x8xf32>
    %reduce_sum3A_74 = arith.constant dense<0.000000e+00> : vector<8xf32>
    %reduce_sum3A_75 = vector.multi_reduction <add>, %convert_element_type3A_73, %reduce_sum3A_74 [0] : vector<128x8xf32> to vector<8xf32>
    %broadcast_in_dim3A_76 = vector.shape_cast %reduce_sum3A_75 : vector<8xf32> to vector<1x8xf32>
    %add3A_77 = arith.addf %add3A_64, %broadcast_in_dim3A_76 : vector<1x8xf32>
    %slice3A_78 = vector.extract_strided_slice %convert_element_type3A_34 {offsets = [384, 0], sizes = [128, 8], strides = [1, 1]} : vector<2048x8xbf16> to vector<128x8xbf16>
    %dot_general3A_79 = arith.constant dense<0.000000e+00> : vector<128x8xf32>
    %dot_general3A_80 = tpu.matmul %convert_element_type3A_39, %slice3A_78, %dot_general3A_79 {dimension_numbers = #tpu.dot_dimension_numbers<[1], [0], [0], [1], [0, 0, 1, 1], [], []>, transpose_lhs_hint = false} : vector<128x128xbf16>, vector<128x8xbf16>, vector<128x8xf32> -> vector<128x8xf32>
    %add3A_81 = vector.broadcast %add3A_77 : vector<1x8xf32> to vector<128x8xf32>
    %add3A_82 = arith.addf %dot_general3A_80, %add3A_81 : vector<128x8xf32>
    %swap3A_83 = arith.constant 384 : index
    %swap3A_84 = arith.constant 0 : index
    %swap3A_85 = vector.load %arg5[%swap3A_83, %swap3A_84] : memref<2048x8xf32, #tpu.memory_space<vmem>>, vector<128x8xf32>
    tpu.vector_store %arg5[%swap3A_83, %swap3A_84], %add3A_82 {strides = array<i32>} : memref<2048x8xf32, #tpu.memory_space<vmem>>, vector<128x8xf32>,
    %convert_element_type3A_86 = arith.extf %slice3A_78 : vector<128x8xbf16> to vector<128x8xf32>
    %reduce_sum3A_87 = arith.constant dense<0.000000e+00> : vector<8xf32>
    %reduce_sum3A_88 = vector.multi_reduction <add>, %convert_element_type3A_86, %reduce_sum3A_87 [0] : vector<128x8xf32> to vector<8xf32>
    %broadcast_in_dim3A_89 = vector.shape_cast %reduce_sum3A_88 : vector<8xf32> to vector<1x8xf32>
    %add3A_90 = arith.addf %add3A_77, %broadcast_in_dim3A_89 : vector<1x8xf32>
    %slice3A_91 = vector.extract_strided_slice %convert_element_type3A_34 {offsets = [512, 0], sizes = [128, 8], strides = [1, 1]} : vector<2048x8xbf16> to vector<128x8xbf16>
    %dot_general3A_92 = arith.constant dense<0.000000e+00> : vector<128x8xf32>
    %dot_general3A_93 = tpu.matmul %convert_element_type3A_39, %slice3A_91, %dot_general3A_92 {dimension_numbers = #tpu.dot_dimension_numbers<[1], [0], [0], [1], [0, 0, 1, 1], [], []>, transpose_lhs_hint = false} : vector<128x128xbf16>, vector<128x8xbf16>, vector<128x8xf32> -> vector<128x8xf32>
    %add3A_94 = vector.broadcast %add3A_90 : vector<1x8xf32> to vector<128x8xf32>
    %add3A_95 = arith.addf %dot_general3A_93, %add3A_94 : vector<128x8xf32>
    %swap3A_96 = arith.constant 512 : index
    %swap3A_97 = arith.constant 0 : index
    %swap3A_98 = vector.load %arg5[%swap3A_96, %swap3A_97] : memref<2048x8xf32, #tpu.memory_space<vmem>>, vector<128x8xf32>
    tpu.vector_store %arg5[%swap3A_96, %swap3A_97], %add3A_95 {strides = array<i32>} : memref<2048x8xf32, #tpu.memory_space<vmem>>, vector<128x8xf32>,
    %convert_element_type3A_99 = arith.extf %slice3A_91 : vector<128x8xbf16> to vector<128x8xf32>
    %reduce_sum3A_100 = arith.constant dense<0.000000e+00> : vector<8xf32>
    %reduce_sum3A_101 = vector.multi_reduction <add>, %convert_element_type3A_99, %reduce_sum3A_100 [0] : vector<128x8xf32> to vector<8xf32>
    %broadcast_in_dim3A_102 = vector.shape_cast %reduce_sum3A_101 : vector<8xf32> to vector<1x8xf32>
    %add3A_103 = arith.addf %add3A_90, %broadcast_in_dim3A_102 : vector<1x8xf32>
    %slice3A_104 = vector.extract_strided_slice %convert_element_type3A_34 {offsets = [640, 0], sizes = [128, 8], strides = [1, 1]} : vector<2048x8xbf16> to vector<128x8xbf16>
    %dot_general3A_105 = arith.constant dense<0.000000e+00> : vector<128x8xf32>
    %dot_general3A_106 = tpu.matmul %convert_element_type3A_39, %slice3A_104, %dot_general3A_105 {dimension_numbers = #tpu.dot_dimension_numbers<[1], [0], [0], [1], [0, 0, 1, 1], [], []>, transpose_lhs_hint = false} : vector<128x128xbf16>, vector<128x8xbf16>, vector<128x8xf32> -> vector<128x8xf32>
    %add3A_107 = vector.broadcast %add3A_103 : vector<1x8xf32> to vector<128x8xf32>
    %add3A_108 = arith.addf %dot_general3A_106, %add3A_107 : vector<128x8xf32>
    %swap3A_109 = arith.constant 640 : index
    %swap3A_110 = arith.constant 0 : index
    %swap3A_111 = vector.load %arg5[%swap3A_109, %swap3A_110] : memref<2048x8xf32, #tpu.memory_space<vmem>>, vector<128x8xf32>
    tpu.vector_store %arg5[%swap3A_109, %swap3A_110], %add3A_108 {strides = array<i32>} : memref<2048x8xf32, #tpu.memory_space<vmem>>, vector<128x8xf32>,
    %convert_element_type3A_112 = arith.extf %slice3A_104 : vector<128x8xbf16> to vector<128x8xf32>
    %reduce_sum3A_113 = arith.constant dense<0.000000e+00> : vector<8xf32>
    %reduce_sum3A_114 = vector.multi_reduction <add>, %convert_element_type3A_112, %reduce_sum3A_113 [0] : vector<128x8xf32> to vector<8xf32>
    %broadcast_in_dim3A_115 = vector.shape_cast %reduce_sum3A_114 : vector<8xf32> to vector<1x8xf32>
    %add3A_116 = arith.addf %add3A_103, %broadcast_in_dim3A_115 : vector<1x8xf32>
    %slice3A_117 = vector.extract_strided_slice %convert_element_type3A_34 {offsets = [768, 0], sizes = [128, 8], strides = [1, 1]} : vector<2048x8xbf16> to vector<128x8xbf16>
    %dot_general3A_118 = arith.constant dense<0.000000e+00> : vector<128x8xf32>
    %dot_general3A_119 = tpu.matmul %convert_element_type3A_39, %slice3A_117, %dot_general3A_118 {dimension_numbers = #tpu.dot_dimension_numbers<[1], [0], [0], [1], [0, 0, 1, 1], [], []>, transpose_lhs_hint = false} : vector<128x128xbf16>, vector<128x8xbf16>, vector<128x8xf32> -> vector<128x8xf32>
    %add3A_120 = vector.broadcast %add3A_116 : vector<1x8xf32> to vector<128x8xf32>
    %add3A_121 = arith.addf %dot_general3A_119, %add3A_120 : vector<128x8xf32>
    %swap3A_122 = arith.constant 768 : index
    %swap3A_123 = arith.constant 0 : index
    %swap3A_124 = vector.load %arg5[%swap3A_122, %swap3A_123] : memref<2048x8xf32, #tpu.memory_space<vmem>>, vector<128x8xf32>
    tpu.vector_store %arg5[%swap3A_122, %swap3A_123], %add3A_121 {strides = array<i32>} : memref<2048x8xf32, #tpu.memory_space<vmem>>, vector<128x8xf32>,
    %convert_element_type3A_125 = arith.extf %slice3A_117 : vector<128x8xbf16> to vector<128x8xf32>
    %reduce_sum3A_126 = arith.constant dense<0.000000e+00> : vector<8xf32>
    %reduce_sum3A_127 = vector.multi_reduction <add>, %convert_element_type3A_125, %reduce_sum3A_126 [0] : vector<128x8xf32> to vector<8xf32>
    %broadcast_in_dim3A_128 = vector.shape_cast %reduce_sum3A_127 : vector<8xf32> to vector<1x8xf32>
    %add3A_129 = arith.addf %add3A_116, %broadcast_in_dim3A_128 : vector<1x8xf32>
    %slice3A_130 = vector.extract_strided_slice %convert_element_type3A_34 {offsets = [896, 0], sizes = [128, 8], strides = [1, 1]} : vector<2048x8xbf16> to vector<128x8xbf16>
    %dot_general3A_131 = arith.constant dense<0.000000e+00> : vector<128x8xf32>
    %dot_general3A_132 = tpu.matmul %convert_element_type3A_39, %slice3A_130, %dot_general3A_131 {dimension_numbers = #tpu.dot_dimension_numbers<[1], [0], [0], [1], [0, 0, 1, 1], [], []>, transpose_lhs_hint = false} : vector<128x128xbf16>, vector<128x8xbf16>, vector<128x8xf32> -> vector<128x8xf32>
    %add3A_133 = vector.broadcast %add3A_129 : vector<1x8xf32> to vector<128x8xf32>
    %add3A_134 = arith.addf %dot_general3A_132, %add3A_133 : vector<128x8xf32>
    %swap3A_135 = arith.constant 896 : index
    %swap3A_136 = arith.constant 0 : index
    %swap3A_137 = vector.load %arg5[%swap3A_135, %swap3A_136] : memref<2048x8xf32, #tpu.memory_space<vmem>>, vector<128x8xf32>
    tpu.vector_store %arg5[%swap3A_135, %swap3A_136], %add3A_134 {strides = array<i32>} : memref<2048x8xf32, #tpu.memory_space<vmem>>, vector<128x8xf32>,
    %convert_element_type3A_138 = arith.extf %slice3A_130 : vector<128x8xbf16> to vector<128x8xf32>
    %reduce_sum3A_139 = arith.constant dense<0.000000e+00> : vector<8xf32>
    %reduce_sum3A_140 = vector.multi_reduction <add>, %convert_element_type3A_138, %reduce_sum3A_139 [0] : vector<128x8xf32> to vector<8xf32>
    %broadcast_in_dim3A_141 = vector.shape_cast %reduce_sum3A_140 : vector<8xf32> to vector<1x8xf32>
    %add3A_142 = arith.addf %add3A_129, %broadcast_in_dim3A_141 : vector<1x8xf32>
    %slice3A_143 = vector.extract_strided_slice %convert_element_type3A_34 {offsets = [1024, 0], sizes = [128, 8], strides = [1, 1]} : vector<2048x8xbf16> to vector<128x8xbf16>
    %dot_general3A_144 = arith.constant dense<0.000000e+00> : vector<128x8xf32>
    %dot_general3A_145 = tpu.matmul %convert_element_type3A_39, %slice3A_143, %dot_general3A_144 {dimension_numbers = #tpu.dot_dimension_numbers<[1], [0], [0], [1], [0, 0, 1, 1], [], []>, transpose_lhs_hint = false} : vector<128x128xbf16>, vector<128x8xbf16>, vector<128x8xf32> -> vector<128x8xf32>
    %add3A_146 = vector.broadcast %add3A_142 : vector<1x8xf32> to vector<128x8xf32>
    %add3A_147 = arith.addf %dot_general3A_145, %add3A_146 : vector<128x8xf32>
    %swap3A_148 = arith.constant 1024 : index
    %swap3A_149 = arith.constant 0 : index
    %swap3A_150 = vector.load %arg5[%swap3A_148, %swap3A_149] : memref<2048x8xf32, #tpu.memory_space<vmem>>, vector<128x8xf32>
    tpu.vector_store %arg5[%swap3A_148, %swap3A_149], %add3A_147 {strides = array<i32>} : memref<2048x8xf32, #tpu.memory_space<vmem>>, vector<128x8xf32>,
    %convert_element_type3A_151 = arith.extf %slice3A_143 : vector<128x8xbf16> to vector<128x8xf32>
    %reduce_sum3A_152 = arith.constant dense<0.000000e+00> : vector<8xf32>
    %reduce_sum3A_153 = vector.multi_reduction <add>, %convert_element_type3A_151, %reduce_sum3A_152 [0] : vector<128x8xf32> to vector<8xf32>
    %broadcast_in_dim3A_154 = vector.shape_cast %reduce_sum3A_153 : vector<8xf32> to vector<1x8xf32>
    %add3A_155 = arith.addf %add3A_142, %broadcast_in_dim3A_154 : vector<1x8xf32>
    %slice3A_156 = vector.extract_strided_slice %convert_element_type3A_34 {offsets = [1152, 0], sizes = [128, 8], strides = [1, 1]} : vector<2048x8xbf16> to vector<128x8xbf16>
    %dot_general3A_157 = arith.constant dense<0.000000e+00> : vector<128x8xf32>
    %dot_general3A_158 = tpu.matmul %convert_element_type3A_39, %slice3A_156, %dot_general3A_157 {dimension_numbers = #tpu.dot_dimension_numbers<[1], [0], [0], [1], [0, 0, 1, 1], [], []>, transpose_lhs_hint = false} : vector<128x128xbf16>, vector<128x8xbf16>, vector<128x8xf32> -> vector<128x8xf32>
    %add3A_159 = vector.broadcast %add3A_155 : vector<1x8xf32> to vector<128x8xf32>
    %add3A_160 = arith.addf %dot_general3A_158, %add3A_159 : vector<128x8xf32>
    %swap3A_161 = arith.constant 1152 : index
    %swap3A_162 = arith.constant 0 : index
    %swap3A_163 = vector.load %arg5[%swap3A_161, %swap3A_162] : memref<2048x8xf32, #tpu.memory_space<vmem>>, vector<128x8xf32>
    tpu.vector_store %arg5[%swap3A_161, %swap3A_162], %add3A_160 {strides = array<i32>} : memref<2048x8xf32, #tpu.memory_space<vmem>>, vector<128x8xf32>,
    %convert_element_type3A_164 = arith.extf %slice3A_156 : vector<128x8xbf16> to vector<128x8xf32>
    %reduce_sum3A_165 = arith.constant dense<0.000000e+00> : vector<8xf32>
    %reduce_sum3A_166 = vector.multi_reduction <add>, %convert_element_type3A_164, %reduce_sum3A_165 [0] : vector<128x8xf32> to vector<8xf32>
    %broadcast_in_dim3A_167 = vector.shape_cast %reduce_sum3A_166 : vector<8xf32> to vector<1x8xf32>
    %add3A_168 = arith.addf %add3A_155, %broadcast_in_dim3A_167 : vector<1x8xf32>
    %slice3A_169 = vector.extract_strided_slice %convert_element_type3A_34 {offsets = [1280, 0], sizes = [128, 8], strides = [1, 1]} : vector<2048x8xbf16> to vector<128x8xbf16>
    %dot_general3A_170 = arith.constant dense<0.000000e+00> : vector<128x8xf32>
    %dot_general3A_171 = tpu.matmul %convert_element_type3A_39, %slice3A_169, %dot_general3A_170 {dimension_numbers = #tpu.dot_dimension_numbers<[1], [0], [0], [1], [0, 0, 1, 1], [], []>, transpose_lhs_hint = false} : vector<128x128xbf16>, vector<128x8xbf16>, vector<128x8xf32> -> vector<128x8xf32>
    %add3A_172 = vector.broadcast %add3A_168 : vector<1x8xf32> to vector<128x8xf32>
    %add3A_173 = arith.addf %dot_general3A_171, %add3A_172 : vector<128x8xf32>
    %swap3A_174 = arith.constant 1280 : index
    %swap3A_175 = arith.constant 0 : index
    %swap3A_176 = vector.load %arg5[%swap3A_174, %swap3A_175] : memref<2048x8xf32, #tpu.memory_space<vmem>>, vector<128x8xf32>
    tpu.vector_store %arg5[%swap3A_174, %swap3A_175], %add3A_173 {strides = array<i32>} : memref<2048x8xf32, #tpu.memory_space<vmem>>, vector<128x8xf32>,
    %convert_element_type3A_177 = arith.extf %slice3A_169 : vector<128x8xbf16> to vector<128x8xf32>
    %reduce_sum3A_178 = arith.constant dense<0.000000e+00> : vector<8xf32>
    %reduce_sum3A_179 = vector.multi_reduction <add>, %convert_element_type3A_177, %reduce_sum3A_178 [0] : vector<128x8xf32> to vector<8xf32>
    %broadcast_in_dim3A_180 = vector.shape_cast %reduce_sum3A_179 : vector<8xf32> to vector<1x8xf32>
    %add3A_181 = arith.addf %add3A_168, %broadcast_in_dim3A_180 : vector<1x8xf32>
    %slice3A_182 = vector.extract_strided_slice %convert_element_type3A_34 {offsets = [1408, 0], sizes = [128, 8], strides = [1, 1]} : vector<2048x8xbf16> to vector<128x8xbf16>
    %dot_general3A_183 = arith.constant dense<0.000000e+00> : vector<128x8xf32>
    %dot_general3A_184 = tpu.matmul %convert_element_type3A_39, %slice3A_182, %dot_general3A_183 {dimension_numbers = #tpu.dot_dimension_numbers<[1], [0], [0], [1], [0, 0, 1, 1], [], []>, transpose_lhs_hint = false} : vector<128x128xbf16>, vector<128x8xbf16>, vector<128x8xf32> -> vector<128x8xf32>
    %add3A_185 = vector.broadcast %add3A_181 : vector<1x8xf32> to vector<128x8xf32>
    %add3A_186 = arith.addf %dot_general3A_184, %add3A_185 : vector<128x8xf32>
    %swap3A_187 = arith.constant 1408 : index
    %swap3A_188 = arith.constant 0 : index
    %swap3A_189 = vector.load %arg5[%swap3A_187, %swap3A_188] : memref<2048x8xf32, #tpu.memory_space<vmem>>, vector<128x8xf32>
    tpu.vector_store %arg5[%swap3A_187, %swap3A_188], %add3A_186 {strides = array<i32>} : memref<2048x8xf32, #tpu.memory_space<vmem>>, vector<128x8xf32>,
    %convert_element_type3A_190 = arith.extf %slice3A_182 : vector<128x8xbf16> to vector<128x8xf32>
    %reduce_sum3A_191 = arith.constant dense<0.000000e+00> : vector<8xf32>
    %reduce_sum3A_192 = vector.multi_reduction <add>, %convert_element_type3A_190, %reduce_sum3A_191 [0] : vector<128x8xf32> to vector<8xf32>
    %broadcast_in_dim3A_193 = vector.shape_cast %reduce_sum3A_192 : vector<8xf32> to vector<1x8xf32>
    %add3A_194 = arith.addf %add3A_181, %broadcast_in_dim3A_193 : vector<1x8xf32>
    %slice3A_195 = vector.extract_strided_slice %convert_element_type3A_34 {offsets = [1536, 0], sizes = [128, 8], strides = [1, 1]} : vector<2048x8xbf16> to vector<128x8xbf16>
    %dot_general3A_196 = arith.constant dense<0.000000e+00> : vector<128x8xf32>
    %dot_general3A_197 = tpu.matmul %convert_element_type3A_39, %slice3A_195, %dot_general3A_196 {dimension_numbers = #tpu.dot_dimension_numbers<[1], [0], [0], [1], [0, 0, 1, 1], [], []>, transpose_lhs_hint = false} : vector<128x128xbf16>, vector<128x8xbf16>, vector<128x8xf32> -> vector<128x8xf32>
    %add3A_198 = vector.broadcast %add3A_194 : vector<1x8xf32> to vector<128x8xf32>
    %add3A_199 = arith.addf %dot_general3A_197, %add3A_198 : vector<128x8xf32>
    %swap3A_200 = arith.constant 1536 : index
    %swap3A_201 = arith.constant 0 : index
    %swap3A_202 = vector.load %arg5[%swap3A_200, %swap3A_201] : memref<2048x8xf32, #tpu.memory_space<vmem>>, vector<128x8xf32>
    tpu.vector_store %arg5[%swap3A_200, %swap3A_201], %add3A_199 {strides = array<i32>} : memref<2048x8xf32, #tpu.memory_space<vmem>>, vector<128x8xf32>,
    %convert_element_type3A_203 = arith.extf %slice3A_195 : vector<128x8xbf16> to vector<128x8xf32>
    %reduce_sum3A_204 = arith.constant dense<0.000000e+00> : vector<8xf32>
    %reduce_sum3A_205 = vector.multi_reduction <add>, %convert_element_type3A_203, %reduce_sum3A_204 [0] : vector<128x8xf32> to vector<8xf32>
    %broadcast_in_dim3A_206 = vector.shape_cast %reduce_sum3A_205 : vector<8xf32> to vector<1x8xf32>
    %add3A_207 = arith.addf %add3A_194, %broadcast_in_dim3A_206 : vector<1x8xf32>
    %slice3A_208 = vector.extract_strided_slice %convert_element_type3A_34 {offsets = [1664, 0], sizes = [128, 8], strides = [1, 1]} : vector<2048x8xbf16> to vector<128x8xbf16>
    %dot_general3A_209 = arith.constant dense<0.000000e+00> : vector<128x8xf32>
    %dot_general3A_210 = tpu.matmul %convert_element_type3A_39, %slice3A_208, %dot_general3A_209 {dimension_numbers = #tpu.dot_dimension_numbers<[1], [0], [0], [1], [0, 0, 1, 1], [], []>, transpose_lhs_hint = false} : vector<128x128xbf16>, vector<128x8xbf16>, vector<128x8xf32> -> vector<128x8xf32>
    %add3A_211 = vector.broadcast %add3A_207 : vector<1x8xf32> to vector<128x8xf32>
    %add3A_212 = arith.addf %dot_general3A_210, %add3A_211 : vector<128x8xf32>
    %swap3A_213 = arith.constant 1664 : index
    %swap3A_214 = arith.constant 0 : index
    %swap3A_215 = vector.load %arg5[%swap3A_213, %swap3A_214] : memref<2048x8xf32, #tpu.memory_space<vmem>>, vector<128x8xf32>
    tpu.vector_store %arg5[%swap3A_213, %swap3A_214], %add3A_212 {strides = array<i32>} : memref<2048x8xf32, #tpu.memory_space<vmem>>, vector<128x8xf32>,
    %convert_element_type3A_216 = arith.extf %slice3A_208 : vector<128x8xbf16> to vector<128x8xf32>
    %reduce_sum3A_217 = arith.constant dense<0.000000e+00> : vector<8xf32>
    %reduce_sum3A_218 = vector.multi_reduction <add>, %convert_element_type3A_216, %reduce_sum3A_217 [0] : vector<128x8xf32> to vector<8xf32>
    %broadcast_in_dim3A_219 = vector.shape_cast %reduce_sum3A_218 : vector<8xf32> to vector<1x8xf32>
    %add3A_220 = arith.addf %add3A_207, %broadcast_in_dim3A_219 : vector<1x8xf32>
    %slice3A_221 = vector.extract_strided_slice %convert_element_type3A_34 {offsets = [1792, 0], sizes = [128, 8], strides = [1, 1]} : vector<2048x8xbf16> to vector<128x8xbf16>
    %dot_general3A_222 = arith.constant dense<0.000000e+00> : vector<128x8xf32>
    %dot_general3A_223 = tpu.matmul %convert_element_type3A_39, %slice3A_221, %dot_general3A_222 {dimension_numbers = #tpu.dot_dimension_numbers<[1], [0], [0], [1], [0, 0, 1, 1], [], []>, transpose_lhs_hint = false} : vector<128x128xbf16>, vector<128x8xbf16>, vector<128x8xf32> -> vector<128x8xf32>
    %add3A_224 = vector.broadcast %add3A_220 : vector<1x8xf32> to vector<128x8xf32>
    %add3A_225 = arith.addf %dot_general3A_223, %add3A_224 : vector<128x8xf32>
    %swap3A_226 = arith.constant 1792 : index
    %swap3A_227 = arith.constant 0 : index
    %swap3A_228 = vector.load %arg5[%swap3A_226, %swap3A_227] : memref<2048x8xf32, #tpu.memory_space<vmem>>, vector<128x8xf32>
    tpu.vector_store %arg5[%swap3A_226, %swap3A_227], %add3A_225 {strides = array<i32>} : memref<2048x8xf32, #tpu.memory_space<vmem>>, vector<128x8xf32>,
    %convert_element_type3A_229 = arith.extf %slice3A_221 : vector<128x8xbf16> to vector<128x8xf32>
    %reduce_sum3A_230 = arith.constant dense<0.000000e+00> : vector<8xf32>
    %reduce_sum3A_231 = vector.multi_reduction <add>, %convert_element_type3A_229, %reduce_sum3A_230 [0] : vector<128x8xf32> to vector<8xf32>
    %broadcast_in_dim3A_232 = vector.shape_cast %reduce_sum3A_231 : vector<8xf32> to vector<1x8xf32>
    %add3A_233 = arith.addf %add3A_220, %broadcast_in_dim3A_232 : vector<1x8xf32>
    %slice3A_234 = vector.extract_strided_slice %convert_element_type3A_34 {offsets = [1920, 0], sizes = [128, 8], strides = [1, 1]} : vector<2048x8xbf16> to vector<128x8xbf16>
    %dot_general3A_235 = arith.constant dense<0.000000e+00> : vector<128x8xf32>
    %dot_general3A_236 = tpu.matmul %convert_element_type3A_39, %slice3A_234, %dot_general3A_235 {dimension_numbers = #tpu.dot_dimension_numbers<[1], [0], [0], [1], [0, 0, 1, 1], [], []>, transpose_lhs_hint = false} : vector<128x128xbf16>, vector<128x8xbf16>, vector<128x8xf32> -> vector<128x8xf32>
    %add3A_237 = vector.broadcast %add3A_233 : vector<1x8xf32> to vector<128x8xf32>
    %add3A_238 = arith.addf %dot_general3A_236, %add3A_237 : vector<128x8xf32>
    %swap3A_239 = arith.constant 1920 : index
    %swap3A_240 = arith.constant 0 : index
    %swap3A_241 = vector.load %arg5[%swap3A_239, %swap3A_240] : memref<2048x8xf32, #tpu.memory_space<vmem>>, vector<128x8xf32>
    tpu.vector_store %arg5[%swap3A_239, %swap3A_240], %add3A_238 {strides = array<i32>} : memref<2048x8xf32, #tpu.memory_space<vmem>>, vector<128x8xf32>,
    %convert_element_type3A_242 = arith.extf %slice3A_234 : vector<128x8xbf16> to vector<128x8xf32>
    %reduce_sum3A_243 = arith.constant dense<0.000000e+00> : vector<8xf32>
    %reduce_sum3A_244 = vector.multi_reduction <add>, %convert_element_type3A_242, %reduce_sum3A_243 [0] : vector<128x8xf32> to vector<8xf32>
    %broadcast_in_dim3A_245 = vector.shape_cast %reduce_sum3A_244 : vector<8xf32> to vector<1x8xf32>
    %add3A_246 = arith.addf %add3A_233, %broadcast_in_dim3A_245 : vector<1x8xf32>
    %mul3A = arith.constant 0.001953125 : f32
    %mul3A_247 = vector.broadcast %mul3A : f32 to vector<1x8xf32>
    %mul3A_248 = arith.mulf %add3A_246, %mul3A_247 : vector<1x8xf32>
    %ceil3A = math.ceil %mul3A_248 : vector<1x8xf32>
    %mul3A_249 = arith.constant 5.120000e+02 : f32
    %mul3A_250 = vector.broadcast %mul3A_249 : f32 to vector<1x8xf32>
    %mul3A_251 = arith.mulf %ceil3A, %mul3A_250 : vector<1x8xf32>
    %get3A_252 = arith.constant 0 : index
    %get3A_253 = arith.constant 0 : index
    %get3A_254 = vector.load %arg5[%get3A_252, %get3A_253] : memref<2048x8xf32, #tpu.memory_space<vmem>>, vector<2048x8xf32>
    %eq3A_255 = vector.broadcast %broadcast_in_dim3A_6 : vector<2048x1xi32> to vector<2048x8xi32>
    %eq3A_256 = arith.cmpi eq, %iota3A, %eq3A_255 : vector<2048x8xi32>
    %jit3A_257 = arith.constant 0.000000e+00 : f32
    %broadcast_in_dim3A_258 = vector.broadcast %jit3A_257 : f32 to vector<2048x8xf32>
    %select_n3A_259 = arith.select %eq3A_256, %get3A_254, %broadcast_in_dim3A_258 : vector<2048x8xi1>, vector<2048x8xf32>
    %reduce_sum3A_260 = arith.constant dense<0.000000e+00> : vector<2048xf32>
    %reduce_sum3A_261 = vector.multi_reduction <add>, %select_n3A_259, %reduce_sum3A_260 [1] : vector<2048x8xf32> to vector<2048xf32>
    %broadcast_in_dim3A_262 = vector.shape_cast %reduce_sum3A_261 : vector<2048xf32> to vector<2048x1xf32>
    %eq3A_263 = vector.broadcast %broadcast_in_dim3A_22 : vector<2048x1xi32> to vector<2048x8xi32>
    %eq3A_264 = arith.cmpi eq, %iota3A, %eq3A_263 : vector<2048x8xi32>
    %jit3A_265 = arith.constant 0.000000e+00 : f32
    %broadcast_in_dim3A_266 = vector.broadcast %jit3A_265 : f32 to vector<2048x8xf32>
    %select_n3A_267 = arith.select %eq3A_264, %get3A_254, %broadcast_in_dim3A_266 : vector<2048x8xi1>, vector<2048x8xf32>
    %reduce_sum3A_268 = arith.constant dense<0.000000e+00> : vector<2048xf32>
    %reduce_sum3A_269 = vector.multi_reduction <add>, %select_n3A_267, %reduce_sum3A_268 [1] : vector<2048x8xf32> to vector<2048xf32>
    %broadcast_in_dim3A_270 = vector.shape_cast %reduce_sum3A_269 : vector<2048xf32> to vector<2048x1xf32>
    %lt3A = vector.broadcast %broadcast_in_dim3A_6 : vector<2048x1xi32> to vector<2048x8xi32>
    %lt3A_271 = arith.cmpi slt, %iota3A, %lt3A : vector<2048x8xi32>
    %jit3A_272 = arith.constant 0.000000e+00 : f32
    %broadcast_in_dim3A_273 = vector.shape_cast %mul3A_251 : vector<1x8xf32> to vector<1x8xf32>
    %broadcast_in_dim3A_274 = vector.broadcast %broadcast_in_dim3A_273 : vector<1x8xf32> to vector<2048x8xf32>
    %broadcast_in_dim3A_275 = vector.broadcast %jit3A_272 : f32 to vector<2048x8xf32>
    %select_n3A_276 = arith.select %lt3A_271, %broadcast_in_dim3A_274, %broadcast_in_dim3A_275 : vector<2048x8xi1>, vector<2048x8xf32>
    %reduce_sum3A_277 = arith.constant dense<0.000000e+00> : vector<2048xf32>
    %reduce_sum3A_278 = vector.multi_reduction <add>, %select_n3A_276, %reduce_sum3A_277 [1] : vector<2048x8xf32> to vector<2048xf32>
    %broadcast_in_dim3A_279 = vector.shape_cast %reduce_sum3A_278 : vector<2048xf32> to vector<2048x1xf32>
    %lt3A_280 = vector.broadcast %broadcast_in_dim3A_22 : vector<2048x1xi32> to vector<2048x8xi32>
    %lt3A_281 = arith.cmpi slt, %iota3A, %lt3A_280 : vector<2048x8xi32>
    %jit3A_282 = arith.constant 0.000000e+00 : f32
    %broadcast_in_dim3A_283 = vector.shape_cast %mul3A_251 : vector<1x8xf32> to vector<1x8xf32>
    %broadcast_in_dim3A_284 = vector.broadcast %broadcast_in_dim3A_283 : vector<1x8xf32> to vector<2048x8xf32>
    %broadcast_in_dim3A_285 = vector.broadcast %jit3A_282 : f32 to vector<2048x8xf32>
    %select_n3A_286 = arith.select %lt3A_281, %broadcast_in_dim3A_284, %broadcast_in_dim3A_285 : vector<2048x8xi1>, vector<2048x8xf32>
    %reduce_sum3A_287 = arith.constant dense<0.000000e+00> : vector<2048xf32>
    %reduce_sum3A_288 = vector.multi_reduction <add>, %select_n3A_286, %reduce_sum3A_287 [1] : vector<2048x8xf32> to vector<2048xf32>
    %broadcast_in_dim3A_289 = vector.shape_cast %reduce_sum3A_288 : vector<2048xf32> to vector<2048x1xf32>
    %add3A_290 = arith.addf %broadcast_in_dim3A_279, %broadcast_in_dim3A_262 : vector<2048x1xf32>
    %add3A_291 = arith.addf %broadcast_in_dim3A_289, %broadcast_in_dim3A_270 : vector<2048x1xf32>
    %concatenate3A_292 = tpu.concatenate %add3A_290, %add3A_291 in 1 : vector<2048x1xf32>, vector<2048x1xf32> -> vector<2048x2xf32>
    %convert_element_type3A_293 = arith.fptosi %concatenate3A_292 : vector<2048x2xf32> to vector<2048x2xi32>
    %swap3A_294 = arith.constant 0 : index
    %swap3A_295 = arith.constant 0 : index
    %swap3A_296 = vector.load %arg1[%swap3A_294, %swap3A_295] : memref<2048x2xi32, #tpu.memory_space<vmem>>, vector<2048x2xi32>
    tpu.vector_store %arg1[%swap3A_294, %swap3A_295], %convert_element_type3A_293 {strides = array<i32>} : memref<2048x2xi32, #tpu.memory_space<vmem>>, vector<2048x2xi32>,
    %iota3A_297 = tpu.iota {dimensions = array<i32: 1>} : vector<16x8xi32>
    %iota3A_298 = tpu.iota {dimensions = array<i32: 0>} : vector<16x8xi32>
    %mul3A_299 = arith.constant 512 : i32
    %mul3A_300 = vector.broadcast %mul3A_299 : i32 to vector<16x8xi32>
    %mul3A_301 = arith.muli %iota3A_298, %mul3A_300 : vector<16x8xi32>
    %convert_element_type3A_302 = arith.sitofp %mul3A_301 : vector<16x8xi32> to vector<16x8xf32>
    %convert_element_type3A_303 = arith.truncf %mul3A_251 : vector<1x8xf32> to vector<1x8xbf16>
    %broadcast_in_dim3A_304 = vector.shape_cast %convert_element_type3A_303 : vector<1x8xbf16> to vector<1x8xbf16>
    %broadcast_in_dim3A_305 = vector.broadcast %broadcast_in_dim3A_304 : vector<1x8xbf16> to vector<8x8xbf16>
    %iota3A_306 = tpu.iota {dimensions = array<i32: 0>} : vector<8x8xi32>
    %iota3A_307 = tpu.iota {dimensions = array<i32: 1>} : vector<8x8xi32>
    %le3A = arith.cmpi sle, %iota3A_306, %iota3A_307 : vector<8x8xi32>
    %convert_element_type3A_308 = arith.extui %le3A : vector<8x8xi1> to vector<8x8xi32>
    %convert_element_type3A_309 = arith.sitofp %convert_element_type3A_308 : vector<8x8xi32> to vector<8x8xf32>
    %convert_element_type3A_310 = arith.truncf %convert_element_type3A_309 : vector<8x8xf32> to vector<8x8xbf16>
    %dot_general3A_311 = arith.constant dense<0.000000e+00> : vector<8x8xf32>
    %dot_general3A_312 = tpu.matmul %broadcast_in_dim3A_305, %convert_element_type3A_310, %dot_general3A_311 {dimension_numbers = #tpu.dot_dimension_numbers<[1], [0], [0], [1], [0, 0, 1, 1], [], []>, transpose_lhs_hint = false} : vector<8x8xbf16>, vector<8x8xbf16>, vector<8x8xf32> -> vector<8x8xf32>
    %slice3A_313 = vector.extract_strided_slice %dot_general3A_312 {offsets = [0, 0], sizes = [1, 8], strides = [1, 1]} : vector<8x8xf32> to vector<1x8xf32>
    %le3A_314 = vector.broadcast %slice3A_313 : vector<1x8xf32> to vector<16x8xf32>
    %le3A_315 = arith.cmpf ole, %le3A_314, %convert_element_type3A_302 : vector<16x8xf32>
    %convert_element_type3A_316 = arith.extui %le3A_315 : vector<16x8xi1> to vector<16x8xi32>
    %reduce_sum3A_317 = arith.constant dense<0> : vector<16xi32>
    %reduce_sum3A_318 = vector.multi_reduction <add>, %convert_element_type3A_316, %reduce_sum3A_317 [1] : vector<16x8xi32> to vector<16xi32>
    %broadcast_in_dim3A_319 = vector.shape_cast %reduce_sum3A_318 : vector<16xi32> to vector<16x1xi32>
    %jit3A_320 = arith.constant 0 : i32
    %jit3A_321 = arith.constant 7 : i32
    %max3A = vector.broadcast %jit3A_320 : i32 to vector<16x1xi32>
    %max3A_322 = arith.maxsi %max3A, %broadcast_in_dim3A_319 : vector<16x1xi32>
    %min3A = vector.broadcast %jit3A_321 : i32 to vector<16x1xi32>
    %min3A_323 = arith.minsi %min3A, %max3A_322 : vector<16x1xi32>
    %lt3A_324 = vector.broadcast %min3A_323 : vector<16x1xi32> to vector<16x8xi32>
    %lt3A_325 = arith.cmpi slt, %iota3A_297, %lt3A_324 : vector<16x8xi32>
    %jit3A_326 = arith.constant 0.000000e+00 : f32
    %broadcast_in_dim3A_327 = vector.shape_cast %mul3A_251 : vector<1x8xf32> to vector<1x8xf32>
    %broadcast_in_dim3A_328 = vector.broadcast %broadcast_in_dim3A_327 : vector<1x8xf32> to vector<16x8xf32>
    %broadcast_in_dim3A_329 = vector.broadcast %jit3A_326 : f32 to vector<16x8xf32>
    %select_n3A_330 = arith.select %lt3A_325, %broadcast_in_dim3A_328, %broadcast_in_dim3A_329 : vector<16x8xi1>, vector<16x8xf32>
    %reduce_sum3A_331 = arith.constant dense<0.000000e+00> : vector<16xf32>
    %reduce_sum3A_332 = vector.multi_reduction <add>, %select_n3A_330, %reduce_sum3A_331 [1] : vector<16x8xf32> to vector<16xf32>
    %broadcast_in_dim3A_333 = vector.shape_cast %reduce_sum3A_332 : vector<16xf32> to vector<16x1xf32>
    %eq3A_334 = vector.broadcast %min3A_323 : vector<16x1xi32> to vector<16x8xi32>
    %eq3A_335 = arith.cmpi eq, %iota3A_297, %eq3A_334 : vector<16x8xi32>
    %jit3A_336 = arith.constant 0.000000e+00 : f32
    %broadcast_in_dim3A_337 = vector.shape_cast %add3A_246 : vector<1x8xf32> to vector<1x8xf32>
    %broadcast_in_dim3A_338 = vector.broadcast %broadcast_in_dim3A_337 : vector<1x8xf32> to vector<16x8xf32>
    %broadcast_in_dim3A_339 = vector.broadcast %jit3A_336 : f32 to vector<16x8xf32>
    %select_n3A_340 = arith.select %eq3A_335, %broadcast_in_dim3A_338, %broadcast_in_dim3A_339 : vector<16x8xi1>, vector<16x8xf32>
    %reduce_sum3A_341 = arith.constant dense<0.000000e+00> : vector<16xf32>
    %reduce_sum3A_342 = vector.multi_reduction <add>, %select_n3A_340, %reduce_sum3A_341 [1] : vector<16x8xf32> to vector<16xf32>
    %broadcast_in_dim3A_343 = vector.shape_cast %reduce_sum3A_342 : vector<16xf32> to vector<16x1xf32>
    %add3A_344 = arith.addf %broadcast_in_dim3A_333, %broadcast_in_dim3A_343 : vector<16x1xf32>
    %broadcast_in_dim3A_345 = vector.shape_cast %min3A_323 : vector<16x1xi32> to vector<16x1xi32>
    %broadcast_in_dim3A_346 = vector.broadcast %broadcast_in_dim3A_345 : vector<16x1xi32> to vector<16x8xi32>
    %swap3A_347 = arith.constant 0 : index
    %swap3A_348 = arith.constant 0 : index
    %swap3A_349 = vector.load %arg3[%swap3A_347, %swap3A_348] : memref<16x8xi32, #tpu.memory_space<vmem>>, vector<16x8xi32>
    tpu.vector_store %arg3[%swap3A_347, %swap3A_348], %broadcast_in_dim3A_346 {strides = array<i32>} : memref<16x8xi32, #tpu.memory_space<vmem>>, vector<16x8xi32>,
    %convert_element_type3A_350 = arith.fptosi %add3A_344 : vector<16x1xf32> to vector<16x1xi32>
    %broadcast_in_dim3A_351 = vector.shape_cast %convert_element_type3A_350 : vector<16x1xi32> to vector<16x1xi32>
    %broadcast_in_dim3A_352 = vector.broadcast %broadcast_in_dim3A_351 : vector<16x1xi32> to vector<16x8xi32>
    %swap3A_353 = arith.constant 0 : index
    %swap3A_354 = arith.constant 0 : index
    %swap3A_355 = vector.load %arg4[%swap3A_353, %swap3A_354] : memref<16x8xi32, #tpu.memory_space<vmem>>, vector<16x8xi32>
    tpu.vector_store %arg4[%swap3A_353, %swap3A_354], %broadcast_in_dim3A_352 {strides = array<i32>} : memref<16x8xi32, #tpu.memory_space<vmem>>, vector<16x8xi32>,
    return
  }
}

module attributes {stable_mosaic.version = 14 : i64} {
  func.func @_gmm_body(%arg0: i32, %arg1: memref<16x8xi32, #tpu.memory_space<smem>>, %arg2: memref<16x8xi32, #tpu.memory_space<smem>>, %arg3: memref<512x1024xf32, #tpu.memory_space<vmem>>, %arg4: memref<1x1024x768xf32, #tpu.memory_space<vmem>>, %arg5: memref<1x1024x768xf32, #tpu.memory_space<vmem>>, %arg6: memref<1x768x1024xf32, #tpu.memory_space<vmem>>, %arg7: memref<512x1xf32, #tpu.memory_space<vmem>>, %arg8: memref<512x1024xf32, #tpu.memory_space<vmem>>) attributes {dimension_semantics = [#tpu.dimension_semantics<arbitrary>], iteration_bounds = array<i64: 15>, scalar_prefetch = 2 : i64, scratch_operands = 0 : i64, tpu.core_type = #tpu.core_type<tc>, window_params = [{transform_indices = @transform_0, window_bounds = array<i64: 512, 1024>}, {transform_indices = @transform_1, window_bounds = array<i64: 1, 1024, 768>}, {transform_indices = @transform_2, window_bounds = array<i64: 1, 1024, 768>}, {transform_indices = @transform_3, window_bounds = array<i64: 1, 768, 1024>}, {transform_indices = @transform_4, window_bounds = array<i64: 512, 1>}, {transform_indices = @transform_5, window_bounds = array<i64: 512, 1024>}]} {
    %iota3A = tpu.iota {dimensions = array<i32: 0>} : vector<512x1xi32>
    %mul3A = arith.constant 512 : i32
    %mul3A_0 = arith.muli %arg0, %mul3A : i32
    %add3A = vector.broadcast %mul3A_0 : i32 to vector<512x1xi32>
    %add3A_1 = arith.addi %iota3A, %add3A : vector<512x1xi32>
    %get3A = arith.index_cast %arg0 : i32 to index
    %get3A_2 = arith.constant 0 : index
    %get3A_3 = memref.load %arg2[%get3A, %get3A_2] : memref<16x8xi32, #tpu.memory_space<smem>>
    %lt3A = vector.broadcast %get3A_3 : i32 to vector<512x1xi32>
    %lt3A_4 = arith.cmpi slt, %add3A_1, %lt3A : vector<512x1xi32>
    %get3A_5 = arith.constant 0 : index
    %get3A_6 = arith.constant 0 : index
    %get3A_7 = vector.load %arg3[%get3A_5, %get3A_6] : memref<512x1024xf32, #tpu.memory_space<vmem>>, vector<512x1024xf32>
    %jit3A = arith.constant 0.000000e+00 : f32
    %broadcast_in_dim3A = vector.shape_cast %lt3A_4 : vector<512x1xi1> to vector<512x1xi1>
    %broadcast_in_dim3A_8 = vector.broadcast %broadcast_in_dim3A : vector<512x1xi1> to vector<512x1024xi1>
    %broadcast_in_dim3A_9 = vector.broadcast %jit3A : f32 to vector<512x1024xf32>
    %select_n3A = arith.select %broadcast_in_dim3A_8, %get3A_7, %broadcast_in_dim3A_9 : vector<512x1024xi1>, vector<512x1024xf32>
    %convert_element_type3A = arith.truncf %select_n3A : vector<512x1024xf32> to vector<512x1024xbf16>
    %get3A_10 = arith.constant 0 : index
    %get3A_11 = arith.constant 0 : index
    %get3A_12 = arith.constant 0 : index
    %get3A_13 = vector.load %arg4[%get3A_10, %get3A_11, %get3A_12] : memref<1x1024x768xf32, #tpu.memory_space<vmem>>, vector<1x1024x768xf32>
    %get3A_14 = vector.shape_cast %get3A_13 : vector<1x1024x768xf32> to vector<1024x768xf32>
    %convert_element_type3A_15 = arith.truncf %get3A_14 : vector<1024x768xf32> to vector<1024x768xbf16>
    %dot_general3A = arith.constant dense<0.000000e+00> : vector<512x768xf32>
    %dot_general3A_16 = tpu.matmul %convert_element_type3A, %convert_element_type3A_15, %dot_general3A {dimension_numbers = #tpu.dot_dimension_numbers<[1], [0], [0], [1], [0, 0, 1, 1], [], []>, transpose_lhs_hint = false} : vector<512x1024xbf16>, vector<1024x768xbf16>, vector<512x768xf32> -> vector<512x768xf32>
    %get3A_17 = arith.constant 0 : index
    %get3A_18 = arith.constant 0 : index
    %get3A_19 = arith.constant 0 : index
    %get3A_20 = vector.load %arg5[%get3A_17, %get3A_18, %get3A_19] : memref<1x1024x768xf32, #tpu.memory_space<vmem>>, vector<1x1024x768xf32>
    %get3A_21 = vector.shape_cast %get3A_20 : vector<1x1024x768xf32> to vector<1024x768xf32>
    %convert_element_type3A_22 = arith.truncf %get3A_21 : vector<1024x768xf32> to vector<1024x768xbf16>
    %dot_general3A_23 = arith.constant dense<0.000000e+00> : vector<512x768xf32>
    %dot_general3A_24 = tpu.matmul %convert_element_type3A, %convert_element_type3A_22, %dot_general3A_23 {dimension_numbers = #tpu.dot_dimension_numbers<[1], [0], [0], [1], [0, 0, 1, 1], [], []>, transpose_lhs_hint = false} : vector<512x1024xbf16>, vector<1024x768xbf16>, vector<512x768xf32> -> vector<512x768xf32>
    %logistic3A = arith.negf %dot_general3A_16 : vector<512x768xf32>
    %logistic3A_25 = math.exp %logistic3A : vector<512x768xf32>
    %logistic3A_26 = arith.constant 1.000000e+00 : f32
    %logistic3A_27 = vector.broadcast %logistic3A_26 : f32 to vector<512x768xf32>
    %logistic3A_28 = arith.addf %logistic3A_27, %logistic3A_25 : vector<512x768xf32>
    %logistic3A_29 = arith.divf %logistic3A_27, %logistic3A_28 : vector<512x768xf32>
    %mul3A_30 = arith.mulf %dot_general3A_16, %logistic3A_29 : vector<512x768xf32>
    %mul3A_31 = arith.mulf %mul3A_30, %dot_general3A_24 : vector<512x768xf32>
    %convert_element_type3A_32 = arith.truncf %mul3A_31 : vector<512x768xf32> to vector<512x768xbf16>
    %get3A_33 = arith.constant 0 : index
    %get3A_34 = arith.constant 0 : index
    %get3A_35 = arith.constant 0 : index
    %get3A_36 = vector.load %arg6[%get3A_33, %get3A_34, %get3A_35] : memref<1x768x1024xf32, #tpu.memory_space<vmem>>, vector<1x768x1024xf32>
    %get3A_37 = vector.shape_cast %get3A_36 : vector<1x768x1024xf32> to vector<768x1024xf32>
    %convert_element_type3A_38 = arith.truncf %get3A_37 : vector<768x1024xf32> to vector<768x1024xbf16>
    %dot_general3A_39 = arith.constant dense<0.000000e+00> : vector<512x1024xf32>
    %dot_general3A_40 = tpu.matmul %convert_element_type3A_32, %convert_element_type3A_38, %dot_general3A_39 {dimension_numbers = #tpu.dot_dimension_numbers<[1], [0], [0], [1], [0, 0, 1, 1], [], []>, transpose_lhs_hint = false} : vector<512x768xbf16>, vector<768x1024xbf16>, vector<512x1024xf32> -> vector<512x1024xf32>
    %get3A_41 = arith.constant 0 : index
    %get3A_42 = arith.constant 0 : index
    %get3A_43 = vector.load %arg7[%get3A_41, %get3A_42] : memref<512x1xf32, #tpu.memory_space<vmem>>, vector<512x1xf32>
    %mul3A_44 = vector.broadcast %get3A_43 : vector<512x1xf32> to vector<512x1024xf32>
    %mul3A_45 = arith.mulf %dot_general3A_40, %mul3A_44 : vector<512x1024xf32>
    %swap3A = arith.constant 0 : index
    %swap3A_46 = arith.constant 0 : index
    %swap3A_47 = vector.load %arg8[%swap3A, %swap3A_46] : memref<512x1024xf32, #tpu.memory_space<vmem>>, vector<512x1024xf32>
    tpu.vector_store %arg8[%swap3A, %swap3A_46], %mul3A_45 {strides = array<i32>} : memref<512x1024xf32, #tpu.memory_space<vmem>>, vector<512x1024xf32>,
    return
  }
  func.func @transform_0(%arg0: i32, %arg1: memref<16x8xi32, #tpu.memory_space<smem>>, %arg2: memref<16x8xi32, #tpu.memory_space<smem>>) -> (i32, i32) {
    %c0_i32 = arith.constant 0 : i32
    %c0_i32_0 = arith.constant 0 : i32
    return %arg0, %c0_i32 : i32, i32
  }
  func.func @transform_1(%arg0: i32, %arg1: memref<16x8xi32, #tpu.memory_space<smem>>, %arg2: memref<16x8xi32, #tpu.memory_space<smem>>) -> (i32, i32, i32) {
    %get3A = arith.index_cast %arg0 : i32 to index
    %get3A_0 = arith.constant 0 : index
    %get3A_1 = memref.load %arg1[%get3A, %get3A_0] : memref<16x8xi32, #tpu.memory_space<smem>>
    %c0_i32 = arith.constant 0 : i32
    %c0_i32_2 = arith.constant 0 : i32
    %c0_i32_3 = arith.constant 0 : i32
    return %get3A_1, %c0_i32, %c0_i32_2 : i32, i32, i32
  }
  func.func @transform_2(%arg0: i32, %arg1: memref<16x8xi32, #tpu.memory_space<smem>>, %arg2: memref<16x8xi32, #tpu.memory_space<smem>>) -> (i32, i32, i32) {
    %get3A = arith.index_cast %arg0 : i32 to index
    %get3A_0 = arith.constant 0 : index
    %get3A_1 = memref.load %arg1[%get3A, %get3A_0] : memref<16x8xi32, #tpu.memory_space<smem>>
    %c0_i32 = arith.constant 0 : i32
    %c0_i32_2 = arith.constant 0 : i32
    %c0_i32_3 = arith.constant 0 : i32
    return %get3A_1, %c0_i32, %c0_i32_2 : i32, i32, i32
  }
  func.func @transform_3(%arg0: i32, %arg1: memref<16x8xi32, #tpu.memory_space<smem>>, %arg2: memref<16x8xi32, #tpu.memory_space<smem>>) -> (i32, i32, i32) {
    %get3A = arith.index_cast %arg0 : i32 to index
    %get3A_0 = arith.constant 0 : index
    %get3A_1 = memref.load %arg1[%get3A, %get3A_0] : memref<16x8xi32, #tpu.memory_space<smem>>
    %c0_i32 = arith.constant 0 : i32
    %c0_i32_2 = arith.constant 0 : i32
    %c0_i32_3 = arith.constant 0 : i32
    return %get3A_1, %c0_i32, %c0_i32_2 : i32, i32, i32
  }
  func.func @transform_4(%arg0: i32, %arg1: memref<16x8xi32, #tpu.memory_space<smem>>, %arg2: memref<16x8xi32, #tpu.memory_space<smem>>) -> (i32, i32) {
    %c0_i32 = arith.constant 0 : i32
    %c0_i32_0 = arith.constant 0 : i32
    return %arg0, %c0_i32 : i32, i32
  }
  func.func @transform_5(%arg0: i32, %arg1: memref<16x8xi32, #tpu.memory_space<smem>>, %arg2: memref<16x8xi32, #tpu.memory_space<smem>>) -> (i32, i32) {
    %c0_i32 = arith.constant 0 : i32
    %c0_i32_0 = arith.constant 0 : i32
    return %arg0, %c0_i32 : i32, i32
  }
}

</mosaic_0001>

<sc_bundles>
// kernel: kernel.6.cloned.1.call-start
scs
__scs_entry_jumppad:
0x0: {  	(pc) =	sbr.rel $0x88, $3  }
0x1: {  	(tag) =	ssettag $0x0;
	lr =	simm.s32 $0x1  }
0x2: {  	[smem:$0x3F9C] =	sst lr;
	_ =	strace $0xD0000000  }
0x3: {  	_ = 	snop  }
0x4: {  	_ = 	snop  }
0x5: {  	_ = 	snop  }
0x6: {  	_ = 	snop  }
0x7: {  	_ = 	snop  }
__scs_overlays_trampoline_lowered:
0x8: {  	[smem:$0x3FAB] =	sst s0  }
0x9: {  	[smem:$0x3FAC] =	sst s1  }
0xa: {  	[smem:$0x3FAD] =	sst s2  }
0xb: {  	[smem:$0x3FAE] =	sst s3  }
0xc: {  	[smem:$0x3FAF] =	sst s4  }
0xd: {  	[smem:$0x3FB0] =	sst s5  }
0xe: {  	[smem:$0x3FB1] =	sst s6  }
0xf: {  	[smem:$0x3FB2] =	sst s7  }
0x10: {  	[smem:$0x3FB3] =	sst s8  }
0x11: {  	[smem:$0x3FB4] =	sst s9;
	s0 =	simm.s32 @!p0 $0x0  }
0x12: {  	s1 =	sld [smem:$0x3F9A];
	s0 =	simm.s32 @p0 $0x1  }
0x13: {  	[smem:$0x3FB5] =	sst s0;
	s0 =	simm.s32 @!p1 $0x0  }
0x14: {  	s2 =	sld [smem:$0x3F99];
	s0 =	simm.s32 @p1 $0x1  }
0x15: {  	[smem:$0x3FB6] =	sst s0;
	s0 =	simm.s32 @!p2 $0x0  }
0x16: {  	s3 =	sld [smem:$0x3FDB];
	s0 =	simm.s32 @p2 $0x1  }
0x17: {  	s4 =	simm.s32 $0x1BF5;
	[smem:$0x3FB8] =	sst s0  }
0x18: {  	s0 =	sld [smem:$0x3F9B];
	_ =	swait.ge [sflag:s4], $0x0  }
0x19: {  	s7 =	sld [smem:$0x3F9C]  }
0x1a: {  	s8 =	sadd.s32 $0xFFFFE003, lr  }
0x1b: {  	s9 =	sadd.s32 $0xFFFFFEF7, lr;
	s5 =	simm.s32 $0xFFFFFFFF;
	p2 =	slt.u32 s8, $0xFFFFF086  }
0x1c: {  	p1 =	slt.u32 s9, $0xF7A;
	s5 =	simm.s32 @!p2 $0x0  }
0x1d: {  	s5 =	simm.s32 @p1 $0x1;
	p0 =	seq.s32 s7, s2  }
0x1e: {  	s7 =	smul.u32 @!p0 $0xF7A, s2;
	p2 =	seq.s32 @!p0 s5, $0x0  }
0x1f: {  	s9 =	smul.u32 $0xF7A, s1;
	s8 =	simm.s32 @!p0 $0x1BF5;
	p2 =	por !p2, p0  }
0x20: {  	[sflag:s8] =	ssyncset.s32 @!p0 $0xFFFFF086;
	s6 =	sadd.s32 @!p0 s3, s7;
	s7 =	simm.s32 @!p0 $0x108  }
0x21: {  	s3 =	sadd.s32 s3, s9;
	s6 =	sadd.s32 @!p0 $0x88, s6;
	s7 =	simm.s32 @p2 $0x1082  }
0x22: {  	[simem:s7], [sflag:s8] =	dma.local @!p0 [hbm:s6], $0xF7A  }
0x23: {  	s9 =	sor.u32 $0xD0000000, s2;
	s6 =	simm.s32 $0x108;
	_ =	swait.ge @!p0 [sflag:s8], $0x0  }
0x24: {  	s3 =	sadd.s32 $0x88, s3;
	s6 =	simm.s32 @!p1 $0x1082;
	[sflag:s4] =	ssyncset.s32 $0xFFFFF086  }
0x25: {  	[simem:s6], [sflag:s4] =	dma.local [hbm:s3], $0xF7A  }
0x26: {  	[smem:$0x3F9C] =	sst s1;
	(tag) =	ssettag s2;
	_ =	strace s9  }
0x27: {  	s1 =	sld [smem:$0x3FAC]  }
0x28: {  	s2 =	sld [smem:$0x3FAD]  }
0x29: {  	s4 =	sld [smem:$0x3FAF]  }
0x2a: {  	p0 =	seq.s32 s5, $0x0;
	s5 =	sld [smem:$0x3FB0]  }
0x2b: {  	s6 =	sld [smem:$0x3FB1]  }
0x2c: {  	s7 =	sld [smem:$0x3FB2]  }
0x2d: {  	s3 =	simm.s32 $0x108;
	s8 =	sld [smem:$0x3FB3]  }
0x2e: {  	s3 =	simm.s32 @!p0 $0x1082;
	s9 =	sld [smem:$0x3FB4]  }
0x2f: {  	lr =	sadd.s32 s0, s3;
	s0 =	sld [smem:$0x3FAB]  }
0x30: {  	s3 =	sld [smem:$0x3FAE]  }
0x31: {  	[smem:$0x3FB7] =	sst s10  }
0x32: {  	s10 =	sld [smem:$0x3FB5];
	_ =	sdelay $0x3  }
0x33: {  	p0 =	seq.s32 s10, $0x1;
	s10 =	sld [smem:$0x3FB7];
	_ =	sdelay $0x3  }
0x34: {  	[smem:$0x3FB7] =	sst s10  }
0x35: {  	s10 =	sld [smem:$0x3FB6];
	_ =	sdelay $0x3  }
0x36: {  	p1 =	seq.s32 s10, $0x1;
	s10 =	sld [smem:$0x3FB7];
	_ =	sdelay $0x3  }
0x37: {  	[smem:$0x3FB7] =	sst s10  }
0x38: {  	s10 =	sld [smem:$0x3FB8]  }
0x39: {  	_ = 	snop;
	(pc) =	sbr.ind lr, $3  }
0x3a: {  	_ = 	snop  }
0x3b: {  	_ = 	snop  }
0x3c: {  	p2 =	seq.s32 s10, $0x1;
	s10 =	sld [smem:$0x3FB7]  }
0x3d: {  	_ =	shalt  }
0x3e: {  	_ =	shalt  }
0x3f: {  	_ =	shalt  }
0x40: {  	_ =	shalt  }
0x41: {  	_ =	shalt  }
0x42: {  	_ =	shalt  }
0x43: {  	_ =	shalt  }
0x44: {  	_ =	shalt  }
0x45: {  	_ =	shalt  }
0x46: {  	_ =	shalt  }
0x47: {  	_ =	shalt  }
0x48: {  	_ =	shalt  }
0x49: {  	_ =	shalt  }
0x4a: {  	_ =	shalt  }
0x4b: {  	_ =	shalt  }
0x4c: {  	_ =	shalt  }
0x4d: {  	_ =	shalt  }
0x4e: {  	_ =	shalt  }
0x4f: {  	_ =	shalt  }
0x50: {  	_ =	shalt  }
0x51: {  	_ =	shalt  }
0x52: {  	_ =	shalt  }
0x53: {  	_ =	shalt  }
0x54: {  	_ =	shalt  }
0x55: {  	_ =	shalt  }
0x56: {  	_ =	shalt  }
0x57: {  	_ =	shalt  }
0x58: {  	_ =	shalt  }
0x59: {  	_ =	shalt  }
0x5a: {  	_ =	shalt  }
0x5b: {  	_ =	shalt  }
0x5c: {  	_ =	shalt  }
0x5d: {  	_ =	shalt  }
0x5e: {  	_ =	shalt  }
0x5f: {  	_ =	shalt  }
0x60: {  	_ =	shalt  }
0x61: {  	_ =	shalt  }
0x62: {  	_ =	shalt  }
0x63: {  	_ =	shalt  }
0x64: {  	_ =	shalt  }
0x65: {  	_ =	shalt  }
0x66: {  	_ =	shalt  }
0x67: {  	_ =	shalt  }
0x68: {  	_ =	shalt  }
0x69: {  	_ =	shalt  }
0x6a: {  	_ =	shalt  }
0x6b: {  	_ =	shalt  }
0x6c: {  	_ =	shalt  }
0x6d: {  	_ =	shalt  }
0x6e: {  	_ =	shalt  }
0x6f: {  	_ =	shalt  }
0x70: {  	_ =	shalt  }
0x71: {  	_ =	shalt  }
0x72: {  	_ =	shalt  }
0x73: {  	_ =	shalt  }
0x74: {  	_ =	shalt  }
0x75: {  	_ =	shalt  }
0x76: {  	_ =	shalt  }
0x77: {  	_ =	shalt  }
0x78: {  	_ =	shalt  }
0x79: {  	_ =	shalt  }
0x7a: {  	_ =	shalt  }
0x7b: {  	_ =	shalt  }
0x7c: {  	_ =	shalt  }
0x7d: {  	_ =	shalt  }
0x7e: {  	_ =	shalt  }
0x7f: {  	_ =	shalt  }
0x80: {  	_ =	shalt  }
0x81: {  	_ =	shalt  }
0x82: {  	_ =	shalt  }
0x83: {  	_ =	shalt  }
0x84: {  	_ =	shalt  }
0x85: {  	_ =	shalt  }
0x86: {  	_ =	shalt  }
0x87: {  	_ =	shalt  }
.Lfunc_end0:
.L_simem_size_0:
called_computation_lowered:
.L_overlay_start_0:
0x88: {  	s2 =	sld [smem:$0x3FD9]  }
0x89: {  	s3 =	sld [smem:$0x3FFE];
	_ =	sdelay $0x1  }
0x8a: {  	s1 =	srdreg.scid  }
0x8b: {  	s0 =	sand.u32 $0x1, s1  }
0x8c: {  	s17 =	sshll.u32 s0, $0xA;
	s2 =	sadd.s32 s3, s2  }
0x8d: {  	s2 =	sadd.s32 s2, s17  }
0x8e: {  	[smem:$0x3FC3] =	sst s2  }
0x8f: {  	_ = 	snop  }
0x90: {  	s2 =	sld [smem:$0x3FC9];
	(tm) =	ssettm $0x1  }
0x91: {  	s18 =	sld [smem:$0x3FFB];
	_ =	sdelay $0x3  }
0x92: {  	_ =	strace s18  }
0x93: {  	s3 =	sld [smem:$0x3FFC];
	_ =	sdelay $0x3  }
0x94: {  	_ =	strace s3  }
0x95: {  	s3 =	sld [smem:$0x3FFD];
	_ =	sdelay $0x3  }
0x96: {  	_ =	strace s3  }
0x97: {  	_ =	strace $0x8FFFFFFF  }
0x98: {  	s19 =	sld [smem:$0x3FDB];
	_ =	sdelay $0x1  }
0x99: {  	s4 =	simm.s32 $_scs_section_size  }
0x9a: {  	s5 =	simm.s32 $_size__tile_overlayer_lowered;
	s6 =	simm.s32 $_tile_overlayer_lowered  }
0x9b: {  	s22 =	simm.s32 $0x1BFF;
	s21 =	sshll.u32 s6, $0x1;
	s3 =	sadd.s32 s4, s19  }
0x9c: {  	s7 =	simm.s32 $0x0;
	s20 =	sshll.u32 s5, $0x1;
	s5 =	sadd.s32 s21, s3  }
0x9d: {  	[timem:s7], [sflag:s22] =	dma.local [hbm:s5], s20  }
0x9e: {  	_ =	swait.ge [sflag:s22], s20  }
0x9f: {  	s4 =	ssub.s32 $0x0, s20;
	[sflag:s22] =	ssyncset.done $0x0  }
0xa0: {  	[sflag:s22] =	ssyncadd.s32 s4;
	_ =	sdelay $0x1  }
0xa1: {  	s23 =	simm.s32 $0x1B8B  }
0xa2: {  	_ =	swait.ge [sflag:s23], $0x1  }
0xa3: {  	[sflag:s23] =	ssyncset.done $0x0  }
0xa4: {  	s25 =	simm.s32 $0x1B8E;
	s24 =	sld [smem:$0x3FFE];
	[sflag:s23] =	ssyncadd.s32 $0xFFFFFFFF  }
0xa5: {  	s26 =	simm.s32 $execute0_lowered;
	[smem:$0x3FD2] =	sst s25  }
0xa6: {  	s5 =	sshll.u32 s26, $0x1;
	_ =	strace $0x80000046;
	[dreg:$0x1] =	wrdreg $0xFFFFFFFF  }
0xa7: {  	s28 =	simm.s32 $_size_execute0_lowered;
	s3 =	sadd.s32 s3, s5;
	[dreg:$0x0] =	wrdreg $0x0  }
0xa8: {  	s5 =	sshll.u32 s28, $0x1;
	[dreg:$0x2] =	wrdreg s3  }
0xa9: {  	[dreg:$0x3] =	wrdreg s5  }
0xaa: {  	[dreg:$0x4] =	wrdreg $0xC0  }
0xab: {  	_ =	task [dreg:s7], $0x5FFFF  }
0xac: {  	[dreg:$0x1] =	wrdreg $0xFFFFFFFF  }
0xad: {  	[dreg:$0x0] =	wrdreg $0x60  }
0xae: {  	[dreg:$0x2] =	wrdreg s2  }
0xaf: {  	[dreg:$0x3] =	wrdreg s24  }
0xb0: {  	[dreg:$0x4] =	wrdreg $0x9  }
0xb1: {  	_ =	task.clear_ibuf [dreg:s7], $0x5FFFF;
	_ =	strace $0x90000046  }
0xb2: {  	s29 =	simm.s32 $0x9;
	_ =	strace $0x80000048  }
0xb3: {  	_ =	swait.ge [sflag:s29], $0x1  }
0xb4: {  	[sflag:s29] =	ssyncadd.s32 $0xFFFFFFFF  }
0xb5: {  	_ =	strace $0x90000048  }
0xb6: {  	_ =	sfence  }
0xb7: {  	s30 =	sld [smem:$0x0];
	_ =	sdelay $0x2  }
0xb8: {  	s31 =	sshll.u32 s1, $0xD;
	s1 =	sshrl.u32 s1, $0x2  }
0xb9: {  	s3 =	sand.u32 $0x4000, s31;
	s1 =	sadd.s32 s1, s30  }
0xba: {  	s0 =	sor.u32 s3, s0;
	s1 =	sshll.u32 s1, $0x11  }
0xbb: {  	s0 =	sor.u32 s1, s0  }
0xbc: {  	s0 =	sadd.s32 $0x8F2B, s0  }
0xbd: {  	[sflag:s0] =	ssyncadd.remote.s32 $0x1  }
0xbe: {  	_ =	sfence.sel $0xFFFF  }
0xbf: {  	[dreg:$0x0] =	wrdreg $0xFFFFFFFF;
	(pc) =	sbr.abs _section_cstart, $3  }
0xc0: {  	[dreg:$0x1] =	wrdreg $0xFFFFFFFF  }
0xc1: {  	_ =	task.clear_ibuf [dreg:s7], $0x2FFFF;
	_ =	strace $0x9FFFFFFF  }
0xc2: {  	(tm) =	ssettm $0x7FFFFFFF  }
0xc3: {  	_ =	shalt  }
tec
execute0_lowered:
.L_overlay_start_1:
0x0: {  	(tag) =	ssettag $0x1  }
0x1: {  	s0 =	rddreg [dreg:$0x0]  }
0x2: {  	s1 =	rddreg [dreg:$0x1]  }
0x3: {  	s3 =	srdreg.scid;
	s2 =	simm.s32 $0x0;
	s5 =	stileid.u32  }
0x4: {  	s25 =	simm.s32 $0x10000;
	s9 =	simm.s32 $0x2;
	s26 =	simm.s32 $0x10080  }
0x5: {  	s20 =	simm.s32 $0x1800;
	s21 =	simm.s32 $0x2000;
	s22 =	simm.s32 $0x2800  }
0x6: {  	s23 =	simm.s32 $0x3000;
	s28 =	simm.s32 $0x5000;
	s29 =	simm.s32 $0x5800  }
0x7: {  	s30 =	simm.s32 $0x6000;
	s31 =	simm.s32 $0x6800;
	s10 =	simm.s32 $0x8800  }
0x8: {  	s11 =	simm.s32 $0x9000;
	s12 =	simm.s32 $0x9800;
	s13 =	simm.s32 $0xA000  }
0x9: {  	s14 =	simm.s32 $0xA800;
	s15 =	simm.s32 $0xB000;
	s16 =	simm.s32 $0xB800  }
0xa: {  	s17 =	simm.s32 $0xC000;
	s4 =	sand.u32 $0x1, s3;
	[smem:$0x7FF] =	sst s2  }
0xb: {  	s5 =	sshll.u32 s5, $0x7;
	s3 =	sadd.s32 $0x200, s1;
	s6 =	sshll.u32 s4, $0x6  }
0xc: {  	_ =	strace $0x80000047;
	s4 =	ssub.s32 $0x2, s4;
	[dreg:$0x5] =	wrdreg s25  }
0xd: {  	[dreg:$0x6] =	wrdreg s26;
	s25 =	simm.s32 $0x4000;
	s5 =	sor.u32 s6, s5  }
0xe: {  	s26 =	simm.s32 $0x4800;
	s7 =	sshrl.u32 s4, $0x1;
	s6 =	sshll.u32 s5, $0x7  }
0xf: {  	s5 =	sshrl.u32 s5, $0x3;
	s4 =	ssub.s32 s4, s7;
	s7 =	sadd.s32 $0x500, s1  }
0x10: {  	s0 =	sadd.s32 s0, s6;
	s5 =	sadd.s32 s1, s5;
	s6 =	sadd.s32 $0x400, s1  }
0x11: {  	v2 =	vlaneseq.u32;
	s8 =	smax.u32 s4, $0x1;
	s4 =	simm.s32 $0x8000;
	[dreg:$0x3] =	wrdreg s0  }
0x12: {  	vm0 =	vmmov $0xffff;
	v1 =	vshrl.u32 v2, $0x3;
	[dreg:$0x7] =	wrdreg s5;
	s24 =	sadd.s32 $0x100, s5;
	s5 =	sadd.s32 $0x300, s1  }
0x13: {  	v0 =	vand.u32 $0x7, v2;
	v2 =	vor.u32 $0x8, v2;
	v1 =	vmul.u32 $0x8, v1;
	s1 =	simm.s32 $0x7800;
	[dreg:$0x4] =	wrdreg s24;
	s24 =	simm.s32 $0x3800  }
.LBB2_1:
0x14: {  	s18 =	rddreg [dreg:$0x3]  }
0x15: {  	[tilespmem:s2], [sflag:$0x2] =	stream.linear.gather [hbm4b:s18+s2], $0x10000, $0x38;
	[tilespmem:$0x10100] =	vst v63  }
0x16: {  	_ =	swait.ge [sflag:s9], $0x10000  }
0x17: {  	s0 =	rddreg [dreg:$0x5];
	[sflag:s9] =	ssyncset.done $0x0  }
0x18: {  	s19 =	rddreg [dreg:$0x7];
	[sflag:s9] =	ssyncadd.s32 $0xFFFF0000  }
0x19: {  	[tilespmem:s0], [sflag:$0x2] =	stream.linear.gather [hbm4b:s19+s2], $0x40, $0x38;
	[tilespmem:$0x10100] =	vst v63  }
0x1a: {  	_ =	swait.ge [sflag:s9], $0x40  }
0x1b: {  	s19 =	rddreg [dreg:$0x4];
	[sflag:s9] =	ssyncset.done $0x0  }
0x1c: {  	s0 =	rddreg [dreg:$0x6];
	[sflag:s9] =	ssyncadd.s32 $0xFFFFFFC0  }
0x1d: {  	[tilespmem:s0], [sflag:$0x2] =	stream.linear.gather [hbm4b:s19+s2], $0x40, $0x38;
	[tilespmem:$0x10100] =	vst v63  }
0x1e: {  	_ =	swait.ge [sflag:s9], $0x40  }
0x1f: {  	[sflag:s9] =	ssyncset.done $0x0  }
0x20: {  	[sflag:s9] =	ssyncadd.s32 $0xFFFFFFC0  }
0x21: {  	v3 =	vld [tilespmem:$0x10000];
	_ =	sdelay $0x4  }
0x22: {  	v4 =	vshll.u32 v3, $0x3  }
0x23: {  	v3 =	vand.u32 $0x7, v3;
	v4 =	vand.u32 $0xFFFFFFC0, v4  }
0x24: {  	v3 =	vor.u32 v3, v4  }
0x25: {  	v4 =	vperm.xlane v3, v0;
	_ =	sdelay $0x1  }
0x26: {  	v4 =	vadd.s32 v1, v4;
	_ =	sdelay $0x4  }
0x27: {  	[hbm4b:s3+s2] =	stream.indirect_vreg.scatter [tilespmem:s2], [sflag:$0x1], $0x80, v4, vm0, $0xb8;
	[tilespmem:$0x10100] =	vst v63  }
0x28: {  	s18 =	simm.s32 $0x800;
	v3 =	vperm.xlane v3, v2  }
0x29: {  	[hbm4b:s5+s2] =	stream.indirect_vreg.scatter [tilespmem:s18], [sflag:$0x1], $0x80, v4, vm0, $0xb8;
	[tilespmem:$0x10100] =	vst v63  }
0x2a: {  	s19 =	simm.s32 $0x1000;
	v3 =	vadd.s32 v1, v3  }
0x2b: {  	[hbm4b:s6+s2] =	stream.indirect_vreg.scatter [tilespmem:s19], [sflag:$0x1], $0x80, v4, vm0, $0xb8;
	[tilespmem:$0x10100] =	vst v63  }
0x2c: {  	_ = 	snop  }
0x2d: {  	[hbm4b:s7+s2] =	stream.indirect_vreg.scatter [tilespmem:s20], [sflag:$0x1], $0x80, v4, vm0, $0xb8;
	[tilespmem:$0x10100] =	vst v63  }
0x2e: {  	_ = 	snop  }
0x2f: {  	[hbm4b:s3+s2] =	stream.indirect_vreg.scatter [tilespmem:s21], [sflag:$0x1], $0x80, v3, vm0, $0xb8;
	[tilespmem:$0x10100] =	vst v63  }
0x30: {  	_ = 	snop  }
0x31: {  	[hbm4b:s5+s2] =	stream.indirect_vreg.scatter [tilespmem:s22], [sflag:$0x1], $0x80, v3, vm0, $0xb8;
	[tilespmem:$0x10100] =	vst v63  }
0x32: {  	_ = 	snop  }
0x33: {  	[hbm4b:s6+s2] =	stream.indirect_vreg.scatter [tilespmem:s23], [sflag:$0x1], $0x80, v3, vm0, $0xb8;
	[tilespmem:$0x10100] =	vst v63  }
0x34: {  	_ = 	snop  }
0x35: {  	[hbm4b:s7+s2] =	stream.indirect_vreg.scatter [tilespmem:s24], [sflag:$0x1], $0x80, v3, vm0, $0xb8;
	[tilespmem:$0x10100] =	vst v63  }
0x36: {  	v3 =	vld [tilespmem:$0x10010];
	_ =	sdelay $0x4  }
0x37: {  	v57 =	vshll.u32 v3, $0x3  }
0x38: {  	v3 =	vand.u32 $0x7, v3;
	v4 =	vand.u32 $0xFFFFFFC0, v57  }
0x39: {  	v3 =	vor.u32 v3, v4  }
0x3a: {  	v4 =	vperm.xlane v3, v0;
	_ =	sdelay $0x1  }
0x3b: {  	v4 =	vadd.s32 v1, v4;
	_ =	sdelay $0x4  }
0x3c: {  	[hbm4b:s3+s2] =	stream.indirect_vreg.scatter [tilespmem:s25], [sflag:$0x1], $0x80, v4, vm0, $0xb8;
	[tilespmem:$0x10100] =	vst v63  }
0x3d: {  	v3 =	vperm.xlane v3, v2  }
0x3e: {  	[hbm4b:s5+s2] =	stream.indirect_vreg.scatter [tilespmem:s26], [sflag:$0x1], $0x80, v4, vm0, $0xb8;
	[tilespmem:$0x10100] =	vst v63  }
0x3f: {  	v3 =	vadd.s32 v1, v3  }
0x40: {  	[hbm4b:s6+s2] =	stream.indirect_vreg.scatter [tilespmem:s28], [sflag:$0x1], $0x80, v4, vm0, $0xb8;
	[tilespmem:$0x10100] =	vst v63  }
0x41: {  	_ = 	snop  }
0x42: {  	[hbm4b:s7+s2] =	stream.indirect_vreg.scatter [tilespmem:s29], [sflag:$0x1], $0x80, v4, vm0, $0xb8;
	[tilespmem:$0x10100] =	vst v63  }
0x43: {  	_ = 	snop  }
0x44: {  	[hbm4b:s3+s2] =	stream.indirect_vreg.scatter [tilespmem:s30], [sflag:$0x1], $0x80, v3, vm0, $0xb8;
	[tilespmem:$0x10100] =	vst v63  }
0x45: {  	_ = 	snop  }
0x46: {  	[hbm4b:s5+s2] =	stream.indirect_vreg.scatter [tilespmem:s31], [sflag:$0x1], $0x80, v3, vm0, $0xb8;
	[tilespmem:$0x10100] =	vst v63  }
0x47: {  	s0 =	simm.s32 $0x7000  }
0x48: {  	[hbm4b:s6+s2] =	stream.indirect_vreg.scatter [tilespmem:s0], [sflag:$0x1], $0x80, v3, vm0, $0xb8;
	[tilespmem:$0x10100] =	vst v63  }
0x49: {  	_ = 	snop  }
0x4a: {  	[hbm4b:s7+s2] =	stream.indirect_vreg.scatter [tilespmem:s1], [sflag:$0x1], $0x80, v3, vm0, $0xb8;
	[tilespmem:$0x10100] =	vst v63  }
0x4b: {  	v3 =	vld [tilespmem:$0x10020];
	_ =	sdelay $0x4  }
0x4c: {  	v58 =	vshll.u32 v3, $0x3  }
0x4d: {  	v3 =	vand.u32 $0x7, v3;
	v4 =	vand.u32 $0xFFFFFFC0, v58  }
0x4e: {  	v3 =	vor.u32 v3, v4  }
0x4f: {  	v4 =	vperm.xlane v3, v0;
	_ =	sdelay $0x1  }
0x50: {  	v4 =	vadd.s32 v1, v4;
	_ =	sdelay $0x4  }
0x51: {  	[hbm4b:s3+s2] =	stream.indirect_vreg.scatter [tilespmem:s4], [sflag:$0x1], $0x80, v4, vm0, $0xb8;
	[tilespmem:$0x10100] =	vst v63  }
0x52: {  	v3 =	vperm.xlane v3, v2  }
0x53: {  	[hbm4b:s5+s2] =	stream.indirect_vreg.scatter [tilespmem:s10], [sflag:$0x1], $0x80, v4, vm0, $0xb8;
	[tilespmem:$0x10100] =	vst v63  }
0x54: {  	v3 =	vadd.s32 v1, v3  }
0x55: {  	[hbm4b:s6+s2] =	stream.indirect_vreg.scatter [tilespmem:s11], [sflag:$0x1], $0x80, v4, vm0, $0xb8;
	[tilespmem:$0x10100] =	vst v63  }
0x56: {  	_ = 	snop  }
0x57: {  	[hbm4b:s7+s2] =	stream.indirect_vreg.scatter [tilespmem:s12], [sflag:$0x1], $0x80, v4, vm0, $0xb8;
	[tilespmem:$0x10100] =	vst v63  }
0x58: {  	_ = 	snop  }
0x59: {  	[hbm4b:s3+s2] =	stream.indirect_vreg.scatter [tilespmem:s13], [sflag:$0x1], $0x80, v3, vm0, $0xb8;
	[tilespmem:$0x10100] =	vst v63  }
0x5a: {  	_ = 	snop  }
0x5b: {  	[hbm4b:s5+s2] =	stream.indirect_vreg.scatter [tilespmem:s14], [sflag:$0x1], $0x80, v3, vm0, $0xb8;
	[tilespmem:$0x10100] =	vst v63  }
0x5c: {  	_ = 	snop  }
0x5d: {  	[hbm4b:s6+s2] =	stream.indirect_vreg.scatter [tilespmem:s15], [sflag:$0x1], $0x80, v3, vm0, $0xb8;
	[tilespmem:$0x10100] =	vst v63  }
0x5e: {  	_ = 	snop  }
0x5f: {  	[hbm4b:s7+s2] =	stream.indirect_vreg.scatter [tilespmem:s16], [sflag:$0x1], $0x80, v3, vm0, $0xb8;
	[tilespmem:$0x10100] =	vst v63  }
0x60: {  	v3 =	vld [tilespmem:$0x10030];
	_ =	sdelay $0x4  }
0x61: {  	v59 =	vshll.u32 v3, $0x3  }
0x62: {  	v3 =	vand.u32 $0x7, v3;
	v4 =	vand.u32 $0xFFFFFFC0, v59  }
0x63: {  	v3 =	vor.u32 v3, v4  }
0x64: {  	v4 =	vperm.xlane v3, v0;
	_ =	sdelay $0x1  }
0x65: {  	v4 =	vadd.s32 v1, v4;
	_ =	sdelay $0x4  }
0x66: {  	[hbm4b:s3+s2] =	stream.indirect_vreg.scatter [tilespmem:s17], [sflag:$0x1], $0x80, v4, vm0, $0xb8;
	[tilespmem:$0x10100] =	vst v63  }
0x67: {  	s0 =	simm.s32 $0xC800;
	v3 =	vperm.xlane v3, v2  }
0x68: {  	[hbm4b:s5+s2] =	stream.indirect_vreg.scatter [tilespmem:s0], [sflag:$0x1], $0x80, v4, vm0, $0xb8;
	[tilespmem:$0x10100] =	vst v63  }
0x69: {  	v3 =	vadd.s32 v1, v3;
	s0 =	simm.s32 $0xD000  }
0x6a: {  	[hbm4b:s6+s2] =	stream.indirect_vreg.scatter [tilespmem:s0], [sflag:$0x1], $0x80, v4, vm0, $0xb8;
	[tilespmem:$0x10100] =	vst v63  }
0x6b: {  	s0 =	simm.s32 $0xD800  }
0x6c: {  	[hbm4b:s7+s2] =	stream.indirect_vreg.scatter [tilespmem:s0], [sflag:$0x1], $0x80, v4, vm0, $0xb8;
	[tilespmem:$0x10100] =	vst v63  }
0x6d: {  	s0 =	simm.s32 $0xE000  }
0x6e: {  	[hbm4b:s3+s2] =	stream.indirect_vreg.scatter [tilespmem:s0], [sflag:$0x1], $0x80, v3, vm0, $0xb8;
	[tilespmem:$0x10100] =	vst v63  }
0x6f: {  	s0 =	simm.s32 $0xE800  }
0x70: {  	[hbm4b:s5+s2] =	stream.indirect_vreg.scatter [tilespmem:s0], [sflag:$0x1], $0x80, v3, vm0, $0xb8;
	[tilespmem:$0x10100] =	vst v63  }
0x71: {  	s0 =	simm.s32 $0xF000  }
0x72: {  	[hbm4b:s6+s2] =	stream.indirect_vreg.scatter [tilespmem:s0], [sflag:$0x1], $0x80, v3, vm0, $0xb8;
	[tilespmem:$0x10100] =	vst v63  }
0x73: {  	s0 =	simm.s32 $0xF800  }
0x74: {  	[hbm4b:s7+s2] =	stream.indirect_vreg.scatter [tilespmem:s0], [sflag:$0x1], $0x80, v3, vm0, $0xb8;
	[tilespmem:$0x10100] =	vst v63  }
0x75: {  	v3 =	vld [tilespmem:$0x10080];
	_ =	sdelay $0x4  }
0x76: {  	v60 =	vshll.u32 v3, $0x3  }
0x77: {  	v3 =	vand.u32 $0x7, v3;
	v4 =	vand.u32 $0xFFFFFFC0, v60  }
0x78: {  	v3 =	vor.u32 v3, v4  }
0x79: {  	v4 =	vperm.xlane v3, v0;
	_ =	sdelay $0x1  }
0x7a: {  	v4 =	vadd.s32 v1, v4;
	_ =	sdelay $0x4  }
0x7b: {  	[hbm4b:s3+s2] =	stream.indirect_vreg.scatter [tilespmem:s2], [sflag:$0x1], $0x80, v4, vm0, $0xb8;
	[tilespmem:$0x10100] =	vst v63  }
0x7c: {  	v3 =	vperm.xlane v3, v2  }
0x7d: {  	[hbm4b:s5+s2] =	stream.indirect_vreg.scatter [tilespmem:s18], [sflag:$0x1], $0x80, v4, vm0, $0xb8;
	[tilespmem:$0x10100] =	vst v63  }
0x7e: {  	v3 =	vadd.s32 v1, v3  }
0x7f: {  	[hbm4b:s6+s2] =	stream.indirect_vreg.scatter [tilespmem:s19], [sflag:$0x1], $0x80, v4, vm0, $0xb8;
	[tilespmem:$0x10100] =	vst v63  }
0x80: {  	_ = 	snop  }
0x81: {  	[hbm4b:s7+s2] =	stream.indirect_vreg.scatter [tilespmem:s20], [sflag:$0x1], $0x80, v4, vm0, $0xb8;
	[tilespmem:$0x10100] =	vst v63  }
0x82: {  	_ = 	snop  }
0x83: {  	[hbm4b:s3+s2] =	stream.indirect_vreg.scatter [tilespmem:s21], [sflag:$0x1], $0x80, v3, vm0, $0xb8;
	[tilespmem:$0x10100] =	vst v63  }
0x84: {  	_ = 	snop  }
0x85: {  	[hbm4b:s5+s2] =	stream.indirect_vreg.scatter [tilespmem:s22], [sflag:$0x1], $0x80, v3, vm0, $0xb8;
	[tilespmem:$0x10100] =	vst v63  }
0x86: {  	_ = 	snop  }
0x87: {  	[hbm4b:s6+s2] =	stream.indirect_vreg.scatter [tilespmem:s23], [sflag:$0x1], $0x80, v3, vm0, $0xb8;
	[tilespmem:$0x10100] =	vst v63  }
0x88: {  	_ = 	snop  }
0x89: {  	[hbm4b:s7+s2] =	stream.indirect_vreg.scatter [tilespmem:s24], [sflag:$0x1], $0x80, v3, vm0, $0xb8;
	[tilespmem:$0x10100] =	vst v63  }
0x8a: {  	v3 =	vld [tilespmem:$0x10090];
	_ =	sdelay $0x4  }
0x8b: {  	v61 =	vshll.u32 v3, $0x3  }
0x8c: {  	v3 =	vand.u32 $0x7, v3;
	v4 =	vand.u32 $0xFFFFFFC0, v61  }
0x8d: {  	v3 =	vor.u32 v3, v4  }
0x8e: {  	v4 =	vperm.xlane v3, v0;
	_ =	sdelay $0x1  }
0x8f: {  	v4 =	vadd.s32 v1, v4;
	_ =	sdelay $0x4  }
0x90: {  	[hbm4b:s3+s2] =	stream.indirect_vreg.scatter [tilespmem:s25], [sflag:$0x1], $0x80, v4, vm0, $0xb8;
	[tilespmem:$0x10100] =	vst v63  }
0x91: {  	v3 =	vperm.xlane v3, v2  }
0x92: {  	[hbm4b:s5+s2] =	stream.indirect_vreg.scatter [tilespmem:s26], [sflag:$0x1], $0x80, v4, vm0, $0xb8;
	[tilespmem:$0x10100] =	vst v63  }
0x93: {  	v3 =	vadd.s32 v1, v3  }
0x94: {  	[hbm4b:s6+s2] =	stream.indirect_vreg.scatter [tilespmem:s28], [sflag:$0x1], $0x80, v4, vm0, $0xb8;
	[tilespmem:$0x10100] =	vst v63  }
0x95: {  	_ = 	snop  }
0x96: {  	[hbm4b:s7+s2] =	stream.indirect_vreg.scatter [tilespmem:s29], [sflag:$0x1], $0x80, v4, vm0, $0xb8;
	[tilespmem:$0x10100] =	vst v63  }
0x97: {  	_ = 	snop  }
0x98: {  	[hbm4b:s3+s2] =	stream.indirect_vreg.scatter [tilespmem:s30], [sflag:$0x1], $0x80, v3, vm0, $0xb8;
	[tilespmem:$0x10100] =	vst v63  }
0x99: {  	_ = 	snop  }
0x9a: {  	[hbm4b:s5+s2] =	stream.indirect_vreg.scatter [tilespmem:s31], [sflag:$0x1], $0x80, v3, vm0, $0xb8;
	[tilespmem:$0x10100] =	vst v63  }
0x9b: {  	s19 =	simm.s32 $0x7000  }
0x9c: {  	[hbm4b:s6+s2] =	stream.indirect_vreg.scatter [tilespmem:s19], [sflag:$0x1], $0x80, v3, vm0, $0xb8;
	[tilespmem:$0x10100] =	vst v63  }
0x9d: {  	_ = 	snop  }
0x9e: {  	[hbm4b:s7+s2] =	stream.indirect_vreg.scatter [tilespmem:s1], [sflag:$0x1], $0x80, v3, vm0, $0xb8;
	[tilespmem:$0x10100] =	vst v63  }
0x9f: {  	v3 =	vld [tilespmem:$0x100A0];
	_ =	sdelay $0x4  }
0xa0: {  	v62 =	vshll.u32 v3, $0x3  }
0xa1: {  	v3 =	vand.u32 $0x7, v3;
	v4 =	vand.u32 $0xFFFFFFC0, v62  }
0xa2: {  	v3 =	vor.u32 v3, v4  }
0xa3: {  	v4 =	vperm.xlane v3, v0;
	_ =	sdelay $0x1  }
0xa4: {  	v4 =	vadd.s32 v1, v4;
	_ =	sdelay $0x4  }
0xa5: {  	[hbm4b:s3+s2] =	stream.indirect_vreg.scatter [tilespmem:s4], [sflag:$0x1], $0x80, v4, vm0, $0xb8;
	[tilespmem:$0x10100] =	vst v63  }
0xa6: {  	v3 =	vperm.xlane v3, v2  }
0xa7: {  	[hbm4b:s5+s2] =	stream.indirect_vreg.scatter [tilespmem:s10], [sflag:$0x1], $0x80, v4, vm0, $0xb8;
	[tilespmem:$0x10100] =	vst v63  }
0xa8: {  	v3 =	vadd.s32 v1, v3  }
0xa9: {  	[hbm4b:s6+s2] =	stream.indirect_vreg.scatter [tilespmem:s11], [sflag:$0x1], $0x80, v4, vm0, $0xb8;
	[tilespmem:$0x10100] =	vst v63  }
0xaa: {  	_ = 	snop  }
0xab: {  	[hbm4b:s7+s2] =	stream.indirect_vreg.scatter [tilespmem:s12], [sflag:$0x1], $0x80, v4, vm0, $0xb8;
	[tilespmem:$0x10100] =	vst v63  }
0xac: {  	_ = 	snop  }
0xad: {  	[hbm4b:s3+s2] =	stream.indirect_vreg.scatter [tilespmem:s13], [sflag:$0x1], $0x80, v3, vm0, $0xb8;
	[tilespmem:$0x10100] =	vst v63  }
0xae: {  	_ = 	snop  }
0xaf: {  	[hbm4b:s5+s2] =	stream.indirect_vreg.scatter [tilespmem:s14], [sflag:$0x1], $0x80, v3, vm0, $0xb8;
	[tilespmem:$0x10100] =	vst v63  }
0xb0: {  	_ = 	snop  }
0xb1: {  	[hbm4b:s6+s2] =	stream.indirect_vreg.scatter [tilespmem:s15], [sflag:$0x1], $0x80, v3, vm0, $0xb8;
	[tilespmem:$0x10100] =	vst v63  }
0xb2: {  	_ = 	snop  }
0xb3: {  	[hbm4b:s7+s2] =	stream.indirect_vreg.scatter [tilespmem:s16], [sflag:$0x1], $0x80, v3, vm0, $0xb8;
	[tilespmem:$0x10100] =	vst v63  }
0xb4: {  	v3 =	vld [tilespmem:$0x100B0];
	_ =	sdelay $0x4  }
0xb5: {  	v63 =	vshll.u32 v3, $0x3  }
0xb6: {  	v3 =	vand.u32 $0x7, v3;
	v4 =	vand.u32 $0xFFFFFFC0, v63  }
0xb7: {  	v3 =	vor.u32 v3, v4  }
0xb8: {  	v4 =	vperm.xlane v3, v0;
	_ =	sdelay $0x1  }
0xb9: {  	v4 =	vadd.s32 v1, v4;
	_ =	sdelay $0x4  }
0xba: {  	[hbm4b:s3+s2] =	stream.indirect_vreg.scatter [tilespmem:s17], [sflag:$0x1], $0x80, v4, vm0, $0xb8;
	[tilespmem:$0x10100] =	vst v63  }
0xbb: {  	s18 =	simm.s32 $0xC800;
	v3 =	vperm.xlane v3, v2  }
0xbc: {  	[hbm4b:s5+s2] =	stream.indirect_vreg.scatter [tilespmem:s18], [sflag:$0x1], $0x80, v4, vm0, $0xb8;
	[tilespmem:$0x10100] =	vst v63  }
0xbd: {  	s19 =	simm.s32 $0xD000;
	v3 =	vadd.s32 v1, v3  }
0xbe: {  	[hbm4b:s6+s2] =	stream.indirect_vreg.scatter [tilespmem:s19], [sflag:$0x1], $0x80, v4, vm0, $0xb8;
	[tilespmem:$0x10100] =	vst v63  }
0xbf: {  	s18 =	simm.s32 $0xD800  }
0xc0: {  	[hbm4b:s7+s2] =	stream.indirect_vreg.scatter [tilespmem:s18], [sflag:$0x1], $0x80, v4, vm0, $0xb8;
	[tilespmem:$0x10100] =	vst v63  }
0xc1: {  	s19 =	simm.s32 $0xE000  }
0xc2: {  	[hbm4b:s3+s2] =	stream.indirect_vreg.scatter [tilespmem:s19], [sflag:$0x1], $0x80, v3, vm0, $0xb8;
	[tilespmem:$0x10100] =	vst v63  }
0xc3: {  	s18 =	simm.s32 $0xE800  }
0xc4: {  	[hbm4b:s5+s2] =	stream.indirect_vreg.scatter [tilespmem:s18], [sflag:$0x1], $0x80, v3, vm0, $0xb8;
	[tilespmem:$0x10100] =	vst v63  }
0xc5: {  	s19 =	simm.s32 $0xF000  }
0xc6: {  	[hbm4b:s6+s2] =	stream.indirect_vreg.scatter [tilespmem:s19], [sflag:$0x1], $0x80, v3, vm0, $0xb8;
	[tilespmem:$0x10100] =	vst v63  }
0xc7: {  	s18 =	simm.s32 $0xF800;
	s19 =	simm.s32 $0x1  }
0xc8: {  	[hbm4b:s7+s2] =	stream.indirect_vreg.scatter [tilespmem:s18], [sflag:$0x1], $0x80, v3, vm0, $0xb8;
	[tilespmem:$0x10100] =	vst v63  }
0xc9: {  	p0 =	sne.s32 s8, $0x1;
	_ =	swait.ge [sflag:s19], $0x10000  }
.Ltmp0:
0xca: {  	[sflag:s19] =	ssyncset.done $0x0;
	(pc) =	sbr.rel @p0 .LBB2_1-.Ltmp0, $4  }
0xcb: {  	[sflag:s19] =	ssyncadd.s32 $0xFFFF0000  }
0xcc: {  	_ =	swait.ge [sflag:s19], $0x10000  }
0xcd: {  	[sflag:s19] =	ssyncset.done $0x0  }
0xce: {  	s8 =	sadd.s32 $0xFFFFFFFF, s8;
	[sflag:s19] =	ssyncadd.s32 $0xFFFF0000  }
0xcf: {  	_ =	sfence.sel $0x180000  }
0xd0: {  	[bflag:$0x0] =	sbarrier.arrive $0xFFFF  }
0xd1: {  	_ =	strace $0x90000047  }
0xd2: {  	s0 =	stileid.u32;
	[bflag:$0x2] =	sbarrier.arrive $0xFFFF  }
0xd3: {  	p0 =	sne.s32 s0, $0x0;
	s0 =	rddreg [dreg:$0x2]  }
0xd4: {  	s0 =	sadd.s32 @!p0 $0x100000, s0  }
0xd5: {  	[sflag:s0] =	ssyncadd.tile.s32 @!p0 $0x1;
	_ =	shalt  }
.Lfunc_end2:
_tile_overlayer_lowered:
.L_overlay_start_2:
0xd6: {  	(tag) =	ssettag $0x2  }
0xd7: {  	s0 =	rddreg [dreg:$0x0];
	s2 =	stileid.u32  }
0xd8: {  	s1 =	rddreg [dreg:$0x1];
	p0 =	sne.s32 s2, $0x0  }
0xd9: {  	s3 =	rddreg [dreg:$0x2];
	[bflag:$0x3] =	sbarrier.arrive $0xFFFF;
	s2 =	simm.s32 @!p0 $0x1C02  }
0xda: {  	[timem:s3], [sflag:s2] =	dma.local @!p0 [hbm:s0], s1  }
0xdb: {  	s0 =	simm.s32 @!p0 $0x2  }
0xdc: {  	_ =	swait.ge @!p0 [sflag:s0], s1  }
0xdd: {  	s1 =	ssub.s32 @!p0 $0x0, s1;
	[sflag:s0] =	ssyncset.done @!p0 $0x0  }
0xde: {  	[sflag:s0] =	ssyncadd.s32 @!p0 s1  }
0xdf: {  	[bflag:$0x3] =	sbarrier.arrive $0xFFFF  }
0xe0: {  	_ =	shalt  }

// kernel: kernel.9.cloned.1.call-start
scs
__scs_entry_jumppad:
0x0: {  	(pc) =	sbr.rel $0x88, $3  }
0x1: {  	(tag) =	ssettag $0x0;
	lr =	simm.s32 $0x1  }
0x2: {  	[smem:$0x3F9C] =	sst lr;
	_ =	strace $0xD0000000  }
0x3: {  	_ = 	snop  }
0x4: {  	_ = 	snop  }
0x5: {  	_ = 	snop  }
0x6: {  	_ = 	snop  }
0x7: {  	_ = 	snop  }
__scs_overlays_trampoline_lowered:
0x8: {  	[smem:$0x3FAB] =	sst s0  }
0x9: {  	[smem:$0x3FAC] =	sst s1  }
0xa: {  	[smem:$0x3FAD] =	sst s2  }
0xb: {  	[smem:$0x3FAE] =	sst s3  }
0xc: {  	[smem:$0x3FAF] =	sst s4  }
0xd: {  	[smem:$0x3FB0] =	sst s5  }
0xe: {  	[smem:$0x3FB1] =	sst s6  }
0xf: {  	[smem:$0x3FB2] =	sst s7  }
0x10: {  	[smem:$0x3FB3] =	sst s8  }
0x11: {  	[smem:$0x3FB4] =	sst s9;
	s0 =	simm.s32 @!p0 $0x0  }
0x12: {  	s1 =	sld [smem:$0x3F9A];
	s0 =	simm.s32 @p0 $0x1  }
0x13: {  	[smem:$0x3FB5] =	sst s0;
	s0 =	simm.s32 @!p1 $0x0  }
0x14: {  	s2 =	sld [smem:$0x3F99];
	s0 =	simm.s32 @p1 $0x1  }
0x15: {  	[smem:$0x3FB6] =	sst s0;
	s0 =	simm.s32 @!p2 $0x0  }
0x16: {  	s3 =	sld [smem:$0x3FDB];
	s0 =	simm.s32 @p2 $0x1  }
0x17: {  	s4 =	simm.s32 $0x1BF5;
	[smem:$0x3FB8] =	sst s0  }
0x18: {  	s0 =	sld [smem:$0x3F9B];
	_ =	swait.ge [sflag:s4], $0x0  }
0x19: {  	s7 =	sld [smem:$0x3F9C]  }
0x1a: {  	s8 =	sadd.s32 $0xFFFFE003, lr  }
0x1b: {  	s9 =	sadd.s32 $0xFFFFFEF7, lr;
	s5 =	simm.s32 $0xFFFFFFFF;
	p2 =	slt.u32 s8, $0xFFFFF086  }
0x1c: {  	p1 =	slt.u32 s9, $0xF7A;
	s5 =	simm.s32 @!p2 $0x0  }
0x1d: {  	s5 =	simm.s32 @p1 $0x1;
	p0 =	seq.s32 s7, s2  }
0x1e: {  	s7 =	smul.u32 @!p0 $0xF7A, s2;
	p2 =	seq.s32 @!p0 s5, $0x0  }
0x1f: {  	s9 =	smul.u32 $0xF7A, s1;
	s8 =	simm.s32 @!p0 $0x1BF5;
	p2 =	por !p2, p0  }
0x20: {  	[sflag:s8] =	ssyncset.s32 @!p0 $0xFFFFF086;
	s6 =	sadd.s32 @!p0 s3, s7;
	s7 =	simm.s32 @!p0 $0x108  }
0x21: {  	s3 =	sadd.s32 s3, s9;
	s6 =	sadd.s32 @!p0 $0x88, s6;
	s7 =	simm.s32 @p2 $0x1082  }
0x22: {  	[simem:s7], [sflag:s8] =	dma.local @!p0 [hbm:s6], $0xF7A  }
0x23: {  	s9 =	sor.u32 $0xD0000000, s2;
	s6 =	simm.s32 $0x108;
	_ =	swait.ge @!p0 [sflag:s8], $0x0  }
0x24: {  	s3 =	sadd.s32 $0x88, s3;
	s6 =	simm.s32 @!p1 $0x1082;
	[sflag:s4] =	ssyncset.s32 $0xFFFFF086  }
0x25: {  	[simem:s6], [sflag:s4] =	dma.local [hbm:s3], $0xF7A  }
0x26: {  	[smem:$0x3F9C] =	sst s1;
	(tag) =	ssettag s2;
	_ =	strace s9  }
0x27: {  	s1 =	sld [smem:$0x3FAC]  }
0x28: {  	s2 =	sld [smem:$0x3FAD]  }
0x29: {  	s4 =	sld [smem:$0x3FAF]  }
0x2a: {  	p0 =	seq.s32 s5, $0x0;
	s5 =	sld [smem:$0x3FB0]  }
0x2b: {  	s6 =	sld [smem:$0x3FB1]  }
0x2c: {  	s7 =	sld [smem:$0x3FB2]  }
0x2d: {  	s3 =	simm.s32 $0x108;
	s8 =	sld [smem:$0x3FB3]  }
0x2e: {  	s3 =	simm.s32 @!p0 $0x1082;
	s9 =	sld [smem:$0x3FB4]  }
0x2f: {  	lr =	sadd.s32 s0, s3;
	s0 =	sld [smem:$0x3FAB]  }
0x30: {  	s3 =	sld [smem:$0x3FAE]  }
0x31: {  	[smem:$0x3FB7] =	sst s10  }
0x32: {  	s10 =	sld [smem:$0x3FB5];
	_ =	sdelay $0x3  }
0x33: {  	p0 =	seq.s32 s10, $0x1;
	s10 =	sld [smem:$0x3FB7];
	_ =	sdelay $0x3  }
0x34: {  	[smem:$0x3FB7] =	sst s10  }
0x35: {  	s10 =	sld [smem:$0x3FB6];
	_ =	sdelay $0x3  }
0x36: {  	p1 =	seq.s32 s10, $0x1;
	s10 =	sld [smem:$0x3FB7];
	_ =	sdelay $0x3  }
0x37: {  	[smem:$0x3FB7] =	sst s10  }
0x38: {  	s10 =	sld [smem:$0x3FB8]  }
0x39: {  	_ = 	snop;
	(pc) =	sbr.ind lr, $3  }
0x3a: {  	_ = 	snop  }
0x3b: {  	_ = 	snop  }
0x3c: {  	p2 =	seq.s32 s10, $0x1;
	s10 =	sld [smem:$0x3FB7]  }
0x3d: {  	_ =	shalt  }
0x3e: {  	_ =	shalt  }
0x3f: {  	_ =	shalt  }
0x40: {  	_ =	shalt  }
0x41: {  	_ =	shalt  }
0x42: {  	_ =	shalt  }
0x43: {  	_ =	shalt  }
0x44: {  	_ =	shalt  }
0x45: {  	_ =	shalt  }
0x46: {  	_ =	shalt  }
0x47: {  	_ =	shalt  }
0x48: {  	_ =	shalt  }
0x49: {  	_ =	shalt  }
0x4a: {  	_ =	shalt  }
0x4b: {  	_ =	shalt  }
0x4c: {  	_ =	shalt  }
0x4d: {  	_ =	shalt  }
0x4e: {  	_ =	shalt  }
0x4f: {  	_ =	shalt  }
0x50: {  	_ =	shalt  }
0x51: {  	_ =	shalt  }
0x52: {  	_ =	shalt  }
0x53: {  	_ =	shalt  }
0x54: {  	_ =	shalt  }
0x55: {  	_ =	shalt  }
0x56: {  	_ =	shalt  }
0x57: {  	_ =	shalt  }
0x58: {  	_ =	shalt  }
0x59: {  	_ =	shalt  }
0x5a: {  	_ =	shalt  }
0x5b: {  	_ =	shalt  }
0x5c: {  	_ =	shalt  }
0x5d: {  	_ =	shalt  }
0x5e: {  	_ =	shalt  }
0x5f: {  	_ =	shalt  }
0x60: {  	_ =	shalt  }
0x61: {  	_ =	shalt  }
0x62: {  	_ =	shalt  }
0x63: {  	_ =	shalt  }
0x64: {  	_ =	shalt  }
0x65: {  	_ =	shalt  }
0x66: {  	_ =	shalt  }
0x67: {  	_ =	shalt  }
0x68: {  	_ =	shalt  }
0x69: {  	_ =	shalt  }
0x6a: {  	_ =	shalt  }
0x6b: {  	_ =	shalt  }
0x6c: {  	_ =	shalt  }
0x6d: {  	_ =	shalt  }
0x6e: {  	_ =	shalt  }
0x6f: {  	_ =	shalt  }
0x70: {  	_ =	shalt  }
0x71: {  	_ =	shalt  }
0x72: {  	_ =	shalt  }
0x73: {  	_ =	shalt  }
0x74: {  	_ =	shalt  }
0x75: {  	_ =	shalt  }
0x76: {  	_ =	shalt  }
0x77: {  	_ =	shalt  }
0x78: {  	_ =	shalt  }
0x79: {  	_ =	shalt  }
0x7a: {  	_ =	shalt  }
0x7b: {  	_ =	shalt  }
0x7c: {  	_ =	shalt  }
0x7d: {  	_ =	shalt  }
0x7e: {  	_ =	shalt  }
0x7f: {  	_ =	shalt  }
0x80: {  	_ =	shalt  }
0x81: {  	_ =	shalt  }
0x82: {  	_ =	shalt  }
0x83: {  	_ =	shalt  }
0x84: {  	_ =	shalt  }
0x85: {  	_ =	shalt  }
0x86: {  	_ =	shalt  }
0x87: {  	_ =	shalt  }
.Lfunc_end0:
.L_simem_size_0:
called_computation.1_lowered:
.L_overlay_start_0:
0x88: {  	s2 =	sld [smem:$0x3FD9]  }
0x89: {  	s3 =	sld [smem:$0x3FFE];
	_ =	sdelay $0x1  }
0x8a: {  	s1 =	srdreg.scid  }
0x8b: {  	s0 =	sand.u32 $0x1, s1  }
0x8c: {  	s17 =	sshll.u32 s0, $0xA;
	s2 =	sadd.s32 s3, s2  }
0x8d: {  	s2 =	sadd.s32 s2, s17  }
0x8e: {  	[smem:$0x3FC3] =	sst s2  }
0x8f: {  	_ = 	snop  }
0x90: {  	s2 =	sld [smem:$0x3FD0];
	(tm) =	ssettm $0x1  }
0x91: {  	s18 =	sld [smem:$0x3FFB];
	_ =	sdelay $0x3  }
0x92: {  	_ =	strace s18  }
0x93: {  	s3 =	sld [smem:$0x3FFC];
	_ =	sdelay $0x3  }
0x94: {  	_ =	strace s3  }
0x95: {  	s3 =	sld [smem:$0x3FFD];
	_ =	sdelay $0x3  }
0x96: {  	_ =	strace s3  }
0x97: {  	_ =	strace $0x8FFFFFFF  }
0x98: {  	s19 =	sld [smem:$0x3FDB];
	_ =	sdelay $0x1  }
0x99: {  	s4 =	simm.s32 $_scs_section_size  }
0x9a: {  	s5 =	simm.s32 $_size__tile_overlayer_lowered;
	s6 =	simm.s32 $_tile_overlayer_lowered  }
0x9b: {  	s22 =	simm.s32 $0x1BFF;
	s21 =	sshll.u32 s6, $0x1;
	s3 =	sadd.s32 s4, s19  }
0x9c: {  	s7 =	simm.s32 $0x0;
	s20 =	sshll.u32 s5, $0x1;
	s5 =	sadd.s32 s21, s3  }
0x9d: {  	[timem:s7], [sflag:s22] =	dma.local [hbm:s5], s20  }
0x9e: {  	_ =	swait.ge [sflag:s22], s20  }
0x9f: {  	s4 =	ssub.s32 $0x0, s20;
	[sflag:s22] =	ssyncset.done $0x0  }
0xa0: {  	[sflag:s22] =	ssyncadd.s32 s4;
	_ =	sdelay $0x1  }
0xa1: {  	s23 =	simm.s32 $0x1B8B  }
0xa2: {  	_ =	swait.ge [sflag:s23], $0x1  }
0xa3: {  	[sflag:s23] =	ssyncset.done $0x0  }
0xa4: {  	s25 =	simm.s32 $0x1B8E;
	s24 =	sld [smem:$0x3FFE];
	[sflag:s23] =	ssyncadd.s32 $0xFFFFFFFF  }
0xa5: {  	s26 =	simm.s32 $execute0_lowered;
	[smem:$0x3FD2] =	sst s25  }
0xa6: {  	s5 =	sshll.u32 s26, $0x1;
	_ =	strace $0x80000049;
	[dreg:$0x1] =	wrdreg $0xFFFFFFFF  }
0xa7: {  	s28 =	simm.s32 $_size_execute0_lowered;
	s3 =	sadd.s32 s3, s5;
	[dreg:$0x0] =	wrdreg $0x0  }
0xa8: {  	s5 =	sshll.u32 s28, $0x1;
	[dreg:$0x2] =	wrdreg s3  }
0xa9: {  	[dreg:$0x3] =	wrdreg s5  }
0xaa: {  	[dreg:$0x4] =	wrdreg $0xC0  }
0xab: {  	_ =	task [dreg:s7], $0x5FFFF  }
0xac: {  	[dreg:$0x1] =	wrdreg $0xFFFFFFFF  }
0xad: {  	[dreg:$0x0] =	wrdreg $0x60  }
0xae: {  	[dreg:$0x2] =	wrdreg s24  }
0xaf: {  	[dreg:$0x3] =	wrdreg s2  }
0xb0: {  	[dreg:$0x4] =	wrdreg $0x9  }
0xb1: {  	_ =	task.clear_ibuf [dreg:s7], $0x5FFFF;
	_ =	strace $0x90000049  }
0xb2: {  	s29 =	simm.s32 $0x9;
	_ =	strace $0x8000004B  }
0xb3: {  	_ =	swait.ge [sflag:s29], $0x1  }
0xb4: {  	[sflag:s29] =	ssyncadd.s32 $0xFFFFFFFF  }
0xb5: {  	_ =	strace $0x9000004B  }
0xb6: {  	_ =	sfence  }
0xb7: {  	s30 =	sld [smem:$0x0];
	_ =	sdelay $0x2  }
0xb8: {  	s31 =	sshll.u32 s1, $0xD;
	s1 =	sshrl.u32 s1, $0x2  }
0xb9: {  	s3 =	sand.u32 $0x4000, s31;
	s1 =	sadd.s32 s1, s30  }
0xba: {  	s0 =	sor.u32 s3, s0;
	s1 =	sshll.u32 s1, $0x11  }
0xbb: {  	s0 =	sor.u32 s1, s0  }
0xbc: {  	s0 =	sadd.s32 $0x8F2B, s0  }
0xbd: {  	[sflag:s0] =	ssyncadd.remote.s32 $0x1  }
0xbe: {  	_ =	sfence.sel $0xFFFF  }
0xbf: {  	[dreg:$0x0] =	wrdreg $0xFFFFFFFF;
	(pc) =	sbr.abs _section_cstart, $3  }
0xc0: {  	[dreg:$0x1] =	wrdreg $0xFFFFFFFF  }
0xc1: {  	_ =	task.clear_ibuf [dreg:s7], $0x2FFFF;
	_ =	strace $0x9FFFFFFF  }
0xc2: {  	(tm) =	ssettm $0x7FFFFFFF  }
0xc3: {  	_ =	shalt  }
tec
execute0_lowered:
.L_overlay_start_1:
0x0: {  	(tag) =	ssettag $0x1  }
0x1: {  	s0 =	rddreg [dreg:$0x0]  }
0x2: {  	s1 =	rddreg [dreg:$0x1];
	s2 =	srdreg.scid  }
0x3: {  	s4 =	stileid.u32;
	s13 =	simm.s32 $0x2;
	s12 =	simm.s32 $0x9800  }
0x4: {  	s14 =	simm.s32 $0xA000;
	s15 =	simm.s32 $0xA800;
	s16 =	simm.s32 $0xB000  }
0x5: {  	s17 =	simm.s32 $0xC000;
	s18 =	simm.s32 $0xC800;
	s19 =	simm.s32 $0xD000  }
0x6: {  	s20 =	simm.s32 $0xD800;
	s21 =	simm.s32 $0xE000;
	s22 =	simm.s32 $0xE800  }
0x7: {  	s23 =	simm.s32 $0xF800;
	s11 =	simm.s32 $0x1;
	s24 =	simm.s32 $0x0  }
0x8: {  	s3 =	sand.u32 $0x1, s2;
	s2 =	simm.s32 $0x0;
	s4 =	sshll.u32 s4, $0x7  }
0x9: {  	s9 =	sadd.s32 $0xF0500, s0;
	s5 =	sshll.u32 s3, $0x6;
	[smem:$0x7FF] =	sst s2  }
0xa: {  	s6 =	ssub.s32 $0x2, s3;
	s3 =	sadd.s32 $0xF0200, s0;
	s5 =	sor.u32 s5, s4  }
0xb: {  	_ =	strace $0x8000004A;
	s7 =	sshrl.u32 s6, $0x1;
	s4 =	sshrl.u32 s5, $0x3  }
0xc: {  	s10 =	ssub.s32 s6, s7;
	s5 =	sshll.u32 s5, $0x7;
	s6 =	sadd.s32 $0xF0300, s0  }
0xd: {  	s7 =	sadd.s32 $0xF0400, s0;
	s4 =	sadd.s32 s0, s4;
	s31 =	smax.u32 s10, $0x1  }
0xe: {  	v2 =	vlaneseq.u32;
	s8 =	sadd.s32 s1, s5;
	s29 =	sadd.s32 $0x100, s4;
	[dreg:$0x5] =	wrdreg s31  }
0xf: {  	vm0 =	vmmov $0xffff;
	v1 =	vshrl.u32 v2, $0x3;
	s1 =	simm.s32 $0x9000;
	s30 =	sadd.s32 $0x1000, s8;
	[dreg:$0x3] =	wrdreg s29  }
0x10: {  	v0 =	vand.u32 $0x7, v2;
	v2 =	vor.u32 $0x8, v2;
	v1 =	vmul.u32 $0x8, v1;
	s5 =	simm.s32 $0xB800;
	s10 =	simm.s32 $0xF000;
	[dreg:$0x4] =	wrdreg s30  }
.LBB2_1:
0x11: {  	s0 =	simm.s32 $0x10000  }
0x12: {  	[tilespmem:s0], [sflag:$0x2] =	stream.linear.gather [hbm4b:s4+s2], $0x40, $0x38;
	[tilespmem:$0x10100] =	vst v63  }
0x13: {  	_ =	swait.ge [sflag:s13], $0x40  }
0x14: {  	[sflag:s13] =	ssyncset.done $0x0  }
0x15: {  	s25 =	simm.s32 $0x10080;
	s30 =	rddreg [dreg:$0x3];
	[sflag:s13] =	ssyncadd.s32 $0xFFFFFFC0  }
0x16: {  	[tilespmem:s25], [sflag:$0x2] =	stream.linear.gather [hbm4b:s30+s2], $0x40, $0x38;
	[tilespmem:$0x10100] =	vst v63  }
0x17: {  	_ =	swait.ge [sflag:s13], $0x40  }
0x18: {  	[sflag:s13] =	ssyncset.done $0x0  }
0x19: {  	[sflag:s13] =	ssyncadd.s32 $0xFFFFFFC0  }
0x1a: {  	v3 =	vld [tilespmem:$0x10000];
	_ =	sdelay $0x4  }
0x1b: {  	v4 =	vshll.u32 v3, $0x3  }
0x1c: {  	v3 =	vand.u32 $0x7, v3;
	v4 =	vand.u32 $0xFFFFFFC0, v4  }
0x1d: {  	v3 =	vor.u32 v3, v4  }
0x1e: {  	v4 =	vperm.xlane v3, v0;
	_ =	sdelay $0x1  }
0x1f: {  	v4 =	vadd.s32 v1, v4;
	_ =	sdelay $0x4  }
0x20: {  	[tilespmem:s2], [sflag:$0x1] =	stream.indirect_vreg.gather [hbm4b:s3+s2], $0x80, v4, vm0, $0xb8;
	[tilespmem:$0x10100] =	vst v63  }
0x21: {  	s31 =	simm.s32 $0x800;
	v3 =	vperm.xlane v3, v2  }
0x22: {  	[tilespmem:s31], [sflag:$0x1] =	stream.indirect_vreg.gather [hbm4b:s6+s2], $0x80, v4, vm0, $0xb8;
	[tilespmem:$0x10100] =	vst v63  }
0x23: {  	s25 =	simm.s32 $0x1000;
	v3 =	vadd.s32 v1, v3  }
0x24: {  	[tilespmem:s25], [sflag:$0x1] =	stream.indirect_vreg.gather [hbm4b:s7+s2], $0x80, v4, vm0, $0xb8;
	[tilespmem:$0x10100] =	vst v63  }
0x25: {  	s26 =	simm.s32 $0x1800  }
0x26: {  	[tilespmem:s26], [sflag:$0x1] =	stream.indirect_vreg.gather [hbm4b:s9+s2], $0x80, v4, vm0, $0xb8;
	[tilespmem:$0x10100] =	vst v63  }
0x27: {  	s30 =	simm.s32 $0x2000  }
0x28: {  	[tilespmem:s30], [sflag:$0x1] =	stream.indirect_vreg.gather [hbm4b:s3+s2], $0x80, v3, vm0, $0xb8;
	[tilespmem:$0x10100] =	vst v63  }
0x29: {  	s31 =	simm.s32 $0x2800  }
0x2a: {  	[tilespmem:s31], [sflag:$0x1] =	stream.indirect_vreg.gather [hbm4b:s6+s2], $0x80, v3, vm0, $0xb8;
	[tilespmem:$0x10100] =	vst v63  }
0x2b: {  	s25 =	simm.s32 $0x3000  }
0x2c: {  	[tilespmem:s25], [sflag:$0x1] =	stream.indirect_vreg.gather [hbm4b:s7+s2], $0x80, v3, vm0, $0xb8;
	[tilespmem:$0x10100] =	vst v63  }
0x2d: {  	s26 =	simm.s32 $0x3800  }
0x2e: {  	[tilespmem:s26], [sflag:$0x1] =	stream.indirect_vreg.gather [hbm4b:s9+s2], $0x80, v3, vm0, $0xb8;
	[tilespmem:$0x10100] =	vst v63  }
0x2f: {  	v3 =	vld [tilespmem:$0x10010];
	_ =	sdelay $0x4  }
0x30: {  	v61 =	vshll.u32 v3, $0x3  }
0x31: {  	v3 =	vand.u32 $0x7, v3;
	v4 =	vand.u32 $0xFFFFFFC0, v61  }
0x32: {  	v3 =	vor.u32 v3, v4  }
0x33: {  	v4 =	vperm.xlane v3, v0;
	_ =	sdelay $0x1  }
0x34: {  	v4 =	vadd.s32 v1, v4;
	_ =	sdelay $0x3  }
0x35: {  	s30 =	simm.s32 $0x4000  }
0x36: {  	[tilespmem:s30], [sflag:$0x1] =	stream.indirect_vreg.gather [hbm4b:s3+s2], $0x80, v4, vm0, $0xb8;
	[tilespmem:$0x10100] =	vst v63  }
0x37: {  	s31 =	simm.s32 $0x4800;
	v3 =	vperm.xlane v3, v2  }
0x38: {  	[tilespmem:s31], [sflag:$0x1] =	stream.indirect_vreg.gather [hbm4b:s6+s2], $0x80, v4, vm0, $0xb8;
	[tilespmem:$0x10100] =	vst v63  }
0x39: {  	s25 =	simm.s32 $0x5000;
	v3 =	vadd.s32 v1, v3  }
0x3a: {  	[tilespmem:s25], [sflag:$0x1] =	stream.indirect_vreg.gather [hbm4b:s7+s2], $0x80, v4, vm0, $0xb8;
	[tilespmem:$0x10100] =	vst v63  }
0x3b: {  	s26 =	simm.s32 $0x5800  }
0x3c: {  	[tilespmem:s26], [sflag:$0x1] =	stream.indirect_vreg.gather [hbm4b:s9+s2], $0x80, v4, vm0, $0xb8;
	[tilespmem:$0x10100] =	vst v63  }
0x3d: {  	s30 =	simm.s32 $0x6000  }
0x3e: {  	[tilespmem:s30], [sflag:$0x1] =	stream.indirect_vreg.gather [hbm4b:s3+s2], $0x80, v3, vm0, $0xb8;
	[tilespmem:$0x10100] =	vst v63  }
0x3f: {  	s31 =	simm.s32 $0x6800  }
0x40: {  	[tilespmem:s31], [sflag:$0x1] =	stream.indirect_vreg.gather [hbm4b:s6+s2], $0x80, v3, vm0, $0xb8;
	[tilespmem:$0x10100] =	vst v63  }
0x41: {  	s25 =	simm.s32 $0x7000  }
0x42: {  	[tilespmem:s25], [sflag:$0x1] =	stream.indirect_vreg.gather [hbm4b:s7+s2], $0x80, v3, vm0, $0xb8;
	[tilespmem:$0x10100] =	vst v63  }
0x43: {  	s26 =	simm.s32 $0x7800  }
0x44: {  	[tilespmem:s26], [sflag:$0x1] =	stream.indirect_vreg.gather [hbm4b:s9+s2], $0x80, v3, vm0, $0xb8;
	[tilespmem:$0x10100] =	vst v63  }
0x45: {  	v3 =	vld [tilespmem:$0x10080];
	_ =	sdelay $0x4  }
0x46: {  	v62 =	vshll.u32 v3, $0x3  }
0x47: {  	v3 =	vand.u32 $0x7, v3;
	v4 =	vand.u32 $0xFFFFFFC0, v62  }
0x48: {  	v3 =	vor.u32 v3, v4  }
0x49: {  	v4 =	vperm.xlane v3, v0;
	_ =	sdelay $0x1  }
0x4a: {  	v4 =	vadd.s32 v1, v4;
	_ =	sdelay $0x3  }
0x4b: {  	s30 =	simm.s32 $0x8000  }
0x4c: {  	[tilespmem:s30], [sflag:$0x1] =	stream.indirect_vreg.gather [hbm4b:s3+s2], $0x80, v4, vm0, $0xb8;
	[tilespmem:$0x10100] =	vst v63  }
0x4d: {  	s31 =	simm.s32 $0x8800;
	v3 =	vperm.xlane v3, v2  }
0x4e: {  	[tilespmem:s31], [sflag:$0x1] =	stream.indirect_vreg.gather [hbm4b:s6+s2], $0x80, v4, vm0, $0xb8;
	[tilespmem:$0x10100] =	vst v63  }
0x4f: {  	v3 =	vadd.s32 v1, v3  }
0x50: {  	[tilespmem:s1], [sflag:$0x1] =	stream.indirect_vreg.gather [hbm4b:s7+s2], $0x80, v4, vm0, $0xb8;
	[tilespmem:$0x10100] =	vst v63  }
0x51: {  	_ = 	snop  }
0x52: {  	[tilespmem:s12], [sflag:$0x1] =	stream.indirect_vreg.gather [hbm4b:s9+s2], $0x80, v4, vm0, $0xb8;
	[tilespmem:$0x10100] =	vst v63  }
0x53: {  	_ = 	snop  }
0x54: {  	[tilespmem:s14], [sflag:$0x1] =	stream.indirect_vreg.gather [hbm4b:s3+s2], $0x80, v3, vm0, $0xb8;
	[tilespmem:$0x10100] =	vst v63  }
0x55: {  	_ = 	snop  }
0x56: {  	[tilespmem:s15], [sflag:$0x1] =	stream.indirect_vreg.gather [hbm4b:s6+s2], $0x80, v3, vm0, $0xb8;
	[tilespmem:$0x10100] =	vst v63  }
0x57: {  	_ = 	snop  }
0x58: {  	[tilespmem:s16], [sflag:$0x1] =	stream.indirect_vreg.gather [hbm4b:s7+s2], $0x80, v3, vm0, $0xb8;
	[tilespmem:$0x10100] =	vst v63  }
0x59: {  	_ = 	snop  }
0x5a: {  	[tilespmem:s5], [sflag:$0x1] =	stream.indirect_vreg.gather [hbm4b:s9+s2], $0x80, v3, vm0, $0xb8;
	[tilespmem:$0x10100] =	vst v63  }
0x5b: {  	v3 =	vld [tilespmem:$0x10090];
	_ =	sdelay $0x4  }
0x5c: {  	v63 =	vshll.u32 v3, $0x3  }
0x5d: {  	v3 =	vand.u32 $0x7, v3;
	v4 =	vand.u32 $0xFFFFFFC0, v63  }
0x5e: {  	v3 =	vor.u32 v3, v4  }
0x5f: {  	v4 =	vperm.xlane v3, v0;
	_ =	sdelay $0x1  }
0x60: {  	v4 =	vadd.s32 v1, v4;
	_ =	sdelay $0x4  }
0x61: {  	[tilespmem:s17], [sflag:$0x1] =	stream.indirect_vreg.gather [hbm4b:s3+s2], $0x80, v4, vm0, $0xb8;
	[tilespmem:$0x10100] =	vst v63  }
0x62: {  	v3 =	vperm.xlane v3, v2  }
0x63: {  	[tilespmem:s18], [sflag:$0x1] =	stream.indirect_vreg.gather [hbm4b:s6+s2], $0x80, v4, vm0, $0xb8;
	[tilespmem:$0x10100] =	vst v63  }
0x64: {  	v3 =	vadd.s32 v1, v3  }
0x65: {  	[tilespmem:s19], [sflag:$0x1] =	stream.indirect_vreg.gather [hbm4b:s7+s2], $0x80, v4, vm0, $0xb8;
	[tilespmem:$0x10100] =	vst v63  }
0x66: {  	_ = 	snop  }
0x67: {  	[tilespmem:s20], [sflag:$0x1] =	stream.indirect_vreg.gather [hbm4b:s9+s2], $0x80, v4, vm0, $0xb8;
	[tilespmem:$0x10100] =	vst v63  }
0x68: {  	_ = 	snop  }
0x69: {  	[tilespmem:s21], [sflag:$0x1] =	stream.indirect_vreg.gather [hbm4b:s3+s2], $0x80, v3, vm0, $0xb8;
	[tilespmem:$0x10100] =	vst v63  }
0x6a: {  	_ = 	snop  }
0x6b: {  	[tilespmem:s22], [sflag:$0x1] =	stream.indirect_vreg.gather [hbm4b:s6+s2], $0x80, v3, vm0, $0xb8;
	[tilespmem:$0x10100] =	vst v63  }
0x6c: {  	_ = 	snop  }
0x6d: {  	[tilespmem:s10], [sflag:$0x1] =	stream.indirect_vreg.gather [hbm4b:s7+s2], $0x80, v3, vm0, $0xb8;
	[tilespmem:$0x10100] =	vst v63  }
0x6e: {  	_ = 	snop  }
0x6f: {  	[tilespmem:s23], [sflag:$0x1] =	stream.indirect_vreg.gather [hbm4b:s9+s2], $0x80, v3, vm0, $0xb8;
	[tilespmem:$0x10100] =	vst v63  }
0x70: {  	_ =	swait.ge [sflag:s11], $0x8000  }
0x71: {  	[sflag:s11] =	ssyncset.done $0x0  }
0x72: {  	[sflag:s11] =	ssyncadd.s32 $0xFFFF8000  }
0x73: {  	_ =	swait.ge [sflag:s11], $0x8000  }
0x74: {  	s28 =	simm.s32 $0x0;
	s29 =	simm.s32 $0x0;
	[sflag:s11] =	ssyncset.done $0x0  }
0x75: {  	s25 =	simm.s32 $0xFFFF8000;
	s26 =	simm.s32 $0x0;
	[sflag:s11] =	ssyncadd.s32 $0xFFFF8000  }
.LBB2_2:
0x76: {  	s30 =	sadd.s32 $0x8000, s25  }
0x77: {  	s31 =	sand.u32 $0x380, s29;
	s30 =	sand.u32 $0x6000, s30  }
0x78: {  	s30 =	sor.u32 s31, s30  }
0x79: {  	v3 =	vld [tilespmem:s30+$0x0]  }
0x7a: {  	v4 =	vld [tilespmem:s30+$0x8000]  }
0x7b: {  	v5 =	vld [tilespmem:s30+$0x10]  }
0x7c: {  	v6 =	vld [tilespmem:s30+$0x8010]  }
0x7d: {  	v7 =	vld [tilespmem:s30+$0x20]  }
0x7e: {  	v8 =	vld [tilespmem:s30+$0x8020]  }
0x7f: {  	v9 =	vld [tilespmem:s30+$0x30]  }
0x80: {  	v10 =	vld [tilespmem:s30+$0x8030]  }
0x81: {  	v11 =	vld [tilespmem:s30+$0x40]  }
0x82: {  	v12 =	vld [tilespmem:s30+$0x8040]  }
0x83: {  	v13 =	vld [tilespmem:s30+$0x50]  }
0x84: {  	v14 =	vld [tilespmem:s30+$0x8050]  }
0x85: {  	v15 =	vld [tilespmem:s30+$0x60]  }
0x86: {  	v16 =	vld [tilespmem:s30+$0x8060]  }
0x87: {  	v17 =	vld [tilespmem:s30+$0x70]  }
0x88: {  	v18 =	vld [tilespmem:s30+$0x8070]  }
0x89: {  	v19 =	vld [tilespmem:s30+$0x400]  }
0x8a: {  	v20 =	vld [tilespmem:s30+$0x8400]  }
0x8b: {  	v21 =	vld [tilespmem:s30+$0x410]  }
0x8c: {  	v22 =	vld [tilespmem:s30+$0x8410]  }
0x8d: {  	v23 =	vld [tilespmem:s30+$0x420]  }
0x8e: {  	v24 =	vld [tilespmem:s30+$0x8420]  }
0x8f: {  	v25 =	vld [tilespmem:s30+$0x430]  }
0x90: {  	v26 =	vld [tilespmem:s30+$0x8430]  }
0x91: {  	v27 =	vld [tilespmem:s30+$0x440]  }
0x92: {  	v28 =	vld [tilespmem:s30+$0x8440]  }
0x93: {  	v29 =	vld [tilespmem:s30+$0x450]  }
0x94: {  	v30 =	vld [tilespmem:s30+$0x8450]  }
0x95: {  	v31 =	vld [tilespmem:s30+$0x460]  }
0x96: {  	v32 =	vld [tilespmem:s30+$0x8460]  }
0x97: {  	v33 =	vld [tilespmem:s30+$0x470]  }
0x98: {  	v34 =	vld [tilespmem:s30+$0x8470]  }
0x99: {  	v35 =	vld [tilespmem:s30+$0x800]  }
0x9a: {  	v36 =	vld [tilespmem:s30+$0x8800]  }
0x9b: {  	v37 =	vld [tilespmem:s30+$0x810]  }
0x9c: {  	v38 =	vld [tilespmem:s30+$0x8810]  }
0x9d: {  	v39 =	vld [tilespmem:s30+$0x820]  }
0x9e: {  	v40 =	vld [tilespmem:s30+$0x8820]  }
0x9f: {  	v41 =	vld [tilespmem:s30+$0x830]  }
0xa0: {  	v42 =	vld [tilespmem:s30+$0x8830]  }
0xa1: {  	v43 =	vld [tilespmem:s30+$0x840]  }
0xa2: {  	v44 =	vld [tilespmem:s30+$0x8840]  }
0xa3: {  	v45 =	vld [tilespmem:s30+$0x850]  }
0xa4: {  	v46 =	vld [tilespmem:s30+$0x8850]  }
0xa5: {  	v47 =	vld [tilespmem:s30+$0x860]  }
0xa6: {  	v48 =	vld [tilespmem:s30+$0x8860]  }
0xa7: {  	v49 =	vld [tilespmem:s30+$0x870]  }
0xa8: {  	v50 =	vld [tilespmem:s30+$0x8870]  }
0xa9: {  	v51 =	vld [tilespmem:s30+$0xC00]  }
0xaa: {  	v52 =	vld [tilespmem:s30+$0x8C00]  }
0xab: {  	v53 =	vld [tilespmem:s30+$0xC10]  }
0xac: {  	v54 =	vld [tilespmem:s30+$0x8C10]  }
0xad: {  	v55 =	vld [tilespmem:s30+$0xC20]  }
0xae: {  	v56 =	vld [tilespmem:s30+$0x8C20]  }
0xaf: {  	v57 =	vld [tilespmem:s30+$0xC30]  }
0xb0: {  	v58 =	vld [tilespmem:s30+$0x8C30]  }
0xb1: {  	v59 =	vld [tilespmem:s30+$0xC40]  }
0xb2: {  	v60 =	vld [tilespmem:s30+$0x8C40]  }
0xb3: {  	v61 =	vld [tilespmem:s30+$0xC50]  }
0xb4: {  	v62 =	vld [tilespmem:s30+$0x8C50]  }
0xb5: {  	v63 =	vld [tilespmem:s30+$0xC60]  }
0xb6: {  	v3 =	vadd.f32 v4, v3;
	v4 =	vld [tilespmem:s30+$0x8C60]  }
0xb7: {  	v5 =	vadd.f32 v6, v5;
	v6 =	vld [tilespmem:s30+$0xC70]  }
0xb8: {  	v14 =	vadd.f32 v14, v13;
	v13 =	vld [tilespmem:s30+$0x9020];
	[tilespmem:s30+$0x0] =	vst v3;
	v3 =	vadd.f32 v8, v7  }
0xb9: {  	v18 =	vadd.f32 v18, v17;
	v17 =	vld [tilespmem:s30+$0x9040];
	[tilespmem:s30+$0x10] =	vst v5  }
0xba: {  	v22 =	vadd.f32 v22, v21;
	v21 =	vld [tilespmem:s30+$0x9060];
	[tilespmem:s30+$0x20] =	vst v3;
	v3 =	vadd.f32 v12, v11  }
0xbb: {  	v7 =	vld [tilespmem:s30+$0x8C70];
	[tilespmem:s30+$0x50] =	vst v14  }
0xbc: {  	v8 =	vld [tilespmem:s30+$0x1000];
	[tilespmem:s30+$0x40] =	vst v3;
	v3 =	vadd.f32 v16, v15  }
0xbd: {  	v5 =	vadd.f32 v10, v9;
	v9 =	vld [tilespmem:s30+$0x9000];
	[tilespmem:s30+$0x70] =	vst v18  }
0xbe: {  	v10 =	vld [tilespmem:s30+$0x1010];
	[tilespmem:s30+$0x60] =	vst v3;
	v3 =	vadd.f32 v20, v19  }
0xbf: {  	v26 =	vadd.f32 v26, v25;
	v14 =	vld [tilespmem:s30+$0x1030];
	[tilespmem:s30+$0x410] =	vst v22  }
0xc0: {  	v18 =	vld [tilespmem:s30+$0x1050];
	[tilespmem:s30+$0x400] =	vst v3;
	v3 =	vadd.f32 v24, v23  }
0xc1: {  	v30 =	vadd.f32 v30, v29;
	[tilespmem:s30+$0x430] =	vst v26;
	v22 =	vld [tilespmem:s30+$0x1070]  }
0xc2: {  	v19 =	vld [tilespmem:s30+$0x9050];
	[tilespmem:s30+$0x420] =	vst v3;
	v3 =	vadd.f32 v28, v27  }
0xc3: {  	v34 =	vadd.f32 v34, v33;
	[tilespmem:s30+$0x450] =	vst v30;
	v11 =	vld [tilespmem:s30+$0x9010]  }
0xc4: {  	v12 =	vld [tilespmem:s30+$0x1020];
	[tilespmem:s30+$0x440] =	vst v3;
	v3 =	vadd.f32 v32, v31  }
0xc5: {  	[tilespmem:s30+$0x470] =	vst v34;
	v15 =	vld [tilespmem:s30+$0x9030]  }
0xc6: {  	v16 =	vld [tilespmem:s30+$0x1040];
	[tilespmem:s30+$0x460] =	vst v3;
	v3 =	vadd.f32 v36, v35  }
0xc7: {  	[tilespmem:s30+$0x30] =	vst v5;
	v20 =	vld [tilespmem:s30+$0x1060];
	v19 =	vadd.f32 v19, v18  }
0xc8: {  	v24 =	vld [tilespmem:s30+$0x1400];
	[tilespmem:s30+$0x800] =	vst v3;
	v3 =	vadd.f32 v40, v39  }
0xc9: {  	[tilespmem:s30+$0x1050] =	vst v19;
	v36 =	vadd.f32 v38, v37;
	v37 =	vld [tilespmem:s30+$0x9070]  }
0xca: {  	v38 =	vadd.f32 v42, v41;
	v41 =	vld [tilespmem:s30+$0x1410];
	[tilespmem:s30+$0x820] =	vst v3;
	v3 =	vadd.f32 v44, v43  }
0xcb: {  	v42 =	vld [tilespmem:s30+$0x9410];
	[tilespmem:s30+$0x810] =	vst v36  }
0xcc: {  	v35 =	vld [tilespmem:s30+$0x1810];
	[tilespmem:s30+$0x840] =	vst v3;
	v3 =	vadd.f32 v48, v47  }
0xcd: {  	v39 =	vld [tilespmem:s30+$0x9400];
	[tilespmem:s30+$0x830] =	vst v38;
	v40 =	vadd.f32 v46, v45  }
0xce: {  	v45 =	vld [tilespmem:s30+$0x9420];
	[tilespmem:s30+$0x860] =	vst v3;
	v3 =	vadd.f32 v52, v51  }
0xcf: {  	v46 =	vadd.f32 v54, v53;
	v53 =	vld [tilespmem:s30+$0x1450];
	[tilespmem:s30+$0x850] =	vst v40  }
0xd0: {  	v54 =	vld [tilespmem:s30+$0x9450];
	[tilespmem:s30+$0xC00] =	vst v3;
	v3 =	vadd.f32 v56, v55  }
0xd1: {  	v36 =	vld [tilespmem:s30+$0x9810];
	v43 =	vadd.f32 v50, v49;
	[tilespmem:s30+$0xC10] =	vst v46  }
0xd2: {  	v38 =	vld [tilespmem:s30+$0x1820];
	[tilespmem:s30+$0xC20] =	vst v3;
	v3 =	vadd.f32 v60, v59  }
0xd3: {  	v44 =	vld [tilespmem:s30+$0x1420];
	v49 =	vadd.f32 v58, v57;
	[tilespmem:s30+$0x870] =	vst v43  }
0xd4: {  	v50 =	vld [tilespmem:s30+$0x1440];
	[tilespmem:s30+$0xC40] =	vst v3;
	v3 =	vadd.f32 v4, v63  }
0xd5: {  	v57 =	vld [tilespmem:s30+$0x9460];
	v58 =	vadd.f32 v11, v10;
	[tilespmem:s30+$0xC30] =	vst v49  }
0xd6: {  	v46 =	vld [tilespmem:s30+$0x9850];
	[tilespmem:s30+$0xC60] =	vst v3;
	v3 =	vadd.f32 v9, v8  }
0xd7: {  	v37 =	vadd.f32 v37, v22;
	v40 =	vadd.f32 v42, v41;
	v41 =	vld [tilespmem:s30+$0x1830];
	[tilespmem:s30+$0x1010] =	vst v58  }
0xd8: {  	v42 =	vld [tilespmem:s30+$0x9830];
	[tilespmem:s30+$0x1000] =	vst v3;
	v3 =	vadd.f32 v13, v12  }
0xd9: {  	v47 =	vld [tilespmem:s30+$0x1430];
	[tilespmem:s30+$0x1070] =	vst v37  }
0xda: {  	v48 =	vld [tilespmem:s30+$0x9430];
	[tilespmem:s30+$0x1020] =	vst v3;
	v3 =	vadd.f32 v17, v16  }
0xdb: {  	v49 =	vld [tilespmem:s30+$0x9860];
	[tilespmem:s30+$0x1410] =	vst v40;
	v52 =	vadd.f32 v62, v61  }
0xdc: {  	v51 =	vld [tilespmem:s30+$0x9440];
	[tilespmem:s30+$0x1040] =	vst v3;
	v3 =	vadd.f32 v21, v20  }
0xdd: {  	v61 =	vadd.f32 v15, v14;
	v62 =	vld [tilespmem:s30+$0x1800];
	[tilespmem:s30+$0xC50] =	vst v52  }
0xde: {  	v56 =	vld [tilespmem:s30+$0x1460];
	[tilespmem:s30+$0x1060] =	vst v3;
	v3 =	vadd.f32 v39, v24  }
0xdf: {  	v55 =	vadd.f32 v7, v6;
	[tilespmem:s30+$0x1030] =	vst v61;
	v52 =	vld [tilespmem:s30+$0x9870]  }
0xe0: {  	v43 =	vadd.f32 v48, v47;
	v47 =	vld [tilespmem:s30+$0x1860];
	[tilespmem:s30+$0x1400] =	vst v3;
	v3 =	vadd.f32 v45, v44  }
0xe1: {  	[tilespmem:s30+$0xC70] =	vst v55;
	v63 =	vld [tilespmem:s30+$0x9800]  }
0xe2: {  	v59 =	vld [tilespmem:s30+$0x1470];
	[tilespmem:s30+$0x1420] =	vst v3;
	v3 =	vadd.f32 v51, v50  }
0xe3: {  	[tilespmem:s30+$0x1430] =	vst v43;
	v4 =	vadd.f32 v54, v53;
	v39 =	vld [tilespmem:s30+$0x9820]  }
0xe4: {  	v60 =	vld [tilespmem:s30+$0x9470];
	[tilespmem:s30+$0x1440] =	vst v3;
	v3 =	vadd.f32 v57, v56  }
0xe5: {  	v54 =	vadd.f32 v42, v41;
	[tilespmem:s30+$0x1450] =	vst v4;
	v45 =	vld [tilespmem:s30+$0x1850]  }
0xe6: {  	v53 =	vld [tilespmem:s30+$0x9840];
	[tilespmem:s30+$0x1460] =	vst v3;
	v3 =	vadd.f32 v63, v62  }
0xe7: {  	[tilespmem:s30+$0x1830] =	vst v54;
	v55 =	vadd.f32 v49, v47;
	v50 =	vld [tilespmem:s30+$0x1870]  }
0xe8: {  	v44 =	vld [tilespmem:s30+$0x1840];
	[tilespmem:s30+$0x1800] =	vst v3;
	v3 =	vadd.f32 v39, v38  }
0xe9: {  	v48 =	vadd.f32 v60, v59;
	[tilespmem:s30+$0x1860] =	vst v55  }
0xea: {  	[tilespmem:s30+$0x1820] =	vst v3;
	v3 =	vadd.f32 v46, v45  }
0xeb: {  	s0 =	sand.u32 $0x7, s26;
	[tilespmem:s30+$0x1470] =	vst v48;
	v51 =	vadd.f32 v36, v35  }
0xec: {  	s31 =	sshll.u32 s0, $0x7;
	[tilespmem:s30+$0x1850] =	vst v3;
	v3 =	vadd.f32 v52, v50  }
0xed: {  	s31 =	sadd.s32 s31, s28;
	[tilespmem:s30+$0x1810] =	vst v51;
	v56 =	vadd.f32 v53, v44  }
0xee: {  	s0 =	sor.u32 $0x1C00, s31;
	[tilespmem:s30+$0x1870] =	vst v3  }
0xef: {  	[tilespmem:s30+$0x1840] =	vst v56;
	v3 =	vld [tilespmem:s0+$0x0]  }
0xf0: {  	v4 =	vld [tilespmem:s0+$0x8000];
	_ =	sdelay $0x4  }
0xf1: {  	v3 =	vadd.f32 v4, v3;
	_ =	sdelay $0x1  }
0xf2: {  	s30 =	sor.u32 $0x1C10, s31;
	[tilespmem:s0+$0x0] =	vst v3  }
0xf3: {  	v3 =	vld [tilespmem:s30+$0x0]  }
0xf4: {  	v57 =	vld [tilespmem:s30+$0x8000];
	_ =	sdelay $0x4  }
0xf5: {  	v3 =	vadd.f32 v57, v3;
	_ =	sdelay $0x1  }
0xf6: {  	[tilespmem:s30+$0x0] =	vst v3;
	s30 =	sor.u32 $0x1C20, s31  }
0xf7: {  	v3 =	vld [tilespmem:s30+$0x0]  }
0xf8: {  	v58 =	vld [tilespmem:s30+$0x8000];
	_ =	sdelay $0x4  }
0xf9: {  	v3 =	vadd.f32 v58, v3;
	_ =	sdelay $0x1  }
0xfa: {  	[tilespmem:s30+$0x0] =	vst v3;
	s30 =	sor.u32 $0x1C30, s31  }
0xfb: {  	v3 =	vld [tilespmem:s30+$0x0]  }
0xfc: {  	v59 =	vld [tilespmem:s30+$0x8000];
	_ =	sdelay $0x4  }
0xfd: {  	v3 =	vadd.f32 v59, v3;
	_ =	sdelay $0x1  }
0xfe: {  	[tilespmem:s30+$0x0] =	vst v3;
	s30 =	sor.u32 $0x1C40, s31  }
0xff: {  	v3 =	vld [tilespmem:s30+$0x0]  }
0x100: {  	v60 =	vld [tilespmem:s30+$0x8000];
	_ =	sdelay $0x4  }
0x101: {  	v3 =	vadd.f32 v60, v3;
	_ =	sdelay $0x1  }
0x102: {  	[tilespmem:s30+$0x0] =	vst v3;
	s30 =	sor.u32 $0x1C50, s31  }
0x103: {  	v3 =	vld [tilespmem:s30+$0x0]  }
0x104: {  	v61 =	vld [tilespmem:s30+$0x8000];
	_ =	sdelay $0x4  }
0x105: {  	v3 =	vadd.f32 v61, v3;
	_ =	sdelay $0x1  }
0x106: {  	[tilespmem:s30+$0x0] =	vst v3;
	s30 =	sor.u32 $0x1C60, s31  }
0x107: {  	v3 =	vld [tilespmem:s30+$0x0]  }
0x108: {  	v62 =	vld [tilespmem:s30+$0x8000];
	_ =	sdelay $0x4  }
0x109: {  	v3 =	vadd.f32 v62, v3;
	_ =	sdelay $0x1  }
0x10a: {  	s31 =	sor.u32 $0x1C70, s31;
	[tilespmem:s30+$0x0] =	vst v3  }
0x10b: {  	v3 =	vld [tilespmem:s31+$0x0]  }
0x10c: {  	v63 =	vld [tilespmem:s31+$0x8000];
	_ =	sdelay $0x1  }
0x10d: {  	p0 =	sne.s32 s29, $0xF80  }
.Ltmp0:
0x10e: {  	_ = 	snop;
	(pc) =	sbr.rel @p0 .LBB2_2-.Ltmp0, $4  }
0x10f: {  	_ = 	snop  }
0x110: {  	v3 =	vadd.f32 v63, v3  }
0x111: {  	s26 =	sadd.s32 $0x1, s26  }
0x112: {  	s25 =	sadd.s32 $0x400, s25;
	s29 =	sadd.s32 $0x80, s29;
	s28 =	sadd.s32 $0x400, s28;
	[tilespmem:s31+$0x0] =	vst v3  }
0x113: {  	s25 =	simm.s32 $0x0  }
0x114: {  	[hbm4b:s8+s25] =	stream.linear.scatter [tilespmem:s25], [sflag:$0x2], $0x8000, $0x38;
	[tilespmem:$0x10100] =	vst v63  }
0x115: {  	_ =	swait.ge [sflag:s13], $0x8000  }
0x116: {  	[sflag:s13] =	ssyncset.done $0x0  }
0x117: {  	[sflag:s13] =	ssyncadd.s32 $0xFFFF8000  }
0x118: {  	v3 =	vld [tilespmem:$0x10020];
	_ =	sdelay $0x4  }
0x119: {  	v4 =	vshll.u32 v3, $0x3  }
0x11a: {  	v3 =	vand.u32 $0x7, v3;
	v4 =	vand.u32 $0xFFFFFFC0, v4  }
0x11b: {  	v3 =	vor.u32 v3, v4  }
0x11c: {  	v4 =	vperm.xlane v3, v0;
	_ =	sdelay $0x1  }
0x11d: {  	v4 =	vadd.s32 v1, v4;
	_ =	sdelay $0x4  }
0x11e: {  	[tilespmem:s25], [sflag:$0x1] =	stream.indirect_vreg.gather [hbm4b:s3+s25], $0x80, v4, vm0, $0xb8;
	[tilespmem:$0x10100] =	vst v63  }
0x11f: {  	s0 =	simm.s32 $0x800;
	v3 =	vperm.xlane v3, v2  }
0x120: {  	[tilespmem:s0], [sflag:$0x1] =	stream.indirect_vreg.gather [hbm4b:s6+s25], $0x80, v4, vm0, $0xb8;
	[tilespmem:$0x10100] =	vst v63  }
0x121: {  	s31 =	simm.s32 $0x1000;
	v3 =	vadd.s32 v1, v3  }
0x122: {  	[tilespmem:s31], [sflag:$0x1] =	stream.indirect_vreg.gather [hbm4b:s7+s25], $0x80, v4, vm0, $0xb8;
	[tilespmem:$0x10100] =	vst v63  }
0x123: {  	s26 =	simm.s32 $0x1800  }
0x124: {  	[tilespmem:s26], [sflag:$0x1] =	stream.indirect_vreg.gather [hbm4b:s9+s25], $0x80, v4, vm0, $0xb8;
	[tilespmem:$0x10100] =	vst v63  }
0x125: {  	s30 =	simm.s32 $0x2000  }
0x126: {  	[tilespmem:s30], [sflag:$0x1] =	stream.indirect_vreg.gather [hbm4b:s3+s25], $0x80, v3, vm0, $0xb8;
	[tilespmem:$0x10100] =	vst v63  }
0x127: {  	s31 =	simm.s32 $0x2800  }
0x128: {  	[tilespmem:s31], [sflag:$0x1] =	stream.indirect_vreg.gather [hbm4b:s6+s25], $0x80, v3, vm0, $0xb8;
	[tilespmem:$0x10100] =	vst v63  }
0x129: {  	s26 =	simm.s32 $0x3000  }
0x12a: {  	[tilespmem:s26], [sflag:$0x1] =	stream.indirect_vreg.gather [hbm4b:s7+s25], $0x80, v3, vm0, $0xb8;
	[tilespmem:$0x10100] =	vst v63  }
0x12b: {  	s30 =	simm.s32 $0x3800  }
0x12c: {  	[tilespmem:s30], [sflag:$0x1] =	stream.indirect_vreg.gather [hbm4b:s9+s25], $0x80, v3, vm0, $0xb8;
	[tilespmem:$0x10100] =	vst v63  }
0x12d: {  	v3 =	vld [tilespmem:$0x10030];
	_ =	sdelay $0x4  }
0x12e: {  	v61 =	vshll.u32 v3, $0x3  }
0x12f: {  	v3 =	vand.u32 $0x7, v3;
	v4 =	vand.u32 $0xFFFFFFC0, v61  }
0x130: {  	v3 =	vor.u32 v3, v4  }
0x131: {  	v4 =	vperm.xlane v3, v0;
	_ =	sdelay $0x1  }
0x132: {  	v4 =	vadd.s32 v1, v4;
	_ =	sdelay $0x3  }
0x133: {  	s31 =	simm.s32 $0x4000  }
0x134: {  	[tilespmem:s31], [sflag:$0x1] =	stream.indirect_vreg.gather [hbm4b:s3+s25], $0x80, v4, vm0, $0xb8;
	[tilespmem:$0x10100] =	vst v63  }
0x135: {  	s26 =	simm.s32 $0x4800;
	v3 =	vperm.xlane v3, v2  }
0x136: {  	[tilespmem:s26], [sflag:$0x1] =	stream.indirect_vreg.gather [hbm4b:s6+s25], $0x80, v4, vm0, $0xb8;
	[tilespmem:$0x10100] =	vst v63  }
0x137: {  	s30 =	simm.s32 $0x5000;
	v3 =	vadd.s32 v1, v3  }
0x138: {  	[tilespmem:s30], [sflag:$0x1] =	stream.indirect_vreg.gather [hbm4b:s7+s25], $0x80, v4, vm0, $0xb8;
	[tilespmem:$0x10100] =	vst v63  }
0x139: {  	s31 =	simm.s32 $0x5800  }
0x13a: {  	[tilespmem:s31], [sflag:$0x1] =	stream.indirect_vreg.gather [hbm4b:s9+s25], $0x80, v4, vm0, $0xb8;
	[tilespmem:$0x10100] =	vst v63  }
0x13b: {  	s26 =	simm.s32 $0x6000  }
0x13c: {  	[tilespmem:s26], [sflag:$0x1] =	stream.indirect_vreg.gather [hbm4b:s3+s25], $0x80, v3, vm0, $0xb8;
	[tilespmem:$0x10100] =	vst v63  }
0x13d: {  	s30 =	simm.s32 $0x6800  }
0x13e: {  	[tilespmem:s30], [sflag:$0x1] =	stream.indirect_vreg.gather [hbm4b:s6+s25], $0x80, v3, vm0, $0xb8;
	[tilespmem:$0x10100] =	vst v63  }
0x13f: {  	s31 =	simm.s32 $0x7000  }
0x140: {  	[tilespmem:s31], [sflag:$0x1] =	stream.indirect_vreg.gather [hbm4b:s7+s25], $0x80, v3, vm0, $0xb8;
	[tilespmem:$0x10100] =	vst v63  }
0x141: {  	s26 =	simm.s32 $0x7800  }
0x142: {  	[tilespmem:s26], [sflag:$0x1] =	stream.indirect_vreg.gather [hbm4b:s9+s25], $0x80, v3, vm0, $0xb8;
	[tilespmem:$0x10100] =	vst v63  }
0x143: {  	v3 =	vld [tilespmem:$0x100A0];
	_ =	sdelay $0x4  }
0x144: {  	v62 =	vshll.u32 v3, $0x3  }
0x145: {  	v3 =	vand.u32 $0x7, v3;
	v4 =	vand.u32 $0xFFFFFFC0, v62  }
0x146: {  	v3 =	vor.u32 v3, v4  }
0x147: {  	v4 =	vperm.xlane v3, v0;
	_ =	sdelay $0x1  }
0x148: {  	v4 =	vadd.s32 v1, v4;
	_ =	sdelay $0x3  }
0x149: {  	s30 =	simm.s32 $0x8000  }
0x14a: {  	[tilespmem:s30], [sflag:$0x1] =	stream.indirect_vreg.gather [hbm4b:s3+s25], $0x80, v4, vm0, $0xb8;
	[tilespmem:$0x10100] =	vst v63  }
0x14b: {  	s31 =	simm.s32 $0x8800;
	v3 =	vperm.xlane v3, v2  }
0x14c: {  	[tilespmem:s31], [sflag:$0x1] =	stream.indirect_vreg.gather [hbm4b:s6+s25], $0x80, v4, vm0, $0xb8;
	[tilespmem:$0x10100] =	vst v63  }
0x14d: {  	v3 =	vadd.s32 v1, v3  }
0x14e: {  	[tilespmem:s1], [sflag:$0x1] =	stream.indirect_vreg.gather [hbm4b:s7+s25], $0x80, v4, vm0, $0xb8;
	[tilespmem:$0x10100] =	vst v63  }
0x14f: {  	_ = 	snop  }
0x150: {  	[tilespmem:s12], [sflag:$0x1] =	stream.indirect_vreg.gather [hbm4b:s9+s25], $0x80, v4, vm0, $0xb8;
	[tilespmem:$0x10100] =	vst v63  }
0x151: {  	_ = 	snop  }
0x152: {  	[tilespmem:s14], [sflag:$0x1] =	stream.indirect_vreg.gather [hbm4b:s3+s25], $0x80, v3, vm0, $0xb8;
	[tilespmem:$0x10100] =	vst v63  }
0x153: {  	_ = 	snop  }
0x154: {  	[tilespmem:s15], [sflag:$0x1] =	stream.indirect_vreg.gather [hbm4b:s6+s25], $0x80, v3, vm0, $0xb8;
	[tilespmem:$0x10100] =	vst v63  }
0x155: {  	_ = 	snop  }
0x156: {  	[tilespmem:s16], [sflag:$0x1] =	stream.indirect_vreg.gather [hbm4b:s7+s25], $0x80, v3, vm0, $0xb8;
	[tilespmem:$0x10100] =	vst v63  }
0x157: {  	_ = 	snop  }
0x158: {  	[tilespmem:s5], [sflag:$0x1] =	stream.indirect_vreg.gather [hbm4b:s9+s25], $0x80, v3, vm0, $0xb8;
	[tilespmem:$0x10100] =	vst v63  }
0x159: {  	v3 =	vld [tilespmem:$0x100B0];
	_ =	sdelay $0x4  }
0x15a: {  	v63 =	vshll.u32 v3, $0x3  }
0x15b: {  	v3 =	vand.u32 $0x7, v3;
	v4 =	vand.u32 $0xFFFFFFC0, v63  }
0x15c: {  	v3 =	vor.u32 v3, v4  }
0x15d: {  	v4 =	vperm.xlane v3, v0;
	_ =	sdelay $0x1  }
0x15e: {  	v4 =	vadd.s32 v1, v4;
	_ =	sdelay $0x4  }
0x15f: {  	[tilespmem:s17], [sflag:$0x1] =	stream.indirect_vreg.gather [hbm4b:s3+s25], $0x80, v4, vm0, $0xb8;
	[tilespmem:$0x10100] =	vst v63  }
0x160: {  	v3 =	vperm.xlane v3, v2  }
0x161: {  	[tilespmem:s18], [sflag:$0x1] =	stream.indirect_vreg.gather [hbm4b:s6+s25], $0x80, v4, vm0, $0xb8;
	[tilespmem:$0x10100] =	vst v63  }
0x162: {  	v3 =	vadd.s32 v1, v3  }
0x163: {  	[tilespmem:s19], [sflag:$0x1] =	stream.indirect_vreg.gather [hbm4b:s7+s25], $0x80, v4, vm0, $0xb8;
	[tilespmem:$0x10100] =	vst v63  }
0x164: {  	_ = 	snop  }
0x165: {  	[tilespmem:s20], [sflag:$0x1] =	stream.indirect_vreg.gather [hbm4b:s9+s25], $0x80, v4, vm0, $0xb8;
	[tilespmem:$0x10100] =	vst v63  }
0x166: {  	_ = 	snop  }
0x167: {  	[tilespmem:s21], [sflag:$0x1] =	stream.indirect_vreg.gather [hbm4b:s3+s25], $0x80, v3, vm0, $0xb8;
	[tilespmem:$0x10100] =	vst v63  }
0x168: {  	_ = 	snop  }
0x169: {  	[tilespmem:s22], [sflag:$0x1] =	stream.indirect_vreg.gather [hbm4b:s6+s25], $0x80, v3, vm0, $0xb8;
	[tilespmem:$0x10100] =	vst v63  }
0x16a: {  	_ = 	snop  }
0x16b: {  	[tilespmem:s10], [sflag:$0x1] =	stream.indirect_vreg.gather [hbm4b:s7+s25], $0x80, v3, vm0, $0xb8;
	[tilespmem:$0x10100] =	vst v63  }
0x16c: {  	_ = 	snop  }
0x16d: {  	[tilespmem:s23], [sflag:$0x1] =	stream.indirect_vreg.gather [hbm4b:s9+s25], $0x80, v3, vm0, $0xb8;
	[tilespmem:$0x10100] =	vst v63  }
0x16e: {  	_ =	swait.ge [sflag:s11], $0x8000  }
0x16f: {  	[sflag:s11] =	ssyncset.done $0x0  }
0x170: {  	[sflag:s11] =	ssyncadd.s32 $0xFFFF8000  }
0x171: {  	_ =	swait.ge [sflag:s11], $0x8000  }
0x172: {  	s28 =	simm.s32 $0x0;
	[sflag:s11] =	ssyncset.done $0x0  }
0x173: {  	s29 =	simm.s32 $0x0;
	s26 =	simm.s32 $0xFFFF8000;
	[sflag:s11] =	ssyncadd.s32 $0xFFFF8000  }
.LBB2_4:
0x174: {  	s0 =	sadd.s32 $0x8000, s26  }
0x175: {  	s30 =	sand.u32 $0x380, s29;
	s0 =	sand.u32 $0x6000, s0  }
0x176: {  	s30 =	sor.u32 s30, s0  }
0x177: {  	v3 =	vld [tilespmem:s30+$0x0]  }
0x178: {  	v4 =	vld [tilespmem:s30+$0x8000]  }
0x179: {  	v5 =	vld [tilespmem:s30+$0x10]  }
0x17a: {  	v6 =	vld [tilespmem:s30+$0x8010]  }
0x17b: {  	v7 =	vld [tilespmem:s30+$0x20]  }
0x17c: {  	v8 =	vld [tilespmem:s30+$0x8020]  }
0x17d: {  	v9 =	vld [tilespmem:s30+$0x30]  }
0x17e: {  	v10 =	vld [tilespmem:s30+$0x8030]  }
0x17f: {  	v11 =	vld [tilespmem:s30+$0x40]  }
0x180: {  	v12 =	vld [tilespmem:s30+$0x8040]  }
0x181: {  	v13 =	vld [tilespmem:s30+$0x50]  }
0x182: {  	v14 =	vld [tilespmem:s30+$0x8050]  }
0x183: {  	v15 =	vld [tilespmem:s30+$0x60]  }
0x184: {  	v16 =	vld [tilespmem:s30+$0x8060]  }
0x185: {  	v17 =	vld [tilespmem:s30+$0x70]  }
0x186: {  	v18 =	vld [tilespmem:s30+$0x8070]  }
0x187: {  	v19 =	vld [tilespmem:s30+$0x400]  }
0x188: {  	v20 =	vld [tilespmem:s30+$0x8400]  }
0x189: {  	v21 =	vld [tilespmem:s30+$0x410]  }
0x18a: {  	v22 =	vld [tilespmem:s30+$0x8410]  }
0x18b: {  	v23 =	vld [tilespmem:s30+$0x420]  }
0x18c: {  	v24 =	vld [tilespmem:s30+$0x8420]  }
0x18d: {  	v25 =	vld [tilespmem:s30+$0x430]  }
0x18e: {  	v26 =	vld [tilespmem:s30+$0x8430]  }
0x18f: {  	v27 =	vld [tilespmem:s30+$0x440]  }
0x190: {  	v28 =	vld [tilespmem:s30+$0x8440]  }
0x191: {  	v29 =	vld [tilespmem:s30+$0x450]  }
0x192: {  	v30 =	vld [tilespmem:s30+$0x8450]  }
0x193: {  	v31 =	vld [tilespmem:s30+$0x460]  }
0x194: {  	v32 =	vld [tilespmem:s30+$0x8460]  }
0x195: {  	v33 =	vld [tilespmem:s30+$0x470]  }
0x196: {  	v34 =	vld [tilespmem:s30+$0x8470]  }
0x197: {  	v35 =	vld [tilespmem:s30+$0x800]  }
0x198: {  	v36 =	vld [tilespmem:s30+$0x8800]  }
0x199: {  	v37 =	vld [tilespmem:s30+$0x810]  }
0x19a: {  	v38 =	vld [tilespmem:s30+$0x8810]  }
0x19b: {  	v39 =	vld [tilespmem:s30+$0x820]  }
0x19c: {  	v40 =	vld [tilespmem:s30+$0x8820]  }
0x19d: {  	v41 =	vld [tilespmem:s30+$0x830]  }
0x19e: {  	v42 =	vld [tilespmem:s30+$0x8830]  }
0x19f: {  	v43 =	vld [tilespmem:s30+$0x840]  }
0x1a0: {  	v44 =	vld [tilespmem:s30+$0x8840]  }
0x1a1: {  	v45 =	vld [tilespmem:s30+$0x850]  }
0x1a2: {  	v46 =	vld [tilespmem:s30+$0x8850]  }
0x1a3: {  	v47 =	vld [tilespmem:s30+$0x860]  }
0x1a4: {  	v48 =	vld [tilespmem:s30+$0x8860]  }
0x1a5: {  	v49 =	vld [tilespmem:s30+$0x870]  }
0x1a6: {  	v50 =	vld [tilespmem:s30+$0x8870]  }
0x1a7: {  	v51 =	vld [tilespmem:s30+$0xC00]  }
0x1a8: {  	v52 =	vld [tilespmem:s30+$0x8C00]  }
0x1a9: {  	v53 =	vld [tilespmem:s30+$0xC10]  }
0x1aa: {  	v54 =	vld [tilespmem:s30+$0x8C10]  }
0x1ab: {  	v55 =	vld [tilespmem:s30+$0xC20]  }
0x1ac: {  	v56 =	vld [tilespmem:s30+$0x8C20]  }
0x1ad: {  	v57 =	vld [tilespmem:s30+$0xC30]  }
0x1ae: {  	v58 =	vld [tilespmem:s30+$0x8C30]  }
0x1af: {  	v59 =	vld [tilespmem:s30+$0xC40]  }
0x1b0: {  	v60 =	vld [tilespmem:s30+$0x8C40]  }
0x1b1: {  	v61 =	vld [tilespmem:s30+$0xC50]  }
0x1b2: {  	v62 =	vld [tilespmem:s30+$0x8C50]  }
0x1b3: {  	v63 =	vld [tilespmem:s30+$0xC60]  }
0x1b4: {  	v3 =	vadd.f32 v4, v3;
	v4 =	vld [tilespmem:s30+$0x8C60]  }
0x1b5: {  	v5 =	vadd.f32 v6, v5;
	v6 =	vld [tilespmem:s30+$0xC70]  }
0x1b6: {  	v14 =	vadd.f32 v14, v13;
	v13 =	vld [tilespmem:s30+$0x9020];
	[tilespmem:s30+$0x0] =	vst v3;
	v3 =	vadd.f32 v8, v7  }
0x1b7: {  	v18 =	vadd.f32 v18, v17;
	v17 =	vld [tilespmem:s30+$0x9040];
	[tilespmem:s30+$0x10] =	vst v5  }
0x1b8: {  	v22 =	vadd.f32 v22, v21;
	v21 =	vld [tilespmem:s30+$0x9060];
	[tilespmem:s30+$0x20] =	vst v3;
	v3 =	vadd.f32 v12, v11  }
0x1b9: {  	v7 =	vld [tilespmem:s30+$0x8C70];
	[tilespmem:s30+$0x50] =	vst v14  }
0x1ba: {  	v8 =	vld [tilespmem:s30+$0x1000];
	[tilespmem:s30+$0x40] =	vst v3;
	v3 =	vadd.f32 v16, v15  }
0x1bb: {  	v5 =	vadd.f32 v10, v9;
	v9 =	vld [tilespmem:s30+$0x9000];
	[tilespmem:s30+$0x70] =	vst v18  }
0x1bc: {  	v10 =	vld [tilespmem:s30+$0x1010];
	[tilespmem:s30+$0x60] =	vst v3;
	v3 =	vadd.f32 v20, v19  }
0x1bd: {  	v26 =	vadd.f32 v26, v25;
	v14 =	vld [tilespmem:s30+$0x1030];
	[tilespmem:s30+$0x410] =	vst v22  }
0x1be: {  	v18 =	vld [tilespmem:s30+$0x1050];
	[tilespmem:s30+$0x400] =	vst v3;
	v3 =	vadd.f32 v24, v23  }
0x1bf: {  	v30 =	vadd.f32 v30, v29;
	[tilespmem:s30+$0x430] =	vst v26;
	v22 =	vld [tilespmem:s30+$0x1070]  }
0x1c0: {  	v19 =	vld [tilespmem:s30+$0x9050];
	[tilespmem:s30+$0x420] =	vst v3;
	v3 =	vadd.f32 v28, v27  }
0x1c1: {  	v34 =	vadd.f32 v34, v33;
	[tilespmem:s30+$0x450] =	vst v30;
	v11 =	vld [tilespmem:s30+$0x9010]  }
0x1c2: {  	v12 =	vld [tilespmem:s30+$0x1020];
	[tilespmem:s30+$0x440] =	vst v3;
	v3 =	vadd.f32 v32, v31  }
0x1c3: {  	[tilespmem:s30+$0x470] =	vst v34;
	v15 =	vld [tilespmem:s30+$0x9030]  }
0x1c4: {  	v16 =	vld [tilespmem:s30+$0x1040];
	[tilespmem:s30+$0x460] =	vst v3;
	v3 =	vadd.f32 v36, v35  }
0x1c5: {  	[tilespmem:s30+$0x30] =	vst v5;
	v20 =	vld [tilespmem:s30+$0x1060];
	v19 =	vadd.f32 v19, v18  }
0x1c6: {  	v24 =	vld [tilespmem:s30+$0x1400];
	[tilespmem:s30+$0x800] =	vst v3;
	v3 =	vadd.f32 v40, v39  }
0x1c7: {  	[tilespmem:s30+$0x1050] =	vst v19;
	v36 =	vadd.f32 v38, v37;
	v37 =	vld [tilespmem:s30+$0x9070]  }
0x1c8: {  	v38 =	vadd.f32 v42, v41;
	v41 =	vld [tilespmem:s30+$0x1410];
	[tilespmem:s30+$0x820] =	vst v3;
	v3 =	vadd.f32 v44, v43  }
0x1c9: {  	v42 =	vld [tilespmem:s30+$0x9410];
	[tilespmem:s30+$0x810] =	vst v36  }
0x1ca: {  	v35 =	vld [tilespmem:s30+$0x1810];
	[tilespmem:s30+$0x840] =	vst v3;
	v3 =	vadd.f32 v48, v47  }
0x1cb: {  	v39 =	vld [tilespmem:s30+$0x9400];
	[tilespmem:s30+$0x830] =	vst v38;
	v40 =	vadd.f32 v46, v45  }
0x1cc: {  	v45 =	vld [tilespmem:s30+$0x9420];
	[tilespmem:s30+$0x860] =	vst v3;
	v3 =	vadd.f32 v52, v51  }
0x1cd: {  	v46 =	vadd.f32 v54, v53;
	v53 =	vld [tilespmem:s30+$0x1450];
	[tilespmem:s30+$0x850] =	vst v40  }
0x1ce: {  	v54 =	vld [tilespmem:s30+$0x9450];
	[tilespmem:s30+$0xC00] =	vst v3;
	v3 =	vadd.f32 v56, v55  }
0x1cf: {  	v36 =	vld [tilespmem:s30+$0x9810];
	v43 =	vadd.f32 v50, v49;
	[tilespmem:s30+$0xC10] =	vst v46  }
0x1d0: {  	v38 =	vld [tilespmem:s30+$0x1820];
	[tilespmem:s30+$0xC20] =	vst v3;
	v3 =	vadd.f32 v60, v59  }
0x1d1: {  	v44 =	vld [tilespmem:s30+$0x1420];
	v49 =	vadd.f32 v58, v57;
	[tilespmem:s30+$0x870] =	vst v43  }
0x1d2: {  	v50 =	vld [tilespmem:s30+$0x1440];
	[tilespmem:s30+$0xC40] =	vst v3;
	v3 =	vadd.f32 v4, v63  }
0x1d3: {  	v57 =	vld [tilespmem:s30+$0x9460];
	v58 =	vadd.f32 v11, v10;
	[tilespmem:s30+$0xC30] =	vst v49  }
0x1d4: {  	v46 =	vld [tilespmem:s30+$0x9850];
	[tilespmem:s30+$0xC60] =	vst v3;
	v3 =	vadd.f32 v9, v8  }
0x1d5: {  	v37 =	vadd.f32 v37, v22;
	v40 =	vadd.f32 v42, v41;
	v41 =	vld [tilespmem:s30+$0x1830];
	[tilespmem:s30+$0x1010] =	vst v58  }
0x1d6: {  	v42 =	vld [tilespmem:s30+$0x9830];
	[tilespmem:s30+$0x1000] =	vst v3;
	v3 =	vadd.f32 v13, v12  }
0x1d7: {  	v47 =	vld [tilespmem:s30+$0x1430];
	[tilespmem:s30+$0x1070] =	vst v37  }
0x1d8: {  	v48 =	vld [tilespmem:s30+$0x9430];
	[tilespmem:s30+$0x1020] =	vst v3;
	v3 =	vadd.f32 v17, v16  }
0x1d9: {  	v49 =	vld [tilespmem:s30+$0x9860];
	[tilespmem:s30+$0x1410] =	vst v40;
	v52 =	vadd.f32 v62, v61  }
0x1da: {  	v51 =	vld [tilespmem:s30+$0x9440];
	[tilespmem:s30+$0x1040] =	vst v3;
	v3 =	vadd.f32 v21, v20  }
0x1db: {  	v61 =	vadd.f32 v15, v14;
	v62 =	vld [tilespmem:s30+$0x1800];
	[tilespmem:s30+$0xC50] =	vst v52  }
0x1dc: {  	v56 =	vld [tilespmem:s30+$0x1460];
	[tilespmem:s30+$0x1060] =	vst v3;
	v3 =	vadd.f32 v39, v24  }
0x1dd: {  	v55 =	vadd.f32 v7, v6;
	[tilespmem:s30+$0x1030] =	vst v61;
	v52 =	vld [tilespmem:s30+$0x9870]  }
0x1de: {  	v43 =	vadd.f32 v48, v47;
	v47 =	vld [tilespmem:s30+$0x1860];
	[tilespmem:s30+$0x1400] =	vst v3;
	v3 =	vadd.f32 v45, v44  }
0x1df: {  	[tilespmem:s30+$0xC70] =	vst v55;
	v63 =	vld [tilespmem:s30+$0x9800]  }
0x1e0: {  	v59 =	vld [tilespmem:s30+$0x1470];
	[tilespmem:s30+$0x1420] =	vst v3;
	v3 =	vadd.f32 v51, v50  }
0x1e1: {  	[tilespmem:s30+$0x1430] =	vst v43;
	v4 =	vadd.f32 v54, v53;
	v39 =	vld [tilespmem:s30+$0x9820]  }
0x1e2: {  	v60 =	vld [tilespmem:s30+$0x9470];
	[tilespmem:s30+$0x1440] =	vst v3;
	v3 =	vadd.f32 v57, v56  }
0x1e3: {  	v54 =	vadd.f32 v42, v41;
	[tilespmem:s30+$0x1450] =	vst v4;
	v45 =	vld [tilespmem:s30+$0x1850]  }
0x1e4: {  	v53 =	vld [tilespmem:s30+$0x9840];
	[tilespmem:s30+$0x1460] =	vst v3;
	v3 =	vadd.f32 v63, v62  }
0x1e5: {  	[tilespmem:s30+$0x1830] =	vst v54;
	v55 =	vadd.f32 v49, v47;
	v50 =	vld [tilespmem:s30+$0x1870]  }
0x1e6: {  	v44 =	vld [tilespmem:s30+$0x1840];
	[tilespmem:s30+$0x1800] =	vst v3;
	v3 =	vadd.f32 v39, v38  }
0x1e7: {  	v48 =	vadd.f32 v60, v59;
	[tilespmem:s30+$0x1860] =	vst v55  }
0x1e8: {  	[tilespmem:s30+$0x1820] =	vst v3;
	v3 =	vadd.f32 v46, v45  }
0x1e9: {  	s31 =	sand.u32 $0x7, s25;
	[tilespmem:s30+$0x1470] =	vst v48;
	v51 =	vadd.f32 v36, v35  }
0x1ea: {  	s0 =	sshll.u32 s31, $0x7;
	[tilespmem:s30+$0x1850] =	vst v3;
	v3 =	vadd.f32 v52, v50  }
0x1eb: {  	s0 =	sadd.s32 s0, s28;
	[tilespmem:s30+$0x1810] =	vst v51;
	v56 =	vadd.f32 v53, v44  }
0x1ec: {  	s31 =	sor.u32 $0x1C00, s0;
	[tilespmem:s30+$0x1870] =	vst v3  }
0x1ed: {  	[tilespmem:s30+$0x1840] =	vst v56;
	v3 =	vld [tilespmem:s31+$0x0]  }
0x1ee: {  	v4 =	vld [tilespmem:s31+$0x8000];
	_ =	sdelay $0x4  }
0x1ef: {  	v3 =	vadd.f32 v4, v3;
	_ =	sdelay $0x1  }
0x1f0: {  	[tilespmem:s31+$0x0] =	vst v3;
	s31 =	sor.u32 $0x1C10, s0  }
0x1f1: {  	v3 =	vld [tilespmem:s31+$0x0]  }
0x1f2: {  	v57 =	vld [tilespmem:s31+$0x8000];
	_ =	sdelay $0x4  }
0x1f3: {  	v3 =	vadd.f32 v57, v3;
	_ =	sdelay $0x1  }
0x1f4: {  	[tilespmem:s31+$0x0] =	vst v3;
	s31 =	sor.u32 $0x1C20, s0  }
0x1f5: {  	v3 =	vld [tilespmem:s31+$0x0]  }
0x1f6: {  	v58 =	vld [tilespmem:s31+$0x8000];
	_ =	sdelay $0x4  }
0x1f7: {  	v3 =	vadd.f32 v58, v3;
	_ =	sdelay $0x1  }
0x1f8: {  	[tilespmem:s31+$0x0] =	vst v3;
	s31 =	sor.u32 $0x1C30, s0  }
0x1f9: {  	v3 =	vld [tilespmem:s31+$0x0]  }
0x1fa: {  	v59 =	vld [tilespmem:s31+$0x8000];
	_ =	sdelay $0x4  }
0x1fb: {  	v3 =	vadd.f32 v59, v3;
	_ =	sdelay $0x1  }
0x1fc: {  	[tilespmem:s31+$0x0] =	vst v3;
	s31 =	sor.u32 $0x1C40, s0  }
0x1fd: {  	v3 =	vld [tilespmem:s31+$0x0]  }
0x1fe: {  	v60 =	vld [tilespmem:s31+$0x8000];
	_ =	sdelay $0x4  }
0x1ff: {  	v3 =	vadd.f32 v60, v3;
	_ =	sdelay $0x1  }
0x200: {  	[tilespmem:s31+$0x0] =	vst v3;
	s31 =	sor.u32 $0x1C50, s0  }
0x201: {  	v3 =	vld [tilespmem:s31+$0x0]  }
0x202: {  	v61 =	vld [tilespmem:s31+$0x8000];
	_ =	sdelay $0x4  }
0x203: {  	v3 =	vadd.f32 v61, v3;
	_ =	sdelay $0x1  }
0x204: {  	[tilespmem:s31+$0x0] =	vst v3;
	s31 =	sor.u32 $0x1C60, s0  }
0x205: {  	v3 =	vld [tilespmem:s31+$0x0]  }
0x206: {  	v62 =	vld [tilespmem:s31+$0x8000];
	_ =	sdelay $0x4  }
0x207: {  	v3 =	vadd.f32 v62, v3;
	_ =	sdelay $0x1  }
0x208: {  	s0 =	sor.u32 $0x1C70, s0;
	[tilespmem:s31+$0x0] =	vst v3  }
0x209: {  	v3 =	vld [tilespmem:s0+$0x0]  }
0x20a: {  	v63 =	vld [tilespmem:s0+$0x8000];
	_ =	sdelay $0x1  }
0x20b: {  	p0 =	sne.s32 s29, $0xF80  }
.Ltmp1:
0x20c: {  	_ = 	snop;
	(pc) =	sbr.rel @p0 .LBB2_4-.Ltmp1, $4  }
0x20d: {  	_ = 	snop  }
0x20e: {  	v3 =	vadd.f32 v63, v3  }
0x20f: {  	s25 =	sadd.s32 $0x1, s25  }
0x210: {  	s26 =	sadd.s32 $0x400, s26;
	s29 =	sadd.s32 $0x80, s29;
	s28 =	sadd.s32 $0x400, s28;
	[tilespmem:s0+$0x0] =	vst v3  }
0x211: {  	s0 =	rddreg [dreg:$0x4]  }
0x212: {  	[hbm4b:s0+s2] =	stream.linear.scatter [tilespmem:s2], [sflag:$0x2], $0x8000, $0x38;
	[tilespmem:$0x10100] =	vst v63  }
0x213: {  	_ =	swait.ge [sflag:s13], $0x8000  }
0x214: {  	s24 =	sadd.s32 $0x1, s24;
	s31 =	rddreg [dreg:$0x5]  }
0x215: {  	p0 =	sne.s32 s24, s31  }
.Ltmp2:
0x216: {  	_ = 	snop;
	(pc) =	sbr.rel @p0 .LBB2_1-.Ltmp2, $3  }
0x217: {  	_ =	sdelay $0x1  }
0x218: {  	[sflag:s13] =	ssyncset.done $0x0  }
0x219: {  	[sflag:s13] =	ssyncadd.s32 $0xFFFF8000  }
0x21a: {  	_ =	sfence.sel $0x180000  }
0x21b: {  	[bflag:$0x0] =	sbarrier.arrive $0xFFFF  }
0x21c: {  	_ =	strace $0x9000004A  }
0x21d: {  	s0 =	stileid.u32;
	[bflag:$0x2] =	sbarrier.arrive $0xFFFF  }
0x21e: {  	p0 =	sne.s32 s0, $0x0;
	s0 =	rddreg [dreg:$0x2]  }
0x21f: {  	s0 =	sadd.s32 @!p0 $0x100000, s0  }
0x220: {  	[sflag:s0] =	ssyncadd.tile.s32 @!p0 $0x1;
	_ =	shalt  }
.Lfunc_end2:
_tile_overlayer_lowered:
.L_overlay_start_2:
0x221: {  	(tag) =	ssettag $0x2  }
0x222: {  	s0 =	rddreg [dreg:$0x0];
	s2 =	stileid.u32  }
0x223: {  	s1 =	rddreg [dreg:$0x1];
	p0 =	sne.s32 s2, $0x0  }
0x224: {  	s3 =	rddreg [dreg:$0x2];
	[bflag:$0x3] =	sbarrier.arrive $0xFFFF;
	s2 =	simm.s32 @!p0 $0x1C02  }
0x225: {  	[timem:s3], [sflag:s2] =	dma.local @!p0 [hbm:s0], s1  }
0x226: {  	s0 =	simm.s32 @!p0 $0x2  }
0x227: {  	_ =	swait.ge @!p0 [sflag:s0], s1  }
0x228: {  	s1 =	ssub.s32 @!p0 $0x0, s1;
	[sflag:s0] =	ssyncset.done @!p0 $0x0  }
0x229: {  	[sflag:s0] =	ssyncadd.s32 @!p0 s1  }
0x22a: {  	[bflag:$0x3] =	sbarrier.arrive $0xFFFF  }
0x22b: {  	_ =	shalt  }

</sc_bundles>
